<compile_context>
chip_gen: v7x
topology: tpu7x:2x2x1
jax: 0.10.2.dev20260603
libtpu: 0.0.44.dev20260713+nightly
codegen_flags: <defaults>
</compile_context>

<pallas_src>
import functools

import jax
import jax.numpy as jnp
from jax import lax
from jax.experimental import pallas as pl
from jax.experimental.pallas import tpu as pltpu
from jax.experimental.pallas import tpu_sc as plsc

DIM = 32
SLICE = 128
SPC = 4
CHUNK = SLICE * SPC
NW = 32
NC = 2


def _rsqrt_vec(v):
    i = lax.bitcast_convert_type(v, jnp.int32)
    i = jnp.int32(0x5F3759DF) - lax.shift_right_logical(i, 1)
    y = lax.bitcast_convert_type(i, jnp.float32)
    y = y * (1.5 - 0.5 * v * y * y)
    y = y * (1.5 - 0.5 * v * y * y)
    y = y * (1.5 - 0.5 * v * y * y)
    return y


_GATHER_DNUMS = lax.GatherDimensionNumbers(
    offset_dims=(), collapsed_slice_dims=(0,), start_index_map=(0,))


def _lane_perm(v, p):
    return lax.gather(v, p[:, None], _GATHER_DNUMS, (1,),
                      mode=lax.GatherScatterMode.PROMISE_IN_BOUNDS)


def _lane_sum(v, perms):
    for p in perms:
        v = v + _lane_perm(v, p)
    return v


def _make_sc_kernel(batch, hist):
    n_tasks = hist * (batch // SLICE)
    assert n_tasks % NW == 0 and (n_tasks // NW) % SPC == 0
    tasks_per_w = n_tasks // NW
    chunks_per_w = tasks_per_w // SPC
    mesh = plsc.VectorSubcoreMesh(core_axis_name="c", subcore_axis_name="s")

    @functools.partial(
        pl.kernel,
        mesh=mesh,
        out_type=jax.ShapeDtypeStruct((batch, hist * DIM), jnp.float32),
        scratch_types=[
            pltpu.VMEM((SPC, SLICE), jnp.int32),
            pltpu.VMEM((SPC, SLICE), jnp.int32),
            pltpu.VMEM((CHUNK, DIM), jnp.float32),
            pltpu.VMEM((CHUNK, DIM), jnp.float32),
            pltpu.VMEM((DIM,), jnp.float32),
            pltpu.VMEM((DIM,), jnp.float32),
            pltpu.SemaphoreType.DMA,
            pltpu.SemaphoreType.DMA,
        ],
        compiler_params=pltpu.CompilerParams(use_tc_tiling_on_sc=False),
    )
    def body(xt, table, gamma, beta, out,
             idx0, idx1, rows0, rows1, g_v, b_v, sem0, sem1):
        c = lax.axis_index("c")
        s = lax.axis_index("s")
        wid = s * NC + c
        pltpu.sync_copy(gamma, g_v)
        pltpu.sync_copy(beta, b_v)
        g0 = g_v[pl.ds(0, 16)]
        g1 = g_v[pl.ds(16, 16)]
        b0 = b_v[pl.ds(0, 16)]
        b1 = b_v[pl.ds(16, 16)]
        lanes = lax.iota(jnp.int32, 16)
        perms = [jnp.bitwise_xor(lanes, jnp.int32(k)) for k in (1, 2, 4, 8)]
        base = wid * tasks_per_w
        bufs = ((idx0, rows0, sem0), (idx1, rows1, sem1))

        def stage(t0, idx_v, rows_v, sem):
            for j in range(SPC):
                t = t0 + j
                h = lax.shift_right_logical(t, 7)
                bblk = lax.bitwise_and(t, SLICE - 1)
                h8 = lax.shift_right_logical(h, 3)
                hc = lax.bitwise_and(h, 7)
                pltpu.sync_copy(xt.at[h8, bblk, hc], idx_v.at[j])
            for j in range(SPC):
                pltpu.async_copy(table.at[idx_v.at[j]],
                                 rows_v.at[pl.ds(j * SLICE, SLICE)], sem)

        def drain(idx_v, rows_v, sem):
            for j in range(SPC):
                pltpu.make_async_copy(table.at[idx_v.at[j]],
                                      rows_v.at[pl.ds(j * SLICE, SLICE)],
                                      sem).wait()

        def compute_out(t0, rows_v):
            @plsc.parallel_loop(0, CHUNK, step=1, unroll=8)
            def _row(r):
                v0 = rows_v[r, pl.ds(0, 16)]
                v1 = rows_v[r, pl.ds(16, 16)]
                sm = _lane_sum(v0 + v1, perms)
                sq = _lane_sum(v0 * v0 + v1 * v1, perms)
                mu = sm * (1.0 / DIM)
                var = sq * (1.0 / DIM) - mu * mu
                var = jnp.maximum(var, 0.0) + 1e-5
                rs = _rsqrt_vec(var)
                rows_v[r, pl.ds(0, 16)] = (v0 - mu) * (rs * g0) + b0
                rows_v[r, pl.ds(16, 16)] = (v1 - mu) * (rs * g1) + b1

            for j in range(SPC):
                t = t0 + j
                h = lax.shift_right_logical(t, 7)
                bblk = lax.bitwise_and(t, SLICE - 1)
                pltpu.sync_copy(
                    rows_v.at[pl.ds(j * SLICE, SLICE)],
                    out.at[pl.ds(bblk * SLICE, SLICE),
                           pl.ds(h * DIM, DIM)])

        def step(t0, buf, fire_next):
            idx_v, rows_v, sem = bufs[buf]
            nidx, nrows, nsem = bufs[1 - buf]
            if fire_next is not None:
                stage(fire_next, nidx, nrows, nsem)
            drain(idx_v, rows_v, sem)
            compute_out(t0, rows_v)

        stage(base, idx0, rows0, sem0)

        def loop_t(i, carry):
            t0 = base + 2 * SPC * i
            step(t0, 0, t0 + SPC)
            step(t0 + SPC, 1, t0 + 2 * SPC)
            return carry

        if chunks_per_w > 2:
            lax.fori_loop(0, chunks_per_w // 2 - 1, loop_t, 0)
        last = base + (chunks_per_w - 2) * SPC
        step(last, 0, last + SPC)
        step(last + SPC, 1, None)

    return body


def kernel(x, table, gamma, beta):
    b, h = x.shape
    hp = -(-h // 8) * 8
    xv = (jnp.pad(x.astype(jnp.int32).T, ((0, hp - h), (0, 0)))
          .reshape(hp // 8, 8, b // SLICE, SLICE)
          .transpose(0, 2, 1, 3))
    out = _make_sc_kernel(b, h)(xv, table, gamma, beta)
    return out.reshape(b, h, DIM)

# --- scband reference (transcript-rebuilt; emitter-appended) ---
"""Pipeline reference for scband-source-embedding-77945066488207 (READ-ONLY COPY).

The authoritative reference and input builder live on the scoring server;
editing this copy changes nothing except your own understanding.
"""

import jax, jax.numpy as jnp
import numpy as np

NUM_SOURCES = 1000000
DIM = 32
BATCH = 16384
HIST = 50

def setup_inputs(seed: int = 0) -> dict:
    key = jax.random.key(seed)
    k1, k2 = jax.random.split(key)
    x = jax.random.randint(k1, (BATCH, HIST), 0, NUM_SOURCES, dtype=jnp.int64 if jax.config.jax_enable_x64 else jnp.int32)
    table = jax.random.normal(k2, (NUM_SOURCES, DIM), dtype=jnp.float32) * 0.02
    gamma = jnp.ones((DIM,), dtype=jnp.float32)
    beta = jnp.zeros((DIM,), dtype=jnp.float32)
    return {"x": x, "table": table, "gamma": gamma, "beta": beta}

def reference(x, table, gamma, beta):
    # embedding lookup (gather)
    e = jnp.take(table, x, axis=0)  # [B, L, DIM]
    # LayerNorm over last dim, eps=1e-5 (PyTorch default)
    mu = jnp.mean(e, axis=-1, keepdims=True)
    var = jnp.mean(jnp.square(e - mu), axis=-1, keepdims=True)
    normed = (e - mu) / jnp.sqrt(var + 1e-5)
    return normed * gamma + beta

if __name__ == "__main__":
    import jax
    _d = setup_inputs()
    print(jax.jit(kernel)(*tuple(_d.values())))

</pallas_src>

<mosaic_0001>
#map = affine_map<(d0, d1) -> (0, 0, 0, 0)>
#map1 = affine_map<(d0, d1) -> (0, 0)>
#map2 = affine_map<(d0, d1) -> (0)>
module attributes {stable_mosaic.version = 14 : i64} {
  func.func @body(%arg0: i32, %arg1: i32, %arg2: memref<7x128x8x128xi32, #tpu.memory_space<hbm>>, %arg3: memref<1000000x32xf32, #tpu.memory_space<hbm>>, %arg4: memref<32xf32, #tpu.memory_space<hbm>>, %arg5: memref<32xf32, #tpu.memory_space<hbm>>, %arg6: memref<16384x1600xf32, #tpu.memory_space<hbm>>, %arg7: memref<4x128xi32, #tpu.memory_space<vmem>>, %arg8: memref<4x128xi32, #tpu.memory_space<vmem>>, %arg9: memref<512x32xf32, #tpu.memory_space<vmem>>, %arg10: memref<512x32xf32, #tpu.memory_space<vmem>>, %arg11: memref<32xf32, #tpu.memory_space<vmem>>, %arg12: memref<32xf32, #tpu.memory_space<vmem>>, %arg13: memref<!tpu.dma_semaphore, #tpu.memory_space<semaphore_mem>>, %arg14: memref<!tpu.dma_semaphore, #tpu.memory_space<semaphore_mem>>) attributes {dimension_semantics = [#tpu.dimension_semantics<core_parallel>, #tpu.dimension_semantics<subcore_parallel>], iteration_bounds = array<i64: 2, 16>, scalar_prefetch = 0 : i64, scratch_operands = 8 : i64, tpu.core_type = #tpu.core_type<sc_vector_subcore>, window_params = [{transform_indices = #map}, {transform_indices = #map1}, {transform_indices = #map2}, {transform_indices = #map2}, {transform_indices = #map1}]} {
    %mul3A = arith.constant 2 : i32
    %mul3A_0 = arith.muli %arg1, %mul3A : i32
    %add3A = arith.addi %mul3A_0, %arg0 : i32
    "tpu.region"() ({
      %run_scoped3A_364 = tpu.sem_alloc : memref<!tpu.dma_semaphore, #tpu.memory_space<semaphore_mem>>
      tpu.enqueue_dma source(%arg4 : memref<32xf32, #tpu.memory_space<hbm>>) target(%arg11 : memref<32xf32, #tpu.memory_space<vmem>>) target_semaphore(%run_scoped3A_364 : memref<!tpu.dma_semaphore, #tpu.memory_space<semaphore_mem>>)
      tpu.wait_dma2 semaphore(%run_scoped3A_364 : memref<!tpu.dma_semaphore, #tpu.memory_space<semaphore_mem>>) src(%arg4 : memref<32xf32, #tpu.memory_space<hbm>>) dst(%arg11 : memref<32xf32, #tpu.memory_space<vmem>>)
      tpu.yield
    }) : () -> ()
    "tpu.region"() ({
      %run_scoped3A_364 = tpu.sem_alloc : memref<!tpu.dma_semaphore, #tpu.memory_space<semaphore_mem>>
      tpu.enqueue_dma source(%arg5 : memref<32xf32, #tpu.memory_space<hbm>>) target(%arg12 : memref<32xf32, #tpu.memory_space<vmem>>) target_semaphore(%run_scoped3A_364 : memref<!tpu.dma_semaphore, #tpu.memory_space<semaphore_mem>>)
      tpu.wait_dma2 semaphore(%run_scoped3A_364 : memref<!tpu.dma_semaphore, #tpu.memory_space<semaphore_mem>>) src(%arg5 : memref<32xf32, #tpu.memory_space<hbm>>) dst(%arg12 : memref<32xf32, #tpu.memory_space<vmem>>)
      tpu.yield
    }) : () -> ()
    %get3A = arith.constant 0 : index
    %get3A_1 = tpu.vector_load %arg11[%get3A] {strides = array<i32>} : memref<32xf32, #tpu.memory_space<vmem>>, vector<16xf32>,
    %get3A_2 = vector.shape_cast %get3A_1 : vector<16xf32> to vector<16xf32>
    %get3A_3 = arith.constant 16 : index
    %get3A_4 = tpu.vector_load %arg11[%get3A_3] {strides = array<i32>} : memref<32xf32, #tpu.memory_space<vmem>>, vector<16xf32>,
    %get3A_5 = vector.shape_cast %get3A_4 : vector<16xf32> to vector<16xf32>
    %get3A_6 = arith.constant 0 : index
    %get3A_7 = tpu.vector_load %arg12[%get3A_6] {strides = array<i32>} : memref<32xf32, #tpu.memory_space<vmem>>, vector<16xf32>,
    %get3A_8 = vector.shape_cast %get3A_7 : vector<16xf32> to vector<16xf32>
    %get3A_9 = arith.constant 16 : index
    %get3A_10 = tpu.vector_load %arg12[%get3A_9] {strides = array<i32>} : memref<32xf32, #tpu.memory_space<vmem>>, vector<16xf32>,
    %get3A_11 = vector.shape_cast %get3A_10 : vector<16xf32> to vector<16xf32>
    %iota3A = tpu.iota {dimensions = array<i32: 0>} : vector<16xi32>
    %xor3A = arith.constant 1 : i32
    %xor3A_12 = vector.broadcast %xor3A : i32 to vector<16xi32>
    %xor3A_13 = arith.xori %iota3A, %xor3A_12 : vector<16xi32>
    %xor3A_14 = arith.constant 2 : i32
    %xor3A_15 = vector.broadcast %xor3A_14 : i32 to vector<16xi32>
    %xor3A_16 = arith.xori %iota3A, %xor3A_15 : vector<16xi32>
    %xor3A_17 = arith.constant 4 : i32
    %xor3A_18 = vector.broadcast %xor3A_17 : i32 to vector<16xi32>
    %xor3A_19 = arith.xori %iota3A, %xor3A_18 : vector<16xi32>
    %xor3A_20 = arith.constant 8 : i32
    %xor3A_21 = vector.broadcast %xor3A_20 : i32 to vector<16xi32>
    %xor3A_22 = arith.xori %iota3A, %xor3A_21 : vector<16xi32>
    %mul3A_23 = arith.constant 200 : i32
    %mul3A_24 = arith.muli %add3A, %mul3A_23 : i32
    %add3A_25 = arith.constant 0 : i32
    %add3A_26 = arith.addi %mul3A_24, %add3A_25 : i32
    %shift_right_logical3A = arith.constant 7 : i32
    %shift_right_logical3A_27 = arith.shrui %add3A_26, %shift_right_logical3A : i32
    %and3A = arith.constant 127 : i32
    %and3A_28 = arith.andi %add3A_26, %and3A : i32
    %shift_right_logical3A_29 = arith.constant 3 : i32
    %shift_right_logical3A_30 = arith.shrui %shift_right_logical3A_27, %shift_right_logical3A_29 : i32
    %and3A_31 = arith.constant 7 : i32
    %and3A_32 = arith.andi %shift_right_logical3A_27, %and3A_31 : i32
    %run_scoped3A = arith.constant 0 : i32
    "tpu.region"() ({
      %run_scoped3A_364 = tpu.sem_alloc : memref<!tpu.dma_semaphore, #tpu.memory_space<semaphore_mem>>
      %dma_start3A_365 = arith.constant 0 : i32
      %dma_start3A_366 = tpu.memref_slice %arg7[%run_scoped3A, %dma_start3A_365] : memref<4x128xi32, #tpu.memory_space<vmem>> -> memref<1x128xi32, #tpu.memory_space<vmem>>
      %dma_start3A_367 = tpu.memref_squeeze %dma_start3A_366 : memref<1x128xi32, #tpu.memory_space<vmem>> -> memref<128xi32, #tpu.memory_space<vmem>>
      %dma_start3A_368 = arith.constant 0 : i32
      %dma_start3A_369 = tpu.memref_slice %arg2[%shift_right_logical3A_30, %and3A_28, %and3A_32, %dma_start3A_368] : memref<7x128x8x128xi32, #tpu.memory_space<hbm>> -> memref<1x1x1x128xi32, #tpu.memory_space<hbm>>
      %dma_start3A_370 = tpu.memref_squeeze %dma_start3A_369 : memref<1x1x1x128xi32, #tpu.memory_space<hbm>> -> memref<128xi32, #tpu.memory_space<hbm>>
      %dma_start3A_371 = arith.constant 0 : i32
      %dma_start3A_372 = tpu.memref_slice %arg7[%run_scoped3A, %dma_start3A_371] : memref<4x128xi32, #tpu.memory_space<vmem>> -> memref<1x128xi32, #tpu.memory_space<vmem>>
      %dma_start3A_373 = tpu.memref_squeeze %dma_start3A_372 : memref<1x128xi32, #tpu.memory_space<vmem>> -> memref<128xi32, #tpu.memory_space<vmem>>
      %dma_start3A_374 = arith.constant 0 : i32
      %dma_start3A_375 = tpu.memref_slice %arg2[%shift_right_logical3A_30, %and3A_28, %and3A_32, %dma_start3A_374] : memref<7x128x8x128xi32, #tpu.memory_space<hbm>> -> memref<1x1x1x128xi32, #tpu.memory_space<hbm>>
      %dma_start3A_376 = tpu.memref_squeeze %dma_start3A_375 : memref<1x1x1x128xi32, #tpu.memory_space<hbm>> -> memref<128xi32, #tpu.memory_space<hbm>>
      tpu.enqueue_dma source(%dma_start3A_376 : memref<128xi32, #tpu.memory_space<hbm>>) target(%dma_start3A_373 : memref<128xi32, #tpu.memory_space<vmem>>) target_semaphore(%run_scoped3A_364 : memref<!tpu.dma_semaphore, #tpu.memory_space<semaphore_mem>>)
      %dma_wait3A_377 = arith.constant 0 : i32
      %dma_wait3A_378 = tpu.memref_slice %arg7[%run_scoped3A, %dma_wait3A_377] : memref<4x128xi32, #tpu.memory_space<vmem>> -> memref<1x128xi32, #tpu.memory_space<vmem>>
      %dma_wait3A_379 = tpu.memref_squeeze %dma_wait3A_378 : memref<1x128xi32, #tpu.memory_space<vmem>> -> memref<128xi32, #tpu.memory_space<vmem>>
      %dma_wait3A_380 = arith.constant 0 : i32
      %dma_wait3A_381 = tpu.memref_slice %arg2[%shift_right_logical3A_30, %and3A_28, %and3A_32, %dma_wait3A_380] : memref<7x128x8x128xi32, #tpu.memory_space<hbm>> -> memref<1x1x1x128xi32, #tpu.memory_space<hbm>>
      %dma_wait3A_382 = tpu.memref_squeeze %dma_wait3A_381 : memref<1x1x1x128xi32, #tpu.memory_space<hbm>> -> memref<128xi32, #tpu.memory_space<hbm>>
      %dma_wait3A_383 = arith.constant 0 : i32
      %dma_wait3A_384 = tpu.memref_slice %arg7[%run_scoped3A, %dma_wait3A_383] : memref<4x128xi32, #tpu.memory_space<vmem>> -> memref<1x128xi32, #tpu.memory_space<vmem>>
      %dma_wait3A_385 = tpu.memref_squeeze %dma_wait3A_384 : memref<1x128xi32, #tpu.memory_space<vmem>> -> memref<128xi32, #tpu.memory_space<vmem>>
      %dma_wait3A_386 = arith.constant 0 : i32
      %dma_wait3A_387 = tpu.memref_slice %arg2[%shift_right_logical3A_30, %and3A_28, %and3A_32, %dma_wait3A_386] : memref<7x128x8x128xi32, #tpu.memory_space<hbm>> -> memref<1x1x1x128xi32, #tpu.memory_space<hbm>>
      %dma_wait3A_388 = tpu.memref_squeeze %dma_wait3A_387 : memref<1x1x1x128xi32, #tpu.memory_space<hbm>> -> memref<128xi32, #tpu.memory_space<hbm>>
      tpu.wait_dma2 semaphore(%run_scoped3A_364 : memref<!tpu.dma_semaphore, #tpu.memory_space<semaphore_mem>>) src(%dma_wait3A_388 : memref<128xi32, #tpu.memory_space<hbm>>) dst(%dma_wait3A_385 : memref<128xi32, #tpu.memory_space<vmem>>)
      tpu.yield
    }) : () -> ()
    %add3A_33 = arith.constant 1 : i32
    %add3A_34 = arith.addi %mul3A_24, %add3A_33 : i32
    %shift_right_logical3A_35 = arith.constant 7 : i32
    %shift_right_logical3A_36 = arith.shrui %add3A_34, %shift_right_logical3A_35 : i32
    %and3A_37 = arith.constant 127 : i32
    %and3A_38 = arith.andi %add3A_34, %and3A_37 : i32
    %shift_right_logical3A_39 = arith.constant 3 : i32
    %shift_right_logical3A_40 = arith.shrui %shift_right_logical3A_36, %shift_right_logical3A_39 : i32
    %and3A_41 = arith.constant 7 : i32
    %and3A_42 = arith.andi %shift_right_logical3A_36, %and3A_41 : i32
    %run_scoped3A_43 = arith.constant 1 : i32
    "tpu.region"() ({
      %run_scoped3A_364 = tpu.sem_alloc : memref<!tpu.dma_semaphore, #tpu.memory_space<semaphore_mem>>
      %dma_start3A_365 = arith.constant 0 : i32
      %dma_start3A_366 = tpu.memref_slice %arg7[%run_scoped3A_43, %dma_start3A_365] : memref<4x128xi32, #tpu.memory_space<vmem>> -> memref<1x128xi32, #tpu.memory_space<vmem>>
      %dma_start3A_367 = tpu.memref_squeeze %dma_start3A_366 : memref<1x128xi32, #tpu.memory_space<vmem>> -> memref<128xi32, #tpu.memory_space<vmem>>
      %dma_start3A_368 = arith.constant 0 : i32
      %dma_start3A_369 = tpu.memref_slice %arg2[%shift_right_logical3A_40, %and3A_38, %and3A_42, %dma_start3A_368] : memref<7x128x8x128xi32, #tpu.memory_space<hbm>> -> memref<1x1x1x128xi32, #tpu.memory_space<hbm>>
      %dma_start3A_370 = tpu.memref_squeeze %dma_start3A_369 : memref<1x1x1x128xi32, #tpu.memory_space<hbm>> -> memref<128xi32, #tpu.memory_space<hbm>>
      %dma_start3A_371 = arith.constant 0 : i32
      %dma_start3A_372 = tpu.memref_slice %arg7[%run_scoped3A_43, %dma_start3A_371] : memref<4x128xi32, #tpu.memory_space<vmem>> -> memref<1x128xi32, #tpu.memory_space<vmem>>
      %dma_start3A_373 = tpu.memref_squeeze %dma_start3A_372 : memref<1x128xi32, #tpu.memory_space<vmem>> -> memref<128xi32, #tpu.memory_space<vmem>>
      %dma_start3A_374 = arith.constant 0 : i32
      %dma_start3A_375 = tpu.memref_slice %arg2[%shift_right_logical3A_40, %and3A_38, %and3A_42, %dma_start3A_374] : memref<7x128x8x128xi32, #tpu.memory_space<hbm>> -> memref<1x1x1x128xi32, #tpu.memory_space<hbm>>
      %dma_start3A_376 = tpu.memref_squeeze %dma_start3A_375 : memref<1x1x1x128xi32, #tpu.memory_space<hbm>> -> memref<128xi32, #tpu.memory_space<hbm>>
      tpu.enqueue_dma source(%dma_start3A_376 : memref<128xi32, #tpu.memory_space<hbm>>) target(%dma_start3A_373 : memref<128xi32, #tpu.memory_space<vmem>>) target_semaphore(%run_scoped3A_364 : memref<!tpu.dma_semaphore, #tpu.memory_space<semaphore_mem>>)
      %dma_wait3A_377 = arith.constant 0 : i32
      %dma_wait3A_378 = tpu.memref_slice %arg7[%run_scoped3A_43, %dma_wait3A_377] : memref<4x128xi32, #tpu.memory_space<vmem>> -> memref<1x128xi32, #tpu.memory_space<vmem>>
      %dma_wait3A_379 = tpu.memref_squeeze %dma_wait3A_378 : memref<1x128xi32, #tpu.memory_space<vmem>> -> memref<128xi32, #tpu.memory_space<vmem>>
      %dma_wait3A_380 = arith.constant 0 : i32
      %dma_wait3A_381 = tpu.memref_slice %arg2[%shift_right_logical3A_40, %and3A_38, %and3A_42, %dma_wait3A_380] : memref<7x128x8x128xi32, #tpu.memory_space<hbm>> -> memref<1x1x1x128xi32, #tpu.memory_space<hbm>>
      %dma_wait3A_382 = tpu.memref_squeeze %dma_wait3A_381 : memref<1x1x1x128xi32, #tpu.memory_space<hbm>> -> memref<128xi32, #tpu.memory_space<hbm>>
      %dma_wait3A_383 = arith.constant 0 : i32
      %dma_wait3A_384 = tpu.memref_slice %arg7[%run_scoped3A_43, %dma_wait3A_383] : memref<4x128xi32, #tpu.memory_space<vmem>> -> memref<1x128xi32, #tpu.memory_space<vmem>>
      %dma_wait3A_385 = tpu.memref_squeeze %dma_wait3A_384 : memref<1x128xi32, #tpu.memory_space<vmem>> -> memref<128xi32, #tpu.memory_space<vmem>>
      %dma_wait3A_386 = arith.constant 0 : i32
      %dma_wait3A_387 = tpu.memref_slice %arg2[%shift_right_logical3A_40, %and3A_38, %and3A_42, %dma_wait3A_386] : memref<7x128x8x128xi32, #tpu.memory_space<hbm>> -> memref<1x1x1x128xi32, #tpu.memory_space<hbm>>
      %dma_wait3A_388 = tpu.memref_squeeze %dma_wait3A_387 : memref<1x1x1x128xi32, #tpu.memory_space<hbm>> -> memref<128xi32, #tpu.memory_space<hbm>>
      tpu.wait_dma2 semaphore(%run_scoped3A_364 : memref<!tpu.dma_semaphore, #tpu.memory_space<semaphore_mem>>) src(%dma_wait3A_388 : memref<128xi32, #tpu.memory_space<hbm>>) dst(%dma_wait3A_385 : memref<128xi32, #tpu.memory_space<vmem>>)
      tpu.yield
    }) : () -> ()
    %add3A_44 = arith.constant 2 : i32
    %add3A_45 = arith.addi %mul3A_24, %add3A_44 : i32
    %shift_right_logical3A_46 = arith.constant 7 : i32
    %shift_right_logical3A_47 = arith.shrui %add3A_45, %shift_right_logical3A_46 : i32
    %and3A_48 = arith.constant 127 : i32
    %and3A_49 = arith.andi %add3A_45, %and3A_48 : i32
    %shift_right_logical3A_50 = arith.constant 3 : i32
    %shift_right_logical3A_51 = arith.shrui %shift_right_logical3A_47, %shift_right_logical3A_50 : i32
    %and3A_52 = arith.constant 7 : i32
    %and3A_53 = arith.andi %shift_right_logical3A_47, %and3A_52 : i32
    %run_scoped3A_54 = arith.constant 2 : i32
    "tpu.region"() ({
      %run_scoped3A_364 = tpu.sem_alloc : memref<!tpu.dma_semaphore, #tpu.memory_space<semaphore_mem>>
      %dma_start3A_365 = arith.constant 0 : i32
      %dma_start3A_366 = tpu.memref_slice %arg7[%run_scoped3A_54, %dma_start3A_365] : memref<4x128xi32, #tpu.memory_space<vmem>> -> memref<1x128xi32, #tpu.memory_space<vmem>>
      %dma_start3A_367 = tpu.memref_squeeze %dma_start3A_366 : memref<1x128xi32, #tpu.memory_space<vmem>> -> memref<128xi32, #tpu.memory_space<vmem>>
      %dma_start3A_368 = arith.constant 0 : i32
      %dma_start3A_369 = tpu.memref_slice %arg2[%shift_right_logical3A_51, %and3A_49, %and3A_53, %dma_start3A_368] : memref<7x128x8x128xi32, #tpu.memory_space<hbm>> -> memref<1x1x1x128xi32, #tpu.memory_space<hbm>>
      %dma_start3A_370 = tpu.memref_squeeze %dma_start3A_369 : memref<1x1x1x128xi32, #tpu.memory_space<hbm>> -> memref<128xi32, #tpu.memory_space<hbm>>
      %dma_start3A_371 = arith.constant 0 : i32
      %dma_start3A_372 = tpu.memref_slice %arg7[%run_scoped3A_54, %dma_start3A_371] : memref<4x128xi32, #tpu.memory_space<vmem>> -> memref<1x128xi32, #tpu.memory_space<vmem>>
      %dma_start3A_373 = tpu.memref_squeeze %dma_start3A_372 : memref<1x128xi32, #tpu.memory_space<vmem>> -> memref<128xi32, #tpu.memory_space<vmem>>
      %dma_start3A_374 = arith.constant 0 : i32
      %dma_start3A_375 = tpu.memref_slice %arg2[%shift_right_logical3A_51, %and3A_49, %and3A_53, %dma_start3A_374] : memref<7x128x8x128xi32, #tpu.memory_space<hbm>> -> memref<1x1x1x128xi32, #tpu.memory_space<hbm>>
      %dma_start3A_376 = tpu.memref_squeeze %dma_start3A_375 : memref<1x1x1x128xi32, #tpu.memory_space<hbm>> -> memref<128xi32, #tpu.memory_space<hbm>>
      tpu.enqueue_dma source(%dma_start3A_376 : memref<128xi32, #tpu.memory_space<hbm>>) target(%dma_start3A_373 : memref<128xi32, #tpu.memory_space<vmem>>) target_semaphore(%run_scoped3A_364 : memref<!tpu.dma_semaphore, #tpu.memory_space<semaphore_mem>>)
      %dma_wait3A_377 = arith.constant 0 : i32
      %dma_wait3A_378 = tpu.memref_slice %arg7[%run_scoped3A_54, %dma_wait3A_377] : memref<4x128xi32, #tpu.memory_space<vmem>> -> memref<1x128xi32, #tpu.memory_space<vmem>>
      %dma_wait3A_379 = tpu.memref_squeeze %dma_wait3A_378 : memref<1x128xi32, #tpu.memory_space<vmem>> -> memref<128xi32, #tpu.memory_space<vmem>>
      %dma_wait3A_380 = arith.constant 0 : i32
      %dma_wait3A_381 = tpu.memref_slice %arg2[%shift_right_logical3A_51, %and3A_49, %and3A_53, %dma_wait3A_380] : memref<7x128x8x128xi32, #tpu.memory_space<hbm>> -> memref<1x1x1x128xi32, #tpu.memory_space<hbm>>
      %dma_wait3A_382 = tpu.memref_squeeze %dma_wait3A_381 : memref<1x1x1x128xi32, #tpu.memory_space<hbm>> -> memref<128xi32, #tpu.memory_space<hbm>>
      %dma_wait3A_383 = arith.constant 0 : i32
      %dma_wait3A_384 = tpu.memref_slice %arg7[%run_scoped3A_54, %dma_wait3A_383] : memref<4x128xi32, #tpu.memory_space<vmem>> -> memref<1x128xi32, #tpu.memory_space<vmem>>
      %dma_wait3A_385 = tpu.memref_squeeze %dma_wait3A_384 : memref<1x128xi32, #tpu.memory_space<vmem>> -> memref<128xi32, #tpu.memory_space<vmem>>
      %dma_wait3A_386 = arith.constant 0 : i32
      %dma_wait3A_387 = tpu.memref_slice %arg2[%shift_right_logical3A_51, %and3A_49, %and3A_53, %dma_wait3A_386] : memref<7x128x8x128xi32, #tpu.memory_space<hbm>> -> memref<1x1x1x128xi32, #tpu.memory_space<hbm>>
      %dma_wait3A_388 = tpu.memref_squeeze %dma_wait3A_387 : memref<1x1x1x128xi32, #tpu.memory_space<hbm>> -> memref<128xi32, #tpu.memory_space<hbm>>
      tpu.wait_dma2 semaphore(%run_scoped3A_364 : memref<!tpu.dma_semaphore, #tpu.memory_space<semaphore_mem>>) src(%dma_wait3A_388 : memref<128xi32, #tpu.memory_space<hbm>>) dst(%dma_wait3A_385 : memref<128xi32, #tpu.memory_space<vmem>>)
      tpu.yield
    }) : () -> ()
    %add3A_55 = arith.constant 3 : i32
    %add3A_56 = arith.addi %mul3A_24, %add3A_55 : i32
    %shift_right_logical3A_57 = arith.constant 7 : i32
    %shift_right_logical3A_58 = arith.shrui %add3A_56, %shift_right_logical3A_57 : i32
    %and3A_59 = arith.constant 127 : i32
    %and3A_60 = arith.andi %add3A_56, %and3A_59 : i32
    %shift_right_logical3A_61 = arith.constant 3 : i32
    %shift_right_logical3A_62 = arith.shrui %shift_right_logical3A_58, %shift_right_logical3A_61 : i32
    %and3A_63 = arith.constant 7 : i32
    %and3A_64 = arith.andi %shift_right_logical3A_58, %and3A_63 : i32
    %run_scoped3A_65 = arith.constant 3 : i32
    "tpu.region"() ({
      %run_scoped3A_364 = tpu.sem_alloc : memref<!tpu.dma_semaphore, #tpu.memory_space<semaphore_mem>>
      %dma_start3A_365 = arith.constant 0 : i32
      %dma_start3A_366 = tpu.memref_slice %arg7[%run_scoped3A_65, %dma_start3A_365] : memref<4x128xi32, #tpu.memory_space<vmem>> -> memref<1x128xi32, #tpu.memory_space<vmem>>
      %dma_start3A_367 = tpu.memref_squeeze %dma_start3A_366 : memref<1x128xi32, #tpu.memory_space<vmem>> -> memref<128xi32, #tpu.memory_space<vmem>>
      %dma_start3A_368 = arith.constant 0 : i32
      %dma_start3A_369 = tpu.memref_slice %arg2[%shift_right_logical3A_62, %and3A_60, %and3A_64, %dma_start3A_368] : memref<7x128x8x128xi32, #tpu.memory_space<hbm>> -> memref<1x1x1x128xi32, #tpu.memory_space<hbm>>
      %dma_start3A_370 = tpu.memref_squeeze %dma_start3A_369 : memref<1x1x1x128xi32, #tpu.memory_space<hbm>> -> memref<128xi32, #tpu.memory_space<hbm>>
      %dma_start3A_371 = arith.constant 0 : i32
      %dma_start3A_372 = tpu.memref_slice %arg7[%run_scoped3A_65, %dma_start3A_371] : memref<4x128xi32, #tpu.memory_space<vmem>> -> memref<1x128xi32, #tpu.memory_space<vmem>>
      %dma_start3A_373 = tpu.memref_squeeze %dma_start3A_372 : memref<1x128xi32, #tpu.memory_space<vmem>> -> memref<128xi32, #tpu.memory_space<vmem>>
      %dma_start3A_374 = arith.constant 0 : i32
      %dma_start3A_375 = tpu.memref_slice %arg2[%shift_right_logical3A_62, %and3A_60, %and3A_64, %dma_start3A_374] : memref<7x128x8x128xi32, #tpu.memory_space<hbm>> -> memref<1x1x1x128xi32, #tpu.memory_space<hbm>>
      %dma_start3A_376 = tpu.memref_squeeze %dma_start3A_375 : memref<1x1x1x128xi32, #tpu.memory_space<hbm>> -> memref<128xi32, #tpu.memory_space<hbm>>
      tpu.enqueue_dma source(%dma_start3A_376 : memref<128xi32, #tpu.memory_space<hbm>>) target(%dma_start3A_373 : memref<128xi32, #tpu.memory_space<vmem>>) target_semaphore(%run_scoped3A_364 : memref<!tpu.dma_semaphore, #tpu.memory_space<semaphore_mem>>)
      %dma_wait3A_377 = arith.constant 0 : i32
      %dma_wait3A_378 = tpu.memref_slice %arg7[%run_scoped3A_65, %dma_wait3A_377] : memref<4x128xi32, #tpu.memory_space<vmem>> -> memref<1x128xi32, #tpu.memory_space<vmem>>
      %dma_wait3A_379 = tpu.memref_squeeze %dma_wait3A_378 : memref<1x128xi32, #tpu.memory_space<vmem>> -> memref<128xi32, #tpu.memory_space<vmem>>
      %dma_wait3A_380 = arith.constant 0 : i32
      %dma_wait3A_381 = tpu.memref_slice %arg2[%shift_right_logical3A_62, %and3A_60, %and3A_64, %dma_wait3A_380] : memref<7x128x8x128xi32, #tpu.memory_space<hbm>> -> memref<1x1x1x128xi32, #tpu.memory_space<hbm>>
      %dma_wait3A_382 = tpu.memref_squeeze %dma_wait3A_381 : memref<1x1x1x128xi32, #tpu.memory_space<hbm>> -> memref<128xi32, #tpu.memory_space<hbm>>
      %dma_wait3A_383 = arith.constant 0 : i32
      %dma_wait3A_384 = tpu.memref_slice %arg7[%run_scoped3A_65, %dma_wait3A_383] : memref<4x128xi32, #tpu.memory_space<vmem>> -> memref<1x128xi32, #tpu.memory_space<vmem>>
      %dma_wait3A_385 = tpu.memref_squeeze %dma_wait3A_384 : memref<1x128xi32, #tpu.memory_space<vmem>> -> memref<128xi32, #tpu.memory_space<vmem>>
      %dma_wait3A_386 = arith.constant 0 : i32
      %dma_wait3A_387 = tpu.memref_slice %arg2[%shift_right_logical3A_62, %and3A_60, %and3A_64, %dma_wait3A_386] : memref<7x128x8x128xi32, #tpu.memory_space<hbm>> -> memref<1x1x1x128xi32, #tpu.memory_space<hbm>>
      %dma_wait3A_388 = tpu.memref_squeeze %dma_wait3A_387 : memref<1x1x1x128xi32, #tpu.memory_space<hbm>> -> memref<128xi32, #tpu.memory_space<hbm>>
      tpu.wait_dma2 semaphore(%run_scoped3A_364 : memref<!tpu.dma_semaphore, #tpu.memory_space<semaphore_mem>>) src(%dma_wait3A_388 : memref<128xi32, #tpu.memory_space<hbm>>) dst(%dma_wait3A_385 : memref<128xi32, #tpu.memory_space<vmem>>)
      tpu.yield
    }) : () -> ()
    %dma_start3A = arith.constant 0 : i32
    %dma_start3A_66 = arith.constant 0 : i32
    %dma_start3A_67 = arith.constant 0 : i32
    %dma_start3A_68 = tpu.memref_slice %arg9[%dma_start3A_66, %dma_start3A_67] : memref<512x32xf32, #tpu.memory_space<vmem>> -> memref<128x32xf32, #tpu.memory_space<vmem>>
    %dma_start3A_69 = arith.constant 0 : i32
    %dma_start3A_70 = tpu.memref_slice %arg7[%dma_start3A, %dma_start3A_69] : memref<4x128xi32, #tpu.memory_space<vmem>> -> memref<1x128xi32, #tpu.memory_space<vmem>>
    %dma_start3A_71 = tpu.memref_squeeze %dma_start3A_70 : memref<1x128xi32, #tpu.memory_space<vmem>> -> memref<128xi32, #tpu.memory_space<vmem>>
    %dma_start3A_72 = arith.constant 0 : i32
    %dma_start3A_73 = arith.constant 0 : i32
    %dma_start3A_74 = tpu.memref_slice %arg3[%dma_start3A_72, %dma_start3A_73] : memref<1000000x32xf32, #tpu.memory_space<hbm>> -> memref<1000000x32xf32, #tpu.memory_space<hbm>>
    tpu.enqueue_indirect_dma source(%dma_start3A_74 : memref<1000000x32xf32, #tpu.memory_space<hbm>>) target(%dma_start3A_68 : memref<128x32xf32, #tpu.memory_space<vmem>>) offsets(%dma_start3A_71 : memref<128xi32, #tpu.memory_space<vmem>>) semaphore(%arg13 : memref<!tpu.dma_semaphore, #tpu.memory_space<semaphore_mem>>)
    %dma_start3A_75 = arith.constant 1 : i32
    %dma_start3A_76 = arith.constant 128 : i32
    %dma_start3A_77 = arith.constant 0 : i32
    %dma_start3A_78 = tpu.memref_slice %arg9[%dma_start3A_76, %dma_start3A_77] : memref<512x32xf32, #tpu.memory_space<vmem>> -> memref<128x32xf32, #tpu.memory_space<vmem>>
    %dma_start3A_79 = arith.constant 0 : i32
    %dma_start3A_80 = tpu.memref_slice %arg7[%dma_start3A_75, %dma_start3A_79] : memref<4x128xi32, #tpu.memory_space<vmem>> -> memref<1x128xi32, #tpu.memory_space<vmem>>
    %dma_start3A_81 = tpu.memref_squeeze %dma_start3A_80 : memref<1x128xi32, #tpu.memory_space<vmem>> -> memref<128xi32, #tpu.memory_space<vmem>>
    %dma_start3A_82 = arith.constant 0 : i32
    %dma_start3A_83 = arith.constant 0 : i32
    %dma_start3A_84 = tpu.memref_slice %arg3[%dma_start3A_82, %dma_start3A_83] : memref<1000000x32xf32, #tpu.memory_space<hbm>> -> memref<1000000x32xf32, #tpu.memory_space<hbm>>
    tpu.enqueue_indirect_dma source(%dma_start3A_84 : memref<1000000x32xf32, #tpu.memory_space<hbm>>) target(%dma_start3A_78 : memref<128x32xf32, #tpu.memory_space<vmem>>) offsets(%dma_start3A_81 : memref<128xi32, #tpu.memory_space<vmem>>) semaphore(%arg13 : memref<!tpu.dma_semaphore, #tpu.memory_space<semaphore_mem>>)
    %dma_start3A_85 = arith.constant 2 : i32
    %dma_start3A_86 = arith.constant 256 : i32
    %dma_start3A_87 = arith.constant 0 : i32
    %dma_start3A_88 = tpu.memref_slice %arg9[%dma_start3A_86, %dma_start3A_87] : memref<512x32xf32, #tpu.memory_space<vmem>> -> memref<128x32xf32, #tpu.memory_space<vmem>>
    %dma_start3A_89 = arith.constant 0 : i32
    %dma_start3A_90 = tpu.memref_slice %arg7[%dma_start3A_85, %dma_start3A_89] : memref<4x128xi32, #tpu.memory_space<vmem>> -> memref<1x128xi32, #tpu.memory_space<vmem>>
    %dma_start3A_91 = tpu.memref_squeeze %dma_start3A_90 : memref<1x128xi32, #tpu.memory_space<vmem>> -> memref<128xi32, #tpu.memory_space<vmem>>
    %dma_start3A_92 = arith.constant 0 : i32
    %dma_start3A_93 = arith.constant 0 : i32
    %dma_start3A_94 = tpu.memref_slice %arg3[%dma_start3A_92, %dma_start3A_93] : memref<1000000x32xf32, #tpu.memory_space<hbm>> -> memref<1000000x32xf32, #tpu.memory_space<hbm>>
    tpu.enqueue_indirect_dma source(%dma_start3A_94 : memref<1000000x32xf32, #tpu.memory_space<hbm>>) target(%dma_start3A_88 : memref<128x32xf32, #tpu.memory_space<vmem>>) offsets(%dma_start3A_91 : memref<128xi32, #tpu.memory_space<vmem>>) semaphore(%arg13 : memref<!tpu.dma_semaphore, #tpu.memory_space<semaphore_mem>>)
    %dma_start3A_95 = arith.constant 3 : i32
    %dma_start3A_96 = arith.constant 384 : i32
    %dma_start3A_97 = arith.constant 0 : i32
    %dma_start3A_98 = tpu.memref_slice %arg9[%dma_start3A_96, %dma_start3A_97] : memref<512x32xf32, #tpu.memory_space<vmem>> -> memref<128x32xf32, #tpu.memory_space<vmem>>
    %dma_start3A_99 = arith.constant 0 : i32
    %dma_start3A_100 = tpu.memref_slice %arg7[%dma_start3A_95, %dma_start3A_99] : memref<4x128xi32, #tpu.memory_space<vmem>> -> memref<1x128xi32, #tpu.memory_space<vmem>>
    %dma_start3A_101 = tpu.memref_squeeze %dma_start3A_100 : memref<1x128xi32, #tpu.memory_space<vmem>> -> memref<128xi32, #tpu.memory_space<vmem>>
    %dma_start3A_102 = arith.constant 0 : i32
    %dma_start3A_103 = arith.constant 0 : i32
    %dma_start3A_104 = tpu.memref_slice %arg3[%dma_start3A_102, %dma_start3A_103] : memref<1000000x32xf32, #tpu.memory_space<hbm>> -> memref<1000000x32xf32, #tpu.memory_space<hbm>>
    tpu.enqueue_indirect_dma source(%dma_start3A_104 : memref<1000000x32xf32, #tpu.memory_space<hbm>>) target(%dma_start3A_98 : memref<128x32xf32, #tpu.memory_space<vmem>>) offsets(%dma_start3A_101 : memref<128xi32, #tpu.memory_space<vmem>>) semaphore(%arg13 : memref<!tpu.dma_semaphore, #tpu.memory_space<semaphore_mem>>)
    %scan3A = arith.constant 0 : i32
    %scan3A_105 = arith.constant 0 : i32
    %scan3A_106 = arith.constant 24 : i32
    %scan3A_107 = arith.addi %scan3A_105, %scan3A_106 : i32
    %scan3A_108 = arith.constant 1 : i32
    scf.for %scan3A_364 = %scan3A_105 to %scan3A_107 step %scan3A_108  : i32 {
      %mul3A_365 = arith.constant 8 : i32
      %mul3A_366 = arith.muli %mul3A_365, %scan3A_364 : i32
      %add3A_367 = arith.addi %mul3A_24, %mul3A_366 : i32
      %add3A_368 = arith.constant 4 : i32
      %add3A_369 = arith.addi %add3A_367, %add3A_368 : i32
      %add3A_370 = arith.constant 0 : i32
      %add3A_371 = arith.addi %add3A_369, %add3A_370 : i32
      %shift_right_logical3A_372 = arith.constant 7 : i32
      %shift_right_logical3A_373 = arith.shrui %add3A_371, %shift_right_logical3A_372 : i32
      %and3A_374 = arith.constant 127 : i32
      %and3A_375 = arith.andi %add3A_371, %and3A_374 : i32
      %shift_right_logical3A_376 = arith.constant 3 : i32
      %shift_right_logical3A_377 = arith.shrui %shift_right_logical3A_373, %shift_right_logical3A_376 : i32
      %and3A_378 = arith.constant 7 : i32
      %and3A_379 = arith.andi %shift_right_logical3A_373, %and3A_378 : i32
      %run_scoped3A_380 = arith.constant 0 : i32
      "tpu.region"() ({
        %run_scoped3A_708 = tpu.sem_alloc : memref<!tpu.dma_semaphore, #tpu.memory_space<semaphore_mem>>
        %dma_start3A_709 = arith.constant 0 : i32
        %dma_start3A_710 = tpu.memref_slice %arg8[%run_scoped3A_380, %dma_start3A_709] : memref<4x128xi32, #tpu.memory_space<vmem>> -> memref<1x128xi32, #tpu.memory_space<vmem>>
        %dma_start3A_711 = tpu.memref_squeeze %dma_start3A_710 : memref<1x128xi32, #tpu.memory_space<vmem>> -> memref<128xi32, #tpu.memory_space<vmem>>
        %dma_start3A_712 = arith.constant 0 : i32
        %dma_start3A_713 = tpu.memref_slice %arg2[%shift_right_logical3A_377, %and3A_375, %and3A_379, %dma_start3A_712] : memref<7x128x8x128xi32, #tpu.memory_space<hbm>> -> memref<1x1x1x128xi32, #tpu.memory_space<hbm>>
        %dma_start3A_714 = tpu.memref_squeeze %dma_start3A_713 : memref<1x1x1x128xi32, #tpu.memory_space<hbm>> -> memref<128xi32, #tpu.memory_space<hbm>>
        %dma_start3A_715 = arith.constant 0 : i32
        %dma_start3A_716 = tpu.memref_slice %arg8[%run_scoped3A_380, %dma_start3A_715] : memref<4x128xi32, #tpu.memory_space<vmem>> -> memref<1x128xi32, #tpu.memory_space<vmem>>
        %dma_start3A_717 = tpu.memref_squeeze %dma_start3A_716 : memref<1x128xi32, #tpu.memory_space<vmem>> -> memref<128xi32, #tpu.memory_space<vmem>>
        %dma_start3A_718 = arith.constant 0 : i32
        %dma_start3A_719 = tpu.memref_slice %arg2[%shift_right_logical3A_377, %and3A_375, %and3A_379, %dma_start3A_718] : memref<7x128x8x128xi32, #tpu.memory_space<hbm>> -> memref<1x1x1x128xi32, #tpu.memory_space<hbm>>
        %dma_start3A_720 = tpu.memref_squeeze %dma_start3A_719 : memref<1x1x1x128xi32, #tpu.memory_space<hbm>> -> memref<128xi32, #tpu.memory_space<hbm>>
        tpu.enqueue_dma source(%dma_start3A_720 : memref<128xi32, #tpu.memory_space<hbm>>) target(%dma_start3A_717 : memref<128xi32, #tpu.memory_space<vmem>>) target_semaphore(%run_scoped3A_708 : memref<!tpu.dma_semaphore, #tpu.memory_space<semaphore_mem>>)
        %dma_wait3A_721 = arith.constant 0 : i32
        %dma_wait3A_722 = tpu.memref_slice %arg8[%run_scoped3A_380, %dma_wait3A_721] : memref<4x128xi32, #tpu.memory_space<vmem>> -> memref<1x128xi32, #tpu.memory_space<vmem>>
        %dma_wait3A_723 = tpu.memref_squeeze %dma_wait3A_722 : memref<1x128xi32, #tpu.memory_space<vmem>> -> memref<128xi32, #tpu.memory_space<vmem>>
        %dma_wait3A_724 = arith.constant 0 : i32
        %dma_wait3A_725 = tpu.memref_slice %arg2[%shift_right_logical3A_377, %and3A_375, %and3A_379, %dma_wait3A_724] : memref<7x128x8x128xi32, #tpu.memory_space<hbm>> -> memref<1x1x1x128xi32, #tpu.memory_space<hbm>>
        %dma_wait3A_726 = tpu.memref_squeeze %dma_wait3A_725 : memref<1x1x1x128xi32, #tpu.memory_space<hbm>> -> memref<128xi32, #tpu.memory_space<hbm>>
        %dma_wait3A_727 = arith.constant 0 : i32
        %dma_wait3A_728 = tpu.memref_slice %arg8[%run_scoped3A_380, %dma_wait3A_727] : memref<4x128xi32, #tpu.memory_space<vmem>> -> memref<1x128xi32, #tpu.memory_space<vmem>>
        %dma_wait3A_729 = tpu.memref_squeeze %dma_wait3A_728 : memref<1x128xi32, #tpu.memory_space<vmem>> -> memref<128xi32, #tpu.memory_space<vmem>>
        %dma_wait3A_730 = arith.constant 0 : i32
        %dma_wait3A_731 = tpu.memref_slice %arg2[%shift_right_logical3A_377, %and3A_375, %and3A_379, %dma_wait3A_730] : memref<7x128x8x128xi32, #tpu.memory_space<hbm>> -> memref<1x1x1x128xi32, #tpu.memory_space<hbm>>
        %dma_wait3A_732 = tpu.memref_squeeze %dma_wait3A_731 : memref<1x1x1x128xi32, #tpu.memory_space<hbm>> -> memref<128xi32, #tpu.memory_space<hbm>>
        tpu.wait_dma2 semaphore(%run_scoped3A_708 : memref<!tpu.dma_semaphore, #tpu.memory_space<semaphore_mem>>) src(%dma_wait3A_732 : memref<128xi32, #tpu.memory_space<hbm>>) dst(%dma_wait3A_729 : memref<128xi32, #tpu.memory_space<vmem>>)
        tpu.yield
      }) : () -> ()
      %add3A_381 = arith.constant 1 : i32
      %add3A_382 = arith.addi %add3A_369, %add3A_381 : i32
      %shift_right_logical3A_383 = arith.constant 7 : i32
      %shift_right_logical3A_384 = arith.shrui %add3A_382, %shift_right_logical3A_383 : i32
      %and3A_385 = arith.constant 127 : i32
      %and3A_386 = arith.andi %add3A_382, %and3A_385 : i32
      %shift_right_logical3A_387 = arith.constant 3 : i32
      %shift_right_logical3A_388 = arith.shrui %shift_right_logical3A_384, %shift_right_logical3A_387 : i32
      %and3A_389 = arith.constant 7 : i32
      %and3A_390 = arith.andi %shift_right_logical3A_384, %and3A_389 : i32
      %run_scoped3A_391 = arith.constant 1 : i32
      "tpu.region"() ({
        %run_scoped3A_708 = tpu.sem_alloc : memref<!tpu.dma_semaphore, #tpu.memory_space<semaphore_mem>>
        %dma_start3A_709 = arith.constant 0 : i32
        %dma_start3A_710 = tpu.memref_slice %arg8[%run_scoped3A_391, %dma_start3A_709] : memref<4x128xi32, #tpu.memory_space<vmem>> -> memref<1x128xi32, #tpu.memory_space<vmem>>
        %dma_start3A_711 = tpu.memref_squeeze %dma_start3A_710 : memref<1x128xi32, #tpu.memory_space<vmem>> -> memref<128xi32, #tpu.memory_space<vmem>>
        %dma_start3A_712 = arith.constant 0 : i32
        %dma_start3A_713 = tpu.memref_slice %arg2[%shift_right_logical3A_388, %and3A_386, %and3A_390, %dma_start3A_712] : memref<7x128x8x128xi32, #tpu.memory_space<hbm>> -> memref<1x1x1x128xi32, #tpu.memory_space<hbm>>
        %dma_start3A_714 = tpu.memref_squeeze %dma_start3A_713 : memref<1x1x1x128xi32, #tpu.memory_space<hbm>> -> memref<128xi32, #tpu.memory_space<hbm>>
        %dma_start3A_715 = arith.constant 0 : i32
        %dma_start3A_716 = tpu.memref_slice %arg8[%run_scoped3A_391, %dma_start3A_715] : memref<4x128xi32, #tpu.memory_space<vmem>> -> memref<1x128xi32, #tpu.memory_space<vmem>>
        %dma_start3A_717 = tpu.memref_squeeze %dma_start3A_716 : memref<1x128xi32, #tpu.memory_space<vmem>> -> memref<128xi32, #tpu.memory_space<vmem>>
        %dma_start3A_718 = arith.constant 0 : i32
        %dma_start3A_719 = tpu.memref_slice %arg2[%shift_right_logical3A_388, %and3A_386, %and3A_390, %dma_start3A_718] : memref<7x128x8x128xi32, #tpu.memory_space<hbm>> -> memref<1x1x1x128xi32, #tpu.memory_space<hbm>>
        %dma_start3A_720 = tpu.memref_squeeze %dma_start3A_719 : memref<1x1x1x128xi32, #tpu.memory_space<hbm>> -> memref<128xi32, #tpu.memory_space<hbm>>
        tpu.enqueue_dma source(%dma_start3A_720 : memref<128xi32, #tpu.memory_space<hbm>>) target(%dma_start3A_717 : memref<128xi32, #tpu.memory_space<vmem>>) target_semaphore(%run_scoped3A_708 : memref<!tpu.dma_semaphore, #tpu.memory_space<semaphore_mem>>)
        %dma_wait3A_721 = arith.constant 0 : i32
        %dma_wait3A_722 = tpu.memref_slice %arg8[%run_scoped3A_391, %dma_wait3A_721] : memref<4x128xi32, #tpu.memory_space<vmem>> -> memref<1x128xi32, #tpu.memory_space<vmem>>
        %dma_wait3A_723 = tpu.memref_squeeze %dma_wait3A_722 : memref<1x128xi32, #tpu.memory_space<vmem>> -> memref<128xi32, #tpu.memory_space<vmem>>
        %dma_wait3A_724 = arith.constant 0 : i32
        %dma_wait3A_725 = tpu.memref_slice %arg2[%shift_right_logical3A_388, %and3A_386, %and3A_390, %dma_wait3A_724] : memref<7x128x8x128xi32, #tpu.memory_space<hbm>> -> memref<1x1x1x128xi32, #tpu.memory_space<hbm>>
        %dma_wait3A_726 = tpu.memref_squeeze %dma_wait3A_725 : memref<1x1x1x128xi32, #tpu.memory_space<hbm>> -> memref<128xi32, #tpu.memory_space<hbm>>
        %dma_wait3A_727 = arith.constant 0 : i32
        %dma_wait3A_728 = tpu.memref_slice %arg8[%run_scoped3A_391, %dma_wait3A_727] : memref<4x128xi32, #tpu.memory_space<vmem>> -> memref<1x128xi32, #tpu.memory_space<vmem>>
        %dma_wait3A_729 = tpu.memref_squeeze %dma_wait3A_728 : memref<1x128xi32, #tpu.memory_space<vmem>> -> memref<128xi32, #tpu.memory_space<vmem>>
        %dma_wait3A_730 = arith.constant 0 : i32
        %dma_wait3A_731 = tpu.memref_slice %arg2[%shift_right_logical3A_388, %and3A_386, %and3A_390, %dma_wait3A_730] : memref<7x128x8x128xi32, #tpu.memory_space<hbm>> -> memref<1x1x1x128xi32, #tpu.memory_space<hbm>>
        %dma_wait3A_732 = tpu.memref_squeeze %dma_wait3A_731 : memref<1x1x1x128xi32, #tpu.memory_space<hbm>> -> memref<128xi32, #tpu.memory_space<hbm>>
        tpu.wait_dma2 semaphore(%run_scoped3A_708 : memref<!tpu.dma_semaphore, #tpu.memory_space<semaphore_mem>>) src(%dma_wait3A_732 : memref<128xi32, #tpu.memory_space<hbm>>) dst(%dma_wait3A_729 : memref<128xi32, #tpu.memory_space<vmem>>)
        tpu.yield
      }) : () -> ()
      %add3A_392 = arith.constant 2 : i32
      %add3A_393 = arith.addi %add3A_369, %add3A_392 : i32
      %shift_right_logical3A_394 = arith.constant 7 : i32
      %shift_right_logical3A_395 = arith.shrui %add3A_393, %shift_right_logical3A_394 : i32
      %and3A_396 = arith.constant 127 : i32
      %and3A_397 = arith.andi %add3A_393, %and3A_396 : i32
      %shift_right_logical3A_398 = arith.constant 3 : i32
      %shift_right_logical3A_399 = arith.shrui %shift_right_logical3A_395, %shift_right_logical3A_398 : i32
      %and3A_400 = arith.constant 7 : i32
      %and3A_401 = arith.andi %shift_right_logical3A_395, %and3A_400 : i32
      %run_scoped3A_402 = arith.constant 2 : i32
      "tpu.region"() ({
        %run_scoped3A_708 = tpu.sem_alloc : memref<!tpu.dma_semaphore, #tpu.memory_space<semaphore_mem>>
        %dma_start3A_709 = arith.constant 0 : i32
        %dma_start3A_710 = tpu.memref_slice %arg8[%run_scoped3A_402, %dma_start3A_709] : memref<4x128xi32, #tpu.memory_space<vmem>> -> memref<1x128xi32, #tpu.memory_space<vmem>>
        %dma_start3A_711 = tpu.memref_squeeze %dma_start3A_710 : memref<1x128xi32, #tpu.memory_space<vmem>> -> memref<128xi32, #tpu.memory_space<vmem>>
        %dma_start3A_712 = arith.constant 0 : i32
        %dma_start3A_713 = tpu.memref_slice %arg2[%shift_right_logical3A_399, %and3A_397, %and3A_401, %dma_start3A_712] : memref<7x128x8x128xi32, #tpu.memory_space<hbm>> -> memref<1x1x1x128xi32, #tpu.memory_space<hbm>>
        %dma_start3A_714 = tpu.memref_squeeze %dma_start3A_713 : memref<1x1x1x128xi32, #tpu.memory_space<hbm>> -> memref<128xi32, #tpu.memory_space<hbm>>
        %dma_start3A_715 = arith.constant 0 : i32
        %dma_start3A_716 = tpu.memref_slice %arg8[%run_scoped3A_402, %dma_start3A_715] : memref<4x128xi32, #tpu.memory_space<vmem>> -> memref<1x128xi32, #tpu.memory_space<vmem>>
        %dma_start3A_717 = tpu.memref_squeeze %dma_start3A_716 : memref<1x128xi32, #tpu.memory_space<vmem>> -> memref<128xi32, #tpu.memory_space<vmem>>
        %dma_start3A_718 = arith.constant 0 : i32
        %dma_start3A_719 = tpu.memref_slice %arg2[%shift_right_logical3A_399, %and3A_397, %and3A_401, %dma_start3A_718] : memref<7x128x8x128xi32, #tpu.memory_space<hbm>> -> memref<1x1x1x128xi32, #tpu.memory_space<hbm>>
        %dma_start3A_720 = tpu.memref_squeeze %dma_start3A_719 : memref<1x1x1x128xi32, #tpu.memory_space<hbm>> -> memref<128xi32, #tpu.memory_space<hbm>>
        tpu.enqueue_dma source(%dma_start3A_720 : memref<128xi32, #tpu.memory_space<hbm>>) target(%dma_start3A_717 : memref<128xi32, #tpu.memory_space<vmem>>) target_semaphore(%run_scoped3A_708 : memref<!tpu.dma_semaphore, #tpu.memory_space<semaphore_mem>>)
        %dma_wait3A_721 = arith.constant 0 : i32
        %dma_wait3A_722 = tpu.memref_slice %arg8[%run_scoped3A_402, %dma_wait3A_721] : memref<4x128xi32, #tpu.memory_space<vmem>> -> memref<1x128xi32, #tpu.memory_space<vmem>>
        %dma_wait3A_723 = tpu.memref_squeeze %dma_wait3A_722 : memref<1x128xi32, #tpu.memory_space<vmem>> -> memref<128xi32, #tpu.memory_space<vmem>>
        %dma_wait3A_724 = arith.constant 0 : i32
        %dma_wait3A_725 = tpu.memref_slice %arg2[%shift_right_logical3A_399, %and3A_397, %and3A_401, %dma_wait3A_724] : memref<7x128x8x128xi32, #tpu.memory_space<hbm>> -> memref<1x1x1x128xi32, #tpu.memory_space<hbm>>
        %dma_wait3A_726 = tpu.memref_squeeze %dma_wait3A_725 : memref<1x1x1x128xi32, #tpu.memory_space<hbm>> -> memref<128xi32, #tpu.memory_space<hbm>>
        %dma_wait3A_727 = arith.constant 0 : i32
        %dma_wait3A_728 = tpu.memref_slice %arg8[%run_scoped3A_402, %dma_wait3A_727] : memref<4x128xi32, #tpu.memory_space<vmem>> -> memref<1x128xi32, #tpu.memory_space<vmem>>
        %dma_wait3A_729 = tpu.memref_squeeze %dma_wait3A_728 : memref<1x128xi32, #tpu.memory_space<vmem>> -> memref<128xi32, #tpu.memory_space<vmem>>
        %dma_wait3A_730 = arith.constant 0 : i32
        %dma_wait3A_731 = tpu.memref_slice %arg2[%shift_right_logical3A_399, %and3A_397, %and3A_401, %dma_wait3A_730] : memref<7x128x8x128xi32, #tpu.memory_space<hbm>> -> memref<1x1x1x128xi32, #tpu.memory_space<hbm>>
        %dma_wait3A_732 = tpu.memref_squeeze %dma_wait3A_731 : memref<1x1x1x128xi32, #tpu.memory_space<hbm>> -> memref<128xi32, #tpu.memory_space<hbm>>
        tpu.wait_dma2 semaphore(%run_scoped3A_708 : memref<!tpu.dma_semaphore, #tpu.memory_space<semaphore_mem>>) src(%dma_wait3A_732 : memref<128xi32, #tpu.memory_space<hbm>>) dst(%dma_wait3A_729 : memref<128xi32, #tpu.memory_space<vmem>>)
        tpu.yield
      }) : () -> ()
      %add3A_403 = arith.constant 3 : i32
      %add3A_404 = arith.addi %add3A_369, %add3A_403 : i32
      %shift_right_logical3A_405 = arith.constant 7 : i32
      %shift_right_logical3A_406 = arith.shrui %add3A_404, %shift_right_logical3A_405 : i32
      %and3A_407 = arith.constant 127 : i32
      %and3A_408 = arith.andi %add3A_404, %and3A_407 : i32
      %shift_right_logical3A_409 = arith.constant 3 : i32
      %shift_right_logical3A_410 = arith.shrui %shift_right_logical3A_406, %shift_right_logical3A_409 : i32
      %and3A_411 = arith.constant 7 : i32
      %and3A_412 = arith.andi %shift_right_logical3A_406, %and3A_411 : i32
      %run_scoped3A_413 = arith.constant 3 : i32
      "tpu.region"() ({
        %run_scoped3A_708 = tpu.sem_alloc : memref<!tpu.dma_semaphore, #tpu.memory_space<semaphore_mem>>
        %dma_start3A_709 = arith.constant 0 : i32
        %dma_start3A_710 = tpu.memref_slice %arg8[%run_scoped3A_413, %dma_start3A_709] : memref<4x128xi32, #tpu.memory_space<vmem>> -> memref<1x128xi32, #tpu.memory_space<vmem>>
        %dma_start3A_711 = tpu.memref_squeeze %dma_start3A_710 : memref<1x128xi32, #tpu.memory_space<vmem>> -> memref<128xi32, #tpu.memory_space<vmem>>
        %dma_start3A_712 = arith.constant 0 : i32
        %dma_start3A_713 = tpu.memref_slice %arg2[%shift_right_logical3A_410, %and3A_408, %and3A_412, %dma_start3A_712] : memref<7x128x8x128xi32, #tpu.memory_space<hbm>> -> memref<1x1x1x128xi32, #tpu.memory_space<hbm>>
        %dma_start3A_714 = tpu.memref_squeeze %dma_start3A_713 : memref<1x1x1x128xi32, #tpu.memory_space<hbm>> -> memref<128xi32, #tpu.memory_space<hbm>>
        %dma_start3A_715 = arith.constant 0 : i32
        %dma_start3A_716 = tpu.memref_slice %arg8[%run_scoped3A_413, %dma_start3A_715] : memref<4x128xi32, #tpu.memory_space<vmem>> -> memref<1x128xi32, #tpu.memory_space<vmem>>
        %dma_start3A_717 = tpu.memref_squeeze %dma_start3A_716 : memref<1x128xi32, #tpu.memory_space<vmem>> -> memref<128xi32, #tpu.memory_space<vmem>>
        %dma_start3A_718 = arith.constant 0 : i32
        %dma_start3A_719 = tpu.memref_slice %arg2[%shift_right_logical3A_410, %and3A_408, %and3A_412, %dma_start3A_718] : memref<7x128x8x128xi32, #tpu.memory_space<hbm>> -> memref<1x1x1x128xi32, #tpu.memory_space<hbm>>
        %dma_start3A_720 = tpu.memref_squeeze %dma_start3A_719 : memref<1x1x1x128xi32, #tpu.memory_space<hbm>> -> memref<128xi32, #tpu.memory_space<hbm>>
        tpu.enqueue_dma source(%dma_start3A_720 : memref<128xi32, #tpu.memory_space<hbm>>) target(%dma_start3A_717 : memref<128xi32, #tpu.memory_space<vmem>>) target_semaphore(%run_scoped3A_708 : memref<!tpu.dma_semaphore, #tpu.memory_space<semaphore_mem>>)
        %dma_wait3A_721 = arith.constant 0 : i32
        %dma_wait3A_722 = tpu.memref_slice %arg8[%run_scoped3A_413, %dma_wait3A_721] : memref<4x128xi32, #tpu.memory_space<vmem>> -> memref<1x128xi32, #tpu.memory_space<vmem>>
        %dma_wait3A_723 = tpu.memref_squeeze %dma_wait3A_722 : memref<1x128xi32, #tpu.memory_space<vmem>> -> memref<128xi32, #tpu.memory_space<vmem>>
        %dma_wait3A_724 = arith.constant 0 : i32
        %dma_wait3A_725 = tpu.memref_slice %arg2[%shift_right_logical3A_410, %and3A_408, %and3A_412, %dma_wait3A_724] : memref<7x128x8x128xi32, #tpu.memory_space<hbm>> -> memref<1x1x1x128xi32, #tpu.memory_space<hbm>>
        %dma_wait3A_726 = tpu.memref_squeeze %dma_wait3A_725 : memref<1x1x1x128xi32, #tpu.memory_space<hbm>> -> memref<128xi32, #tpu.memory_space<hbm>>
        %dma_wait3A_727 = arith.constant 0 : i32
        %dma_wait3A_728 = tpu.memref_slice %arg8[%run_scoped3A_413, %dma_wait3A_727] : memref<4x128xi32, #tpu.memory_space<vmem>> -> memref<1x128xi32, #tpu.memory_space<vmem>>
        %dma_wait3A_729 = tpu.memref_squeeze %dma_wait3A_728 : memref<1x128xi32, #tpu.memory_space<vmem>> -> memref<128xi32, #tpu.memory_space<vmem>>
        %dma_wait3A_730 = arith.constant 0 : i32
        %dma_wait3A_731 = tpu.memref_slice %arg2[%shift_right_logical3A_410, %and3A_408, %and3A_412, %dma_wait3A_730] : memref<7x128x8x128xi32, #tpu.memory_space<hbm>> -> memref<1x1x1x128xi32, #tpu.memory_space<hbm>>
        %dma_wait3A_732 = tpu.memref_squeeze %dma_wait3A_731 : memref<1x1x1x128xi32, #tpu.memory_space<hbm>> -> memref<128xi32, #tpu.memory_space<hbm>>
        tpu.wait_dma2 semaphore(%run_scoped3A_708 : memref<!tpu.dma_semaphore, #tpu.memory_space<semaphore_mem>>) src(%dma_wait3A_732 : memref<128xi32, #tpu.memory_space<hbm>>) dst(%dma_wait3A_729 : memref<128xi32, #tpu.memory_space<vmem>>)
        tpu.yield
      }) : () -> ()
      %dma_start3A_414 = arith.constant 0 : i32
      %dma_start3A_415 = arith.constant 0 : i32
      %dma_start3A_416 = arith.constant 0 : i32
      %dma_start3A_417 = tpu.memref_slice %arg10[%dma_start3A_415, %dma_start3A_416] : memref<512x32xf32, #tpu.memory_space<vmem>> -> memref<128x32xf32, #tpu.memory_space<vmem>>
      %dma_start3A_418 = arith.constant 0 : i32
      %dma_start3A_419 = tpu.memref_slice %arg8[%dma_start3A_414, %dma_start3A_418] : memref<4x128xi32, #tpu.memory_space<vmem>> -> memref<1x128xi32, #tpu.memory_space<vmem>>
      %dma_start3A_420 = tpu.memref_squeeze %dma_start3A_419 : memref<1x128xi32, #tpu.memory_space<vmem>> -> memref<128xi32, #tpu.memory_space<vmem>>
      %dma_start3A_421 = arith.constant 0 : i32
      %dma_start3A_422 = arith.constant 0 : i32
      %dma_start3A_423 = tpu.memref_slice %arg3[%dma_start3A_421, %dma_start3A_422] : memref<1000000x32xf32, #tpu.memory_space<hbm>> -> memref<1000000x32xf32, #tpu.memory_space<hbm>>
      tpu.enqueue_indirect_dma source(%dma_start3A_423 : memref<1000000x32xf32, #tpu.memory_space<hbm>>) target(%dma_start3A_417 : memref<128x32xf32, #tpu.memory_space<vmem>>) offsets(%dma_start3A_420 : memref<128xi32, #tpu.memory_space<vmem>>) semaphore(%arg14 : memref<!tpu.dma_semaphore, #tpu.memory_space<semaphore_mem>>)
      %dma_start3A_424 = arith.constant 1 : i32
      %dma_start3A_425 = arith.constant 128 : i32
      %dma_start3A_426 = arith.constant 0 : i32
      %dma_start3A_427 = tpu.memref_slice %arg10[%dma_start3A_425, %dma_start3A_426] : memref<512x32xf32, #tpu.memory_space<vmem>> -> memref<128x32xf32, #tpu.memory_space<vmem>>
      %dma_start3A_428 = arith.constant 0 : i32
      %dma_start3A_429 = tpu.memref_slice %arg8[%dma_start3A_424, %dma_start3A_428] : memref<4x128xi32, #tpu.memory_space<vmem>> -> memref<1x128xi32, #tpu.memory_space<vmem>>
      %dma_start3A_430 = tpu.memref_squeeze %dma_start3A_429 : memref<1x128xi32, #tpu.memory_space<vmem>> -> memref<128xi32, #tpu.memory_space<vmem>>
      %dma_start3A_431 = arith.constant 0 : i32
      %dma_start3A_432 = arith.constant 0 : i32
      %dma_start3A_433 = tpu.memref_slice %arg3[%dma_start3A_431, %dma_start3A_432] : memref<1000000x32xf32, #tpu.memory_space<hbm>> -> memref<1000000x32xf32, #tpu.memory_space<hbm>>
      tpu.enqueue_indirect_dma source(%dma_start3A_433 : memref<1000000x32xf32, #tpu.memory_space<hbm>>) target(%dma_start3A_427 : memref<128x32xf32, #tpu.memory_space<vmem>>) offsets(%dma_start3A_430 : memref<128xi32, #tpu.memory_space<vmem>>) semaphore(%arg14 : memref<!tpu.dma_semaphore, #tpu.memory_space<semaphore_mem>>)
      %dma_start3A_434 = arith.constant 2 : i32
      %dma_start3A_435 = arith.constant 256 : i32
      %dma_start3A_436 = arith.constant 0 : i32
      %dma_start3A_437 = tpu.memref_slice %arg10[%dma_start3A_435, %dma_start3A_436] : memref<512x32xf32, #tpu.memory_space<vmem>> -> memref<128x32xf32, #tpu.memory_space<vmem>>
      %dma_start3A_438 = arith.constant 0 : i32
      %dma_start3A_439 = tpu.memref_slice %arg8[%dma_start3A_434, %dma_start3A_438] : memref<4x128xi32, #tpu.memory_space<vmem>> -> memref<1x128xi32, #tpu.memory_space<vmem>>
      %dma_start3A_440 = tpu.memref_squeeze %dma_start3A_439 : memref<1x128xi32, #tpu.memory_space<vmem>> -> memref<128xi32, #tpu.memory_space<vmem>>
      %dma_start3A_441 = arith.constant 0 : i32
      %dma_start3A_442 = arith.constant 0 : i32
      %dma_start3A_443 = tpu.memref_slice %arg3[%dma_start3A_441, %dma_start3A_442] : memref<1000000x32xf32, #tpu.memory_space<hbm>> -> memref<1000000x32xf32, #tpu.memory_space<hbm>>
      tpu.enqueue_indirect_dma source(%dma_start3A_443 : memref<1000000x32xf32, #tpu.memory_space<hbm>>) target(%dma_start3A_437 : memref<128x32xf32, #tpu.memory_space<vmem>>) offsets(%dma_start3A_440 : memref<128xi32, #tpu.memory_space<vmem>>) semaphore(%arg14 : memref<!tpu.dma_semaphore, #tpu.memory_space<semaphore_mem>>)
      %dma_start3A_444 = arith.constant 3 : i32
      %dma_start3A_445 = arith.constant 384 : i32
      %dma_start3A_446 = arith.constant 0 : i32
      %dma_start3A_447 = tpu.memref_slice %arg10[%dma_start3A_445, %dma_start3A_446] : memref<512x32xf32, #tpu.memory_space<vmem>> -> memref<128x32xf32, #tpu.memory_space<vmem>>
      %dma_start3A_448 = arith.constant 0 : i32
      %dma_start3A_449 = tpu.memref_slice %arg8[%dma_start3A_444, %dma_start3A_448] : memref<4x128xi32, #tpu.memory_space<vmem>> -> memref<1x128xi32, #tpu.memory_space<vmem>>
      %dma_start3A_450 = tpu.memref_squeeze %dma_start3A_449 : memref<1x128xi32, #tpu.memory_space<vmem>> -> memref<128xi32, #tpu.memory_space<vmem>>
      %dma_start3A_451 = arith.constant 0 : i32
      %dma_start3A_452 = arith.constant 0 : i32
      %dma_start3A_453 = tpu.memref_slice %arg3[%dma_start3A_451, %dma_start3A_452] : memref<1000000x32xf32, #tpu.memory_space<hbm>> -> memref<1000000x32xf32, #tpu.memory_space<hbm>>
      tpu.enqueue_indirect_dma source(%dma_start3A_453 : memref<1000000x32xf32, #tpu.memory_space<hbm>>) target(%dma_start3A_447 : memref<128x32xf32, #tpu.memory_space<vmem>>) offsets(%dma_start3A_450 : memref<128xi32, #tpu.memory_space<vmem>>) semaphore(%arg14 : memref<!tpu.dma_semaphore, #tpu.memory_space<semaphore_mem>>)
      %dma_wait3A_454 = arith.constant 0 : i32
      %dma_wait3A_455 = arith.constant 0 : i32
      %dma_wait3A_456 = arith.constant 0 : i32
      %dma_wait3A_457 = tpu.memref_slice %arg9[%dma_wait3A_455, %dma_wait3A_456] : memref<512x32xf32, #tpu.memory_space<vmem>> -> memref<128x32xf32, #tpu.memory_space<vmem>>
      %dma_wait3A_458 = arith.constant 0 : i32
      %dma_wait3A_459 = tpu.memref_slice %arg7[%dma_wait3A_454, %dma_wait3A_458] : memref<4x128xi32, #tpu.memory_space<vmem>> -> memref<1x128xi32, #tpu.memory_space<vmem>>
      %dma_wait3A_460 = tpu.memref_squeeze %dma_wait3A_459 : memref<1x128xi32, #tpu.memory_space<vmem>> -> memref<128xi32, #tpu.memory_space<vmem>>
      %dma_wait3A_461 = arith.constant 0 : i32
      %dma_wait3A_462 = arith.constant 0 : i32
      %dma_wait3A_463 = tpu.memref_slice %arg3[%dma_wait3A_461, %dma_wait3A_462] : memref<1000000x32xf32, #tpu.memory_space<hbm>> -> memref<1000000x32xf32, #tpu.memory_space<hbm>>
      tpu.wait_indirect_dma semaphore(%arg13 : memref<!tpu.dma_semaphore, #tpu.memory_space<semaphore_mem>>) src(%dma_wait3A_463 : memref<1000000x32xf32, #tpu.memory_space<hbm>>) dst(%dma_wait3A_457 : memref<128x32xf32, #tpu.memory_space<vmem>>)
      %dma_wait3A_464 = arith.constant 1 : i32
      %dma_wait3A_465 = arith.constant 128 : i32
      %dma_wait3A_466 = arith.constant 0 : i32
      %dma_wait3A_467 = tpu.memref_slice %arg9[%dma_wait3A_465, %dma_wait3A_466] : memref<512x32xf32, #tpu.memory_space<vmem>> -> memref<128x32xf32, #tpu.memory_space<vmem>>
      %dma_wait3A_468 = arith.constant 0 : i32
      %dma_wait3A_469 = tpu.memref_slice %arg7[%dma_wait3A_464, %dma_wait3A_468] : memref<4x128xi32, #tpu.memory_space<vmem>> -> memref<1x128xi32, #tpu.memory_space<vmem>>
      %dma_wait3A_470 = tpu.memref_squeeze %dma_wait3A_469 : memref<1x128xi32, #tpu.memory_space<vmem>> -> memref<128xi32, #tpu.memory_space<vmem>>
      %dma_wait3A_471 = arith.constant 0 : i32
      %dma_wait3A_472 = arith.constant 0 : i32
      %dma_wait3A_473 = tpu.memref_slice %arg3[%dma_wait3A_471, %dma_wait3A_472] : memref<1000000x32xf32, #tpu.memory_space<hbm>> -> memref<1000000x32xf32, #tpu.memory_space<hbm>>
      tpu.wait_indirect_dma semaphore(%arg13 : memref<!tpu.dma_semaphore, #tpu.memory_space<semaphore_mem>>) src(%dma_wait3A_473 : memref<1000000x32xf32, #tpu.memory_space<hbm>>) dst(%dma_wait3A_467 : memref<128x32xf32, #tpu.memory_space<vmem>>)
      %dma_wait3A_474 = arith.constant 2 : i32
      %dma_wait3A_475 = arith.constant 256 : i32
      %dma_wait3A_476 = arith.constant 0 : i32
      %dma_wait3A_477 = tpu.memref_slice %arg9[%dma_wait3A_475, %dma_wait3A_476] : memref<512x32xf32, #tpu.memory_space<vmem>> -> memref<128x32xf32, #tpu.memory_space<vmem>>
      %dma_wait3A_478 = arith.constant 0 : i32
      %dma_wait3A_479 = tpu.memref_slice %arg7[%dma_wait3A_474, %dma_wait3A_478] : memref<4x128xi32, #tpu.memory_space<vmem>> -> memref<1x128xi32, #tpu.memory_space<vmem>>
      %dma_wait3A_480 = tpu.memref_squeeze %dma_wait3A_479 : memref<1x128xi32, #tpu.memory_space<vmem>> -> memref<128xi32, #tpu.memory_space<vmem>>
      %dma_wait3A_481 = arith.constant 0 : i32
      %dma_wait3A_482 = arith.constant 0 : i32
      %dma_wait3A_483 = tpu.memref_slice %arg3[%dma_wait3A_481, %dma_wait3A_482] : memref<1000000x32xf32, #tpu.memory_space<hbm>> -> memref<1000000x32xf32, #tpu.memory_space<hbm>>
      tpu.wait_indirect_dma semaphore(%arg13 : memref<!tpu.dma_semaphore, #tpu.memory_space<semaphore_mem>>) src(%dma_wait3A_483 : memref<1000000x32xf32, #tpu.memory_space<hbm>>) dst(%dma_wait3A_477 : memref<128x32xf32, #tpu.memory_space<vmem>>)
      %dma_wait3A_484 = arith.constant 3 : i32
      %dma_wait3A_485 = arith.constant 384 : i32
      %dma_wait3A_486 = arith.constant 0 : i32
      %dma_wait3A_487 = tpu.memref_slice %arg9[%dma_wait3A_485, %dma_wait3A_486] : memref<512x32xf32, #tpu.memory_space<vmem>> -> memref<128x32xf32, #tpu.memory_space<vmem>>
      %dma_wait3A_488 = arith.constant 0 : i32
      %dma_wait3A_489 = tpu.memref_slice %arg7[%dma_wait3A_484, %dma_wait3A_488] : memref<4x128xi32, #tpu.memory_space<vmem>> -> memref<1x128xi32, #tpu.memory_space<vmem>>
      %dma_wait3A_490 = tpu.memref_squeeze %dma_wait3A_489 : memref<1x128xi32, #tpu.memory_space<vmem>> -> memref<128xi32, #tpu.memory_space<vmem>>
      %dma_wait3A_491 = arith.constant 0 : i32
      %dma_wait3A_492 = arith.constant 0 : i32
      %dma_wait3A_493 = tpu.memref_slice %arg3[%dma_wait3A_491, %dma_wait3A_492] : memref<1000000x32xf32, #tpu.memory_space<hbm>> -> memref<1000000x32xf32, #tpu.memory_space<hbm>>
      tpu.wait_indirect_dma semaphore(%arg13 : memref<!tpu.dma_semaphore, #tpu.memory_space<semaphore_mem>>) src(%dma_wait3A_493 : memref<1000000x32xf32, #tpu.memory_space<hbm>>) dst(%dma_wait3A_487 : memref<128x32xf32, #tpu.memory_space<vmem>>)
      %parallel_loop3A_494 = arith.constant 0 : i32
      %parallel_loop3A_495 = arith.constant 512 : i32
      %parallel_loop3A_496 = arith.constant 1 : i32
      scf.for %parallel_loop3A_708 = %parallel_loop3A_494 to %parallel_loop3A_495 step %parallel_loop3A_496  : i32 {
        %parallel_loop3A_709 = arith.index_cast %parallel_loop3A_708 : i32 to index
        %parallel_loop3A_710 = arith.constant 0 : index
        %parallel_loop3A_711 = tpu.vector_load %arg9[%parallel_loop3A_709, %parallel_loop3A_710] {strides = array<i32>} : memref<512x32xf32, #tpu.memory_space<vmem>>, vector<1x16xf32>,
        %parallel_loop3A_712 = vector.shape_cast %parallel_loop3A_711 : vector<1x16xf32> to vector<16xf32>
        %parallel_loop3A_713 = arith.index_cast %parallel_loop3A_708 : i32 to index
        %parallel_loop3A_714 = arith.constant 16 : index
        %parallel_loop3A_715 = tpu.vector_load %arg9[%parallel_loop3A_713, %parallel_loop3A_714] {strides = array<i32>} : memref<512x32xf32, #tpu.memory_space<vmem>>, vector<1x16xf32>,
        %parallel_loop3A_716 = vector.shape_cast %parallel_loop3A_715 : vector<1x16xf32> to vector<16xf32>
        %parallel_loop3A_717 = arith.addf %parallel_loop3A_712, %parallel_loop3A_716 : vector<16xf32>
        %parallel_loop3A_718 = vector.shape_cast %xor3A_13 : vector<16xi32> to vector<16x1xi32>
        %parallel_loop3A_719 = vector.shape_cast %parallel_loop3A_718 : vector<16x1xi32> to vector<16xi32>
        %parallel_loop3A_720 = tpu.dynamic_gather %parallel_loop3A_717[%parallel_loop3A_719] in [0] : vector<16xf32>, vector<16xi32> -> vector<16xf32>
        %parallel_loop3A_721 = arith.addf %parallel_loop3A_717, %parallel_loop3A_720 : vector<16xf32>
        %parallel_loop3A_722 = vector.shape_cast %xor3A_16 : vector<16xi32> to vector<16x1xi32>
        %parallel_loop3A_723 = vector.shape_cast %parallel_loop3A_722 : vector<16x1xi32> to vector<16xi32>
        %parallel_loop3A_724 = tpu.dynamic_gather %parallel_loop3A_721[%parallel_loop3A_723] in [0] : vector<16xf32>, vector<16xi32> -> vector<16xf32>
        %parallel_loop3A_725 = arith.addf %parallel_loop3A_721, %parallel_loop3A_724 : vector<16xf32>
        %parallel_loop3A_726 = vector.shape_cast %xor3A_19 : vector<16xi32> to vector<16x1xi32>
        %parallel_loop3A_727 = vector.shape_cast %parallel_loop3A_726 : vector<16x1xi32> to vector<16xi32>
        %parallel_loop3A_728 = tpu.dynamic_gather %parallel_loop3A_725[%parallel_loop3A_727] in [0] : vector<16xf32>, vector<16xi32> -> vector<16xf32>
        %parallel_loop3A_729 = arith.addf %parallel_loop3A_725, %parallel_loop3A_728 : vector<16xf32>
        %parallel_loop3A_730 = vector.shape_cast %xor3A_22 : vector<16xi32> to vector<16x1xi32>
        %parallel_loop3A_731 = vector.shape_cast %parallel_loop3A_730 : vector<16x1xi32> to vector<16xi32>
        %parallel_loop3A_732 = tpu.dynamic_gather %parallel_loop3A_729[%parallel_loop3A_731] in [0] : vector<16xf32>, vector<16xi32> -> vector<16xf32>
        %parallel_loop3A_733 = arith.addf %parallel_loop3A_729, %parallel_loop3A_732 : vector<16xf32>
        %parallel_loop3A_734 = arith.mulf %parallel_loop3A_712, %parallel_loop3A_712 : vector<16xf32>
        %parallel_loop3A_735 = arith.mulf %parallel_loop3A_716, %parallel_loop3A_716 : vector<16xf32>
        %parallel_loop3A_736 = arith.addf %parallel_loop3A_734, %parallel_loop3A_735 : vector<16xf32>
        %parallel_loop3A_737 = vector.shape_cast %xor3A_13 : vector<16xi32> to vector<16x1xi32>
        %parallel_loop3A_738 = vector.shape_cast %parallel_loop3A_737 : vector<16x1xi32> to vector<16xi32>
        %parallel_loop3A_739 = tpu.dynamic_gather %parallel_loop3A_736[%parallel_loop3A_738] in [0] : vector<16xf32>, vector<16xi32> -> vector<16xf32>
        %parallel_loop3A_740 = arith.addf %parallel_loop3A_736, %parallel_loop3A_739 : vector<16xf32>
        %parallel_loop3A_741 = vector.shape_cast %xor3A_16 : vector<16xi32> to vector<16x1xi32>
        %parallel_loop3A_742 = vector.shape_cast %parallel_loop3A_741 : vector<16x1xi32> to vector<16xi32>
        %parallel_loop3A_743 = tpu.dynamic_gather %parallel_loop3A_740[%parallel_loop3A_742] in [0] : vector<16xf32>, vector<16xi32> -> vector<16xf32>
        %parallel_loop3A_744 = arith.addf %parallel_loop3A_740, %parallel_loop3A_743 : vector<16xf32>
        %parallel_loop3A_745 = vector.shape_cast %xor3A_19 : vector<16xi32> to vector<16x1xi32>
        %parallel_loop3A_746 = vector.shape_cast %parallel_loop3A_745 : vector<16x1xi32> to vector<16xi32>
        %parallel_loop3A_747 = tpu.dynamic_gather %parallel_loop3A_744[%parallel_loop3A_746] in [0] : vector<16xf32>, vector<16xi32> -> vector<16xf32>
        %parallel_loop3A_748 = arith.addf %parallel_loop3A_744, %parallel_loop3A_747 : vector<16xf32>
        %parallel_loop3A_749 = vector.shape_cast %xor3A_22 : vector<16xi32> to vector<16x1xi32>
        %parallel_loop3A_750 = vector.shape_cast %parallel_loop3A_749 : vector<16x1xi32> to vector<16xi32>
        %parallel_loop3A_751 = tpu.dynamic_gather %parallel_loop3A_748[%parallel_loop3A_750] in [0] : vector<16xf32>, vector<16xi32> -> vector<16xf32>
        %parallel_loop3A_752 = arith.addf %parallel_loop3A_748, %parallel_loop3A_751 : vector<16xf32>
        %parallel_loop3A_753 = arith.constant 3.125000e-02 : f32
        %parallel_loop3A_754 = vector.broadcast %parallel_loop3A_753 : f32 to vector<16xf32>
        %parallel_loop3A_755 = arith.mulf %parallel_loop3A_733, %parallel_loop3A_754 : vector<16xf32>
        %parallel_loop3A_756 = arith.constant 3.125000e-02 : f32
        %parallel_loop3A_757 = vector.broadcast %parallel_loop3A_756 : f32 to vector<16xf32>
        %parallel_loop3A_758 = arith.mulf %parallel_loop3A_752, %parallel_loop3A_757 : vector<16xf32>
        %parallel_loop3A_759 = arith.mulf %parallel_loop3A_755, %parallel_loop3A_755 : vector<16xf32>
        %parallel_loop3A_760 = arith.subf %parallel_loop3A_758, %parallel_loop3A_759 : vector<16xf32>
        %parallel_loop3A_761 = arith.constant 0.000000e+00 : f32
        %parallel_loop3A_762 = vector.broadcast %parallel_loop3A_761 : f32 to vector<16xf32>
        %parallel_loop3A_763 = arith.maximumf %parallel_loop3A_760, %parallel_loop3A_762 : vector<16xf32>
        %parallel_loop3A_764 = arith.constant 9.99999974E-6 : f32
        %parallel_loop3A_765 = vector.broadcast %parallel_loop3A_764 : f32 to vector<16xf32>
        %parallel_loop3A_766 = arith.addf %parallel_loop3A_763, %parallel_loop3A_765 : vector<16xf32>
        %parallel_loop3A_767 = tpu.bitcast %parallel_loop3A_766 : vector<16xf32> -> vector<16xi32>
        %parallel_loop3A_768 = arith.constant 1 : i32
        %parallel_loop3A_769 = vector.broadcast %parallel_loop3A_768 : i32 to vector<16xi32>
        %parallel_loop3A_770 = arith.shrui %parallel_loop3A_767, %parallel_loop3A_769 : vector<16xi32>
        %parallel_loop3A_771 = arith.constant 1597463007 : i32
        %parallel_loop3A_772 = vector.broadcast %parallel_loop3A_771 : i32 to vector<16xi32>
        %parallel_loop3A_773 = arith.subi %parallel_loop3A_772, %parallel_loop3A_770 : vector<16xi32>
        %parallel_loop3A_774 = tpu.bitcast %parallel_loop3A_773 : vector<16xi32> -> vector<16xf32>
        %parallel_loop3A_775 = arith.constant 5.000000e-01 : f32
        %parallel_loop3A_776 = vector.broadcast %parallel_loop3A_775 : f32 to vector<16xf32>
        %parallel_loop3A_777 = arith.mulf %parallel_loop3A_776, %parallel_loop3A_766 : vector<16xf32>
        %parallel_loop3A_778 = arith.mulf %parallel_loop3A_777, %parallel_loop3A_774 : vector<16xf32>
        %parallel_loop3A_779 = arith.mulf %parallel_loop3A_778, %parallel_loop3A_774 : vector<16xf32>
        %parallel_loop3A_780 = arith.constant 1.500000e+00 : f32
        %parallel_loop3A_781 = vector.broadcast %parallel_loop3A_780 : f32 to vector<16xf32>
        %parallel_loop3A_782 = arith.subf %parallel_loop3A_781, %parallel_loop3A_779 : vector<16xf32>
        %parallel_loop3A_783 = arith.mulf %parallel_loop3A_774, %parallel_loop3A_782 : vector<16xf32>
        %parallel_loop3A_784 = arith.constant 5.000000e-01 : f32
        %parallel_loop3A_785 = vector.broadcast %parallel_loop3A_784 : f32 to vector<16xf32>
        %parallel_loop3A_786 = arith.mulf %parallel_loop3A_785, %parallel_loop3A_766 : vector<16xf32>
        %parallel_loop3A_787 = arith.mulf %parallel_loop3A_786, %parallel_loop3A_783 : vector<16xf32>
        %parallel_loop3A_788 = arith.mulf %parallel_loop3A_787, %parallel_loop3A_783 : vector<16xf32>
        %parallel_loop3A_789 = arith.constant 1.500000e+00 : f32
        %parallel_loop3A_790 = vector.broadcast %parallel_loop3A_789 : f32 to vector<16xf32>
        %parallel_loop3A_791 = arith.subf %parallel_loop3A_790, %parallel_loop3A_788 : vector<16xf32>
        %parallel_loop3A_792 = arith.mulf %parallel_loop3A_783, %parallel_loop3A_791 : vector<16xf32>
        %parallel_loop3A_793 = arith.constant 5.000000e-01 : f32
        %parallel_loop3A_794 = vector.broadcast %parallel_loop3A_793 : f32 to vector<16xf32>
        %parallel_loop3A_795 = arith.mulf %parallel_loop3A_794, %parallel_loop3A_766 : vector<16xf32>
        %parallel_loop3A_796 = arith.mulf %parallel_loop3A_795, %parallel_loop3A_792 : vector<16xf32>
        %parallel_loop3A_797 = arith.mulf %parallel_loop3A_796, %parallel_loop3A_792 : vector<16xf32>
        %parallel_loop3A_798 = arith.constant 1.500000e+00 : f32
        %parallel_loop3A_799 = vector.broadcast %parallel_loop3A_798 : f32 to vector<16xf32>
        %parallel_loop3A_800 = arith.subf %parallel_loop3A_799, %parallel_loop3A_797 : vector<16xf32>
        %parallel_loop3A_801 = arith.mulf %parallel_loop3A_792, %parallel_loop3A_800 : vector<16xf32>
        %parallel_loop3A_802 = arith.subf %parallel_loop3A_712, %parallel_loop3A_755 : vector<16xf32>
        %parallel_loop3A_803 = arith.mulf %parallel_loop3A_801, %get3A_2 : vector<16xf32>
        %parallel_loop3A_804 = arith.mulf %parallel_loop3A_802, %parallel_loop3A_803 : vector<16xf32>
        %parallel_loop3A_805 = arith.addf %parallel_loop3A_804, %get3A_8 : vector<16xf32>
        %parallel_loop3A_806 = arith.index_cast %parallel_loop3A_708 : i32 to index
        %parallel_loop3A_807 = arith.constant 0 : index
        %parallel_loop3A_808 = tpu.vector_load %arg9[%parallel_loop3A_806, %parallel_loop3A_807] {strides = array<i32>} : memref<512x32xf32, #tpu.memory_space<vmem>>, vector<1x16xf32>,
        %parallel_loop3A_809 = vector.shape_cast %parallel_loop3A_808 : vector<1x16xf32> to vector<16xf32>
        %parallel_loop3A_810 = vector.shape_cast %parallel_loop3A_805 : vector<16xf32> to vector<1x16xf32>
        tpu.vector_store %arg9[%parallel_loop3A_806, %parallel_loop3A_807], %parallel_loop3A_810 {strides = array<i32>} : memref<512x32xf32, #tpu.memory_space<vmem>>, vector<1x16xf32>,
        %parallel_loop3A_811 = arith.subf %parallel_loop3A_716, %parallel_loop3A_755 : vector<16xf32>
        %parallel_loop3A_812 = arith.mulf %parallel_loop3A_801, %get3A_5 : vector<16xf32>
        %parallel_loop3A_813 = arith.mulf %parallel_loop3A_811, %parallel_loop3A_812 : vector<16xf32>
        %parallel_loop3A_814 = arith.addf %parallel_loop3A_813, %get3A_11 : vector<16xf32>
        %parallel_loop3A_815 = arith.index_cast %parallel_loop3A_708 : i32 to index
        %parallel_loop3A_816 = arith.constant 16 : index
        %parallel_loop3A_817 = tpu.vector_load %arg9[%parallel_loop3A_815, %parallel_loop3A_816] {strides = array<i32>} : memref<512x32xf32, #tpu.memory_space<vmem>>, vector<1x16xf32>,
        %parallel_loop3A_818 = vector.shape_cast %parallel_loop3A_817 : vector<1x16xf32> to vector<16xf32>
        %parallel_loop3A_819 = vector.shape_cast %parallel_loop3A_814 : vector<16xf32> to vector<1x16xf32>
        tpu.vector_store %arg9[%parallel_loop3A_815, %parallel_loop3A_816], %parallel_loop3A_819 {strides = array<i32>} : memref<512x32xf32, #tpu.memory_space<vmem>>, vector<1x16xf32>,
      } {sc.loop_unroll_factor = 8 : i64, sc.parallel_access}
      %add3A_497 = arith.constant 0 : i32
      %add3A_498 = arith.addi %add3A_367, %add3A_497 : i32
      %shift_right_logical3A_499 = arith.constant 7 : i32
      %shift_right_logical3A_500 = arith.shrui %add3A_498, %shift_right_logical3A_499 : i32
      %and3A_501 = arith.constant 127 : i32
      %and3A_502 = arith.andi %add3A_498, %and3A_501 : i32
      %mul3A_503 = arith.constant 128 : i32
      %mul3A_504 = arith.muli %and3A_502, %mul3A_503 : i32
      %mul3A_505 = arith.constant 32 : i32
      %mul3A_506 = arith.muli %shift_right_logical3A_500, %mul3A_505 : i32
      "tpu.region"() ({
        %run_scoped3A_708 = tpu.sem_alloc : memref<!tpu.dma_semaphore, #tpu.memory_space<semaphore_mem>>
        %dma_start3A_709 = arith.constant 0 : i32
        %dma_start3A_710 = arith.constant 0 : i32
        %dma_start3A_711 = tpu.memref_slice %arg9[%dma_start3A_709, %dma_start3A_710] : memref<512x32xf32, #tpu.memory_space<vmem>> -> memref<128x32xf32, #tpu.memory_space<vmem>>
        %dma_start3A_712 = tpu.memref_slice %arg6[%mul3A_504, %mul3A_506] : memref<16384x1600xf32, #tpu.memory_space<hbm>> -> memref<128x32xf32, #tpu.memory_space<hbm>>
        %dma_start3A_713 = tpu.memref_slice %arg6[%mul3A_504, %mul3A_506] : memref<16384x1600xf32, #tpu.memory_space<hbm>> -> memref<128x32xf32, #tpu.memory_space<hbm>>
        %dma_start3A_714 = arith.constant 0 : i32
        %dma_start3A_715 = arith.constant 0 : i32
        %dma_start3A_716 = tpu.memref_slice %arg9[%dma_start3A_714, %dma_start3A_715] : memref<512x32xf32, #tpu.memory_space<vmem>> -> memref<128x32xf32, #tpu.memory_space<vmem>>
        tpu.enqueue_dma source(%dma_start3A_716 : memref<128x32xf32, #tpu.memory_space<vmem>>) target(%dma_start3A_713 : memref<128x32xf32, #tpu.memory_space<hbm>>) target_semaphore(%run_scoped3A_708 : memref<!tpu.dma_semaphore, #tpu.memory_space<semaphore_mem>>)
        %dma_wait3A_717 = arith.constant 0 : i32
        %dma_wait3A_718 = arith.constant 0 : i32
        %dma_wait3A_719 = tpu.memref_slice %arg9[%dma_wait3A_717, %dma_wait3A_718] : memref<512x32xf32, #tpu.memory_space<vmem>> -> memref<128x32xf32, #tpu.memory_space<vmem>>
        %dma_wait3A_720 = tpu.memref_slice %arg6[%mul3A_504, %mul3A_506] : memref<16384x1600xf32, #tpu.memory_space<hbm>> -> memref<128x32xf32, #tpu.memory_space<hbm>>
        %dma_wait3A_721 = tpu.memref_slice %arg6[%mul3A_504, %mul3A_506] : memref<16384x1600xf32, #tpu.memory_space<hbm>> -> memref<128x32xf32, #tpu.memory_space<hbm>>
        %dma_wait3A_722 = arith.constant 0 : i32
        %dma_wait3A_723 = arith.constant 0 : i32
        %dma_wait3A_724 = tpu.memref_slice %arg9[%dma_wait3A_722, %dma_wait3A_723] : memref<512x32xf32, #tpu.memory_space<vmem>> -> memref<128x32xf32, #tpu.memory_space<vmem>>
        tpu.wait_dma2 semaphore(%run_scoped3A_708 : memref<!tpu.dma_semaphore, #tpu.memory_space<semaphore_mem>>) src(%dma_wait3A_724 : memref<128x32xf32, #tpu.memory_space<vmem>>) dst(%dma_wait3A_721 : memref<128x32xf32, #tpu.memory_space<hbm>>)
        tpu.yield
      }) : () -> ()
      %add3A_507 = arith.constant 1 : i32
      %add3A_508 = arith.addi %add3A_367, %add3A_507 : i32
      %shift_right_logical3A_509 = arith.constant 7 : i32
      %shift_right_logical3A_510 = arith.shrui %add3A_508, %shift_right_logical3A_509 : i32
      %and3A_511 = arith.constant 127 : i32
      %and3A_512 = arith.andi %add3A_508, %and3A_511 : i32
      %mul3A_513 = arith.constant 128 : i32
      %mul3A_514 = arith.muli %and3A_512, %mul3A_513 : i32
      %mul3A_515 = arith.constant 32 : i32
      %mul3A_516 = arith.muli %shift_right_logical3A_510, %mul3A_515 : i32
      "tpu.region"() ({
        %run_scoped3A_708 = tpu.sem_alloc : memref<!tpu.dma_semaphore, #tpu.memory_space<semaphore_mem>>
        %dma_start3A_709 = arith.constant 128 : i32
        %dma_start3A_710 = arith.constant 0 : i32
        %dma_start3A_711 = tpu.memref_slice %arg9[%dma_start3A_709, %dma_start3A_710] : memref<512x32xf32, #tpu.memory_space<vmem>> -> memref<128x32xf32, #tpu.memory_space<vmem>>
        %dma_start3A_712 = tpu.memref_slice %arg6[%mul3A_514, %mul3A_516] : memref<16384x1600xf32, #tpu.memory_space<hbm>> -> memref<128x32xf32, #tpu.memory_space<hbm>>
        %dma_start3A_713 = tpu.memref_slice %arg6[%mul3A_514, %mul3A_516] : memref<16384x1600xf32, #tpu.memory_space<hbm>> -> memref<128x32xf32, #tpu.memory_space<hbm>>
        %dma_start3A_714 = arith.constant 128 : i32
        %dma_start3A_715 = arith.constant 0 : i32
        %dma_start3A_716 = tpu.memref_slice %arg9[%dma_start3A_714, %dma_start3A_715] : memref<512x32xf32, #tpu.memory_space<vmem>> -> memref<128x32xf32, #tpu.memory_space<vmem>>
        tpu.enqueue_dma source(%dma_start3A_716 : memref<128x32xf32, #tpu.memory_space<vmem>>) target(%dma_start3A_713 : memref<128x32xf32, #tpu.memory_space<hbm>>) target_semaphore(%run_scoped3A_708 : memref<!tpu.dma_semaphore, #tpu.memory_space<semaphore_mem>>)
        %dma_wait3A_717 = arith.constant 128 : i32
        %dma_wait3A_718 = arith.constant 0 : i32
        %dma_wait3A_719 = tpu.memref_slice %arg9[%dma_wait3A_717, %dma_wait3A_718] : memref<512x32xf32, #tpu.memory_space<vmem>> -> memref<128x32xf32, #tpu.memory_space<vmem>>
        %dma_wait3A_720 = tpu.memref_slice %arg6[%mul3A_514, %mul3A_516] : memref<16384x1600xf32, #tpu.memory_space<hbm>> -> memref<128x32xf32, #tpu.memory_space<hbm>>
        %dma_wait3A_721 = tpu.memref_slice %arg6[%mul3A_514, %mul3A_516] : memref<16384x1600xf32, #tpu.memory_space<hbm>> -> memref<128x32xf32, #tpu.memory_space<hbm>>
        %dma_wait3A_722 = arith.constant 128 : i32
        %dma_wait3A_723 = arith.constant 0 : i32
        %dma_wait3A_724 = tpu.memref_slice %arg9[%dma_wait3A_722, %dma_wait3A_723] : memref<512x32xf32, #tpu.memory_space<vmem>> -> memref<128x32xf32, #tpu.memory_space<vmem>>
        tpu.wait_dma2 semaphore(%run_scoped3A_708 : memref<!tpu.dma_semaphore, #tpu.memory_space<semaphore_mem>>) src(%dma_wait3A_724 : memref<128x32xf32, #tpu.memory_space<vmem>>) dst(%dma_wait3A_721 : memref<128x32xf32, #tpu.memory_space<hbm>>)
        tpu.yield
      }) : () -> ()
      %add3A_517 = arith.constant 2 : i32
      %add3A_518 = arith.addi %add3A_367, %add3A_517 : i32
      %shift_right_logical3A_519 = arith.constant 7 : i32
      %shift_right_logical3A_520 = arith.shrui %add3A_518, %shift_right_logical3A_519 : i32
      %and3A_521 = arith.constant 127 : i32
      %and3A_522 = arith.andi %add3A_518, %and3A_521 : i32
      %mul3A_523 = arith.constant 128 : i32
      %mul3A_524 = arith.muli %and3A_522, %mul3A_523 : i32
      %mul3A_525 = arith.constant 32 : i32
      %mul3A_526 = arith.muli %shift_right_logical3A_520, %mul3A_525 : i32
      "tpu.region"() ({
        %run_scoped3A_708 = tpu.sem_alloc : memref<!tpu.dma_semaphore, #tpu.memory_space<semaphore_mem>>
        %dma_start3A_709 = arith.constant 256 : i32
        %dma_start3A_710 = arith.constant 0 : i32
        %dma_start3A_711 = tpu.memref_slice %arg9[%dma_start3A_709, %dma_start3A_710] : memref<512x32xf32, #tpu.memory_space<vmem>> -> memref<128x32xf32, #tpu.memory_space<vmem>>
        %dma_start3A_712 = tpu.memref_slice %arg6[%mul3A_524, %mul3A_526] : memref<16384x1600xf32, #tpu.memory_space<hbm>> -> memref<128x32xf32, #tpu.memory_space<hbm>>
        %dma_start3A_713 = tpu.memref_slice %arg6[%mul3A_524, %mul3A_526] : memref<16384x1600xf32, #tpu.memory_space<hbm>> -> memref<128x32xf32, #tpu.memory_space<hbm>>
        %dma_start3A_714 = arith.constant 256 : i32
        %dma_start3A_715 = arith.constant 0 : i32
        %dma_start3A_716 = tpu.memref_slice %arg9[%dma_start3A_714, %dma_start3A_715] : memref<512x32xf32, #tpu.memory_space<vmem>> -> memref<128x32xf32, #tpu.memory_space<vmem>>
        tpu.enqueue_dma source(%dma_start3A_716 : memref<128x32xf32, #tpu.memory_space<vmem>>) target(%dma_start3A_713 : memref<128x32xf32, #tpu.memory_space<hbm>>) target_semaphore(%run_scoped3A_708 : memref<!tpu.dma_semaphore, #tpu.memory_space<semaphore_mem>>)
        %dma_wait3A_717 = arith.constant 256 : i32
        %dma_wait3A_718 = arith.constant 0 : i32
        %dma_wait3A_719 = tpu.memref_slice %arg9[%dma_wait3A_717, %dma_wait3A_718] : memref<512x32xf32, #tpu.memory_space<vmem>> -> memref<128x32xf32, #tpu.memory_space<vmem>>
        %dma_wait3A_720 = tpu.memref_slice %arg6[%mul3A_524, %mul3A_526] : memref<16384x1600xf32, #tpu.memory_space<hbm>> -> memref<128x32xf32, #tpu.memory_space<hbm>>
        %dma_wait3A_721 = tpu.memref_slice %arg6[%mul3A_524, %mul3A_526] : memref<16384x1600xf32, #tpu.memory_space<hbm>> -> memref<128x32xf32, #tpu.memory_space<hbm>>
        %dma_wait3A_722 = arith.constant 256 : i32
        %dma_wait3A_723 = arith.constant 0 : i32
        %dma_wait3A_724 = tpu.memref_slice %arg9[%dma_wait3A_722, %dma_wait3A_723] : memref<512x32xf32, #tpu.memory_space<vmem>> -> memref<128x32xf32, #tpu.memory_space<vmem>>
        tpu.wait_dma2 semaphore(%run_scoped3A_708 : memref<!tpu.dma_semaphore, #tpu.memory_space<semaphore_mem>>) src(%dma_wait3A_724 : memref<128x32xf32, #tpu.memory_space<vmem>>) dst(%dma_wait3A_721 : memref<128x32xf32, #tpu.memory_space<hbm>>)
        tpu.yield
      }) : () -> ()
      %add3A_527 = arith.constant 3 : i32
      %add3A_528 = arith.addi %add3A_367, %add3A_527 : i32
      %shift_right_logical3A_529 = arith.constant 7 : i32
      %shift_right_logical3A_530 = arith.shrui %add3A_528, %shift_right_logical3A_529 : i32
      %and3A_531 = arith.constant 127 : i32
      %and3A_532 = arith.andi %add3A_528, %and3A_531 : i32
      %mul3A_533 = arith.constant 128 : i32
      %mul3A_534 = arith.muli %and3A_532, %mul3A_533 : i32
      %mul3A_535 = arith.constant 32 : i32
      %mul3A_536 = arith.muli %shift_right_logical3A_530, %mul3A_535 : i32
      "tpu.region"() ({
        %run_scoped3A_708 = tpu.sem_alloc : memref<!tpu.dma_semaphore, #tpu.memory_space<semaphore_mem>>
        %dma_start3A_709 = arith.constant 384 : i32
        %dma_start3A_710 = arith.constant 0 : i32
        %dma_start3A_711 = tpu.memref_slice %arg9[%dma_start3A_709, %dma_start3A_710] : memref<512x32xf32, #tpu.memory_space<vmem>> -> memref<128x32xf32, #tpu.memory_space<vmem>>
        %dma_start3A_712 = tpu.memref_slice %arg6[%mul3A_534, %mul3A_536] : memref<16384x1600xf32, #tpu.memory_space<hbm>> -> memref<128x32xf32, #tpu.memory_space<hbm>>
        %dma_start3A_713 = tpu.memref_slice %arg6[%mul3A_534, %mul3A_536] : memref<16384x1600xf32, #tpu.memory_space<hbm>> -> memref<128x32xf32, #tpu.memory_space<hbm>>
        %dma_start3A_714 = arith.constant 384 : i32
        %dma_start3A_715 = arith.constant 0 : i32
        %dma_start3A_716 = tpu.memref_slice %arg9[%dma_start3A_714, %dma_start3A_715] : memref<512x32xf32, #tpu.memory_space<vmem>> -> memref<128x32xf32, #tpu.memory_space<vmem>>
        tpu.enqueue_dma source(%dma_start3A_716 : memref<128x32xf32, #tpu.memory_space<vmem>>) target(%dma_start3A_713 : memref<128x32xf32, #tpu.memory_space<hbm>>) target_semaphore(%run_scoped3A_708 : memref<!tpu.dma_semaphore, #tpu.memory_space<semaphore_mem>>)
        %dma_wait3A_717 = arith.constant 384 : i32
        %dma_wait3A_718 = arith.constant 0 : i32
        %dma_wait3A_719 = tpu.memref_slice %arg9[%dma_wait3A_717, %dma_wait3A_718] : memref<512x32xf32, #tpu.memory_space<vmem>> -> memref<128x32xf32, #tpu.memory_space<vmem>>
        %dma_wait3A_720 = tpu.memref_slice %arg6[%mul3A_534, %mul3A_536] : memref<16384x1600xf32, #tpu.memory_space<hbm>> -> memref<128x32xf32, #tpu.memory_space<hbm>>
        %dma_wait3A_721 = tpu.memref_slice %arg6[%mul3A_534, %mul3A_536] : memref<16384x1600xf32, #tpu.memory_space<hbm>> -> memref<128x32xf32, #tpu.memory_space<hbm>>
        %dma_wait3A_722 = arith.constant 384 : i32
        %dma_wait3A_723 = arith.constant 0 : i32
        %dma_wait3A_724 = tpu.memref_slice %arg9[%dma_wait3A_722, %dma_wait3A_723] : memref<512x32xf32, #tpu.memory_space<vmem>> -> memref<128x32xf32, #tpu.memory_space<vmem>>
        tpu.wait_dma2 semaphore(%run_scoped3A_708 : memref<!tpu.dma_semaphore, #tpu.memory_space<semaphore_mem>>) src(%dma_wait3A_724 : memref<128x32xf32, #tpu.memory_space<vmem>>) dst(%dma_wait3A_721 : memref<128x32xf32, #tpu.memory_space<hbm>>)
        tpu.yield
      }) : () -> ()
      %add3A_537 = arith.constant 4 : i32
      %add3A_538 = arith.addi %add3A_367, %add3A_537 : i32
      %add3A_539 = arith.constant 8 : i32
      %add3A_540 = arith.addi %add3A_367, %add3A_539 : i32
      %add3A_541 = arith.constant 0 : i32
      %add3A_542 = arith.addi %add3A_540, %add3A_541 : i32
      %shift_right_logical3A_543 = arith.constant 7 : i32
      %shift_right_logical3A_544 = arith.shrui %add3A_542, %shift_right_logical3A_543 : i32
      %and3A_545 = arith.constant 127 : i32
      %and3A_546 = arith.andi %add3A_542, %and3A_545 : i32
      %shift_right_logical3A_547 = arith.constant 3 : i32
      %shift_right_logical3A_548 = arith.shrui %shift_right_logical3A_544, %shift_right_logical3A_547 : i32
      %and3A_549 = arith.constant 7 : i32
      %and3A_550 = arith.andi %shift_right_logical3A_544, %and3A_549 : i32
      %run_scoped3A_551 = arith.constant 0 : i32
      "tpu.region"() ({
        %run_scoped3A_708 = tpu.sem_alloc : memref<!tpu.dma_semaphore, #tpu.memory_space<semaphore_mem>>
        %dma_start3A_709 = arith.constant 0 : i32
        %dma_start3A_710 = tpu.memref_slice %arg7[%run_scoped3A_551, %dma_start3A_709] : memref<4x128xi32, #tpu.memory_space<vmem>> -> memref<1x128xi32, #tpu.memory_space<vmem>>
        %dma_start3A_711 = tpu.memref_squeeze %dma_start3A_710 : memref<1x128xi32, #tpu.memory_space<vmem>> -> memref<128xi32, #tpu.memory_space<vmem>>
        %dma_start3A_712 = arith.constant 0 : i32
        %dma_start3A_713 = tpu.memref_slice %arg2[%shift_right_logical3A_548, %and3A_546, %and3A_550, %dma_start3A_712] : memref<7x128x8x128xi32, #tpu.memory_space<hbm>> -> memref<1x1x1x128xi32, #tpu.memory_space<hbm>>
        %dma_start3A_714 = tpu.memref_squeeze %dma_start3A_713 : memref<1x1x1x128xi32, #tpu.memory_space<hbm>> -> memref<128xi32, #tpu.memory_space<hbm>>
        %dma_start3A_715 = arith.constant 0 : i32
        %dma_start3A_716 = tpu.memref_slice %arg7[%run_scoped3A_551, %dma_start3A_715] : memref<4x128xi32, #tpu.memory_space<vmem>> -> memref<1x128xi32, #tpu.memory_space<vmem>>
        %dma_start3A_717 = tpu.memref_squeeze %dma_start3A_716 : memref<1x128xi32, #tpu.memory_space<vmem>> -> memref<128xi32, #tpu.memory_space<vmem>>
        %dma_start3A_718 = arith.constant 0 : i32
        %dma_start3A_719 = tpu.memref_slice %arg2[%shift_right_logical3A_548, %and3A_546, %and3A_550, %dma_start3A_718] : memref<7x128x8x128xi32, #tpu.memory_space<hbm>> -> memref<1x1x1x128xi32, #tpu.memory_space<hbm>>
        %dma_start3A_720 = tpu.memref_squeeze %dma_start3A_719 : memref<1x1x1x128xi32, #tpu.memory_space<hbm>> -> memref<128xi32, #tpu.memory_space<hbm>>
        tpu.enqueue_dma source(%dma_start3A_720 : memref<128xi32, #tpu.memory_space<hbm>>) target(%dma_start3A_717 : memref<128xi32, #tpu.memory_space<vmem>>) target_semaphore(%run_scoped3A_708 : memref<!tpu.dma_semaphore, #tpu.memory_space<semaphore_mem>>)
        %dma_wait3A_721 = arith.constant 0 : i32
        %dma_wait3A_722 = tpu.memref_slice %arg7[%run_scoped3A_551, %dma_wait3A_721] : memref<4x128xi32, #tpu.memory_space<vmem>> -> memref<1x128xi32, #tpu.memory_space<vmem>>
        %dma_wait3A_723 = tpu.memref_squeeze %dma_wait3A_722 : memref<1x128xi32, #tpu.memory_space<vmem>> -> memref<128xi32, #tpu.memory_space<vmem>>
        %dma_wait3A_724 = arith.constant 0 : i32
        %dma_wait3A_725 = tpu.memref_slice %arg2[%shift_right_logical3A_548, %and3A_546, %and3A_550, %dma_wait3A_724] : memref<7x128x8x128xi32, #tpu.memory_space<hbm>> -> memref<1x1x1x128xi32, #tpu.memory_space<hbm>>
        %dma_wait3A_726 = tpu.memref_squeeze %dma_wait3A_725 : memref<1x1x1x128xi32, #tpu.memory_space<hbm>> -> memref<128xi32, #tpu.memory_space<hbm>>
        %dma_wait3A_727 = arith.constant 0 : i32
        %dma_wait3A_728 = tpu.memref_slice %arg7[%run_scoped3A_551, %dma_wait3A_727] : memref<4x128xi32, #tpu.memory_space<vmem>> -> memref<1x128xi32, #tpu.memory_space<vmem>>
        %dma_wait3A_729 = tpu.memref_squeeze %dma_wait3A_728 : memref<1x128xi32, #tpu.memory_space<vmem>> -> memref<128xi32, #tpu.memory_space<vmem>>
        %dma_wait3A_730 = arith.constant 0 : i32
        %dma_wait3A_731 = tpu.memref_slice %arg2[%shift_right_logical3A_548, %and3A_546, %and3A_550, %dma_wait3A_730] : memref<7x128x8x128xi32, #tpu.memory_space<hbm>> -> memref<1x1x1x128xi32, #tpu.memory_space<hbm>>
        %dma_wait3A_732 = tpu.memref_squeeze %dma_wait3A_731 : memref<1x1x1x128xi32, #tpu.memory_space<hbm>> -> memref<128xi32, #tpu.memory_space<hbm>>
        tpu.wait_dma2 semaphore(%run_scoped3A_708 : memref<!tpu.dma_semaphore, #tpu.memory_space<semaphore_mem>>) src(%dma_wait3A_732 : memref<128xi32, #tpu.memory_space<hbm>>) dst(%dma_wait3A_729 : memref<128xi32, #tpu.memory_space<vmem>>)
        tpu.yield
      }) : () -> ()
      %add3A_552 = arith.constant 1 : i32
      %add3A_553 = arith.addi %add3A_540, %add3A_552 : i32
      %shift_right_logical3A_554 = arith.constant 7 : i32
      %shift_right_logical3A_555 = arith.shrui %add3A_553, %shift_right_logical3A_554 : i32
      %and3A_556 = arith.constant 127 : i32
      %and3A_557 = arith.andi %add3A_553, %and3A_556 : i32
      %shift_right_logical3A_558 = arith.constant 3 : i32
      %shift_right_logical3A_559 = arith.shrui %shift_right_logical3A_555, %shift_right_logical3A_558 : i32
      %and3A_560 = arith.constant 7 : i32
      %and3A_561 = arith.andi %shift_right_logical3A_555, %and3A_560 : i32
      %run_scoped3A_562 = arith.constant 1 : i32
      "tpu.region"() ({
        %run_scoped3A_708 = tpu.sem_alloc : memref<!tpu.dma_semaphore, #tpu.memory_space<semaphore_mem>>
        %dma_start3A_709 = arith.constant 0 : i32
        %dma_start3A_710 = tpu.memref_slice %arg7[%run_scoped3A_562, %dma_start3A_709] : memref<4x128xi32, #tpu.memory_space<vmem>> -> memref<1x128xi32, #tpu.memory_space<vmem>>
        %dma_start3A_711 = tpu.memref_squeeze %dma_start3A_710 : memref<1x128xi32, #tpu.memory_space<vmem>> -> memref<128xi32, #tpu.memory_space<vmem>>
        %dma_start3A_712 = arith.constant 0 : i32
        %dma_start3A_713 = tpu.memref_slice %arg2[%shift_right_logical3A_559, %and3A_557, %and3A_561, %dma_start3A_712] : memref<7x128x8x128xi32, #tpu.memory_space<hbm>> -> memref<1x1x1x128xi32, #tpu.memory_space<hbm>>
        %dma_start3A_714 = tpu.memref_squeeze %dma_start3A_713 : memref<1x1x1x128xi32, #tpu.memory_space<hbm>> -> memref<128xi32, #tpu.memory_space<hbm>>
        %dma_start3A_715 = arith.constant 0 : i32
        %dma_start3A_716 = tpu.memref_slice %arg7[%run_scoped3A_562, %dma_start3A_715] : memref<4x128xi32, #tpu.memory_space<vmem>> -> memref<1x128xi32, #tpu.memory_space<vmem>>
        %dma_start3A_717 = tpu.memref_squeeze %dma_start3A_716 : memref<1x128xi32, #tpu.memory_space<vmem>> -> memref<128xi32, #tpu.memory_space<vmem>>
        %dma_start3A_718 = arith.constant 0 : i32
        %dma_start3A_719 = tpu.memref_slice %arg2[%shift_right_logical3A_559, %and3A_557, %and3A_561, %dma_start3A_718] : memref<7x128x8x128xi32, #tpu.memory_space<hbm>> -> memref<1x1x1x128xi32, #tpu.memory_space<hbm>>
        %dma_start3A_720 = tpu.memref_squeeze %dma_start3A_719 : memref<1x1x1x128xi32, #tpu.memory_space<hbm>> -> memref<128xi32, #tpu.memory_space<hbm>>
        tpu.enqueue_dma source(%dma_start3A_720 : memref<128xi32, #tpu.memory_space<hbm>>) target(%dma_start3A_717 : memref<128xi32, #tpu.memory_space<vmem>>) target_semaphore(%run_scoped3A_708 : memref<!tpu.dma_semaphore, #tpu.memory_space<semaphore_mem>>)
        %dma_wait3A_721 = arith.constant 0 : i32
        %dma_wait3A_722 = tpu.memref_slice %arg7[%run_scoped3A_562, %dma_wait3A_721] : memref<4x128xi32, #tpu.memory_space<vmem>> -> memref<1x128xi32, #tpu.memory_space<vmem>>
        %dma_wait3A_723 = tpu.memref_squeeze %dma_wait3A_722 : memref<1x128xi32, #tpu.memory_space<vmem>> -> memref<128xi32, #tpu.memory_space<vmem>>
        %dma_wait3A_724 = arith.constant 0 : i32
        %dma_wait3A_725 = tpu.memref_slice %arg2[%shift_right_logical3A_559, %and3A_557, %and3A_561, %dma_wait3A_724] : memref<7x128x8x128xi32, #tpu.memory_space<hbm>> -> memref<1x1x1x128xi32, #tpu.memory_space<hbm>>
        %dma_wait3A_726 = tpu.memref_squeeze %dma_wait3A_725 : memref<1x1x1x128xi32, #tpu.memory_space<hbm>> -> memref<128xi32, #tpu.memory_space<hbm>>
        %dma_wait3A_727 = arith.constant 0 : i32
        %dma_wait3A_728 = tpu.memref_slice %arg7[%run_scoped3A_562, %dma_wait3A_727] : memref<4x128xi32, #tpu.memory_space<vmem>> -> memref<1x128xi32, #tpu.memory_space<vmem>>
        %dma_wait3A_729 = tpu.memref_squeeze %dma_wait3A_728 : memref<1x128xi32, #tpu.memory_space<vmem>> -> memref<128xi32, #tpu.memory_space<vmem>>
        %dma_wait3A_730 = arith.constant 0 : i32
        %dma_wait3A_731 = tpu.memref_slice %arg2[%shift_right_logical3A_559, %and3A_557, %and3A_561, %dma_wait3A_730] : memref<7x128x8x128xi32, #tpu.memory_space<hbm>> -> memref<1x1x1x128xi32, #tpu.memory_space<hbm>>
        %dma_wait3A_732 = tpu.memref_squeeze %dma_wait3A_731 : memref<1x1x1x128xi32, #tpu.memory_space<hbm>> -> memref<128xi32, #tpu.memory_space<hbm>>
        tpu.wait_dma2 semaphore(%run_scoped3A_708 : memref<!tpu.dma_semaphore, #tpu.memory_space<semaphore_mem>>) src(%dma_wait3A_732 : memref<128xi32, #tpu.memory_space<hbm>>) dst(%dma_wait3A_729 : memref<128xi32, #tpu.memory_space<vmem>>)
        tpu.yield
      }) : () -> ()
      %add3A_563 = arith.constant 2 : i32
      %add3A_564 = arith.addi %add3A_540, %add3A_563 : i32
      %shift_right_logical3A_565 = arith.constant 7 : i32
      %shift_right_logical3A_566 = arith.shrui %add3A_564, %shift_right_logical3A_565 : i32
      %and3A_567 = arith.constant 127 : i32
      %and3A_568 = arith.andi %add3A_564, %and3A_567 : i32
      %shift_right_logical3A_569 = arith.constant 3 : i32
      %shift_right_logical3A_570 = arith.shrui %shift_right_logical3A_566, %shift_right_logical3A_569 : i32
      %and3A_571 = arith.constant 7 : i32
      %and3A_572 = arith.andi %shift_right_logical3A_566, %and3A_571 : i32
      %run_scoped3A_573 = arith.constant 2 : i32
      "tpu.region"() ({
        %run_scoped3A_708 = tpu.sem_alloc : memref<!tpu.dma_semaphore, #tpu.memory_space<semaphore_mem>>
        %dma_start3A_709 = arith.constant 0 : i32
        %dma_start3A_710 = tpu.memref_slice %arg7[%run_scoped3A_573, %dma_start3A_709] : memref<4x128xi32, #tpu.memory_space<vmem>> -> memref<1x128xi32, #tpu.memory_space<vmem>>
        %dma_start3A_711 = tpu.memref_squeeze %dma_start3A_710 : memref<1x128xi32, #tpu.memory_space<vmem>> -> memref<128xi32, #tpu.memory_space<vmem>>
        %dma_start3A_712 = arith.constant 0 : i32
        %dma_start3A_713 = tpu.memref_slice %arg2[%shift_right_logical3A_570, %and3A_568, %and3A_572, %dma_start3A_712] : memref<7x128x8x128xi32, #tpu.memory_space<hbm>> -> memref<1x1x1x128xi32, #tpu.memory_space<hbm>>
        %dma_start3A_714 = tpu.memref_squeeze %dma_start3A_713 : memref<1x1x1x128xi32, #tpu.memory_space<hbm>> -> memref<128xi32, #tpu.memory_space<hbm>>
        %dma_start3A_715 = arith.constant 0 : i32
        %dma_start3A_716 = tpu.memref_slice %arg7[%run_scoped3A_573, %dma_start3A_715] : memref<4x128xi32, #tpu.memory_space<vmem>> -> memref<1x128xi32, #tpu.memory_space<vmem>>
        %dma_start3A_717 = tpu.memref_squeeze %dma_start3A_716 : memref<1x128xi32, #tpu.memory_space<vmem>> -> memref<128xi32, #tpu.memory_space<vmem>>
        %dma_start3A_718 = arith.constant 0 : i32
        %dma_start3A_719 = tpu.memref_slice %arg2[%shift_right_logical3A_570, %and3A_568, %and3A_572, %dma_start3A_718] : memref<7x128x8x128xi32, #tpu.memory_space<hbm>> -> memref<1x1x1x128xi32, #tpu.memory_space<hbm>>
        %dma_start3A_720 = tpu.memref_squeeze %dma_start3A_719 : memref<1x1x1x128xi32, #tpu.memory_space<hbm>> -> memref<128xi32, #tpu.memory_space<hbm>>
        tpu.enqueue_dma source(%dma_start3A_720 : memref<128xi32, #tpu.memory_space<hbm>>) target(%dma_start3A_717 : memref<128xi32, #tpu.memory_space<vmem>>) target_semaphore(%run_scoped3A_708 : memref<!tpu.dma_semaphore, #tpu.memory_space<semaphore_mem>>)
        %dma_wait3A_721 = arith.constant 0 : i32
        %dma_wait3A_722 = tpu.memref_slice %arg7[%run_scoped3A_573, %dma_wait3A_721] : memref<4x128xi32, #tpu.memory_space<vmem>> -> memref<1x128xi32, #tpu.memory_space<vmem>>
        %dma_wait3A_723 = tpu.memref_squeeze %dma_wait3A_722 : memref<1x128xi32, #tpu.memory_space<vmem>> -> memref<128xi32, #tpu.memory_space<vmem>>
        %dma_wait3A_724 = arith.constant 0 : i32
        %dma_wait3A_725 = tpu.memref_slice %arg2[%shift_right_logical3A_570, %and3A_568, %and3A_572, %dma_wait3A_724] : memref<7x128x8x128xi32, #tpu.memory_space<hbm>> -> memref<1x1x1x128xi32, #tpu.memory_space<hbm>>
        %dma_wait3A_726 = tpu.memref_squeeze %dma_wait3A_725 : memref<1x1x1x128xi32, #tpu.memory_space<hbm>> -> memref<128xi32, #tpu.memory_space<hbm>>
        %dma_wait3A_727 = arith.constant 0 : i32
        %dma_wait3A_728 = tpu.memref_slice %arg7[%run_scoped3A_573, %dma_wait3A_727] : memref<4x128xi32, #tpu.memory_space<vmem>> -> memref<1x128xi32, #tpu.memory_space<vmem>>
        %dma_wait3A_729 = tpu.memref_squeeze %dma_wait3A_728 : memref<1x128xi32, #tpu.memory_space<vmem>> -> memref<128xi32, #tpu.memory_space<vmem>>
        %dma_wait3A_730 = arith.constant 0 : i32
        %dma_wait3A_731 = tpu.memref_slice %arg2[%shift_right_logical3A_570, %and3A_568, %and3A_572, %dma_wait3A_730] : memref<7x128x8x128xi32, #tpu.memory_space<hbm>> -> memref<1x1x1x128xi32, #tpu.memory_space<hbm>>
        %dma_wait3A_732 = tpu.memref_squeeze %dma_wait3A_731 : memref<1x1x1x128xi32, #tpu.memory_space<hbm>> -> memref<128xi32, #tpu.memory_space<hbm>>
        tpu.wait_dma2 semaphore(%run_scoped3A_708 : memref<!tpu.dma_semaphore, #tpu.memory_space<semaphore_mem>>) src(%dma_wait3A_732 : memref<128xi32, #tpu.memory_space<hbm>>) dst(%dma_wait3A_729 : memref<128xi32, #tpu.memory_space<vmem>>)
        tpu.yield
      }) : () -> ()
      %add3A_574 = arith.constant 3 : i32
      %add3A_575 = arith.addi %add3A_540, %add3A_574 : i32
      %shift_right_logical3A_576 = arith.constant 7 : i32
      %shift_right_logical3A_577 = arith.shrui %add3A_575, %shift_right_logical3A_576 : i32
      %and3A_578 = arith.constant 127 : i32
      %and3A_579 = arith.andi %add3A_575, %and3A_578 : i32
      %shift_right_logical3A_580 = arith.constant 3 : i32
      %shift_right_logical3A_581 = arith.shrui %shift_right_logical3A_577, %shift_right_logical3A_580 : i32
      %and3A_582 = arith.constant 7 : i32
      %and3A_583 = arith.andi %shift_right_logical3A_577, %and3A_582 : i32
      %run_scoped3A_584 = arith.constant 3 : i32
      "tpu.region"() ({
        %run_scoped3A_708 = tpu.sem_alloc : memref<!tpu.dma_semaphore, #tpu.memory_space<semaphore_mem>>
        %dma_start3A_709 = arith.constant 0 : i32
        %dma_start3A_710 = tpu.memref_slice %arg7[%run_scoped3A_584, %dma_start3A_709] : memref<4x128xi32, #tpu.memory_space<vmem>> -> memref<1x128xi32, #tpu.memory_space<vmem>>
        %dma_start3A_711 = tpu.memref_squeeze %dma_start3A_710 : memref<1x128xi32, #tpu.memory_space<vmem>> -> memref<128xi32, #tpu.memory_space<vmem>>
        %dma_start3A_712 = arith.constant 0 : i32
        %dma_start3A_713 = tpu.memref_slice %arg2[%shift_right_logical3A_581, %and3A_579, %and3A_583, %dma_start3A_712] : memref<7x128x8x128xi32, #tpu.memory_space<hbm>> -> memref<1x1x1x128xi32, #tpu.memory_space<hbm>>
        %dma_start3A_714 = tpu.memref_squeeze %dma_start3A_713 : memref<1x1x1x128xi32, #tpu.memory_space<hbm>> -> memref<128xi32, #tpu.memory_space<hbm>>
        %dma_start3A_715 = arith.constant 0 : i32
        %dma_start3A_716 = tpu.memref_slice %arg7[%run_scoped3A_584, %dma_start3A_715] : memref<4x128xi32, #tpu.memory_space<vmem>> -> memref<1x128xi32, #tpu.memory_space<vmem>>
        %dma_start3A_717 = tpu.memref_squeeze %dma_start3A_716 : memref<1x128xi32, #tpu.memory_space<vmem>> -> memref<128xi32, #tpu.memory_space<vmem>>
        %dma_start3A_718 = arith.constant 0 : i32
        %dma_start3A_719 = tpu.memref_slice %arg2[%shift_right_logical3A_581, %and3A_579, %and3A_583, %dma_start3A_718] : memref<7x128x8x128xi32, #tpu.memory_space<hbm>> -> memref<1x1x1x128xi32, #tpu.memory_space<hbm>>
        %dma_start3A_720 = tpu.memref_squeeze %dma_start3A_719 : memref<1x1x1x128xi32, #tpu.memory_space<hbm>> -> memref<128xi32, #tpu.memory_space<hbm>>
        tpu.enqueue_dma source(%dma_start3A_720 : memref<128xi32, #tpu.memory_space<hbm>>) target(%dma_start3A_717 : memref<128xi32, #tpu.memory_space<vmem>>) target_semaphore(%run_scoped3A_708 : memref<!tpu.dma_semaphore, #tpu.memory_space<semaphore_mem>>)
        %dma_wait3A_721 = arith.constant 0 : i32
        %dma_wait3A_722 = tpu.memref_slice %arg7[%run_scoped3A_584, %dma_wait3A_721] : memref<4x128xi32, #tpu.memory_space<vmem>> -> memref<1x128xi32, #tpu.memory_space<vmem>>
        %dma_wait3A_723 = tpu.memref_squeeze %dma_wait3A_722 : memref<1x128xi32, #tpu.memory_space<vmem>> -> memref<128xi32, #tpu.memory_space<vmem>>
        %dma_wait3A_724 = arith.constant 0 : i32
        %dma_wait3A_725 = tpu.memref_slice %arg2[%shift_right_logical3A_581, %and3A_579, %and3A_583, %dma_wait3A_724] : memref<7x128x8x128xi32, #tpu.memory_space<hbm>> -> memref<1x1x1x128xi32, #tpu.memory_space<hbm>>
        %dma_wait3A_726 = tpu.memref_squeeze %dma_wait3A_725 : memref<1x1x1x128xi32, #tpu.memory_space<hbm>> -> memref<128xi32, #tpu.memory_space<hbm>>
        %dma_wait3A_727 = arith.constant 0 : i32
        %dma_wait3A_728 = tpu.memref_slice %arg7[%run_scoped3A_584, %dma_wait3A_727] : memref<4x128xi32, #tpu.memory_space<vmem>> -> memref<1x128xi32, #tpu.memory_space<vmem>>
        %dma_wait3A_729 = tpu.memref_squeeze %dma_wait3A_728 : memref<1x128xi32, #tpu.memory_space<vmem>> -> memref<128xi32, #tpu.memory_space<vmem>>
        %dma_wait3A_730 = arith.constant 0 : i32
        %dma_wait3A_731 = tpu.memref_slice %arg2[%shift_right_logical3A_581, %and3A_579, %and3A_583, %dma_wait3A_730] : memref<7x128x8x128xi32, #tpu.memory_space<hbm>> -> memref<1x1x1x128xi32, #tpu.memory_space<hbm>>
        %dma_wait3A_732 = tpu.memref_squeeze %dma_wait3A_731 : memref<1x1x1x128xi32, #tpu.memory_space<hbm>> -> memref<128xi32, #tpu.memory_space<hbm>>
        tpu.wait_dma2 semaphore(%run_scoped3A_708 : memref<!tpu.dma_semaphore, #tpu.memory_space<semaphore_mem>>) src(%dma_wait3A_732 : memref<128xi32, #tpu.memory_space<hbm>>) dst(%dma_wait3A_729 : memref<128xi32, #tpu.memory_space<vmem>>)
        tpu.yield
      }) : () -> ()
      %dma_start3A_585 = arith.constant 0 : i32
      %dma_start3A_586 = arith.constant 0 : i32
      %dma_start3A_587 = arith.constant 0 : i32
      %dma_start3A_588 = tpu.memref_slice %arg9[%dma_start3A_586, %dma_start3A_587] : memref<512x32xf32, #tpu.memory_space<vmem>> -> memref<128x32xf32, #tpu.memory_space<vmem>>
      %dma_start3A_589 = arith.constant 0 : i32
      %dma_start3A_590 = tpu.memref_slice %arg7[%dma_start3A_585, %dma_start3A_589] : memref<4x128xi32, #tpu.memory_space<vmem>> -> memref<1x128xi32, #tpu.memory_space<vmem>>
      %dma_start3A_591 = tpu.memref_squeeze %dma_start3A_590 : memref<1x128xi32, #tpu.memory_space<vmem>> -> memref<128xi32, #tpu.memory_space<vmem>>
      %dma_start3A_592 = arith.constant 0 : i32
      %dma_start3A_593 = arith.constant 0 : i32
      %dma_start3A_594 = tpu.memref_slice %arg3[%dma_start3A_592, %dma_start3A_593] : memref<1000000x32xf32, #tpu.memory_space<hbm>> -> memref<1000000x32xf32, #tpu.memory_space<hbm>>
      tpu.enqueue_indirect_dma source(%dma_start3A_594 : memref<1000000x32xf32, #tpu.memory_space<hbm>>) target(%dma_start3A_588 : memref<128x32xf32, #tpu.memory_space<vmem>>) offsets(%dma_start3A_591 : memref<128xi32, #tpu.memory_space<vmem>>) semaphore(%arg13 : memref<!tpu.dma_semaphore, #tpu.memory_space<semaphore_mem>>)
      %dma_start3A_595 = arith.constant 1 : i32
      %dma_start3A_596 = arith.constant 128 : i32
      %dma_start3A_597 = arith.constant 0 : i32
      %dma_start3A_598 = tpu.memref_slice %arg9[%dma_start3A_596, %dma_start3A_597] : memref<512x32xf32, #tpu.memory_space<vmem>> -> memref<128x32xf32, #tpu.memory_space<vmem>>
      %dma_start3A_599 = arith.constant 0 : i32
      %dma_start3A_600 = tpu.memref_slice %arg7[%dma_start3A_595, %dma_start3A_599] : memref<4x128xi32, #tpu.memory_space<vmem>> -> memref<1x128xi32, #tpu.memory_space<vmem>>
      %dma_start3A_601 = tpu.memref_squeeze %dma_start3A_600 : memref<1x128xi32, #tpu.memory_space<vmem>> -> memref<128xi32, #tpu.memory_space<vmem>>
      %dma_start3A_602 = arith.constant 0 : i32
      %dma_start3A_603 = arith.constant 0 : i32
      %dma_start3A_604 = tpu.memref_slice %arg3[%dma_start3A_602, %dma_start3A_603] : memref<1000000x32xf32, #tpu.memory_space<hbm>> -> memref<1000000x32xf32, #tpu.memory_space<hbm>>
      tpu.enqueue_indirect_dma source(%dma_start3A_604 : memref<1000000x32xf32, #tpu.memory_space<hbm>>) target(%dma_start3A_598 : memref<128x32xf32, #tpu.memory_space<vmem>>) offsets(%dma_start3A_601 : memref<128xi32, #tpu.memory_space<vmem>>) semaphore(%arg13 : memref<!tpu.dma_semaphore, #tpu.memory_space<semaphore_mem>>)
      %dma_start3A_605 = arith.constant 2 : i32
      %dma_start3A_606 = arith.constant 256 : i32
      %dma_start3A_607 = arith.constant 0 : i32
      %dma_start3A_608 = tpu.memref_slice %arg9[%dma_start3A_606, %dma_start3A_607] : memref<512x32xf32, #tpu.memory_space<vmem>> -> memref<128x32xf32, #tpu.memory_space<vmem>>
      %dma_start3A_609 = arith.constant 0 : i32
      %dma_start3A_610 = tpu.memref_slice %arg7[%dma_start3A_605, %dma_start3A_609] : memref<4x128xi32, #tpu.memory_space<vmem>> -> memref<1x128xi32, #tpu.memory_space<vmem>>
      %dma_start3A_611 = tpu.memref_squeeze %dma_start3A_610 : memref<1x128xi32, #tpu.memory_space<vmem>> -> memref<128xi32, #tpu.memory_space<vmem>>
      %dma_start3A_612 = arith.constant 0 : i32
      %dma_start3A_613 = arith.constant 0 : i32
      %dma_start3A_614 = tpu.memref_slice %arg3[%dma_start3A_612, %dma_start3A_613] : memref<1000000x32xf32, #tpu.memory_space<hbm>> -> memref<1000000x32xf32, #tpu.memory_space<hbm>>
      tpu.enqueue_indirect_dma source(%dma_start3A_614 : memref<1000000x32xf32, #tpu.memory_space<hbm>>) target(%dma_start3A_608 : memref<128x32xf32, #tpu.memory_space<vmem>>) offsets(%dma_start3A_611 : memref<128xi32, #tpu.memory_space<vmem>>) semaphore(%arg13 : memref<!tpu.dma_semaphore, #tpu.memory_space<semaphore_mem>>)
      %dma_start3A_615 = arith.constant 3 : i32
      %dma_start3A_616 = arith.constant 384 : i32
      %dma_start3A_617 = arith.constant 0 : i32
      %dma_start3A_618 = tpu.memref_slice %arg9[%dma_start3A_616, %dma_start3A_617] : memref<512x32xf32, #tpu.memory_space<vmem>> -> memref<128x32xf32, #tpu.memory_space<vmem>>
      %dma_start3A_619 = arith.constant 0 : i32
      %dma_start3A_620 = tpu.memref_slice %arg7[%dma_start3A_615, %dma_start3A_619] : memref<4x128xi32, #tpu.memory_space<vmem>> -> memref<1x128xi32, #tpu.memory_space<vmem>>
      %dma_start3A_621 = tpu.memref_squeeze %dma_start3A_620 : memref<1x128xi32, #tpu.memory_space<vmem>> -> memref<128xi32, #tpu.memory_space<vmem>>
      %dma_start3A_622 = arith.constant 0 : i32
      %dma_start3A_623 = arith.constant 0 : i32
      %dma_start3A_624 = tpu.memref_slice %arg3[%dma_start3A_622, %dma_start3A_623] : memref<1000000x32xf32, #tpu.memory_space<hbm>> -> memref<1000000x32xf32, #tpu.memory_space<hbm>>
      tpu.enqueue_indirect_dma source(%dma_start3A_624 : memref<1000000x32xf32, #tpu.memory_space<hbm>>) target(%dma_start3A_618 : memref<128x32xf32, #tpu.memory_space<vmem>>) offsets(%dma_start3A_621 : memref<128xi32, #tpu.memory_space<vmem>>) semaphore(%arg13 : memref<!tpu.dma_semaphore, #tpu.memory_space<semaphore_mem>>)
      %dma_wait3A_625 = arith.constant 0 : i32
      %dma_wait3A_626 = arith.constant 0 : i32
      %dma_wait3A_627 = arith.constant 0 : i32
      %dma_wait3A_628 = tpu.memref_slice %arg10[%dma_wait3A_626, %dma_wait3A_627] : memref<512x32xf32, #tpu.memory_space<vmem>> -> memref<128x32xf32, #tpu.memory_space<vmem>>
      %dma_wait3A_629 = arith.constant 0 : i32
      %dma_wait3A_630 = tpu.memref_slice %arg8[%dma_wait3A_625, %dma_wait3A_629] : memref<4x128xi32, #tpu.memory_space<vmem>> -> memref<1x128xi32, #tpu.memory_space<vmem>>
      %dma_wait3A_631 = tpu.memref_squeeze %dma_wait3A_630 : memref<1x128xi32, #tpu.memory_space<vmem>> -> memref<128xi32, #tpu.memory_space<vmem>>
      %dma_wait3A_632 = arith.constant 0 : i32
      %dma_wait3A_633 = arith.constant 0 : i32
      %dma_wait3A_634 = tpu.memref_slice %arg3[%dma_wait3A_632, %dma_wait3A_633] : memref<1000000x32xf32, #tpu.memory_space<hbm>> -> memref<1000000x32xf32, #tpu.memory_space<hbm>>
      tpu.wait_indirect_dma semaphore(%arg14 : memref<!tpu.dma_semaphore, #tpu.memory_space<semaphore_mem>>) src(%dma_wait3A_634 : memref<1000000x32xf32, #tpu.memory_space<hbm>>) dst(%dma_wait3A_628 : memref<128x32xf32, #tpu.memory_space<vmem>>)
      %dma_wait3A_635 = arith.constant 1 : i32
      %dma_wait3A_636 = arith.constant 128 : i32
      %dma_wait3A_637 = arith.constant 0 : i32
      %dma_wait3A_638 = tpu.memref_slice %arg10[%dma_wait3A_636, %dma_wait3A_637] : memref<512x32xf32, #tpu.memory_space<vmem>> -> memref<128x32xf32, #tpu.memory_space<vmem>>
      %dma_wait3A_639 = arith.constant 0 : i32
      %dma_wait3A_640 = tpu.memref_slice %arg8[%dma_wait3A_635, %dma_wait3A_639] : memref<4x128xi32, #tpu.memory_space<vmem>> -> memref<1x128xi32, #tpu.memory_space<vmem>>
      %dma_wait3A_641 = tpu.memref_squeeze %dma_wait3A_640 : memref<1x128xi32, #tpu.memory_space<vmem>> -> memref<128xi32, #tpu.memory_space<vmem>>
      %dma_wait3A_642 = arith.constant 0 : i32
      %dma_wait3A_643 = arith.constant 0 : i32
      %dma_wait3A_644 = tpu.memref_slice %arg3[%dma_wait3A_642, %dma_wait3A_643] : memref<1000000x32xf32, #tpu.memory_space<hbm>> -> memref<1000000x32xf32, #tpu.memory_space<hbm>>
      tpu.wait_indirect_dma semaphore(%arg14 : memref<!tpu.dma_semaphore, #tpu.memory_space<semaphore_mem>>) src(%dma_wait3A_644 : memref<1000000x32xf32, #tpu.memory_space<hbm>>) dst(%dma_wait3A_638 : memref<128x32xf32, #tpu.memory_space<vmem>>)
      %dma_wait3A_645 = arith.constant 2 : i32
      %dma_wait3A_646 = arith.constant 256 : i32
      %dma_wait3A_647 = arith.constant 0 : i32
      %dma_wait3A_648 = tpu.memref_slice %arg10[%dma_wait3A_646, %dma_wait3A_647] : memref<512x32xf32, #tpu.memory_space<vmem>> -> memref<128x32xf32, #tpu.memory_space<vmem>>
      %dma_wait3A_649 = arith.constant 0 : i32
      %dma_wait3A_650 = tpu.memref_slice %arg8[%dma_wait3A_645, %dma_wait3A_649] : memref<4x128xi32, #tpu.memory_space<vmem>> -> memref<1x128xi32, #tpu.memory_space<vmem>>
      %dma_wait3A_651 = tpu.memref_squeeze %dma_wait3A_650 : memref<1x128xi32, #tpu.memory_space<vmem>> -> memref<128xi32, #tpu.memory_space<vmem>>
      %dma_wait3A_652 = arith.constant 0 : i32
      %dma_wait3A_653 = arith.constant 0 : i32
      %dma_wait3A_654 = tpu.memref_slice %arg3[%dma_wait3A_652, %dma_wait3A_653] : memref<1000000x32xf32, #tpu.memory_space<hbm>> -> memref<1000000x32xf32, #tpu.memory_space<hbm>>
      tpu.wait_indirect_dma semaphore(%arg14 : memref<!tpu.dma_semaphore, #tpu.memory_space<semaphore_mem>>) src(%dma_wait3A_654 : memref<1000000x32xf32, #tpu.memory_space<hbm>>) dst(%dma_wait3A_648 : memref<128x32xf32, #tpu.memory_space<vmem>>)
      %dma_wait3A_655 = arith.constant 3 : i32
      %dma_wait3A_656 = arith.constant 384 : i32
      %dma_wait3A_657 = arith.constant 0 : i32
      %dma_wait3A_658 = tpu.memref_slice %arg10[%dma_wait3A_656, %dma_wait3A_657] : memref<512x32xf32, #tpu.memory_space<vmem>> -> memref<128x32xf32, #tpu.memory_space<vmem>>
      %dma_wait3A_659 = arith.constant 0 : i32
      %dma_wait3A_660 = tpu.memref_slice %arg8[%dma_wait3A_655, %dma_wait3A_659] : memref<4x128xi32, #tpu.memory_space<vmem>> -> memref<1x128xi32, #tpu.memory_space<vmem>>
      %dma_wait3A_661 = tpu.memref_squeeze %dma_wait3A_660 : memref<1x128xi32, #tpu.memory_space<vmem>> -> memref<128xi32, #tpu.memory_space<vmem>>
      %dma_wait3A_662 = arith.constant 0 : i32
      %dma_wait3A_663 = arith.constant 0 : i32
      %dma_wait3A_664 = tpu.memref_slice %arg3[%dma_wait3A_662, %dma_wait3A_663] : memref<1000000x32xf32, #tpu.memory_space<hbm>> -> memref<1000000x32xf32, #tpu.memory_space<hbm>>
      tpu.wait_indirect_dma semaphore(%arg14 : memref<!tpu.dma_semaphore, #tpu.memory_space<semaphore_mem>>) src(%dma_wait3A_664 : memref<1000000x32xf32, #tpu.memory_space<hbm>>) dst(%dma_wait3A_658 : memref<128x32xf32, #tpu.memory_space<vmem>>)
      %parallel_loop3A_665 = arith.constant 0 : i32
      %parallel_loop3A_666 = arith.constant 512 : i32
      %parallel_loop3A_667 = arith.constant 1 : i32
      scf.for %parallel_loop3A_708 = %parallel_loop3A_665 to %parallel_loop3A_666 step %parallel_loop3A_667  : i32 {
        %parallel_loop3A_709 = arith.index_cast %parallel_loop3A_708 : i32 to index
        %parallel_loop3A_710 = arith.constant 0 : index
        %parallel_loop3A_711 = tpu.vector_load %arg10[%parallel_loop3A_709, %parallel_loop3A_710] {strides = array<i32>} : memref<512x32xf32, #tpu.memory_space<vmem>>, vector<1x16xf32>,
        %parallel_loop3A_712 = vector.shape_cast %parallel_loop3A_711 : vector<1x16xf32> to vector<16xf32>
        %parallel_loop3A_713 = arith.index_cast %parallel_loop3A_708 : i32 to index
        %parallel_loop3A_714 = arith.constant 16 : index
        %parallel_loop3A_715 = tpu.vector_load %arg10[%parallel_loop3A_713, %parallel_loop3A_714] {strides = array<i32>} : memref<512x32xf32, #tpu.memory_space<vmem>>, vector<1x16xf32>,
        %parallel_loop3A_716 = vector.shape_cast %parallel_loop3A_715 : vector<1x16xf32> to vector<16xf32>
        %parallel_loop3A_717 = arith.addf %parallel_loop3A_712, %parallel_loop3A_716 : vector<16xf32>
        %parallel_loop3A_718 = vector.shape_cast %xor3A_13 : vector<16xi32> to vector<16x1xi32>
        %parallel_loop3A_719 = vector.shape_cast %parallel_loop3A_718 : vector<16x1xi32> to vector<16xi32>
        %parallel_loop3A_720 = tpu.dynamic_gather %parallel_loop3A_717[%parallel_loop3A_719] in [0] : vector<16xf32>, vector<16xi32> -> vector<16xf32>
        %parallel_loop3A_721 = arith.addf %parallel_loop3A_717, %parallel_loop3A_720 : vector<16xf32>
        %parallel_loop3A_722 = vector.shape_cast %xor3A_16 : vector<16xi32> to vector<16x1xi32>
        %parallel_loop3A_723 = vector.shape_cast %parallel_loop3A_722 : vector<16x1xi32> to vector<16xi32>
        %parallel_loop3A_724 = tpu.dynamic_gather %parallel_loop3A_721[%parallel_loop3A_723] in [0] : vector<16xf32>, vector<16xi32> -> vector<16xf32>
        %parallel_loop3A_725 = arith.addf %parallel_loop3A_721, %parallel_loop3A_724 : vector<16xf32>
        %parallel_loop3A_726 = vector.shape_cast %xor3A_19 : vector<16xi32> to vector<16x1xi32>
        %parallel_loop3A_727 = vector.shape_cast %parallel_loop3A_726 : vector<16x1xi32> to vector<16xi32>
        %parallel_loop3A_728 = tpu.dynamic_gather %parallel_loop3A_725[%parallel_loop3A_727] in [0] : vector<16xf32>, vector<16xi32> -> vector<16xf32>
        %parallel_loop3A_729 = arith.addf %parallel_loop3A_725, %parallel_loop3A_728 : vector<16xf32>
        %parallel_loop3A_730 = vector.shape_cast %xor3A_22 : vector<16xi32> to vector<16x1xi32>
        %parallel_loop3A_731 = vector.shape_cast %parallel_loop3A_730 : vector<16x1xi32> to vector<16xi32>
        %parallel_loop3A_732 = tpu.dynamic_gather %parallel_loop3A_729[%parallel_loop3A_731] in [0] : vector<16xf32>, vector<16xi32> -> vector<16xf32>
        %parallel_loop3A_733 = arith.addf %parallel_loop3A_729, %parallel_loop3A_732 : vector<16xf32>
        %parallel_loop3A_734 = arith.mulf %parallel_loop3A_712, %parallel_loop3A_712 : vector<16xf32>
        %parallel_loop3A_735 = arith.mulf %parallel_loop3A_716, %parallel_loop3A_716 : vector<16xf32>
        %parallel_loop3A_736 = arith.addf %parallel_loop3A_734, %parallel_loop3A_735 : vector<16xf32>
        %parallel_loop3A_737 = vector.shape_cast %xor3A_13 : vector<16xi32> to vector<16x1xi32>
        %parallel_loop3A_738 = vector.shape_cast %parallel_loop3A_737 : vector<16x1xi32> to vector<16xi32>
        %parallel_loop3A_739 = tpu.dynamic_gather %parallel_loop3A_736[%parallel_loop3A_738] in [0] : vector<16xf32>, vector<16xi32> -> vector<16xf32>
        %parallel_loop3A_740 = arith.addf %parallel_loop3A_736, %parallel_loop3A_739 : vector<16xf32>
        %parallel_loop3A_741 = vector.shape_cast %xor3A_16 : vector<16xi32> to vector<16x1xi32>
        %parallel_loop3A_742 = vector.shape_cast %parallel_loop3A_741 : vector<16x1xi32> to vector<16xi32>
        %parallel_loop3A_743 = tpu.dynamic_gather %parallel_loop3A_740[%parallel_loop3A_742] in [0] : vector<16xf32>, vector<16xi32> -> vector<16xf32>
        %parallel_loop3A_744 = arith.addf %parallel_loop3A_740, %parallel_loop3A_743 : vector<16xf32>
        %parallel_loop3A_745 = vector.shape_cast %xor3A_19 : vector<16xi32> to vector<16x1xi32>
        %parallel_loop3A_746 = vector.shape_cast %parallel_loop3A_745 : vector<16x1xi32> to vector<16xi32>
        %parallel_loop3A_747 = tpu.dynamic_gather %parallel_loop3A_744[%parallel_loop3A_746] in [0] : vector<16xf32>, vector<16xi32> -> vector<16xf32>
        %parallel_loop3A_748 = arith.addf %parallel_loop3A_744, %parallel_loop3A_747 : vector<16xf32>
        %parallel_loop3A_749 = vector.shape_cast %xor3A_22 : vector<16xi32> to vector<16x1xi32>
        %parallel_loop3A_750 = vector.shape_cast %parallel_loop3A_749 : vector<16x1xi32> to vector<16xi32>
        %parallel_loop3A_751 = tpu.dynamic_gather %parallel_loop3A_748[%parallel_loop3A_750] in [0] : vector<16xf32>, vector<16xi32> -> vector<16xf32>
        %parallel_loop3A_752 = arith.addf %parallel_loop3A_748, %parallel_loop3A_751 : vector<16xf32>
        %parallel_loop3A_753 = arith.constant 3.125000e-02 : f32
        %parallel_loop3A_754 = vector.broadcast %parallel_loop3A_753 : f32 to vector<16xf32>
        %parallel_loop3A_755 = arith.mulf %parallel_loop3A_733, %parallel_loop3A_754 : vector<16xf32>
        %parallel_loop3A_756 = arith.constant 3.125000e-02 : f32
        %parallel_loop3A_757 = vector.broadcast %parallel_loop3A_756 : f32 to vector<16xf32>
        %parallel_loop3A_758 = arith.mulf %parallel_loop3A_752, %parallel_loop3A_757 : vector<16xf32>
        %parallel_loop3A_759 = arith.mulf %parallel_loop3A_755, %parallel_loop3A_755 : vector<16xf32>
        %parallel_loop3A_760 = arith.subf %parallel_loop3A_758, %parallel_loop3A_759 : vector<16xf32>
        %parallel_loop3A_761 = arith.constant 0.000000e+00 : f32
        %parallel_loop3A_762 = vector.broadcast %parallel_loop3A_761 : f32 to vector<16xf32>
        %parallel_loop3A_763 = arith.maximumf %parallel_loop3A_760, %parallel_loop3A_762 : vector<16xf32>
        %parallel_loop3A_764 = arith.constant 9.99999974E-6 : f32
        %parallel_loop3A_765 = vector.broadcast %parallel_loop3A_764 : f32 to vector<16xf32>
        %parallel_loop3A_766 = arith.addf %parallel_loop3A_763, %parallel_loop3A_765 : vector<16xf32>
        %parallel_loop3A_767 = tpu.bitcast %parallel_loop3A_766 : vector<16xf32> -> vector<16xi32>
        %parallel_loop3A_768 = arith.constant 1 : i32
        %parallel_loop3A_769 = vector.broadcast %parallel_loop3A_768 : i32 to vector<16xi32>
        %parallel_loop3A_770 = arith.shrui %parallel_loop3A_767, %parallel_loop3A_769 : vector<16xi32>
        %parallel_loop3A_771 = arith.constant 1597463007 : i32
        %parallel_loop3A_772 = vector.broadcast %parallel_loop3A_771 : i32 to vector<16xi32>
        %parallel_loop3A_773 = arith.subi %parallel_loop3A_772, %parallel_loop3A_770 : vector<16xi32>
        %parallel_loop3A_774 = tpu.bitcast %parallel_loop3A_773 : vector<16xi32> -> vector<16xf32>
        %parallel_loop3A_775 = arith.constant 5.000000e-01 : f32
        %parallel_loop3A_776 = vector.broadcast %parallel_loop3A_775 : f32 to vector<16xf32>
        %parallel_loop3A_777 = arith.mulf %parallel_loop3A_776, %parallel_loop3A_766 : vector<16xf32>
        %parallel_loop3A_778 = arith.mulf %parallel_loop3A_777, %parallel_loop3A_774 : vector<16xf32>
        %parallel_loop3A_779 = arith.mulf %parallel_loop3A_778, %parallel_loop3A_774 : vector<16xf32>
        %parallel_loop3A_780 = arith.constant 1.500000e+00 : f32
        %parallel_loop3A_781 = vector.broadcast %parallel_loop3A_780 : f32 to vector<16xf32>
        %parallel_loop3A_782 = arith.subf %parallel_loop3A_781, %parallel_loop3A_779 : vector<16xf32>
        %parallel_loop3A_783 = arith.mulf %parallel_loop3A_774, %parallel_loop3A_782 : vector<16xf32>
        %parallel_loop3A_784 = arith.constant 5.000000e-01 : f32
        %parallel_loop3A_785 = vector.broadcast %parallel_loop3A_784 : f32 to vector<16xf32>
        %parallel_loop3A_786 = arith.mulf %parallel_loop3A_785, %parallel_loop3A_766 : vector<16xf32>
        %parallel_loop3A_787 = arith.mulf %parallel_loop3A_786, %parallel_loop3A_783 : vector<16xf32>
        %parallel_loop3A_788 = arith.mulf %parallel_loop3A_787, %parallel_loop3A_783 : vector<16xf32>
        %parallel_loop3A_789 = arith.constant 1.500000e+00 : f32
        %parallel_loop3A_790 = vector.broadcast %parallel_loop3A_789 : f32 to vector<16xf32>
        %parallel_loop3A_791 = arith.subf %parallel_loop3A_790, %parallel_loop3A_788 : vector<16xf32>
        %parallel_loop3A_792 = arith.mulf %parallel_loop3A_783, %parallel_loop3A_791 : vector<16xf32>
        %parallel_loop3A_793 = arith.constant 5.000000e-01 : f32
        %parallel_loop3A_794 = vector.broadcast %parallel_loop3A_793 : f32 to vector<16xf32>
        %parallel_loop3A_795 = arith.mulf %parallel_loop3A_794, %parallel_loop3A_766 : vector<16xf32>
        %parallel_loop3A_796 = arith.mulf %parallel_loop3A_795, %parallel_loop3A_792 : vector<16xf32>
        %parallel_loop3A_797 = arith.mulf %parallel_loop3A_796, %parallel_loop3A_792 : vector<16xf32>
        %parallel_loop3A_798 = arith.constant 1.500000e+00 : f32
        %parallel_loop3A_799 = vector.broadcast %parallel_loop3A_798 : f32 to vector<16xf32>
        %parallel_loop3A_800 = arith.subf %parallel_loop3A_799, %parallel_loop3A_797 : vector<16xf32>
        %parallel_loop3A_801 = arith.mulf %parallel_loop3A_792, %parallel_loop3A_800 : vector<16xf32>
        %parallel_loop3A_802 = arith.subf %parallel_loop3A_712, %parallel_loop3A_755 : vector<16xf32>
        %parallel_loop3A_803 = arith.mulf %parallel_loop3A_801, %get3A_2 : vector<16xf32>
        %parallel_loop3A_804 = arith.mulf %parallel_loop3A_802, %parallel_loop3A_803 : vector<16xf32>
        %parallel_loop3A_805 = arith.addf %parallel_loop3A_804, %get3A_8 : vector<16xf32>
        %parallel_loop3A_806 = arith.index_cast %parallel_loop3A_708 : i32 to index
        %parallel_loop3A_807 = arith.constant 0 : index
        %parallel_loop3A_808 = tpu.vector_load %arg10[%parallel_loop3A_806, %parallel_loop3A_807] {strides = array<i32>} : memref<512x32xf32, #tpu.memory_space<vmem>>, vector<1x16xf32>,
        %parallel_loop3A_809 = vector.shape_cast %parallel_loop3A_808 : vector<1x16xf32> to vector<16xf32>
        %parallel_loop3A_810 = vector.shape_cast %parallel_loop3A_805 : vector<16xf32> to vector<1x16xf32>
        tpu.vector_store %arg10[%parallel_loop3A_806, %parallel_loop3A_807], %parallel_loop3A_810 {strides = array<i32>} : memref<512x32xf32, #tpu.memory_space<vmem>>, vector<1x16xf32>,
        %parallel_loop3A_811 = arith.subf %parallel_loop3A_716, %parallel_loop3A_755 : vector<16xf32>
        %parallel_loop3A_812 = arith.mulf %parallel_loop3A_801, %get3A_5 : vector<16xf32>
        %parallel_loop3A_813 = arith.mulf %parallel_loop3A_811, %parallel_loop3A_812 : vector<16xf32>
        %parallel_loop3A_814 = arith.addf %parallel_loop3A_813, %get3A_11 : vector<16xf32>
        %parallel_loop3A_815 = arith.index_cast %parallel_loop3A_708 : i32 to index
        %parallel_loop3A_816 = arith.constant 16 : index
        %parallel_loop3A_817 = tpu.vector_load %arg10[%parallel_loop3A_815, %parallel_loop3A_816] {strides = array<i32>} : memref<512x32xf32, #tpu.memory_space<vmem>>, vector<1x16xf32>,
        %parallel_loop3A_818 = vector.shape_cast %parallel_loop3A_817 : vector<1x16xf32> to vector<16xf32>
        %parallel_loop3A_819 = vector.shape_cast %parallel_loop3A_814 : vector<16xf32> to vector<1x16xf32>
        tpu.vector_store %arg10[%parallel_loop3A_815, %parallel_loop3A_816], %parallel_loop3A_819 {strides = array<i32>} : memref<512x32xf32, #tpu.memory_space<vmem>>, vector<1x16xf32>,
      } {sc.loop_unroll_factor = 8 : i64, sc.parallel_access}
      %add3A_668 = arith.constant 0 : i32
      %add3A_669 = arith.addi %add3A_538, %add3A_668 : i32
      %shift_right_logical3A_670 = arith.constant 7 : i32
      %shift_right_logical3A_671 = arith.shrui %add3A_669, %shift_right_logical3A_670 : i32
      %and3A_672 = arith.constant 127 : i32
      %and3A_673 = arith.andi %add3A_669, %and3A_672 : i32
      %mul3A_674 = arith.constant 128 : i32
      %mul3A_675 = arith.muli %and3A_673, %mul3A_674 : i32
      %mul3A_676 = arith.constant 32 : i32
      %mul3A_677 = arith.muli %shift_right_logical3A_671, %mul3A_676 : i32
      "tpu.region"() ({
        %run_scoped3A_708 = tpu.sem_alloc : memref<!tpu.dma_semaphore, #tpu.memory_space<semaphore_mem>>
        %dma_start3A_709 = arith.constant 0 : i32
        %dma_start3A_710 = arith.constant 0 : i32
        %dma_start3A_711 = tpu.memref_slice %arg10[%dma_start3A_709, %dma_start3A_710] : memref<512x32xf32, #tpu.memory_space<vmem>> -> memref<128x32xf32, #tpu.memory_space<vmem>>
        %dma_start3A_712 = tpu.memref_slice %arg6[%mul3A_675, %mul3A_677] : memref<16384x1600xf32, #tpu.memory_space<hbm>> -> memref<128x32xf32, #tpu.memory_space<hbm>>
        %dma_start3A_713 = tpu.memref_slice %arg6[%mul3A_675, %mul3A_677] : memref<16384x1600xf32, #tpu.memory_space<hbm>> -> memref<128x32xf32, #tpu.memory_space<hbm>>
        %dma_start3A_714 = arith.constant 0 : i32
        %dma_start3A_715 = arith.constant 0 : i32
        %dma_start3A_716 = tpu.memref_slice %arg10[%dma_start3A_714, %dma_start3A_715] : memref<512x32xf32, #tpu.memory_space<vmem>> -> memref<128x32xf32, #tpu.memory_space<vmem>>
        tpu.enqueue_dma source(%dma_start3A_716 : memref<128x32xf32, #tpu.memory_space<vmem>>) target(%dma_start3A_713 : memref<128x32xf32, #tpu.memory_space<hbm>>) target_semaphore(%run_scoped3A_708 : memref<!tpu.dma_semaphore, #tpu.memory_space<semaphore_mem>>)
        %dma_wait3A_717 = arith.constant 0 : i32
        %dma_wait3A_718 = arith.constant 0 : i32
        %dma_wait3A_719 = tpu.memref_slice %arg10[%dma_wait3A_717, %dma_wait3A_718] : memref<512x32xf32, #tpu.memory_space<vmem>> -> memref<128x32xf32, #tpu.memory_space<vmem>>
        %dma_wait3A_720 = tpu.memref_slice %arg6[%mul3A_675, %mul3A_677] : memref<16384x1600xf32, #tpu.memory_space<hbm>> -> memref<128x32xf32, #tpu.memory_space<hbm>>
        %dma_wait3A_721 = tpu.memref_slice %arg6[%mul3A_675, %mul3A_677] : memref<16384x1600xf32, #tpu.memory_space<hbm>> -> memref<128x32xf32, #tpu.memory_space<hbm>>
        %dma_wait3A_722 = arith.constant 0 : i32
        %dma_wait3A_723 = arith.constant 0 : i32
        %dma_wait3A_724 = tpu.memref_slice %arg10[%dma_wait3A_722, %dma_wait3A_723] : memref<512x32xf32, #tpu.memory_space<vmem>> -> memref<128x32xf32, #tpu.memory_space<vmem>>
        tpu.wait_dma2 semaphore(%run_scoped3A_708 : memref<!tpu.dma_semaphore, #tpu.memory_space<semaphore_mem>>) src(%dma_wait3A_724 : memref<128x32xf32, #tpu.memory_space<vmem>>) dst(%dma_wait3A_721 : memref<128x32xf32, #tpu.memory_space<hbm>>)
        tpu.yield
      }) : () -> ()
      %add3A_678 = arith.constant 1 : i32
      %add3A_679 = arith.addi %add3A_538, %add3A_678 : i32
      %shift_right_logical3A_680 = arith.constant 7 : i32
      %shift_right_logical3A_681 = arith.shrui %add3A_679, %shift_right_logical3A_680 : i32
      %and3A_682 = arith.constant 127 : i32
      %and3A_683 = arith.andi %add3A_679, %and3A_682 : i32
      %mul3A_684 = arith.constant 128 : i32
      %mul3A_685 = arith.muli %and3A_683, %mul3A_684 : i32
      %mul3A_686 = arith.constant 32 : i32
      %mul3A_687 = arith.muli %shift_right_logical3A_681, %mul3A_686 : i32
      "tpu.region"() ({
        %run_scoped3A_708 = tpu.sem_alloc : memref<!tpu.dma_semaphore, #tpu.memory_space<semaphore_mem>>
        %dma_start3A_709 = arith.constant 128 : i32
        %dma_start3A_710 = arith.constant 0 : i32
        %dma_start3A_711 = tpu.memref_slice %arg10[%dma_start3A_709, %dma_start3A_710] : memref<512x32xf32, #tpu.memory_space<vmem>> -> memref<128x32xf32, #tpu.memory_space<vmem>>
        %dma_start3A_712 = tpu.memref_slice %arg6[%mul3A_685, %mul3A_687] : memref<16384x1600xf32, #tpu.memory_space<hbm>> -> memref<128x32xf32, #tpu.memory_space<hbm>>
        %dma_start3A_713 = tpu.memref_slice %arg6[%mul3A_685, %mul3A_687] : memref<16384x1600xf32, #tpu.memory_space<hbm>> -> memref<128x32xf32, #tpu.memory_space<hbm>>
        %dma_start3A_714 = arith.constant 128 : i32
        %dma_start3A_715 = arith.constant 0 : i32
        %dma_start3A_716 = tpu.memref_slice %arg10[%dma_start3A_714, %dma_start3A_715] : memref<512x32xf32, #tpu.memory_space<vmem>> -> memref<128x32xf32, #tpu.memory_space<vmem>>
        tpu.enqueue_dma source(%dma_start3A_716 : memref<128x32xf32, #tpu.memory_space<vmem>>) target(%dma_start3A_713 : memref<128x32xf32, #tpu.memory_space<hbm>>) target_semaphore(%run_scoped3A_708 : memref<!tpu.dma_semaphore, #tpu.memory_space<semaphore_mem>>)
        %dma_wait3A_717 = arith.constant 128 : i32
        %dma_wait3A_718 = arith.constant 0 : i32
        %dma_wait3A_719 = tpu.memref_slice %arg10[%dma_wait3A_717, %dma_wait3A_718] : memref<512x32xf32, #tpu.memory_space<vmem>> -> memref<128x32xf32, #tpu.memory_space<vmem>>
        %dma_wait3A_720 = tpu.memref_slice %arg6[%mul3A_685, %mul3A_687] : memref<16384x1600xf32, #tpu.memory_space<hbm>> -> memref<128x32xf32, #tpu.memory_space<hbm>>
        %dma_wait3A_721 = tpu.memref_slice %arg6[%mul3A_685, %mul3A_687] : memref<16384x1600xf32, #tpu.memory_space<hbm>> -> memref<128x32xf32, #tpu.memory_space<hbm>>
        %dma_wait3A_722 = arith.constant 128 : i32
        %dma_wait3A_723 = arith.constant 0 : i32
        %dma_wait3A_724 = tpu.memref_slice %arg10[%dma_wait3A_722, %dma_wait3A_723] : memref<512x32xf32, #tpu.memory_space<vmem>> -> memref<128x32xf32, #tpu.memory_space<vmem>>
        tpu.wait_dma2 semaphore(%run_scoped3A_708 : memref<!tpu.dma_semaphore, #tpu.memory_space<semaphore_mem>>) src(%dma_wait3A_724 : memref<128x32xf32, #tpu.memory_space<vmem>>) dst(%dma_wait3A_721 : memref<128x32xf32, #tpu.memory_space<hbm>>)
        tpu.yield
      }) : () -> ()
      %add3A_688 = arith.constant 2 : i32
      %add3A_689 = arith.addi %add3A_538, %add3A_688 : i32
      %shift_right_logical3A_690 = arith.constant 7 : i32
      %shift_right_logical3A_691 = arith.shrui %add3A_689, %shift_right_logical3A_690 : i32
      %and3A_692 = arith.constant 127 : i32
      %and3A_693 = arith.andi %add3A_689, %and3A_692 : i32
      %mul3A_694 = arith.constant 128 : i32
      %mul3A_695 = arith.muli %and3A_693, %mul3A_694 : i32
      %mul3A_696 = arith.constant 32 : i32
      %mul3A_697 = arith.muli %shift_right_logical3A_691, %mul3A_696 : i32
      "tpu.region"() ({
        %run_scoped3A_708 = tpu.sem_alloc : memref<!tpu.dma_semaphore, #tpu.memory_space<semaphore_mem>>
        %dma_start3A_709 = arith.constant 256 : i32
        %dma_start3A_710 = arith.constant 0 : i32
        %dma_start3A_711 = tpu.memref_slice %arg10[%dma_start3A_709, %dma_start3A_710] : memref<512x32xf32, #tpu.memory_space<vmem>> -> memref<128x32xf32, #tpu.memory_space<vmem>>
        %dma_start3A_712 = tpu.memref_slice %arg6[%mul3A_695, %mul3A_697] : memref<16384x1600xf32, #tpu.memory_space<hbm>> -> memref<128x32xf32, #tpu.memory_space<hbm>>
        %dma_start3A_713 = tpu.memref_slice %arg6[%mul3A_695, %mul3A_697] : memref<16384x1600xf32, #tpu.memory_space<hbm>> -> memref<128x32xf32, #tpu.memory_space<hbm>>
        %dma_start3A_714 = arith.constant 256 : i32
        %dma_start3A_715 = arith.constant 0 : i32
        %dma_start3A_716 = tpu.memref_slice %arg10[%dma_start3A_714, %dma_start3A_715] : memref<512x32xf32, #tpu.memory_space<vmem>> -> memref<128x32xf32, #tpu.memory_space<vmem>>
        tpu.enqueue_dma source(%dma_start3A_716 : memref<128x32xf32, #tpu.memory_space<vmem>>) target(%dma_start3A_713 : memref<128x32xf32, #tpu.memory_space<hbm>>) target_semaphore(%run_scoped3A_708 : memref<!tpu.dma_semaphore, #tpu.memory_space<semaphore_mem>>)
        %dma_wait3A_717 = arith.constant 256 : i32
        %dma_wait3A_718 = arith.constant 0 : i32
        %dma_wait3A_719 = tpu.memref_slice %arg10[%dma_wait3A_717, %dma_wait3A_718] : memref<512x32xf32, #tpu.memory_space<vmem>> -> memref<128x32xf32, #tpu.memory_space<vmem>>
        %dma_wait3A_720 = tpu.memref_slice %arg6[%mul3A_695, %mul3A_697] : memref<16384x1600xf32, #tpu.memory_space<hbm>> -> memref<128x32xf32, #tpu.memory_space<hbm>>
        %dma_wait3A_721 = tpu.memref_slice %arg6[%mul3A_695, %mul3A_697] : memref<16384x1600xf32, #tpu.memory_space<hbm>> -> memref<128x32xf32, #tpu.memory_space<hbm>>
        %dma_wait3A_722 = arith.constant 256 : i32
        %dma_wait3A_723 = arith.constant 0 : i32
        %dma_wait3A_724 = tpu.memref_slice %arg10[%dma_wait3A_722, %dma_wait3A_723] : memref<512x32xf32, #tpu.memory_space<vmem>> -> memref<128x32xf32, #tpu.memory_space<vmem>>
        tpu.wait_dma2 semaphore(%run_scoped3A_708 : memref<!tpu.dma_semaphore, #tpu.memory_space<semaphore_mem>>) src(%dma_wait3A_724 : memref<128x32xf32, #tpu.memory_space<vmem>>) dst(%dma_wait3A_721 : memref<128x32xf32, #tpu.memory_space<hbm>>)
        tpu.yield
      }) : () -> ()
      %add3A_698 = arith.constant 3 : i32
      %add3A_699 = arith.addi %add3A_538, %add3A_698 : i32
      %shift_right_logical3A_700 = arith.constant 7 : i32
      %shift_right_logical3A_701 = arith.shrui %add3A_699, %shift_right_logical3A_700 : i32
      %and3A_702 = arith.constant 127 : i32
      %and3A_703 = arith.andi %add3A_699, %and3A_702 : i32
      %mul3A_704 = arith.constant 128 : i32
      %mul3A_705 = arith.muli %and3A_703, %mul3A_704 : i32
      %mul3A_706 = arith.constant 32 : i32
      %mul3A_707 = arith.muli %shift_right_logical3A_701, %mul3A_706 : i32
      "tpu.region"() ({
        %run_scoped3A_708 = tpu.sem_alloc : memref<!tpu.dma_semaphore, #tpu.memory_space<semaphore_mem>>
        %dma_start3A_709 = arith.constant 384 : i32
        %dma_start3A_710 = arith.constant 0 : i32
        %dma_start3A_711 = tpu.memref_slice %arg10[%dma_start3A_709, %dma_start3A_710] : memref<512x32xf32, #tpu.memory_space<vmem>> -> memref<128x32xf32, #tpu.memory_space<vmem>>
        %dma_start3A_712 = tpu.memref_slice %arg6[%mul3A_705, %mul3A_707] : memref<16384x1600xf32, #tpu.memory_space<hbm>> -> memref<128x32xf32, #tpu.memory_space<hbm>>
        %dma_start3A_713 = tpu.memref_slice %arg6[%mul3A_705, %mul3A_707] : memref<16384x1600xf32, #tpu.memory_space<hbm>> -> memref<128x32xf32, #tpu.memory_space<hbm>>
        %dma_start3A_714 = arith.constant 384 : i32
        %dma_start3A_715 = arith.constant 0 : i32
        %dma_start3A_716 = tpu.memref_slice %arg10[%dma_start3A_714, %dma_start3A_715] : memref<512x32xf32, #tpu.memory_space<vmem>> -> memref<128x32xf32, #tpu.memory_space<vmem>>
        tpu.enqueue_dma source(%dma_start3A_716 : memref<128x32xf32, #tpu.memory_space<vmem>>) target(%dma_start3A_713 : memref<128x32xf32, #tpu.memory_space<hbm>>) target_semaphore(%run_scoped3A_708 : memref<!tpu.dma_semaphore, #tpu.memory_space<semaphore_mem>>)
        %dma_wait3A_717 = arith.constant 384 : i32
        %dma_wait3A_718 = arith.constant 0 : i32
        %dma_wait3A_719 = tpu.memref_slice %arg10[%dma_wait3A_717, %dma_wait3A_718] : memref<512x32xf32, #tpu.memory_space<vmem>> -> memref<128x32xf32, #tpu.memory_space<vmem>>
        %dma_wait3A_720 = tpu.memref_slice %arg6[%mul3A_705, %mul3A_707] : memref<16384x1600xf32, #tpu.memory_space<hbm>> -> memref<128x32xf32, #tpu.memory_space<hbm>>
        %dma_wait3A_721 = tpu.memref_slice %arg6[%mul3A_705, %mul3A_707] : memref<16384x1600xf32, #tpu.memory_space<hbm>> -> memref<128x32xf32, #tpu.memory_space<hbm>>
        %dma_wait3A_722 = arith.constant 384 : i32
        %dma_wait3A_723 = arith.constant 0 : i32
        %dma_wait3A_724 = tpu.memref_slice %arg10[%dma_wait3A_722, %dma_wait3A_723] : memref<512x32xf32, #tpu.memory_space<vmem>> -> memref<128x32xf32, #tpu.memory_space<vmem>>
        tpu.wait_dma2 semaphore(%run_scoped3A_708 : memref<!tpu.dma_semaphore, #tpu.memory_space<semaphore_mem>>) src(%dma_wait3A_724 : memref<128x32xf32, #tpu.memory_space<vmem>>) dst(%dma_wait3A_721 : memref<128x32xf32, #tpu.memory_space<hbm>>)
        tpu.yield
      }) : () -> ()
    }
    %scan3A_109 = arith.constant 24 : i32
    %add3A_110 = arith.constant 192 : i32
    %add3A_111 = arith.addi %mul3A_24, %add3A_110 : i32
    %add3A_112 = arith.constant 4 : i32
    %add3A_113 = arith.addi %add3A_111, %add3A_112 : i32
    %add3A_114 = arith.constant 0 : i32
    %add3A_115 = arith.addi %add3A_113, %add3A_114 : i32
    %shift_right_logical3A_116 = arith.constant 7 : i32
    %shift_right_logical3A_117 = arith.shrui %add3A_115, %shift_right_logical3A_116 : i32
    %and3A_118 = arith.constant 127 : i32
    %and3A_119 = arith.andi %add3A_115, %and3A_118 : i32
    %shift_right_logical3A_120 = arith.constant 3 : i32
    %shift_right_logical3A_121 = arith.shrui %shift_right_logical3A_117, %shift_right_logical3A_120 : i32
    %and3A_122 = arith.constant 7 : i32
    %and3A_123 = arith.andi %shift_right_logical3A_117, %and3A_122 : i32
    %run_scoped3A_124 = arith.constant 0 : i32
    "tpu.region"() ({
      %run_scoped3A_364 = tpu.sem_alloc : memref<!tpu.dma_semaphore, #tpu.memory_space<semaphore_mem>>
      %dma_start3A_365 = arith.constant 0 : i32
      %dma_start3A_366 = tpu.memref_slice %arg8[%run_scoped3A_124, %dma_start3A_365] : memref<4x128xi32, #tpu.memory_space<vmem>> -> memref<1x128xi32, #tpu.memory_space<vmem>>
      %dma_start3A_367 = tpu.memref_squeeze %dma_start3A_366 : memref<1x128xi32, #tpu.memory_space<vmem>> -> memref<128xi32, #tpu.memory_space<vmem>>
      %dma_start3A_368 = arith.constant 0 : i32
      %dma_start3A_369 = tpu.memref_slice %arg2[%shift_right_logical3A_121, %and3A_119, %and3A_123, %dma_start3A_368] : memref<7x128x8x128xi32, #tpu.memory_space<hbm>> -> memref<1x1x1x128xi32, #tpu.memory_space<hbm>>
      %dma_start3A_370 = tpu.memref_squeeze %dma_start3A_369 : memref<1x1x1x128xi32, #tpu.memory_space<hbm>> -> memref<128xi32, #tpu.memory_space<hbm>>
      %dma_start3A_371 = arith.constant 0 : i32
      %dma_start3A_372 = tpu.memref_slice %arg8[%run_scoped3A_124, %dma_start3A_371] : memref<4x128xi32, #tpu.memory_space<vmem>> -> memref<1x128xi32, #tpu.memory_space<vmem>>
      %dma_start3A_373 = tpu.memref_squeeze %dma_start3A_372 : memref<1x128xi32, #tpu.memory_space<vmem>> -> memref<128xi32, #tpu.memory_space<vmem>>
      %dma_start3A_374 = arith.constant 0 : i32
      %dma_start3A_375 = tpu.memref_slice %arg2[%shift_right_logical3A_121, %and3A_119, %and3A_123, %dma_start3A_374] : memref<7x128x8x128xi32, #tpu.memory_space<hbm>> -> memref<1x1x1x128xi32, #tpu.memory_space<hbm>>
      %dma_start3A_376 = tpu.memref_squeeze %dma_start3A_375 : memref<1x1x1x128xi32, #tpu.memory_space<hbm>> -> memref<128xi32, #tpu.memory_space<hbm>>
      tpu.enqueue_dma source(%dma_start3A_376 : memref<128xi32, #tpu.memory_space<hbm>>) target(%dma_start3A_373 : memref<128xi32, #tpu.memory_space<vmem>>) target_semaphore(%run_scoped3A_364 : memref<!tpu.dma_semaphore, #tpu.memory_space<semaphore_mem>>)
      %dma_wait3A_377 = arith.constant 0 : i32
      %dma_wait3A_378 = tpu.memref_slice %arg8[%run_scoped3A_124, %dma_wait3A_377] : memref<4x128xi32, #tpu.memory_space<vmem>> -> memref<1x128xi32, #tpu.memory_space<vmem>>
      %dma_wait3A_379 = tpu.memref_squeeze %dma_wait3A_378 : memref<1x128xi32, #tpu.memory_space<vmem>> -> memref<128xi32, #tpu.memory_space<vmem>>
      %dma_wait3A_380 = arith.constant 0 : i32
      %dma_wait3A_381 = tpu.memref_slice %arg2[%shift_right_logical3A_121, %and3A_119, %and3A_123, %dma_wait3A_380] : memref<7x128x8x128xi32, #tpu.memory_space<hbm>> -> memref<1x1x1x128xi32, #tpu.memory_space<hbm>>
      %dma_wait3A_382 = tpu.memref_squeeze %dma_wait3A_381 : memref<1x1x1x128xi32, #tpu.memory_space<hbm>> -> memref<128xi32, #tpu.memory_space<hbm>>
      %dma_wait3A_383 = arith.constant 0 : i32
      %dma_wait3A_384 = tpu.memref_slice %arg8[%run_scoped3A_124, %dma_wait3A_383] : memref<4x128xi32, #tpu.memory_space<vmem>> -> memref<1x128xi32, #tpu.memory_space<vmem>>
      %dma_wait3A_385 = tpu.memref_squeeze %dma_wait3A_384 : memref<1x128xi32, #tpu.memory_space<vmem>> -> memref<128xi32, #tpu.memory_space<vmem>>
      %dma_wait3A_386 = arith.constant 0 : i32
      %dma_wait3A_387 = tpu.memref_slice %arg2[%shift_right_logical3A_121, %and3A_119, %and3A_123, %dma_wait3A_386] : memref<7x128x8x128xi32, #tpu.memory_space<hbm>> -> memref<1x1x1x128xi32, #tpu.memory_space<hbm>>
      %dma_wait3A_388 = tpu.memref_squeeze %dma_wait3A_387 : memref<1x1x1x128xi32, #tpu.memory_space<hbm>> -> memref<128xi32, #tpu.memory_space<hbm>>
      tpu.wait_dma2 semaphore(%run_scoped3A_364 : memref<!tpu.dma_semaphore, #tpu.memory_space<semaphore_mem>>) src(%dma_wait3A_388 : memref<128xi32, #tpu.memory_space<hbm>>) dst(%dma_wait3A_385 : memref<128xi32, #tpu.memory_space<vmem>>)
      tpu.yield
    }) : () -> ()
    %add3A_125 = arith.constant 1 : i32
    %add3A_126 = arith.addi %add3A_113, %add3A_125 : i32
    %shift_right_logical3A_127 = arith.constant 7 : i32
    %shift_right_logical3A_128 = arith.shrui %add3A_126, %shift_right_logical3A_127 : i32
    %and3A_129 = arith.constant 127 : i32
    %and3A_130 = arith.andi %add3A_126, %and3A_129 : i32
    %shift_right_logical3A_131 = arith.constant 3 : i32
    %shift_right_logical3A_132 = arith.shrui %shift_right_logical3A_128, %shift_right_logical3A_131 : i32
    %and3A_133 = arith.constant 7 : i32
    %and3A_134 = arith.andi %shift_right_logical3A_128, %and3A_133 : i32
    %run_scoped3A_135 = arith.constant 1 : i32
    "tpu.region"() ({
      %run_scoped3A_364 = tpu.sem_alloc : memref<!tpu.dma_semaphore, #tpu.memory_space<semaphore_mem>>
      %dma_start3A_365 = arith.constant 0 : i32
      %dma_start3A_366 = tpu.memref_slice %arg8[%run_scoped3A_135, %dma_start3A_365] : memref<4x128xi32, #tpu.memory_space<vmem>> -> memref<1x128xi32, #tpu.memory_space<vmem>>
      %dma_start3A_367 = tpu.memref_squeeze %dma_start3A_366 : memref<1x128xi32, #tpu.memory_space<vmem>> -> memref<128xi32, #tpu.memory_space<vmem>>
      %dma_start3A_368 = arith.constant 0 : i32
      %dma_start3A_369 = tpu.memref_slice %arg2[%shift_right_logical3A_132, %and3A_130, %and3A_134, %dma_start3A_368] : memref<7x128x8x128xi32, #tpu.memory_space<hbm>> -> memref<1x1x1x128xi32, #tpu.memory_space<hbm>>
      %dma_start3A_370 = tpu.memref_squeeze %dma_start3A_369 : memref<1x1x1x128xi32, #tpu.memory_space<hbm>> -> memref<128xi32, #tpu.memory_space<hbm>>
      %dma_start3A_371 = arith.constant 0 : i32
      %dma_start3A_372 = tpu.memref_slice %arg8[%run_scoped3A_135, %dma_start3A_371] : memref<4x128xi32, #tpu.memory_space<vmem>> -> memref<1x128xi32, #tpu.memory_space<vmem>>
      %dma_start3A_373 = tpu.memref_squeeze %dma_start3A_372 : memref<1x128xi32, #tpu.memory_space<vmem>> -> memref<128xi32, #tpu.memory_space<vmem>>
      %dma_start3A_374 = arith.constant 0 : i32
      %dma_start3A_375 = tpu.memref_slice %arg2[%shift_right_logical3A_132, %and3A_130, %and3A_134, %dma_start3A_374] : memref<7x128x8x128xi32, #tpu.memory_space<hbm>> -> memref<1x1x1x128xi32, #tpu.memory_space<hbm>>
      %dma_start3A_376 = tpu.memref_squeeze %dma_start3A_375 : memref<1x1x1x128xi32, #tpu.memory_space<hbm>> -> memref<128xi32, #tpu.memory_space<hbm>>
      tpu.enqueue_dma source(%dma_start3A_376 : memref<128xi32, #tpu.memory_space<hbm>>) target(%dma_start3A_373 : memref<128xi32, #tpu.memory_space<vmem>>) target_semaphore(%run_scoped3A_364 : memref<!tpu.dma_semaphore, #tpu.memory_space<semaphore_mem>>)
      %dma_wait3A_377 = arith.constant 0 : i32
      %dma_wait3A_378 = tpu.memref_slice %arg8[%run_scoped3A_135, %dma_wait3A_377] : memref<4x128xi32, #tpu.memory_space<vmem>> -> memref<1x128xi32, #tpu.memory_space<vmem>>
      %dma_wait3A_379 = tpu.memref_squeeze %dma_wait3A_378 : memref<1x128xi32, #tpu.memory_space<vmem>> -> memref<128xi32, #tpu.memory_space<vmem>>
      %dma_wait3A_380 = arith.constant 0 : i32
      %dma_wait3A_381 = tpu.memref_slice %arg2[%shift_right_logical3A_132, %and3A_130, %and3A_134, %dma_wait3A_380] : memref<7x128x8x128xi32, #tpu.memory_space<hbm>> -> memref<1x1x1x128xi32, #tpu.memory_space<hbm>>
      %dma_wait3A_382 = tpu.memref_squeeze %dma_wait3A_381 : memref<1x1x1x128xi32, #tpu.memory_space<hbm>> -> memref<128xi32, #tpu.memory_space<hbm>>
      %dma_wait3A_383 = arith.constant 0 : i32
      %dma_wait3A_384 = tpu.memref_slice %arg8[%run_scoped3A_135, %dma_wait3A_383] : memref<4x128xi32, #tpu.memory_space<vmem>> -> memref<1x128xi32, #tpu.memory_space<vmem>>
      %dma_wait3A_385 = tpu.memref_squeeze %dma_wait3A_384 : memref<1x128xi32, #tpu.memory_space<vmem>> -> memref<128xi32, #tpu.memory_space<vmem>>
      %dma_wait3A_386 = arith.constant 0 : i32
      %dma_wait3A_387 = tpu.memref_slice %arg2[%shift_right_logical3A_132, %and3A_130, %and3A_134, %dma_wait3A_386] : memref<7x128x8x128xi32, #tpu.memory_space<hbm>> -> memref<1x1x1x128xi32, #tpu.memory_space<hbm>>
      %dma_wait3A_388 = tpu.memref_squeeze %dma_wait3A_387 : memref<1x1x1x128xi32, #tpu.memory_space<hbm>> -> memref<128xi32, #tpu.memory_space<hbm>>
      tpu.wait_dma2 semaphore(%run_scoped3A_364 : memref<!tpu.dma_semaphore, #tpu.memory_space<semaphore_mem>>) src(%dma_wait3A_388 : memref<128xi32, #tpu.memory_space<hbm>>) dst(%dma_wait3A_385 : memref<128xi32, #tpu.memory_space<vmem>>)
      tpu.yield
    }) : () -> ()
    %add3A_136 = arith.constant 2 : i32
    %add3A_137 = arith.addi %add3A_113, %add3A_136 : i32
    %shift_right_logical3A_138 = arith.constant 7 : i32
    %shift_right_logical3A_139 = arith.shrui %add3A_137, %shift_right_logical3A_138 : i32
    %and3A_140 = arith.constant 127 : i32
    %and3A_141 = arith.andi %add3A_137, %and3A_140 : i32
    %shift_right_logical3A_142 = arith.constant 3 : i32
    %shift_right_logical3A_143 = arith.shrui %shift_right_logical3A_139, %shift_right_logical3A_142 : i32
    %and3A_144 = arith.constant 7 : i32
    %and3A_145 = arith.andi %shift_right_logical3A_139, %and3A_144 : i32
    %run_scoped3A_146 = arith.constant 2 : i32
    "tpu.region"() ({
      %run_scoped3A_364 = tpu.sem_alloc : memref<!tpu.dma_semaphore, #tpu.memory_space<semaphore_mem>>
      %dma_start3A_365 = arith.constant 0 : i32
      %dma_start3A_366 = tpu.memref_slice %arg8[%run_scoped3A_146, %dma_start3A_365] : memref<4x128xi32, #tpu.memory_space<vmem>> -> memref<1x128xi32, #tpu.memory_space<vmem>>
      %dma_start3A_367 = tpu.memref_squeeze %dma_start3A_366 : memref<1x128xi32, #tpu.memory_space<vmem>> -> memref<128xi32, #tpu.memory_space<vmem>>
      %dma_start3A_368 = arith.constant 0 : i32
      %dma_start3A_369 = tpu.memref_slice %arg2[%shift_right_logical3A_143, %and3A_141, %and3A_145, %dma_start3A_368] : memref<7x128x8x128xi32, #tpu.memory_space<hbm>> -> memref<1x1x1x128xi32, #tpu.memory_space<hbm>>
      %dma_start3A_370 = tpu.memref_squeeze %dma_start3A_369 : memref<1x1x1x128xi32, #tpu.memory_space<hbm>> -> memref<128xi32, #tpu.memory_space<hbm>>
      %dma_start3A_371 = arith.constant 0 : i32
      %dma_start3A_372 = tpu.memref_slice %arg8[%run_scoped3A_146, %dma_start3A_371] : memref<4x128xi32, #tpu.memory_space<vmem>> -> memref<1x128xi32, #tpu.memory_space<vmem>>
      %dma_start3A_373 = tpu.memref_squeeze %dma_start3A_372 : memref<1x128xi32, #tpu.memory_space<vmem>> -> memref<128xi32, #tpu.memory_space<vmem>>
      %dma_start3A_374 = arith.constant 0 : i32
      %dma_start3A_375 = tpu.memref_slice %arg2[%shift_right_logical3A_143, %and3A_141, %and3A_145, %dma_start3A_374] : memref<7x128x8x128xi32, #tpu.memory_space<hbm>> -> memref<1x1x1x128xi32, #tpu.memory_space<hbm>>
      %dma_start3A_376 = tpu.memref_squeeze %dma_start3A_375 : memref<1x1x1x128xi32, #tpu.memory_space<hbm>> -> memref<128xi32, #tpu.memory_space<hbm>>
      tpu.enqueue_dma source(%dma_start3A_376 : memref<128xi32, #tpu.memory_space<hbm>>) target(%dma_start3A_373 : memref<128xi32, #tpu.memory_space<vmem>>) target_semaphore(%run_scoped3A_364 : memref<!tpu.dma_semaphore, #tpu.memory_space<semaphore_mem>>)
      %dma_wait3A_377 = arith.constant 0 : i32
      %dma_wait3A_378 = tpu.memref_slice %arg8[%run_scoped3A_146, %dma_wait3A_377] : memref<4x128xi32, #tpu.memory_space<vmem>> -> memref<1x128xi32, #tpu.memory_space<vmem>>
      %dma_wait3A_379 = tpu.memref_squeeze %dma_wait3A_378 : memref<1x128xi32, #tpu.memory_space<vmem>> -> memref<128xi32, #tpu.memory_space<vmem>>
      %dma_wait3A_380 = arith.constant 0 : i32
      %dma_wait3A_381 = tpu.memref_slice %arg2[%shift_right_logical3A_143, %and3A_141, %and3A_145, %dma_wait3A_380] : memref<7x128x8x128xi32, #tpu.memory_space<hbm>> -> memref<1x1x1x128xi32, #tpu.memory_space<hbm>>
      %dma_wait3A_382 = tpu.memref_squeeze %dma_wait3A_381 : memref<1x1x1x128xi32, #tpu.memory_space<hbm>> -> memref<128xi32, #tpu.memory_space<hbm>>
      %dma_wait3A_383 = arith.constant 0 : i32
      %dma_wait3A_384 = tpu.memref_slice %arg8[%run_scoped3A_146, %dma_wait3A_383] : memref<4x128xi32, #tpu.memory_space<vmem>> -> memref<1x128xi32, #tpu.memory_space<vmem>>
      %dma_wait3A_385 = tpu.memref_squeeze %dma_wait3A_384 : memref<1x128xi32, #tpu.memory_space<vmem>> -> memref<128xi32, #tpu.memory_space<vmem>>
      %dma_wait3A_386 = arith.constant 0 : i32
      %dma_wait3A_387 = tpu.memref_slice %arg2[%shift_right_logical3A_143, %and3A_141, %and3A_145, %dma_wait3A_386] : memref<7x128x8x128xi32, #tpu.memory_space<hbm>> -> memref<1x1x1x128xi32, #tpu.memory_space<hbm>>
      %dma_wait3A_388 = tpu.memref_squeeze %dma_wait3A_387 : memref<1x1x1x128xi32, #tpu.memory_space<hbm>> -> memref<128xi32, #tpu.memory_space<hbm>>
      tpu.wait_dma2 semaphore(%run_scoped3A_364 : memref<!tpu.dma_semaphore, #tpu.memory_space<semaphore_mem>>) src(%dma_wait3A_388 : memref<128xi32, #tpu.memory_space<hbm>>) dst(%dma_wait3A_385 : memref<128xi32, #tpu.memory_space<vmem>>)
      tpu.yield
    }) : () -> ()
    %add3A_147 = arith.constant 3 : i32
    %add3A_148 = arith.addi %add3A_113, %add3A_147 : i32
    %shift_right_logical3A_149 = arith.constant 7 : i32
    %shift_right_logical3A_150 = arith.shrui %add3A_148, %shift_right_logical3A_149 : i32
    %and3A_151 = arith.constant 127 : i32
    %and3A_152 = arith.andi %add3A_148, %and3A_151 : i32
    %shift_right_logical3A_153 = arith.constant 3 : i32
    %shift_right_logical3A_154 = arith.shrui %shift_right_logical3A_150, %shift_right_logical3A_153 : i32
    %and3A_155 = arith.constant 7 : i32
    %and3A_156 = arith.andi %shift_right_logical3A_150, %and3A_155 : i32
    %run_scoped3A_157 = arith.constant 3 : i32
    "tpu.region"() ({
      %run_scoped3A_364 = tpu.sem_alloc : memref<!tpu.dma_semaphore, #tpu.memory_space<semaphore_mem>>
      %dma_start3A_365 = arith.constant 0 : i32
      %dma_start3A_366 = tpu.memref_slice %arg8[%run_scoped3A_157, %dma_start3A_365] : memref<4x128xi32, #tpu.memory_space<vmem>> -> memref<1x128xi32, #tpu.memory_space<vmem>>
      %dma_start3A_367 = tpu.memref_squeeze %dma_start3A_366 : memref<1x128xi32, #tpu.memory_space<vmem>> -> memref<128xi32, #tpu.memory_space<vmem>>
      %dma_start3A_368 = arith.constant 0 : i32
      %dma_start3A_369 = tpu.memref_slice %arg2[%shift_right_logical3A_154, %and3A_152, %and3A_156, %dma_start3A_368] : memref<7x128x8x128xi32, #tpu.memory_space<hbm>> -> memref<1x1x1x128xi32, #tpu.memory_space<hbm>>
      %dma_start3A_370 = tpu.memref_squeeze %dma_start3A_369 : memref<1x1x1x128xi32, #tpu.memory_space<hbm>> -> memref<128xi32, #tpu.memory_space<hbm>>
      %dma_start3A_371 = arith.constant 0 : i32
      %dma_start3A_372 = tpu.memref_slice %arg8[%run_scoped3A_157, %dma_start3A_371] : memref<4x128xi32, #tpu.memory_space<vmem>> -> memref<1x128xi32, #tpu.memory_space<vmem>>
      %dma_start3A_373 = tpu.memref_squeeze %dma_start3A_372 : memref<1x128xi32, #tpu.memory_space<vmem>> -> memref<128xi32, #tpu.memory_space<vmem>>
      %dma_start3A_374 = arith.constant 0 : i32
      %dma_start3A_375 = tpu.memref_slice %arg2[%shift_right_logical3A_154, %and3A_152, %and3A_156, %dma_start3A_374] : memref<7x128x8x128xi32, #tpu.memory_space<hbm>> -> memref<1x1x1x128xi32, #tpu.memory_space<hbm>>
      %dma_start3A_376 = tpu.memref_squeeze %dma_start3A_375 : memref<1x1x1x128xi32, #tpu.memory_space<hbm>> -> memref<128xi32, #tpu.memory_space<hbm>>
      tpu.enqueue_dma source(%dma_start3A_376 : memref<128xi32, #tpu.memory_space<hbm>>) target(%dma_start3A_373 : memref<128xi32, #tpu.memory_space<vmem>>) target_semaphore(%run_scoped3A_364 : memref<!tpu.dma_semaphore, #tpu.memory_space<semaphore_mem>>)
      %dma_wait3A_377 = arith.constant 0 : i32
      %dma_wait3A_378 = tpu.memref_slice %arg8[%run_scoped3A_157, %dma_wait3A_377] : memref<4x128xi32, #tpu.memory_space<vmem>> -> memref<1x128xi32, #tpu.memory_space<vmem>>
      %dma_wait3A_379 = tpu.memref_squeeze %dma_wait3A_378 : memref<1x128xi32, #tpu.memory_space<vmem>> -> memref<128xi32, #tpu.memory_space<vmem>>
      %dma_wait3A_380 = arith.constant 0 : i32
      %dma_wait3A_381 = tpu.memref_slice %arg2[%shift_right_logical3A_154, %and3A_152, %and3A_156, %dma_wait3A_380] : memref<7x128x8x128xi32, #tpu.memory_space<hbm>> -> memref<1x1x1x128xi32, #tpu.memory_space<hbm>>
      %dma_wait3A_382 = tpu.memref_squeeze %dma_wait3A_381 : memref<1x1x1x128xi32, #tpu.memory_space<hbm>> -> memref<128xi32, #tpu.memory_space<hbm>>
      %dma_wait3A_383 = arith.constant 0 : i32
      %dma_wait3A_384 = tpu.memref_slice %arg8[%run_scoped3A_157, %dma_wait3A_383] : memref<4x128xi32, #tpu.memory_space<vmem>> -> memref<1x128xi32, #tpu.memory_space<vmem>>
      %dma_wait3A_385 = tpu.memref_squeeze %dma_wait3A_384 : memref<1x128xi32, #tpu.memory_space<vmem>> -> memref<128xi32, #tpu.memory_space<vmem>>
      %dma_wait3A_386 = arith.constant 0 : i32
      %dma_wait3A_387 = tpu.memref_slice %arg2[%shift_right_logical3A_154, %and3A_152, %and3A_156, %dma_wait3A_386] : memref<7x128x8x128xi32, #tpu.memory_space<hbm>> -> memref<1x1x1x128xi32, #tpu.memory_space<hbm>>
      %dma_wait3A_388 = tpu.memref_squeeze %dma_wait3A_387 : memref<1x1x1x128xi32, #tpu.memory_space<hbm>> -> memref<128xi32, #tpu.memory_space<hbm>>
      tpu.wait_dma2 semaphore(%run_scoped3A_364 : memref<!tpu.dma_semaphore, #tpu.memory_space<semaphore_mem>>) src(%dma_wait3A_388 : memref<128xi32, #tpu.memory_space<hbm>>) dst(%dma_wait3A_385 : memref<128xi32, #tpu.memory_space<vmem>>)
      tpu.yield
    }) : () -> ()
    %dma_start3A_158 = arith.constant 0 : i32
    %dma_start3A_159 = arith.constant 0 : i32
    %dma_start3A_160 = arith.constant 0 : i32
    %dma_start3A_161 = tpu.memref_slice %arg10[%dma_start3A_159, %dma_start3A_160] : memref<512x32xf32, #tpu.memory_space<vmem>> -> memref<128x32xf32, #tpu.memory_space<vmem>>
    %dma_start3A_162 = arith.constant 0 : i32
    %dma_start3A_163 = tpu.memref_slice %arg8[%dma_start3A_158, %dma_start3A_162] : memref<4x128xi32, #tpu.memory_space<vmem>> -> memref<1x128xi32, #tpu.memory_space<vmem>>
    %dma_start3A_164 = tpu.memref_squeeze %dma_start3A_163 : memref<1x128xi32, #tpu.memory_space<vmem>> -> memref<128xi32, #tpu.memory_space<vmem>>
    %dma_start3A_165 = arith.constant 0 : i32
    %dma_start3A_166 = arith.constant 0 : i32
    %dma_start3A_167 = tpu.memref_slice %arg3[%dma_start3A_165, %dma_start3A_166] : memref<1000000x32xf32, #tpu.memory_space<hbm>> -> memref<1000000x32xf32, #tpu.memory_space<hbm>>
    tpu.enqueue_indirect_dma source(%dma_start3A_167 : memref<1000000x32xf32, #tpu.memory_space<hbm>>) target(%dma_start3A_161 : memref<128x32xf32, #tpu.memory_space<vmem>>) offsets(%dma_start3A_164 : memref<128xi32, #tpu.memory_space<vmem>>) semaphore(%arg14 : memref<!tpu.dma_semaphore, #tpu.memory_space<semaphore_mem>>)
    %dma_start3A_168 = arith.constant 1 : i32
    %dma_start3A_169 = arith.constant 128 : i32
    %dma_start3A_170 = arith.constant 0 : i32
    %dma_start3A_171 = tpu.memref_slice %arg10[%dma_start3A_169, %dma_start3A_170] : memref<512x32xf32, #tpu.memory_space<vmem>> -> memref<128x32xf32, #tpu.memory_space<vmem>>
    %dma_start3A_172 = arith.constant 0 : i32
    %dma_start3A_173 = tpu.memref_slice %arg8[%dma_start3A_168, %dma_start3A_172] : memref<4x128xi32, #tpu.memory_space<vmem>> -> memref<1x128xi32, #tpu.memory_space<vmem>>
    %dma_start3A_174 = tpu.memref_squeeze %dma_start3A_173 : memref<1x128xi32, #tpu.memory_space<vmem>> -> memref<128xi32, #tpu.memory_space<vmem>>
    %dma_start3A_175 = arith.constant 0 : i32
    %dma_start3A_176 = arith.constant 0 : i32
    %dma_start3A_177 = tpu.memref_slice %arg3[%dma_start3A_175, %dma_start3A_176] : memref<1000000x32xf32, #tpu.memory_space<hbm>> -> memref<1000000x32xf32, #tpu.memory_space<hbm>>
    tpu.enqueue_indirect_dma source(%dma_start3A_177 : memref<1000000x32xf32, #tpu.memory_space<hbm>>) target(%dma_start3A_171 : memref<128x32xf32, #tpu.memory_space<vmem>>) offsets(%dma_start3A_174 : memref<128xi32, #tpu.memory_space<vmem>>) semaphore(%arg14 : memref<!tpu.dma_semaphore, #tpu.memory_space<semaphore_mem>>)
    %dma_start3A_178 = arith.constant 2 : i32
    %dma_start3A_179 = arith.constant 256 : i32
    %dma_start3A_180 = arith.constant 0 : i32
    %dma_start3A_181 = tpu.memref_slice %arg10[%dma_start3A_179, %dma_start3A_180] : memref<512x32xf32, #tpu.memory_space<vmem>> -> memref<128x32xf32, #tpu.memory_space<vmem>>
    %dma_start3A_182 = arith.constant 0 : i32
    %dma_start3A_183 = tpu.memref_slice %arg8[%dma_start3A_178, %dma_start3A_182] : memref<4x128xi32, #tpu.memory_space<vmem>> -> memref<1x128xi32, #tpu.memory_space<vmem>>
    %dma_start3A_184 = tpu.memref_squeeze %dma_start3A_183 : memref<1x128xi32, #tpu.memory_space<vmem>> -> memref<128xi32, #tpu.memory_space<vmem>>
    %dma_start3A_185 = arith.constant 0 : i32
    %dma_start3A_186 = arith.constant 0 : i32
    %dma_start3A_187 = tpu.memref_slice %arg3[%dma_start3A_185, %dma_start3A_186] : memref<1000000x32xf32, #tpu.memory_space<hbm>> -> memref<1000000x32xf32, #tpu.memory_space<hbm>>
    tpu.enqueue_indirect_dma source(%dma_start3A_187 : memref<1000000x32xf32, #tpu.memory_space<hbm>>) target(%dma_start3A_181 : memref<128x32xf32, #tpu.memory_space<vmem>>) offsets(%dma_start3A_184 : memref<128xi32, #tpu.memory_space<vmem>>) semaphore(%arg14 : memref<!tpu.dma_semaphore, #tpu.memory_space<semaphore_mem>>)
    %dma_start3A_188 = arith.constant 3 : i32
    %dma_start3A_189 = arith.constant 384 : i32
    %dma_start3A_190 = arith.constant 0 : i32
    %dma_start3A_191 = tpu.memref_slice %arg10[%dma_start3A_189, %dma_start3A_190] : memref<512x32xf32, #tpu.memory_space<vmem>> -> memref<128x32xf32, #tpu.memory_space<vmem>>
    %dma_start3A_192 = arith.constant 0 : i32
    %dma_start3A_193 = tpu.memref_slice %arg8[%dma_start3A_188, %dma_start3A_192] : memref<4x128xi32, #tpu.memory_space<vmem>> -> memref<1x128xi32, #tpu.memory_space<vmem>>
    %dma_start3A_194 = tpu.memref_squeeze %dma_start3A_193 : memref<1x128xi32, #tpu.memory_space<vmem>> -> memref<128xi32, #tpu.memory_space<vmem>>
    %dma_start3A_195 = arith.constant 0 : i32
    %dma_start3A_196 = arith.constant 0 : i32
    %dma_start3A_197 = tpu.memref_slice %arg3[%dma_start3A_195, %dma_start3A_196] : memref<1000000x32xf32, #tpu.memory_space<hbm>> -> memref<1000000x32xf32, #tpu.memory_space<hbm>>
    tpu.enqueue_indirect_dma source(%dma_start3A_197 : memref<1000000x32xf32, #tpu.memory_space<hbm>>) target(%dma_start3A_191 : memref<128x32xf32, #tpu.memory_space<vmem>>) offsets(%dma_start3A_194 : memref<128xi32, #tpu.memory_space<vmem>>) semaphore(%arg14 : memref<!tpu.dma_semaphore, #tpu.memory_space<semaphore_mem>>)
    %dma_wait3A = arith.constant 0 : i32
    %dma_wait3A_198 = arith.constant 0 : i32
    %dma_wait3A_199 = arith.constant 0 : i32
    %dma_wait3A_200 = tpu.memref_slice %arg9[%dma_wait3A_198, %dma_wait3A_199] : memref<512x32xf32, #tpu.memory_space<vmem>> -> memref<128x32xf32, #tpu.memory_space<vmem>>
    %dma_wait3A_201 = arith.constant 0 : i32
    %dma_wait3A_202 = tpu.memref_slice %arg7[%dma_wait3A, %dma_wait3A_201] : memref<4x128xi32, #tpu.memory_space<vmem>> -> memref<1x128xi32, #tpu.memory_space<vmem>>
    %dma_wait3A_203 = tpu.memref_squeeze %dma_wait3A_202 : memref<1x128xi32, #tpu.memory_space<vmem>> -> memref<128xi32, #tpu.memory_space<vmem>>
    %dma_wait3A_204 = arith.constant 0 : i32
    %dma_wait3A_205 = arith.constant 0 : i32
    %dma_wait3A_206 = tpu.memref_slice %arg3[%dma_wait3A_204, %dma_wait3A_205] : memref<1000000x32xf32, #tpu.memory_space<hbm>> -> memref<1000000x32xf32, #tpu.memory_space<hbm>>
    tpu.wait_indirect_dma semaphore(%arg13 : memref<!tpu.dma_semaphore, #tpu.memory_space<semaphore_mem>>) src(%dma_wait3A_206 : memref<1000000x32xf32, #tpu.memory_space<hbm>>) dst(%dma_wait3A_200 : memref<128x32xf32, #tpu.memory_space<vmem>>)
    %dma_wait3A_207 = arith.constant 1 : i32
    %dma_wait3A_208 = arith.constant 128 : i32
    %dma_wait3A_209 = arith.constant 0 : i32
    %dma_wait3A_210 = tpu.memref_slice %arg9[%dma_wait3A_208, %dma_wait3A_209] : memref<512x32xf32, #tpu.memory_space<vmem>> -> memref<128x32xf32, #tpu.memory_space<vmem>>
    %dma_wait3A_211 = arith.constant 0 : i32
    %dma_wait3A_212 = tpu.memref_slice %arg7[%dma_wait3A_207, %dma_wait3A_211] : memref<4x128xi32, #tpu.memory_space<vmem>> -> memref<1x128xi32, #tpu.memory_space<vmem>>
    %dma_wait3A_213 = tpu.memref_squeeze %dma_wait3A_212 : memref<1x128xi32, #tpu.memory_space<vmem>> -> memref<128xi32, #tpu.memory_space<vmem>>
    %dma_wait3A_214 = arith.constant 0 : i32
    %dma_wait3A_215 = arith.constant 0 : i32
    %dma_wait3A_216 = tpu.memref_slice %arg3[%dma_wait3A_214, %dma_wait3A_215] : memref<1000000x32xf32, #tpu.memory_space<hbm>> -> memref<1000000x32xf32, #tpu.memory_space<hbm>>
    tpu.wait_indirect_dma semaphore(%arg13 : memref<!tpu.dma_semaphore, #tpu.memory_space<semaphore_mem>>) src(%dma_wait3A_216 : memref<1000000x32xf32, #tpu.memory_space<hbm>>) dst(%dma_wait3A_210 : memref<128x32xf32, #tpu.memory_space<vmem>>)
    %dma_wait3A_217 = arith.constant 2 : i32
    %dma_wait3A_218 = arith.constant 256 : i32
    %dma_wait3A_219 = arith.constant 0 : i32
    %dma_wait3A_220 = tpu.memref_slice %arg9[%dma_wait3A_218, %dma_wait3A_219] : memref<512x32xf32, #tpu.memory_space<vmem>> -> memref<128x32xf32, #tpu.memory_space<vmem>>
    %dma_wait3A_221 = arith.constant 0 : i32
    %dma_wait3A_222 = tpu.memref_slice %arg7[%dma_wait3A_217, %dma_wait3A_221] : memref<4x128xi32, #tpu.memory_space<vmem>> -> memref<1x128xi32, #tpu.memory_space<vmem>>
    %dma_wait3A_223 = tpu.memref_squeeze %dma_wait3A_222 : memref<1x128xi32, #tpu.memory_space<vmem>> -> memref<128xi32, #tpu.memory_space<vmem>>
    %dma_wait3A_224 = arith.constant 0 : i32
    %dma_wait3A_225 = arith.constant 0 : i32
    %dma_wait3A_226 = tpu.memref_slice %arg3[%dma_wait3A_224, %dma_wait3A_225] : memref<1000000x32xf32, #tpu.memory_space<hbm>> -> memref<1000000x32xf32, #tpu.memory_space<hbm>>
    tpu.wait_indirect_dma semaphore(%arg13 : memref<!tpu.dma_semaphore, #tpu.memory_space<semaphore_mem>>) src(%dma_wait3A_226 : memref<1000000x32xf32, #tpu.memory_space<hbm>>) dst(%dma_wait3A_220 : memref<128x32xf32, #tpu.memory_space<vmem>>)
    %dma_wait3A_227 = arith.constant 3 : i32
    %dma_wait3A_228 = arith.constant 384 : i32
    %dma_wait3A_229 = arith.constant 0 : i32
    %dma_wait3A_230 = tpu.memref_slice %arg9[%dma_wait3A_228, %dma_wait3A_229] : memref<512x32xf32, #tpu.memory_space<vmem>> -> memref<128x32xf32, #tpu.memory_space<vmem>>
    %dma_wait3A_231 = arith.constant 0 : i32
    %dma_wait3A_232 = tpu.memref_slice %arg7[%dma_wait3A_227, %dma_wait3A_231] : memref<4x128xi32, #tpu.memory_space<vmem>> -> memref<1x128xi32, #tpu.memory_space<vmem>>
    %dma_wait3A_233 = tpu.memref_squeeze %dma_wait3A_232 : memref<1x128xi32, #tpu.memory_space<vmem>> -> memref<128xi32, #tpu.memory_space<vmem>>
    %dma_wait3A_234 = arith.constant 0 : i32
    %dma_wait3A_235 = arith.constant 0 : i32
    %dma_wait3A_236 = tpu.memref_slice %arg3[%dma_wait3A_234, %dma_wait3A_235] : memref<1000000x32xf32, #tpu.memory_space<hbm>> -> memref<1000000x32xf32, #tpu.memory_space<hbm>>
    tpu.wait_indirect_dma semaphore(%arg13 : memref<!tpu.dma_semaphore, #tpu.memory_space<semaphore_mem>>) src(%dma_wait3A_236 : memref<1000000x32xf32, #tpu.memory_space<hbm>>) dst(%dma_wait3A_230 : memref<128x32xf32, #tpu.memory_space<vmem>>)
    %parallel_loop3A = arith.constant 0 : i32
    %parallel_loop3A_237 = arith.constant 512 : i32
    %parallel_loop3A_238 = arith.constant 1 : i32
    scf.for %parallel_loop3A_364 = %parallel_loop3A to %parallel_loop3A_237 step %parallel_loop3A_238  : i32 {
      %parallel_loop3A_365 = arith.index_cast %parallel_loop3A_364 : i32 to index
      %parallel_loop3A_366 = arith.constant 0 : index
      %parallel_loop3A_367 = tpu.vector_load %arg9[%parallel_loop3A_365, %parallel_loop3A_366] {strides = array<i32>} : memref<512x32xf32, #tpu.memory_space<vmem>>, vector<1x16xf32>,
      %parallel_loop3A_368 = vector.shape_cast %parallel_loop3A_367 : vector<1x16xf32> to vector<16xf32>
      %parallel_loop3A_369 = arith.index_cast %parallel_loop3A_364 : i32 to index
      %parallel_loop3A_370 = arith.constant 16 : index
      %parallel_loop3A_371 = tpu.vector_load %arg9[%parallel_loop3A_369, %parallel_loop3A_370] {strides = array<i32>} : memref<512x32xf32, #tpu.memory_space<vmem>>, vector<1x16xf32>,
      %parallel_loop3A_372 = vector.shape_cast %parallel_loop3A_371 : vector<1x16xf32> to vector<16xf32>
      %parallel_loop3A_373 = arith.addf %parallel_loop3A_368, %parallel_loop3A_372 : vector<16xf32>
      %parallel_loop3A_374 = vector.shape_cast %xor3A_13 : vector<16xi32> to vector<16x1xi32>
      %parallel_loop3A_375 = vector.shape_cast %parallel_loop3A_374 : vector<16x1xi32> to vector<16xi32>
      %parallel_loop3A_376 = tpu.dynamic_gather %parallel_loop3A_373[%parallel_loop3A_375] in [0] : vector<16xf32>, vector<16xi32> -> vector<16xf32>
      %parallel_loop3A_377 = arith.addf %parallel_loop3A_373, %parallel_loop3A_376 : vector<16xf32>
      %parallel_loop3A_378 = vector.shape_cast %xor3A_16 : vector<16xi32> to vector<16x1xi32>
      %parallel_loop3A_379 = vector.shape_cast %parallel_loop3A_378 : vector<16x1xi32> to vector<16xi32>
      %parallel_loop3A_380 = tpu.dynamic_gather %parallel_loop3A_377[%parallel_loop3A_379] in [0] : vector<16xf32>, vector<16xi32> -> vector<16xf32>
      %parallel_loop3A_381 = arith.addf %parallel_loop3A_377, %parallel_loop3A_380 : vector<16xf32>
      %parallel_loop3A_382 = vector.shape_cast %xor3A_19 : vector<16xi32> to vector<16x1xi32>
      %parallel_loop3A_383 = vector.shape_cast %parallel_loop3A_382 : vector<16x1xi32> to vector<16xi32>
      %parallel_loop3A_384 = tpu.dynamic_gather %parallel_loop3A_381[%parallel_loop3A_383] in [0] : vector<16xf32>, vector<16xi32> -> vector<16xf32>
      %parallel_loop3A_385 = arith.addf %parallel_loop3A_381, %parallel_loop3A_384 : vector<16xf32>
      %parallel_loop3A_386 = vector.shape_cast %xor3A_22 : vector<16xi32> to vector<16x1xi32>
      %parallel_loop3A_387 = vector.shape_cast %parallel_loop3A_386 : vector<16x1xi32> to vector<16xi32>
      %parallel_loop3A_388 = tpu.dynamic_gather %parallel_loop3A_385[%parallel_loop3A_387] in [0] : vector<16xf32>, vector<16xi32> -> vector<16xf32>
      %parallel_loop3A_389 = arith.addf %parallel_loop3A_385, %parallel_loop3A_388 : vector<16xf32>
      %parallel_loop3A_390 = arith.mulf %parallel_loop3A_368, %parallel_loop3A_368 : vector<16xf32>
      %parallel_loop3A_391 = arith.mulf %parallel_loop3A_372, %parallel_loop3A_372 : vector<16xf32>
      %parallel_loop3A_392 = arith.addf %parallel_loop3A_390, %parallel_loop3A_391 : vector<16xf32>
      %parallel_loop3A_393 = vector.shape_cast %xor3A_13 : vector<16xi32> to vector<16x1xi32>
      %parallel_loop3A_394 = vector.shape_cast %parallel_loop3A_393 : vector<16x1xi32> to vector<16xi32>
      %parallel_loop3A_395 = tpu.dynamic_gather %parallel_loop3A_392[%parallel_loop3A_394] in [0] : vector<16xf32>, vector<16xi32> -> vector<16xf32>
      %parallel_loop3A_396 = arith.addf %parallel_loop3A_392, %parallel_loop3A_395 : vector<16xf32>
      %parallel_loop3A_397 = vector.shape_cast %xor3A_16 : vector<16xi32> to vector<16x1xi32>
      %parallel_loop3A_398 = vector.shape_cast %parallel_loop3A_397 : vector<16x1xi32> to vector<16xi32>
      %parallel_loop3A_399 = tpu.dynamic_gather %parallel_loop3A_396[%parallel_loop3A_398] in [0] : vector<16xf32>, vector<16xi32> -> vector<16xf32>
      %parallel_loop3A_400 = arith.addf %parallel_loop3A_396, %parallel_loop3A_399 : vector<16xf32>
      %parallel_loop3A_401 = vector.shape_cast %xor3A_19 : vector<16xi32> to vector<16x1xi32>
      %parallel_loop3A_402 = vector.shape_cast %parallel_loop3A_401 : vector<16x1xi32> to vector<16xi32>
      %parallel_loop3A_403 = tpu.dynamic_gather %parallel_loop3A_400[%parallel_loop3A_402] in [0] : vector<16xf32>, vector<16xi32> -> vector<16xf32>
      %parallel_loop3A_404 = arith.addf %parallel_loop3A_400, %parallel_loop3A_403 : vector<16xf32>
      %parallel_loop3A_405 = vector.shape_cast %xor3A_22 : vector<16xi32> to vector<16x1xi32>
      %parallel_loop3A_406 = vector.shape_cast %parallel_loop3A_405 : vector<16x1xi32> to vector<16xi32>
      %parallel_loop3A_407 = tpu.dynamic_gather %parallel_loop3A_404[%parallel_loop3A_406] in [0] : vector<16xf32>, vector<16xi32> -> vector<16xf32>
      %parallel_loop3A_408 = arith.addf %parallel_loop3A_404, %parallel_loop3A_407 : vector<16xf32>
      %parallel_loop3A_409 = arith.constant 3.125000e-02 : f32
      %parallel_loop3A_410 = vector.broadcast %parallel_loop3A_409 : f32 to vector<16xf32>
      %parallel_loop3A_411 = arith.mulf %parallel_loop3A_389, %parallel_loop3A_410 : vector<16xf32>
      %parallel_loop3A_412 = arith.constant 3.125000e-02 : f32
      %parallel_loop3A_413 = vector.broadcast %parallel_loop3A_412 : f32 to vector<16xf32>
      %parallel_loop3A_414 = arith.mulf %parallel_loop3A_408, %parallel_loop3A_413 : vector<16xf32>
      %parallel_loop3A_415 = arith.mulf %parallel_loop3A_411, %parallel_loop3A_411 : vector<16xf32>
      %parallel_loop3A_416 = arith.subf %parallel_loop3A_414, %parallel_loop3A_415 : vector<16xf32>
      %parallel_loop3A_417 = arith.constant 0.000000e+00 : f32
      %parallel_loop3A_418 = vector.broadcast %parallel_loop3A_417 : f32 to vector<16xf32>
      %parallel_loop3A_419 = arith.maximumf %parallel_loop3A_416, %parallel_loop3A_418 : vector<16xf32>
      %parallel_loop3A_420 = arith.constant 9.99999974E-6 : f32
      %parallel_loop3A_421 = vector.broadcast %parallel_loop3A_420 : f32 to vector<16xf32>
      %parallel_loop3A_422 = arith.addf %parallel_loop3A_419, %parallel_loop3A_421 : vector<16xf32>
      %parallel_loop3A_423 = tpu.bitcast %parallel_loop3A_422 : vector<16xf32> -> vector<16xi32>
      %parallel_loop3A_424 = arith.constant 1 : i32
      %parallel_loop3A_425 = vector.broadcast %parallel_loop3A_424 : i32 to vector<16xi32>
      %parallel_loop3A_426 = arith.shrui %parallel_loop3A_423, %parallel_loop3A_425 : vector<16xi32>
      %parallel_loop3A_427 = arith.constant 1597463007 : i32
      %parallel_loop3A_428 = vector.broadcast %parallel_loop3A_427 : i32 to vector<16xi32>
      %parallel_loop3A_429 = arith.subi %parallel_loop3A_428, %parallel_loop3A_426 : vector<16xi32>
      %parallel_loop3A_430 = tpu.bitcast %parallel_loop3A_429 : vector<16xi32> -> vector<16xf32>
      %parallel_loop3A_431 = arith.constant 5.000000e-01 : f32
      %parallel_loop3A_432 = vector.broadcast %parallel_loop3A_431 : f32 to vector<16xf32>
      %parallel_loop3A_433 = arith.mulf %parallel_loop3A_432, %parallel_loop3A_422 : vector<16xf32>
      %parallel_loop3A_434 = arith.mulf %parallel_loop3A_433, %parallel_loop3A_430 : vector<16xf32>
      %parallel_loop3A_435 = arith.mulf %parallel_loop3A_434, %parallel_loop3A_430 : vector<16xf32>
      %parallel_loop3A_436 = arith.constant 1.500000e+00 : f32
      %parallel_loop3A_437 = vector.broadcast %parallel_loop3A_436 : f32 to vector<16xf32>
      %parallel_loop3A_438 = arith.subf %parallel_loop3A_437, %parallel_loop3A_435 : vector<16xf32>
      %parallel_loop3A_439 = arith.mulf %parallel_loop3A_430, %parallel_loop3A_438 : vector<16xf32>
      %parallel_loop3A_440 = arith.constant 5.000000e-01 : f32
      %parallel_loop3A_441 = vector.broadcast %parallel_loop3A_440 : f32 to vector<16xf32>
      %parallel_loop3A_442 = arith.mulf %parallel_loop3A_441, %parallel_loop3A_422 : vector<16xf32>
      %parallel_loop3A_443 = arith.mulf %parallel_loop3A_442, %parallel_loop3A_439 : vector<16xf32>
      %parallel_loop3A_444 = arith.mulf %parallel_loop3A_443, %parallel_loop3A_439 : vector<16xf32>
      %parallel_loop3A_445 = arith.constant 1.500000e+00 : f32
      %parallel_loop3A_446 = vector.broadcast %parallel_loop3A_445 : f32 to vector<16xf32>
      %parallel_loop3A_447 = arith.subf %parallel_loop3A_446, %parallel_loop3A_444 : vector<16xf32>
      %parallel_loop3A_448 = arith.mulf %parallel_loop3A_439, %parallel_loop3A_447 : vector<16xf32>
      %parallel_loop3A_449 = arith.constant 5.000000e-01 : f32
      %parallel_loop3A_450 = vector.broadcast %parallel_loop3A_449 : f32 to vector<16xf32>
      %parallel_loop3A_451 = arith.mulf %parallel_loop3A_450, %parallel_loop3A_422 : vector<16xf32>
      %parallel_loop3A_452 = arith.mulf %parallel_loop3A_451, %parallel_loop3A_448 : vector<16xf32>
      %parallel_loop3A_453 = arith.mulf %parallel_loop3A_452, %parallel_loop3A_448 : vector<16xf32>
      %parallel_loop3A_454 = arith.constant 1.500000e+00 : f32
      %parallel_loop3A_455 = vector.broadcast %parallel_loop3A_454 : f32 to vector<16xf32>
      %parallel_loop3A_456 = arith.subf %parallel_loop3A_455, %parallel_loop3A_453 : vector<16xf32>
      %parallel_loop3A_457 = arith.mulf %parallel_loop3A_448, %parallel_loop3A_456 : vector<16xf32>
      %parallel_loop3A_458 = arith.subf %parallel_loop3A_368, %parallel_loop3A_411 : vector<16xf32>
      %parallel_loop3A_459 = arith.mulf %parallel_loop3A_457, %get3A_2 : vector<16xf32>
      %parallel_loop3A_460 = arith.mulf %parallel_loop3A_458, %parallel_loop3A_459 : vector<16xf32>
      %parallel_loop3A_461 = arith.addf %parallel_loop3A_460, %get3A_8 : vector<16xf32>
      %parallel_loop3A_462 = arith.index_cast %parallel_loop3A_364 : i32 to index
      %parallel_loop3A_463 = arith.constant 0 : index
      %parallel_loop3A_464 = tpu.vector_load %arg9[%parallel_loop3A_462, %parallel_loop3A_463] {strides = array<i32>} : memref<512x32xf32, #tpu.memory_space<vmem>>, vector<1x16xf32>,
      %parallel_loop3A_465 = vector.shape_cast %parallel_loop3A_464 : vector<1x16xf32> to vector<16xf32>
      %parallel_loop3A_466 = vector.shape_cast %parallel_loop3A_461 : vector<16xf32> to vector<1x16xf32>
      tpu.vector_store %arg9[%parallel_loop3A_462, %parallel_loop3A_463], %parallel_loop3A_466 {strides = array<i32>} : memref<512x32xf32, #tpu.memory_space<vmem>>, vector<1x16xf32>,
      %parallel_loop3A_467 = arith.subf %parallel_loop3A_372, %parallel_loop3A_411 : vector<16xf32>
      %parallel_loop3A_468 = arith.mulf %parallel_loop3A_457, %get3A_5 : vector<16xf32>
      %parallel_loop3A_469 = arith.mulf %parallel_loop3A_467, %parallel_loop3A_468 : vector<16xf32>
      %parallel_loop3A_470 = arith.addf %parallel_loop3A_469, %get3A_11 : vector<16xf32>
      %parallel_loop3A_471 = arith.index_cast %parallel_loop3A_364 : i32 to index
      %parallel_loop3A_472 = arith.constant 16 : index
      %parallel_loop3A_473 = tpu.vector_load %arg9[%parallel_loop3A_471, %parallel_loop3A_472] {strides = array<i32>} : memref<512x32xf32, #tpu.memory_space<vmem>>, vector<1x16xf32>,
      %parallel_loop3A_474 = vector.shape_cast %parallel_loop3A_473 : vector<1x16xf32> to vector<16xf32>
      %parallel_loop3A_475 = vector.shape_cast %parallel_loop3A_470 : vector<16xf32> to vector<1x16xf32>
      tpu.vector_store %arg9[%parallel_loop3A_471, %parallel_loop3A_472], %parallel_loop3A_475 {strides = array<i32>} : memref<512x32xf32, #tpu.memory_space<vmem>>, vector<1x16xf32>,
    } {sc.loop_unroll_factor = 8 : i64, sc.parallel_access}
    %add3A_239 = arith.constant 0 : i32
    %add3A_240 = arith.addi %add3A_111, %add3A_239 : i32
    %shift_right_logical3A_241 = arith.constant 7 : i32
    %shift_right_logical3A_242 = arith.shrui %add3A_240, %shift_right_logical3A_241 : i32
    %and3A_243 = arith.constant 127 : i32
    %and3A_244 = arith.andi %add3A_240, %and3A_243 : i32
    %mul3A_245 = arith.constant 128 : i32
    %mul3A_246 = arith.muli %and3A_244, %mul3A_245 : i32
    %mul3A_247 = arith.constant 32 : i32
    %mul3A_248 = arith.muli %shift_right_logical3A_242, %mul3A_247 : i32
    "tpu.region"() ({
      %run_scoped3A_364 = tpu.sem_alloc : memref<!tpu.dma_semaphore, #tpu.memory_space<semaphore_mem>>
      %dma_start3A_365 = arith.constant 0 : i32
      %dma_start3A_366 = arith.constant 0 : i32
      %dma_start3A_367 = tpu.memref_slice %arg9[%dma_start3A_365, %dma_start3A_366] : memref<512x32xf32, #tpu.memory_space<vmem>> -> memref<128x32xf32, #tpu.memory_space<vmem>>
      %dma_start3A_368 = tpu.memref_slice %arg6[%mul3A_246, %mul3A_248] : memref<16384x1600xf32, #tpu.memory_space<hbm>> -> memref<128x32xf32, #tpu.memory_space<hbm>>
      %dma_start3A_369 = tpu.memref_slice %arg6[%mul3A_246, %mul3A_248] : memref<16384x1600xf32, #tpu.memory_space<hbm>> -> memref<128x32xf32, #tpu.memory_space<hbm>>
      %dma_start3A_370 = arith.constant 0 : i32
      %dma_start3A_371 = arith.constant 0 : i32
      %dma_start3A_372 = tpu.memref_slice %arg9[%dma_start3A_370, %dma_start3A_371] : memref<512x32xf32, #tpu.memory_space<vmem>> -> memref<128x32xf32, #tpu.memory_space<vmem>>
      tpu.enqueue_dma source(%dma_start3A_372 : memref<128x32xf32, #tpu.memory_space<vmem>>) target(%dma_start3A_369 : memref<128x32xf32, #tpu.memory_space<hbm>>) target_semaphore(%run_scoped3A_364 : memref<!tpu.dma_semaphore, #tpu.memory_space<semaphore_mem>>)
      %dma_wait3A_373 = arith.constant 0 : i32
      %dma_wait3A_374 = arith.constant 0 : i32
      %dma_wait3A_375 = tpu.memref_slice %arg9[%dma_wait3A_373, %dma_wait3A_374] : memref<512x32xf32, #tpu.memory_space<vmem>> -> memref<128x32xf32, #tpu.memory_space<vmem>>
      %dma_wait3A_376 = tpu.memref_slice %arg6[%mul3A_246, %mul3A_248] : memref<16384x1600xf32, #tpu.memory_space<hbm>> -> memref<128x32xf32, #tpu.memory_space<hbm>>
      %dma_wait3A_377 = tpu.memref_slice %arg6[%mul3A_246, %mul3A_248] : memref<16384x1600xf32, #tpu.memory_space<hbm>> -> memref<128x32xf32, #tpu.memory_space<hbm>>
      %dma_wait3A_378 = arith.constant 0 : i32
      %dma_wait3A_379 = arith.constant 0 : i32
      %dma_wait3A_380 = tpu.memref_slice %arg9[%dma_wait3A_378, %dma_wait3A_379] : memref<512x32xf32, #tpu.memory_space<vmem>> -> memref<128x32xf32, #tpu.memory_space<vmem>>
      tpu.wait_dma2 semaphore(%run_scoped3A_364 : memref<!tpu.dma_semaphore, #tpu.memory_space<semaphore_mem>>) src(%dma_wait3A_380 : memref<128x32xf32, #tpu.memory_space<vmem>>) dst(%dma_wait3A_377 : memref<128x32xf32, #tpu.memory_space<hbm>>)
      tpu.yield
    }) : () -> ()
    %add3A_249 = arith.constant 1 : i32
    %add3A_250 = arith.addi %add3A_111, %add3A_249 : i32
    %shift_right_logical3A_251 = arith.constant 7 : i32
    %shift_right_logical3A_252 = arith.shrui %add3A_250, %shift_right_logical3A_251 : i32
    %and3A_253 = arith.constant 127 : i32
    %and3A_254 = arith.andi %add3A_250, %and3A_253 : i32
    %mul3A_255 = arith.constant 128 : i32
    %mul3A_256 = arith.muli %and3A_254, %mul3A_255 : i32
    %mul3A_257 = arith.constant 32 : i32
    %mul3A_258 = arith.muli %shift_right_logical3A_252, %mul3A_257 : i32
    "tpu.region"() ({
      %run_scoped3A_364 = tpu.sem_alloc : memref<!tpu.dma_semaphore, #tpu.memory_space<semaphore_mem>>
      %dma_start3A_365 = arith.constant 128 : i32
      %dma_start3A_366 = arith.constant 0 : i32
      %dma_start3A_367 = tpu.memref_slice %arg9[%dma_start3A_365, %dma_start3A_366] : memref<512x32xf32, #tpu.memory_space<vmem>> -> memref<128x32xf32, #tpu.memory_space<vmem>>
      %dma_start3A_368 = tpu.memref_slice %arg6[%mul3A_256, %mul3A_258] : memref<16384x1600xf32, #tpu.memory_space<hbm>> -> memref<128x32xf32, #tpu.memory_space<hbm>>
      %dma_start3A_369 = tpu.memref_slice %arg6[%mul3A_256, %mul3A_258] : memref<16384x1600xf32, #tpu.memory_space<hbm>> -> memref<128x32xf32, #tpu.memory_space<hbm>>
      %dma_start3A_370 = arith.constant 128 : i32
      %dma_start3A_371 = arith.constant 0 : i32
      %dma_start3A_372 = tpu.memref_slice %arg9[%dma_start3A_370, %dma_start3A_371] : memref<512x32xf32, #tpu.memory_space<vmem>> -> memref<128x32xf32, #tpu.memory_space<vmem>>
      tpu.enqueue_dma source(%dma_start3A_372 : memref<128x32xf32, #tpu.memory_space<vmem>>) target(%dma_start3A_369 : memref<128x32xf32, #tpu.memory_space<hbm>>) target_semaphore(%run_scoped3A_364 : memref<!tpu.dma_semaphore, #tpu.memory_space<semaphore_mem>>)
      %dma_wait3A_373 = arith.constant 128 : i32
      %dma_wait3A_374 = arith.constant 0 : i32
      %dma_wait3A_375 = tpu.memref_slice %arg9[%dma_wait3A_373, %dma_wait3A_374] : memref<512x32xf32, #tpu.memory_space<vmem>> -> memref<128x32xf32, #tpu.memory_space<vmem>>
      %dma_wait3A_376 = tpu.memref_slice %arg6[%mul3A_256, %mul3A_258] : memref<16384x1600xf32, #tpu.memory_space<hbm>> -> memref<128x32xf32, #tpu.memory_space<hbm>>
      %dma_wait3A_377 = tpu.memref_slice %arg6[%mul3A_256, %mul3A_258] : memref<16384x1600xf32, #tpu.memory_space<hbm>> -> memref<128x32xf32, #tpu.memory_space<hbm>>
      %dma_wait3A_378 = arith.constant 128 : i32
      %dma_wait3A_379 = arith.constant 0 : i32
      %dma_wait3A_380 = tpu.memref_slice %arg9[%dma_wait3A_378, %dma_wait3A_379] : memref<512x32xf32, #tpu.memory_space<vmem>> -> memref<128x32xf32, #tpu.memory_space<vmem>>
      tpu.wait_dma2 semaphore(%run_scoped3A_364 : memref<!tpu.dma_semaphore, #tpu.memory_space<semaphore_mem>>) src(%dma_wait3A_380 : memref<128x32xf32, #tpu.memory_space<vmem>>) dst(%dma_wait3A_377 : memref<128x32xf32, #tpu.memory_space<hbm>>)
      tpu.yield
    }) : () -> ()
    %add3A_259 = arith.constant 2 : i32
    %add3A_260 = arith.addi %add3A_111, %add3A_259 : i32
    %shift_right_logical3A_261 = arith.constant 7 : i32
    %shift_right_logical3A_262 = arith.shrui %add3A_260, %shift_right_logical3A_261 : i32
    %and3A_263 = arith.constant 127 : i32
    %and3A_264 = arith.andi %add3A_260, %and3A_263 : i32
    %mul3A_265 = arith.constant 128 : i32
    %mul3A_266 = arith.muli %and3A_264, %mul3A_265 : i32
    %mul3A_267 = arith.constant 32 : i32
    %mul3A_268 = arith.muli %shift_right_logical3A_262, %mul3A_267 : i32
    "tpu.region"() ({
      %run_scoped3A_364 = tpu.sem_alloc : memref<!tpu.dma_semaphore, #tpu.memory_space<semaphore_mem>>
      %dma_start3A_365 = arith.constant 256 : i32
      %dma_start3A_366 = arith.constant 0 : i32
      %dma_start3A_367 = tpu.memref_slice %arg9[%dma_start3A_365, %dma_start3A_366] : memref<512x32xf32, #tpu.memory_space<vmem>> -> memref<128x32xf32, #tpu.memory_space<vmem>>
      %dma_start3A_368 = tpu.memref_slice %arg6[%mul3A_266, %mul3A_268] : memref<16384x1600xf32, #tpu.memory_space<hbm>> -> memref<128x32xf32, #tpu.memory_space<hbm>>
      %dma_start3A_369 = tpu.memref_slice %arg6[%mul3A_266, %mul3A_268] : memref<16384x1600xf32, #tpu.memory_space<hbm>> -> memref<128x32xf32, #tpu.memory_space<hbm>>
      %dma_start3A_370 = arith.constant 256 : i32
      %dma_start3A_371 = arith.constant 0 : i32
      %dma_start3A_372 = tpu.memref_slice %arg9[%dma_start3A_370, %dma_start3A_371] : memref<512x32xf32, #tpu.memory_space<vmem>> -> memref<128x32xf32, #tpu.memory_space<vmem>>
      tpu.enqueue_dma source(%dma_start3A_372 : memref<128x32xf32, #tpu.memory_space<vmem>>) target(%dma_start3A_369 : memref<128x32xf32, #tpu.memory_space<hbm>>) target_semaphore(%run_scoped3A_364 : memref<!tpu.dma_semaphore, #tpu.memory_space<semaphore_mem>>)
      %dma_wait3A_373 = arith.constant 256 : i32
      %dma_wait3A_374 = arith.constant 0 : i32
      %dma_wait3A_375 = tpu.memref_slice %arg9[%dma_wait3A_373, %dma_wait3A_374] : memref<512x32xf32, #tpu.memory_space<vmem>> -> memref<128x32xf32, #tpu.memory_space<vmem>>
      %dma_wait3A_376 = tpu.memref_slice %arg6[%mul3A_266, %mul3A_268] : memref<16384x1600xf32, #tpu.memory_space<hbm>> -> memref<128x32xf32, #tpu.memory_space<hbm>>
      %dma_wait3A_377 = tpu.memref_slice %arg6[%mul3A_266, %mul3A_268] : memref<16384x1600xf32, #tpu.memory_space<hbm>> -> memref<128x32xf32, #tpu.memory_space<hbm>>
      %dma_wait3A_378 = arith.constant 256 : i32
      %dma_wait3A_379 = arith.constant 0 : i32
      %dma_wait3A_380 = tpu.memref_slice %arg9[%dma_wait3A_378, %dma_wait3A_379] : memref<512x32xf32, #tpu.memory_space<vmem>> -> memref<128x32xf32, #tpu.memory_space<vmem>>
      tpu.wait_dma2 semaphore(%run_scoped3A_364 : memref<!tpu.dma_semaphore, #tpu.memory_space<semaphore_mem>>) src(%dma_wait3A_380 : memref<128x32xf32, #tpu.memory_space<vmem>>) dst(%dma_wait3A_377 : memref<128x32xf32, #tpu.memory_space<hbm>>)
      tpu.yield
    }) : () -> ()
    %add3A_269 = arith.constant 3 : i32
    %add3A_270 = arith.addi %add3A_111, %add3A_269 : i32
    %shift_right_logical3A_271 = arith.constant 7 : i32
    %shift_right_logical3A_272 = arith.shrui %add3A_270, %shift_right_logical3A_271 : i32
    %and3A_273 = arith.constant 127 : i32
    %and3A_274 = arith.andi %add3A_270, %and3A_273 : i32
    %mul3A_275 = arith.constant 128 : i32
    %mul3A_276 = arith.muli %and3A_274, %mul3A_275 : i32
    %mul3A_277 = arith.constant 32 : i32
    %mul3A_278 = arith.muli %shift_right_logical3A_272, %mul3A_277 : i32
    "tpu.region"() ({
      %run_scoped3A_364 = tpu.sem_alloc : memref<!tpu.dma_semaphore, #tpu.memory_space<semaphore_mem>>
      %dma_start3A_365 = arith.constant 384 : i32
      %dma_start3A_366 = arith.constant 0 : i32
      %dma_start3A_367 = tpu.memref_slice %arg9[%dma_start3A_365, %dma_start3A_366] : memref<512x32xf32, #tpu.memory_space<vmem>> -> memref<128x32xf32, #tpu.memory_space<vmem>>
      %dma_start3A_368 = tpu.memref_slice %arg6[%mul3A_276, %mul3A_278] : memref<16384x1600xf32, #tpu.memory_space<hbm>> -> memref<128x32xf32, #tpu.memory_space<hbm>>
      %dma_start3A_369 = tpu.memref_slice %arg6[%mul3A_276, %mul3A_278] : memref<16384x1600xf32, #tpu.memory_space<hbm>> -> memref<128x32xf32, #tpu.memory_space<hbm>>
      %dma_start3A_370 = arith.constant 384 : i32
      %dma_start3A_371 = arith.constant 0 : i32
      %dma_start3A_372 = tpu.memref_slice %arg9[%dma_start3A_370, %dma_start3A_371] : memref<512x32xf32, #tpu.memory_space<vmem>> -> memref<128x32xf32, #tpu.memory_space<vmem>>
      tpu.enqueue_dma source(%dma_start3A_372 : memref<128x32xf32, #tpu.memory_space<vmem>>) target(%dma_start3A_369 : memref<128x32xf32, #tpu.memory_space<hbm>>) target_semaphore(%run_scoped3A_364 : memref<!tpu.dma_semaphore, #tpu.memory_space<semaphore_mem>>)
      %dma_wait3A_373 = arith.constant 384 : i32
      %dma_wait3A_374 = arith.constant 0 : i32
      %dma_wait3A_375 = tpu.memref_slice %arg9[%dma_wait3A_373, %dma_wait3A_374] : memref<512x32xf32, #tpu.memory_space<vmem>> -> memref<128x32xf32, #tpu.memory_space<vmem>>
      %dma_wait3A_376 = tpu.memref_slice %arg6[%mul3A_276, %mul3A_278] : memref<16384x1600xf32, #tpu.memory_space<hbm>> -> memref<128x32xf32, #tpu.memory_space<hbm>>
      %dma_wait3A_377 = tpu.memref_slice %arg6[%mul3A_276, %mul3A_278] : memref<16384x1600xf32, #tpu.memory_space<hbm>> -> memref<128x32xf32, #tpu.memory_space<hbm>>
      %dma_wait3A_378 = arith.constant 384 : i32
      %dma_wait3A_379 = arith.constant 0 : i32
      %dma_wait3A_380 = tpu.memref_slice %arg9[%dma_wait3A_378, %dma_wait3A_379] : memref<512x32xf32, #tpu.memory_space<vmem>> -> memref<128x32xf32, #tpu.memory_space<vmem>>
      tpu.wait_dma2 semaphore(%run_scoped3A_364 : memref<!tpu.dma_semaphore, #tpu.memory_space<semaphore_mem>>) src(%dma_wait3A_380 : memref<128x32xf32, #tpu.memory_space<vmem>>) dst(%dma_wait3A_377 : memref<128x32xf32, #tpu.memory_space<hbm>>)
      tpu.yield
    }) : () -> ()
    %add3A_279 = arith.constant 4 : i32
    %add3A_280 = arith.addi %add3A_111, %add3A_279 : i32
    %dma_wait3A_281 = arith.constant 0 : i32
    %dma_wait3A_282 = arith.constant 0 : i32
    %dma_wait3A_283 = arith.constant 0 : i32
    %dma_wait3A_284 = tpu.memref_slice %arg10[%dma_wait3A_282, %dma_wait3A_283] : memref<512x32xf32, #tpu.memory_space<vmem>> -> memref<128x32xf32, #tpu.memory_space<vmem>>
    %dma_wait3A_285 = arith.constant 0 : i32
    %dma_wait3A_286 = tpu.memref_slice %arg8[%dma_wait3A_281, %dma_wait3A_285] : memref<4x128xi32, #tpu.memory_space<vmem>> -> memref<1x128xi32, #tpu.memory_space<vmem>>
    %dma_wait3A_287 = tpu.memref_squeeze %dma_wait3A_286 : memref<1x128xi32, #tpu.memory_space<vmem>> -> memref<128xi32, #tpu.memory_space<vmem>>
    %dma_wait3A_288 = arith.constant 0 : i32
    %dma_wait3A_289 = arith.constant 0 : i32
    %dma_wait3A_290 = tpu.memref_slice %arg3[%dma_wait3A_288, %dma_wait3A_289] : memref<1000000x32xf32, #tpu.memory_space<hbm>> -> memref<1000000x32xf32, #tpu.memory_space<hbm>>
    tpu.wait_indirect_dma semaphore(%arg14 : memref<!tpu.dma_semaphore, #tpu.memory_space<semaphore_mem>>) src(%dma_wait3A_290 : memref<1000000x32xf32, #tpu.memory_space<hbm>>) dst(%dma_wait3A_284 : memref<128x32xf32, #tpu.memory_space<vmem>>)
    %dma_wait3A_291 = arith.constant 1 : i32
    %dma_wait3A_292 = arith.constant 128 : i32
    %dma_wait3A_293 = arith.constant 0 : i32
    %dma_wait3A_294 = tpu.memref_slice %arg10[%dma_wait3A_292, %dma_wait3A_293] : memref<512x32xf32, #tpu.memory_space<vmem>> -> memref<128x32xf32, #tpu.memory_space<vmem>>
    %dma_wait3A_295 = arith.constant 0 : i32
    %dma_wait3A_296 = tpu.memref_slice %arg8[%dma_wait3A_291, %dma_wait3A_295] : memref<4x128xi32, #tpu.memory_space<vmem>> -> memref<1x128xi32, #tpu.memory_space<vmem>>
    %dma_wait3A_297 = tpu.memref_squeeze %dma_wait3A_296 : memref<1x128xi32, #tpu.memory_space<vmem>> -> memref<128xi32, #tpu.memory_space<vmem>>
    %dma_wait3A_298 = arith.constant 0 : i32
    %dma_wait3A_299 = arith.constant 0 : i32
    %dma_wait3A_300 = tpu.memref_slice %arg3[%dma_wait3A_298, %dma_wait3A_299] : memref<1000000x32xf32, #tpu.memory_space<hbm>> -> memref<1000000x32xf32, #tpu.memory_space<hbm>>
    tpu.wait_indirect_dma semaphore(%arg14 : memref<!tpu.dma_semaphore, #tpu.memory_space<semaphore_mem>>) src(%dma_wait3A_300 : memref<1000000x32xf32, #tpu.memory_space<hbm>>) dst(%dma_wait3A_294 : memref<128x32xf32, #tpu.memory_space<vmem>>)
    %dma_wait3A_301 = arith.constant 2 : i32
    %dma_wait3A_302 = arith.constant 256 : i32
    %dma_wait3A_303 = arith.constant 0 : i32
    %dma_wait3A_304 = tpu.memref_slice %arg10[%dma_wait3A_302, %dma_wait3A_303] : memref<512x32xf32, #tpu.memory_space<vmem>> -> memref<128x32xf32, #tpu.memory_space<vmem>>
    %dma_wait3A_305 = arith.constant 0 : i32
    %dma_wait3A_306 = tpu.memref_slice %arg8[%dma_wait3A_301, %dma_wait3A_305] : memref<4x128xi32, #tpu.memory_space<vmem>> -> memref<1x128xi32, #tpu.memory_space<vmem>>
    %dma_wait3A_307 = tpu.memref_squeeze %dma_wait3A_306 : memref<1x128xi32, #tpu.memory_space<vmem>> -> memref<128xi32, #tpu.memory_space<vmem>>
    %dma_wait3A_308 = arith.constant 0 : i32
    %dma_wait3A_309 = arith.constant 0 : i32
    %dma_wait3A_310 = tpu.memref_slice %arg3[%dma_wait3A_308, %dma_wait3A_309] : memref<1000000x32xf32, #tpu.memory_space<hbm>> -> memref<1000000x32xf32, #tpu.memory_space<hbm>>
    tpu.wait_indirect_dma semaphore(%arg14 : memref<!tpu.dma_semaphore, #tpu.memory_space<semaphore_mem>>) src(%dma_wait3A_310 : memref<1000000x32xf32, #tpu.memory_space<hbm>>) dst(%dma_wait3A_304 : memref<128x32xf32, #tpu.memory_space<vmem>>)
    %dma_wait3A_311 = arith.constant 3 : i32
    %dma_wait3A_312 = arith.constant 384 : i32
    %dma_wait3A_313 = arith.constant 0 : i32
    %dma_wait3A_314 = tpu.memref_slice %arg10[%dma_wait3A_312, %dma_wait3A_313] : memref<512x32xf32, #tpu.memory_space<vmem>> -> memref<128x32xf32, #tpu.memory_space<vmem>>
    %dma_wait3A_315 = arith.constant 0 : i32
    %dma_wait3A_316 = tpu.memref_slice %arg8[%dma_wait3A_311, %dma_wait3A_315] : memref<4x128xi32, #tpu.memory_space<vmem>> -> memref<1x128xi32, #tpu.memory_space<vmem>>
    %dma_wait3A_317 = tpu.memref_squeeze %dma_wait3A_316 : memref<1x128xi32, #tpu.memory_space<vmem>> -> memref<128xi32, #tpu.memory_space<vmem>>
    %dma_wait3A_318 = arith.constant 0 : i32
    %dma_wait3A_319 = arith.constant 0 : i32
    %dma_wait3A_320 = tpu.memref_slice %arg3[%dma_wait3A_318, %dma_wait3A_319] : memref<1000000x32xf32, #tpu.memory_space<hbm>> -> memref<1000000x32xf32, #tpu.memory_space<hbm>>
    tpu.wait_indirect_dma semaphore(%arg14 : memref<!tpu.dma_semaphore, #tpu.memory_space<semaphore_mem>>) src(%dma_wait3A_320 : memref<1000000x32xf32, #tpu.memory_space<hbm>>) dst(%dma_wait3A_314 : memref<128x32xf32, #tpu.memory_space<vmem>>)
    %parallel_loop3A_321 = arith.constant 0 : i32
    %parallel_loop3A_322 = arith.constant 512 : i32
    %parallel_loop3A_323 = arith.constant 1 : i32
    scf.for %parallel_loop3A_364 = %parallel_loop3A_321 to %parallel_loop3A_322 step %parallel_loop3A_323  : i32 {
      %parallel_loop3A_365 = arith.index_cast %parallel_loop3A_364 : i32 to index
      %parallel_loop3A_366 = arith.constant 0 : index
      %parallel_loop3A_367 = tpu.vector_load %arg10[%parallel_loop3A_365, %parallel_loop3A_366] {strides = array<i32>} : memref<512x32xf32, #tpu.memory_space<vmem>>, vector<1x16xf32>,
      %parallel_loop3A_368 = vector.shape_cast %parallel_loop3A_367 : vector<1x16xf32> to vector<16xf32>
      %parallel_loop3A_369 = arith.index_cast %parallel_loop3A_364 : i32 to index
      %parallel_loop3A_370 = arith.constant 16 : index
      %parallel_loop3A_371 = tpu.vector_load %arg10[%parallel_loop3A_369, %parallel_loop3A_370] {strides = array<i32>} : memref<512x32xf32, #tpu.memory_space<vmem>>, vector<1x16xf32>,
      %parallel_loop3A_372 = vector.shape_cast %parallel_loop3A_371 : vector<1x16xf32> to vector<16xf32>
      %parallel_loop3A_373 = arith.addf %parallel_loop3A_368, %parallel_loop3A_372 : vector<16xf32>
      %parallel_loop3A_374 = vector.shape_cast %xor3A_13 : vector<16xi32> to vector<16x1xi32>
      %parallel_loop3A_375 = vector.shape_cast %parallel_loop3A_374 : vector<16x1xi32> to vector<16xi32>
      %parallel_loop3A_376 = tpu.dynamic_gather %parallel_loop3A_373[%parallel_loop3A_375] in [0] : vector<16xf32>, vector<16xi32> -> vector<16xf32>
      %parallel_loop3A_377 = arith.addf %parallel_loop3A_373, %parallel_loop3A_376 : vector<16xf32>
      %parallel_loop3A_378 = vector.shape_cast %xor3A_16 : vector<16xi32> to vector<16x1xi32>
      %parallel_loop3A_379 = vector.shape_cast %parallel_loop3A_378 : vector<16x1xi32> to vector<16xi32>
      %parallel_loop3A_380 = tpu.dynamic_gather %parallel_loop3A_377[%parallel_loop3A_379] in [0] : vector<16xf32>, vector<16xi32> -> vector<16xf32>
      %parallel_loop3A_381 = arith.addf %parallel_loop3A_377, %parallel_loop3A_380 : vector<16xf32>
      %parallel_loop3A_382 = vector.shape_cast %xor3A_19 : vector<16xi32> to vector<16x1xi32>
      %parallel_loop3A_383 = vector.shape_cast %parallel_loop3A_382 : vector<16x1xi32> to vector<16xi32>
      %parallel_loop3A_384 = tpu.dynamic_gather %parallel_loop3A_381[%parallel_loop3A_383] in [0] : vector<16xf32>, vector<16xi32> -> vector<16xf32>
      %parallel_loop3A_385 = arith.addf %parallel_loop3A_381, %parallel_loop3A_384 : vector<16xf32>
      %parallel_loop3A_386 = vector.shape_cast %xor3A_22 : vector<16xi32> to vector<16x1xi32>
      %parallel_loop3A_387 = vector.shape_cast %parallel_loop3A_386 : vector<16x1xi32> to vector<16xi32>
      %parallel_loop3A_388 = tpu.dynamic_gather %parallel_loop3A_385[%parallel_loop3A_387] in [0] : vector<16xf32>, vector<16xi32> -> vector<16xf32>
      %parallel_loop3A_389 = arith.addf %parallel_loop3A_385, %parallel_loop3A_388 : vector<16xf32>
      %parallel_loop3A_390 = arith.mulf %parallel_loop3A_368, %parallel_loop3A_368 : vector<16xf32>
      %parallel_loop3A_391 = arith.mulf %parallel_loop3A_372, %parallel_loop3A_372 : vector<16xf32>
      %parallel_loop3A_392 = arith.addf %parallel_loop3A_390, %parallel_loop3A_391 : vector<16xf32>
      %parallel_loop3A_393 = vector.shape_cast %xor3A_13 : vector<16xi32> to vector<16x1xi32>
      %parallel_loop3A_394 = vector.shape_cast %parallel_loop3A_393 : vector<16x1xi32> to vector<16xi32>
      %parallel_loop3A_395 = tpu.dynamic_gather %parallel_loop3A_392[%parallel_loop3A_394] in [0] : vector<16xf32>, vector<16xi32> -> vector<16xf32>
      %parallel_loop3A_396 = arith.addf %parallel_loop3A_392, %parallel_loop3A_395 : vector<16xf32>
      %parallel_loop3A_397 = vector.shape_cast %xor3A_16 : vector<16xi32> to vector<16x1xi32>
      %parallel_loop3A_398 = vector.shape_cast %parallel_loop3A_397 : vector<16x1xi32> to vector<16xi32>
      %parallel_loop3A_399 = tpu.dynamic_gather %parallel_loop3A_396[%parallel_loop3A_398] in [0] : vector<16xf32>, vector<16xi32> -> vector<16xf32>
      %parallel_loop3A_400 = arith.addf %parallel_loop3A_396, %parallel_loop3A_399 : vector<16xf32>
      %parallel_loop3A_401 = vector.shape_cast %xor3A_19 : vector<16xi32> to vector<16x1xi32>
      %parallel_loop3A_402 = vector.shape_cast %parallel_loop3A_401 : vector<16x1xi32> to vector<16xi32>
      %parallel_loop3A_403 = tpu.dynamic_gather %parallel_loop3A_400[%parallel_loop3A_402] in [0] : vector<16xf32>, vector<16xi32> -> vector<16xf32>
      %parallel_loop3A_404 = arith.addf %parallel_loop3A_400, %parallel_loop3A_403 : vector<16xf32>
      %parallel_loop3A_405 = vector.shape_cast %xor3A_22 : vector<16xi32> to vector<16x1xi32>
      %parallel_loop3A_406 = vector.shape_cast %parallel_loop3A_405 : vector<16x1xi32> to vector<16xi32>
      %parallel_loop3A_407 = tpu.dynamic_gather %parallel_loop3A_404[%parallel_loop3A_406] in [0] : vector<16xf32>, vector<16xi32> -> vector<16xf32>
      %parallel_loop3A_408 = arith.addf %parallel_loop3A_404, %parallel_loop3A_407 : vector<16xf32>
      %parallel_loop3A_409 = arith.constant 3.125000e-02 : f32
      %parallel_loop3A_410 = vector.broadcast %parallel_loop3A_409 : f32 to vector<16xf32>
      %parallel_loop3A_411 = arith.mulf %parallel_loop3A_389, %parallel_loop3A_410 : vector<16xf32>
      %parallel_loop3A_412 = arith.constant 3.125000e-02 : f32
      %parallel_loop3A_413 = vector.broadcast %parallel_loop3A_412 : f32 to vector<16xf32>
      %parallel_loop3A_414 = arith.mulf %parallel_loop3A_408, %parallel_loop3A_413 : vector<16xf32>
      %parallel_loop3A_415 = arith.mulf %parallel_loop3A_411, %parallel_loop3A_411 : vector<16xf32>
      %parallel_loop3A_416 = arith.subf %parallel_loop3A_414, %parallel_loop3A_415 : vector<16xf32>
      %parallel_loop3A_417 = arith.constant 0.000000e+00 : f32
      %parallel_loop3A_418 = vector.broadcast %parallel_loop3A_417 : f32 to vector<16xf32>
      %parallel_loop3A_419 = arith.maximumf %parallel_loop3A_416, %parallel_loop3A_418 : vector<16xf32>
      %parallel_loop3A_420 = arith.constant 9.99999974E-6 : f32
      %parallel_loop3A_421 = vector.broadcast %parallel_loop3A_420 : f32 to vector<16xf32>
      %parallel_loop3A_422 = arith.addf %parallel_loop3A_419, %parallel_loop3A_421 : vector<16xf32>
      %parallel_loop3A_423 = tpu.bitcast %parallel_loop3A_422 : vector<16xf32> -> vector<16xi32>
      %parallel_loop3A_424 = arith.constant 1 : i32
      %parallel_loop3A_425 = vector.broadcast %parallel_loop3A_424 : i32 to vector<16xi32>
      %parallel_loop3A_426 = arith.shrui %parallel_loop3A_423, %parallel_loop3A_425 : vector<16xi32>
      %parallel_loop3A_427 = arith.constant 1597463007 : i32
      %parallel_loop3A_428 = vector.broadcast %parallel_loop3A_427 : i32 to vector<16xi32>
      %parallel_loop3A_429 = arith.subi %parallel_loop3A_428, %parallel_loop3A_426 : vector<16xi32>
      %parallel_loop3A_430 = tpu.bitcast %parallel_loop3A_429 : vector<16xi32> -> vector<16xf32>
      %parallel_loop3A_431 = arith.constant 5.000000e-01 : f32
      %parallel_loop3A_432 = vector.broadcast %parallel_loop3A_431 : f32 to vector<16xf32>
      %parallel_loop3A_433 = arith.mulf %parallel_loop3A_432, %parallel_loop3A_422 : vector<16xf32>
      %parallel_loop3A_434 = arith.mulf %parallel_loop3A_433, %parallel_loop3A_430 : vector<16xf32>
      %parallel_loop3A_435 = arith.mulf %parallel_loop3A_434, %parallel_loop3A_430 : vector<16xf32>
      %parallel_loop3A_436 = arith.constant 1.500000e+00 : f32
      %parallel_loop3A_437 = vector.broadcast %parallel_loop3A_436 : f32 to vector<16xf32>
      %parallel_loop3A_438 = arith.subf %parallel_loop3A_437, %parallel_loop3A_435 : vector<16xf32>
      %parallel_loop3A_439 = arith.mulf %parallel_loop3A_430, %parallel_loop3A_438 : vector<16xf32>
      %parallel_loop3A_440 = arith.constant 5.000000e-01 : f32
      %parallel_loop3A_441 = vector.broadcast %parallel_loop3A_440 : f32 to vector<16xf32>
      %parallel_loop3A_442 = arith.mulf %parallel_loop3A_441, %parallel_loop3A_422 : vector<16xf32>
      %parallel_loop3A_443 = arith.mulf %parallel_loop3A_442, %parallel_loop3A_439 : vector<16xf32>
      %parallel_loop3A_444 = arith.mulf %parallel_loop3A_443, %parallel_loop3A_439 : vector<16xf32>
      %parallel_loop3A_445 = arith.constant 1.500000e+00 : f32
      %parallel_loop3A_446 = vector.broadcast %parallel_loop3A_445 : f32 to vector<16xf32>
      %parallel_loop3A_447 = arith.subf %parallel_loop3A_446, %parallel_loop3A_444 : vector<16xf32>
      %parallel_loop3A_448 = arith.mulf %parallel_loop3A_439, %parallel_loop3A_447 : vector<16xf32>
      %parallel_loop3A_449 = arith.constant 5.000000e-01 : f32
      %parallel_loop3A_450 = vector.broadcast %parallel_loop3A_449 : f32 to vector<16xf32>
      %parallel_loop3A_451 = arith.mulf %parallel_loop3A_450, %parallel_loop3A_422 : vector<16xf32>
      %parallel_loop3A_452 = arith.mulf %parallel_loop3A_451, %parallel_loop3A_448 : vector<16xf32>
      %parallel_loop3A_453 = arith.mulf %parallel_loop3A_452, %parallel_loop3A_448 : vector<16xf32>
      %parallel_loop3A_454 = arith.constant 1.500000e+00 : f32
      %parallel_loop3A_455 = vector.broadcast %parallel_loop3A_454 : f32 to vector<16xf32>
      %parallel_loop3A_456 = arith.subf %parallel_loop3A_455, %parallel_loop3A_453 : vector<16xf32>
      %parallel_loop3A_457 = arith.mulf %parallel_loop3A_448, %parallel_loop3A_456 : vector<16xf32>
      %parallel_loop3A_458 = arith.subf %parallel_loop3A_368, %parallel_loop3A_411 : vector<16xf32>
      %parallel_loop3A_459 = arith.mulf %parallel_loop3A_457, %get3A_2 : vector<16xf32>
      %parallel_loop3A_460 = arith.mulf %parallel_loop3A_458, %parallel_loop3A_459 : vector<16xf32>
      %parallel_loop3A_461 = arith.addf %parallel_loop3A_460, %get3A_8 : vector<16xf32>
      %parallel_loop3A_462 = arith.index_cast %parallel_loop3A_364 : i32 to index
      %parallel_loop3A_463 = arith.constant 0 : index
      %parallel_loop3A_464 = tpu.vector_load %arg10[%parallel_loop3A_462, %parallel_loop3A_463] {strides = array<i32>} : memref<512x32xf32, #tpu.memory_space<vmem>>, vector<1x16xf32>,
      %parallel_loop3A_465 = vector.shape_cast %parallel_loop3A_464 : vector<1x16xf32> to vector<16xf32>
      %parallel_loop3A_466 = vector.shape_cast %parallel_loop3A_461 : vector<16xf32> to vector<1x16xf32>
      tpu.vector_store %arg10[%parallel_loop3A_462, %parallel_loop3A_463], %parallel_loop3A_466 {strides = array<i32>} : memref<512x32xf32, #tpu.memory_space<vmem>>, vector<1x16xf32>,
      %parallel_loop3A_467 = arith.subf %parallel_loop3A_372, %parallel_loop3A_411 : vector<16xf32>
      %parallel_loop3A_468 = arith.mulf %parallel_loop3A_457, %get3A_5 : vector<16xf32>
      %parallel_loop3A_469 = arith.mulf %parallel_loop3A_467, %parallel_loop3A_468 : vector<16xf32>
      %parallel_loop3A_470 = arith.addf %parallel_loop3A_469, %get3A_11 : vector<16xf32>
      %parallel_loop3A_471 = arith.index_cast %parallel_loop3A_364 : i32 to index
      %parallel_loop3A_472 = arith.constant 16 : index
      %parallel_loop3A_473 = tpu.vector_load %arg10[%parallel_loop3A_471, %parallel_loop3A_472] {strides = array<i32>} : memref<512x32xf32, #tpu.memory_space<vmem>>, vector<1x16xf32>,
      %parallel_loop3A_474 = vector.shape_cast %parallel_loop3A_473 : vector<1x16xf32> to vector<16xf32>
      %parallel_loop3A_475 = vector.shape_cast %parallel_loop3A_470 : vector<16xf32> to vector<1x16xf32>
      tpu.vector_store %arg10[%parallel_loop3A_471, %parallel_loop3A_472], %parallel_loop3A_475 {strides = array<i32>} : memref<512x32xf32, #tpu.memory_space<vmem>>, vector<1x16xf32>,
    } {sc.loop_unroll_factor = 8 : i64, sc.parallel_access}
    %add3A_324 = arith.constant 0 : i32
    %add3A_325 = arith.addi %add3A_280, %add3A_324 : i32
    %shift_right_logical3A_326 = arith.constant 7 : i32
    %shift_right_logical3A_327 = arith.shrui %add3A_325, %shift_right_logical3A_326 : i32
    %and3A_328 = arith.constant 127 : i32
    %and3A_329 = arith.andi %add3A_325, %and3A_328 : i32
    %mul3A_330 = arith.constant 128 : i32
    %mul3A_331 = arith.muli %and3A_329, %mul3A_330 : i32
    %mul3A_332 = arith.constant 32 : i32
    %mul3A_333 = arith.muli %shift_right_logical3A_327, %mul3A_332 : i32
    "tpu.region"() ({
      %run_scoped3A_364 = tpu.sem_alloc : memref<!tpu.dma_semaphore, #tpu.memory_space<semaphore_mem>>
      %dma_start3A_365 = arith.constant 0 : i32
      %dma_start3A_366 = arith.constant 0 : i32
      %dma_start3A_367 = tpu.memref_slice %arg10[%dma_start3A_365, %dma_start3A_366] : memref<512x32xf32, #tpu.memory_space<vmem>> -> memref<128x32xf32, #tpu.memory_space<vmem>>
      %dma_start3A_368 = tpu.memref_slice %arg6[%mul3A_331, %mul3A_333] : memref<16384x1600xf32, #tpu.memory_space<hbm>> -> memref<128x32xf32, #tpu.memory_space<hbm>>
      %dma_start3A_369 = tpu.memref_slice %arg6[%mul3A_331, %mul3A_333] : memref<16384x1600xf32, #tpu.memory_space<hbm>> -> memref<128x32xf32, #tpu.memory_space<hbm>>
      %dma_start3A_370 = arith.constant 0 : i32
      %dma_start3A_371 = arith.constant 0 : i32
      %dma_start3A_372 = tpu.memref_slice %arg10[%dma_start3A_370, %dma_start3A_371] : memref<512x32xf32, #tpu.memory_space<vmem>> -> memref<128x32xf32, #tpu.memory_space<vmem>>
      tpu.enqueue_dma source(%dma_start3A_372 : memref<128x32xf32, #tpu.memory_space<vmem>>) target(%dma_start3A_369 : memref<128x32xf32, #tpu.memory_space<hbm>>) target_semaphore(%run_scoped3A_364 : memref<!tpu.dma_semaphore, #tpu.memory_space<semaphore_mem>>)
      %dma_wait3A_373 = arith.constant 0 : i32
      %dma_wait3A_374 = arith.constant 0 : i32
      %dma_wait3A_375 = tpu.memref_slice %arg10[%dma_wait3A_373, %dma_wait3A_374] : memref<512x32xf32, #tpu.memory_space<vmem>> -> memref<128x32xf32, #tpu.memory_space<vmem>>
      %dma_wait3A_376 = tpu.memref_slice %arg6[%mul3A_331, %mul3A_333] : memref<16384x1600xf32, #tpu.memory_space<hbm>> -> memref<128x32xf32, #tpu.memory_space<hbm>>
      %dma_wait3A_377 = tpu.memref_slice %arg6[%mul3A_331, %mul3A_333] : memref<16384x1600xf32, #tpu.memory_space<hbm>> -> memref<128x32xf32, #tpu.memory_space<hbm>>
      %dma_wait3A_378 = arith.constant 0 : i32
      %dma_wait3A_379 = arith.constant 0 : i32
      %dma_wait3A_380 = tpu.memref_slice %arg10[%dma_wait3A_378, %dma_wait3A_379] : memref<512x32xf32, #tpu.memory_space<vmem>> -> memref<128x32xf32, #tpu.memory_space<vmem>>
      tpu.wait_dma2 semaphore(%run_scoped3A_364 : memref<!tpu.dma_semaphore, #tpu.memory_space<semaphore_mem>>) src(%dma_wait3A_380 : memref<128x32xf32, #tpu.memory_space<vmem>>) dst(%dma_wait3A_377 : memref<128x32xf32, #tpu.memory_space<hbm>>)
      tpu.yield
    }) : () -> ()
    %add3A_334 = arith.constant 1 : i32
    %add3A_335 = arith.addi %add3A_280, %add3A_334 : i32
    %shift_right_logical3A_336 = arith.constant 7 : i32
    %shift_right_logical3A_337 = arith.shrui %add3A_335, %shift_right_logical3A_336 : i32
    %and3A_338 = arith.constant 127 : i32
    %and3A_339 = arith.andi %add3A_335, %and3A_338 : i32
    %mul3A_340 = arith.constant 128 : i32
    %mul3A_341 = arith.muli %and3A_339, %mul3A_340 : i32
    %mul3A_342 = arith.constant 32 : i32
    %mul3A_343 = arith.muli %shift_right_logical3A_337, %mul3A_342 : i32
    "tpu.region"() ({
      %run_scoped3A_364 = tpu.sem_alloc : memref<!tpu.dma_semaphore, #tpu.memory_space<semaphore_mem>>
      %dma_start3A_365 = arith.constant 128 : i32
      %dma_start3A_366 = arith.constant 0 : i32
      %dma_start3A_367 = tpu.memref_slice %arg10[%dma_start3A_365, %dma_start3A_366] : memref<512x32xf32, #tpu.memory_space<vmem>> -> memref<128x32xf32, #tpu.memory_space<vmem>>
      %dma_start3A_368 = tpu.memref_slice %arg6[%mul3A_341, %mul3A_343] : memref<16384x1600xf32, #tpu.memory_space<hbm>> -> memref<128x32xf32, #tpu.memory_space<hbm>>
      %dma_start3A_369 = tpu.memref_slice %arg6[%mul3A_341, %mul3A_343] : memref<16384x1600xf32, #tpu.memory_space<hbm>> -> memref<128x32xf32, #tpu.memory_space<hbm>>
      %dma_start3A_370 = arith.constant 128 : i32
      %dma_start3A_371 = arith.constant 0 : i32
      %dma_start3A_372 = tpu.memref_slice %arg10[%dma_start3A_370, %dma_start3A_371] : memref<512x32xf32, #tpu.memory_space<vmem>> -> memref<128x32xf32, #tpu.memory_space<vmem>>
      tpu.enqueue_dma source(%dma_start3A_372 : memref<128x32xf32, #tpu.memory_space<vmem>>) target(%dma_start3A_369 : memref<128x32xf32, #tpu.memory_space<hbm>>) target_semaphore(%run_scoped3A_364 : memref<!tpu.dma_semaphore, #tpu.memory_space<semaphore_mem>>)
      %dma_wait3A_373 = arith.constant 128 : i32
      %dma_wait3A_374 = arith.constant 0 : i32
      %dma_wait3A_375 = tpu.memref_slice %arg10[%dma_wait3A_373, %dma_wait3A_374] : memref<512x32xf32, #tpu.memory_space<vmem>> -> memref<128x32xf32, #tpu.memory_space<vmem>>
      %dma_wait3A_376 = tpu.memref_slice %arg6[%mul3A_341, %mul3A_343] : memref<16384x1600xf32, #tpu.memory_space<hbm>> -> memref<128x32xf32, #tpu.memory_space<hbm>>
      %dma_wait3A_377 = tpu.memref_slice %arg6[%mul3A_341, %mul3A_343] : memref<16384x1600xf32, #tpu.memory_space<hbm>> -> memref<128x32xf32, #tpu.memory_space<hbm>>
      %dma_wait3A_378 = arith.constant 128 : i32
      %dma_wait3A_379 = arith.constant 0 : i32
      %dma_wait3A_380 = tpu.memref_slice %arg10[%dma_wait3A_378, %dma_wait3A_379] : memref<512x32xf32, #tpu.memory_space<vmem>> -> memref<128x32xf32, #tpu.memory_space<vmem>>
      tpu.wait_dma2 semaphore(%run_scoped3A_364 : memref<!tpu.dma_semaphore, #tpu.memory_space<semaphore_mem>>) src(%dma_wait3A_380 : memref<128x32xf32, #tpu.memory_space<vmem>>) dst(%dma_wait3A_377 : memref<128x32xf32, #tpu.memory_space<hbm>>)
      tpu.yield
    }) : () -> ()
    %add3A_344 = arith.constant 2 : i32
    %add3A_345 = arith.addi %add3A_280, %add3A_344 : i32
    %shift_right_logical3A_346 = arith.constant 7 : i32
    %shift_right_logical3A_347 = arith.shrui %add3A_345, %shift_right_logical3A_346 : i32
    %and3A_348 = arith.constant 127 : i32
    %and3A_349 = arith.andi %add3A_345, %and3A_348 : i32
    %mul3A_350 = arith.constant 128 : i32
    %mul3A_351 = arith.muli %and3A_349, %mul3A_350 : i32
    %mul3A_352 = arith.constant 32 : i32
    %mul3A_353 = arith.muli %shift_right_logical3A_347, %mul3A_352 : i32
    "tpu.region"() ({
      %run_scoped3A_364 = tpu.sem_alloc : memref<!tpu.dma_semaphore, #tpu.memory_space<semaphore_mem>>
      %dma_start3A_365 = arith.constant 256 : i32
      %dma_start3A_366 = arith.constant 0 : i32
      %dma_start3A_367 = tpu.memref_slice %arg10[%dma_start3A_365, %dma_start3A_366] : memref<512x32xf32, #tpu.memory_space<vmem>> -> memref<128x32xf32, #tpu.memory_space<vmem>>
      %dma_start3A_368 = tpu.memref_slice %arg6[%mul3A_351, %mul3A_353] : memref<16384x1600xf32, #tpu.memory_space<hbm>> -> memref<128x32xf32, #tpu.memory_space<hbm>>
      %dma_start3A_369 = tpu.memref_slice %arg6[%mul3A_351, %mul3A_353] : memref<16384x1600xf32, #tpu.memory_space<hbm>> -> memref<128x32xf32, #tpu.memory_space<hbm>>
      %dma_start3A_370 = arith.constant 256 : i32
      %dma_start3A_371 = arith.constant 0 : i32
      %dma_start3A_372 = tpu.memref_slice %arg10[%dma_start3A_370, %dma_start3A_371] : memref<512x32xf32, #tpu.memory_space<vmem>> -> memref<128x32xf32, #tpu.memory_space<vmem>>
      tpu.enqueue_dma source(%dma_start3A_372 : memref<128x32xf32, #tpu.memory_space<vmem>>) target(%dma_start3A_369 : memref<128x32xf32, #tpu.memory_space<hbm>>) target_semaphore(%run_scoped3A_364 : memref<!tpu.dma_semaphore, #tpu.memory_space<semaphore_mem>>)
      %dma_wait3A_373 = arith.constant 256 : i32
      %dma_wait3A_374 = arith.constant 0 : i32
      %dma_wait3A_375 = tpu.memref_slice %arg10[%dma_wait3A_373, %dma_wait3A_374] : memref<512x32xf32, #tpu.memory_space<vmem>> -> memref<128x32xf32, #tpu.memory_space<vmem>>
      %dma_wait3A_376 = tpu.memref_slice %arg6[%mul3A_351, %mul3A_353] : memref<16384x1600xf32, #tpu.memory_space<hbm>> -> memref<128x32xf32, #tpu.memory_space<hbm>>
      %dma_wait3A_377 = tpu.memref_slice %arg6[%mul3A_351, %mul3A_353] : memref<16384x1600xf32, #tpu.memory_space<hbm>> -> memref<128x32xf32, #tpu.memory_space<hbm>>
      %dma_wait3A_378 = arith.constant 256 : i32
      %dma_wait3A_379 = arith.constant 0 : i32
      %dma_wait3A_380 = tpu.memref_slice %arg10[%dma_wait3A_378, %dma_wait3A_379] : memref<512x32xf32, #tpu.memory_space<vmem>> -> memref<128x32xf32, #tpu.memory_space<vmem>>
      tpu.wait_dma2 semaphore(%run_scoped3A_364 : memref<!tpu.dma_semaphore, #tpu.memory_space<semaphore_mem>>) src(%dma_wait3A_380 : memref<128x32xf32, #tpu.memory_space<vmem>>) dst(%dma_wait3A_377 : memref<128x32xf32, #tpu.memory_space<hbm>>)
      tpu.yield
    }) : () -> ()
    %add3A_354 = arith.constant 3 : i32
    %add3A_355 = arith.addi %add3A_280, %add3A_354 : i32
    %shift_right_logical3A_356 = arith.constant 7 : i32
    %shift_right_logical3A_357 = arith.shrui %add3A_355, %shift_right_logical3A_356 : i32
    %and3A_358 = arith.constant 127 : i32
    %and3A_359 = arith.andi %add3A_355, %and3A_358 : i32
    %mul3A_360 = arith.constant 128 : i32
    %mul3A_361 = arith.muli %and3A_359, %mul3A_360 : i32
    %mul3A_362 = arith.constant 32 : i32
    %mul3A_363 = arith.muli %shift_right_logical3A_357, %mul3A_362 : i32
    "tpu.region"() ({
      %run_scoped3A_364 = tpu.sem_alloc : memref<!tpu.dma_semaphore, #tpu.memory_space<semaphore_mem>>
      %dma_start3A_365 = arith.constant 384 : i32
      %dma_start3A_366 = arith.constant 0 : i32
      %dma_start3A_367 = tpu.memref_slice %arg10[%dma_start3A_365, %dma_start3A_366] : memref<512x32xf32, #tpu.memory_space<vmem>> -> memref<128x32xf32, #tpu.memory_space<vmem>>
      %dma_start3A_368 = tpu.memref_slice %arg6[%mul3A_361, %mul3A_363] : memref<16384x1600xf32, #tpu.memory_space<hbm>> -> memref<128x32xf32, #tpu.memory_space<hbm>>
      %dma_start3A_369 = tpu.memref_slice %arg6[%mul3A_361, %mul3A_363] : memref<16384x1600xf32, #tpu.memory_space<hbm>> -> memref<128x32xf32, #tpu.memory_space<hbm>>
      %dma_start3A_370 = arith.constant 384 : i32
      %dma_start3A_371 = arith.constant 0 : i32
      %dma_start3A_372 = tpu.memref_slice %arg10[%dma_start3A_370, %dma_start3A_371] : memref<512x32xf32, #tpu.memory_space<vmem>> -> memref<128x32xf32, #tpu.memory_space<vmem>>
      tpu.enqueue_dma source(%dma_start3A_372 : memref<128x32xf32, #tpu.memory_space<vmem>>) target(%dma_start3A_369 : memref<128x32xf32, #tpu.memory_space<hbm>>) target_semaphore(%run_scoped3A_364 : memref<!tpu.dma_semaphore, #tpu.memory_space<semaphore_mem>>)
      %dma_wait3A_373 = arith.constant 384 : i32
      %dma_wait3A_374 = arith.constant 0 : i32
      %dma_wait3A_375 = tpu.memref_slice %arg10[%dma_wait3A_373, %dma_wait3A_374] : memref<512x32xf32, #tpu.memory_space<vmem>> -> memref<128x32xf32, #tpu.memory_space<vmem>>
      %dma_wait3A_376 = tpu.memref_slice %arg6[%mul3A_361, %mul3A_363] : memref<16384x1600xf32, #tpu.memory_space<hbm>> -> memref<128x32xf32, #tpu.memory_space<hbm>>
      %dma_wait3A_377 = tpu.memref_slice %arg6[%mul3A_361, %mul3A_363] : memref<16384x1600xf32, #tpu.memory_space<hbm>> -> memref<128x32xf32, #tpu.memory_space<hbm>>
      %dma_wait3A_378 = arith.constant 384 : i32
      %dma_wait3A_379 = arith.constant 0 : i32
      %dma_wait3A_380 = tpu.memref_slice %arg10[%dma_wait3A_378, %dma_wait3A_379] : memref<512x32xf32, #tpu.memory_space<vmem>> -> memref<128x32xf32, #tpu.memory_space<vmem>>
      tpu.wait_dma2 semaphore(%run_scoped3A_364 : memref<!tpu.dma_semaphore, #tpu.memory_space<semaphore_mem>>) src(%dma_wait3A_380 : memref<128x32xf32, #tpu.memory_space<vmem>>) dst(%dma_wait3A_377 : memref<128x32xf32, #tpu.memory_space<hbm>>)
      tpu.yield
    }) : () -> ()
    return
  }
}

</mosaic_0001>

<sc_bundles>
// kernel: kernel.3.cloned.1.call-start
scs
__scs_entry_jumppad:
0x0: {  	(pc) =	sbr.rel $0x88, $3  }
0x1: {  	(tag) =	ssettag $0x0;
	lr =	simm.s32 $0x1  }
0x2: {  	[smem:$0x3F9D] =	sst lr;
	_ =	strace $0xD0000000  }
0x3: {  	_ = 	snop  }
0x4: {  	_ = 	snop  }
0x5: {  	_ = 	snop  }
0x6: {  	_ = 	snop  }
0x7: {  	_ = 	snop  }
__scs_overlays_trampoline_lowered:
0x8: {  	[smem:$0x3FAC] =	sst s0  }
0x9: {  	[smem:$0x3FAD] =	sst s1  }
0xa: {  	[smem:$0x3FAE] =	sst s2  }
0xb: {  	[smem:$0x3FAF] =	sst s3  }
0xc: {  	[smem:$0x3FB0] =	sst s4  }
0xd: {  	[smem:$0x3FB1] =	sst s5  }
0xe: {  	[smem:$0x3FB2] =	sst s6  }
0xf: {  	[smem:$0x3FB3] =	sst s7  }
0x10: {  	[smem:$0x3FB4] =	sst s8  }
0x11: {  	[smem:$0x3FB5] =	sst s9;
	s0 =	simm.s32 @!p0 $0x0  }
0x12: {  	s1 =	sld [smem:$0x3F9B];
	s0 =	simm.s32 @p0 $0x1  }
0x13: {  	[smem:$0x3FB6] =	sst s0;
	s0 =	simm.s32 @!p1 $0x0  }
0x14: {  	s2 =	sld [smem:$0x3F9A];
	s0 =	simm.s32 @p1 $0x1  }
0x15: {  	[smem:$0x3FB7] =	sst s0;
	s0 =	simm.s32 @!p2 $0x0  }
0x16: {  	s3 =	sld [smem:$0x3FDB];
	s0 =	simm.s32 @p2 $0x1  }
0x17: {  	s4 =	simm.s32 $0x1BF5;
	[smem:$0x3FB9] =	sst s0  }
0x18: {  	s0 =	sld [smem:$0x3F9C];
	_ =	swait.ge [sflag:s4], $0x0  }
0x19: {  	s7 =	sld [smem:$0x3F9D]  }
0x1a: {  	s8 =	sadd.s32 $0xFFFFE003, lr  }
0x1b: {  	s9 =	sadd.s32 $0xFFFFFEF7, lr;
	s5 =	simm.s32 $0xFFFFFFFF;
	p2 =	slt.u32 s8, $0xFFFFF086  }
0x1c: {  	p1 =	slt.u32 s9, $0xF7A;
	s5 =	simm.s32 @!p2 $0x0  }
0x1d: {  	s5 =	simm.s32 @p1 $0x1;
	p0 =	seq.s32 s7, s2  }
0x1e: {  	s7 =	smul.u32 @!p0 $0xF7A, s2;
	p2 =	seq.s32 @!p0 s5, $0x0  }
0x1f: {  	s9 =	smul.u32 $0xF7A, s1;
	s8 =	simm.s32 @!p0 $0x1BF5;
	p2 =	por !p2, p0  }
0x20: {  	[sflag:s8] =	ssyncset.s32 @!p0 $0xFFFFF086;
	s6 =	sadd.s32 @!p0 s3, s7;
	s7 =	simm.s32 @!p0 $0x108  }
0x21: {  	s3 =	sadd.s32 s3, s9;
	s6 =	sadd.s32 @!p0 $0x88, s6;
	s7 =	simm.s32 @p2 $0x1082  }
0x22: {  	[simem:s7], [sflag:s8] =	dma.local @!p0 [hbm:s6], $0xF7A  }
0x23: {  	s9 =	sor.u32 $0xD0000000, s2;
	s6 =	simm.s32 $0x108;
	_ =	swait.ge @!p0 [sflag:s8], $0x0  }
0x24: {  	s3 =	sadd.s32 $0x88, s3;
	s6 =	simm.s32 @!p1 $0x1082;
	[sflag:s4] =	ssyncset.s32 $0xFFFFF086  }
0x25: {  	[simem:s6], [sflag:s4] =	dma.local [hbm:s3], $0xF7A  }
0x26: {  	[smem:$0x3F9D] =	sst s1;
	(tag) =	ssettag s2;
	_ =	strace s9  }
0x27: {  	s1 =	sld [smem:$0x3FAD]  }
0x28: {  	s2 =	sld [smem:$0x3FAE]  }
0x29: {  	s4 =	sld [smem:$0x3FB0]  }
0x2a: {  	p0 =	seq.s32 s5, $0x0;
	s5 =	sld [smem:$0x3FB1]  }
0x2b: {  	s6 =	sld [smem:$0x3FB2]  }
0x2c: {  	s7 =	sld [smem:$0x3FB3]  }
0x2d: {  	s3 =	simm.s32 $0x108;
	s8 =	sld [smem:$0x3FB4]  }
0x2e: {  	s3 =	simm.s32 @!p0 $0x1082;
	s9 =	sld [smem:$0x3FB5]  }
0x2f: {  	lr =	sadd.s32 s0, s3;
	s0 =	sld [smem:$0x3FAC]  }
0x30: {  	s3 =	sld [smem:$0x3FAF]  }
0x31: {  	[smem:$0x3FB8] =	sst s10  }
0x32: {  	s10 =	sld [smem:$0x3FB6];
	_ =	sdelay $0x3  }
0x33: {  	p0 =	seq.s32 s10, $0x1;
	s10 =	sld [smem:$0x3FB8];
	_ =	sdelay $0x3  }
0x34: {  	[smem:$0x3FB8] =	sst s10  }
0x35: {  	s10 =	sld [smem:$0x3FB7];
	_ =	sdelay $0x3  }
0x36: {  	p1 =	seq.s32 s10, $0x1;
	s10 =	sld [smem:$0x3FB8];
	_ =	sdelay $0x3  }
0x37: {  	[smem:$0x3FB8] =	sst s10  }
0x38: {  	s10 =	sld [smem:$0x3FB9]  }
0x39: {  	_ = 	snop;
	(pc) =	sbr.ind lr, $3  }
0x3a: {  	_ = 	snop  }
0x3b: {  	_ = 	snop  }
0x3c: {  	p2 =	seq.s32 s10, $0x1;
	s10 =	sld [smem:$0x3FB8]  }
0x3d: {  	_ =	shalt  }
0x3e: {  	_ =	shalt  }
0x3f: {  	_ =	shalt  }
0x40: {  	_ =	shalt  }
0x41: {  	_ =	shalt  }
0x42: {  	_ =	shalt  }
0x43: {  	_ =	shalt  }
0x44: {  	_ =	shalt  }
0x45: {  	_ =	shalt  }
0x46: {  	_ =	shalt  }
0x47: {  	_ =	shalt  }
0x48: {  	_ =	shalt  }
0x49: {  	_ =	shalt  }
0x4a: {  	_ =	shalt  }
0x4b: {  	_ =	shalt  }
0x4c: {  	_ =	shalt  }
0x4d: {  	_ =	shalt  }
0x4e: {  	_ =	shalt  }
0x4f: {  	_ =	shalt  }
0x50: {  	_ =	shalt  }
0x51: {  	_ =	shalt  }
0x52: {  	_ =	shalt  }
0x53: {  	_ =	shalt  }
0x54: {  	_ =	shalt  }
0x55: {  	_ =	shalt  }
0x56: {  	_ =	shalt  }
0x57: {  	_ =	shalt  }
0x58: {  	_ =	shalt  }
0x59: {  	_ =	shalt  }
0x5a: {  	_ =	shalt  }
0x5b: {  	_ =	shalt  }
0x5c: {  	_ =	shalt  }
0x5d: {  	_ =	shalt  }
0x5e: {  	_ =	shalt  }
0x5f: {  	_ =	shalt  }
0x60: {  	_ =	shalt  }
0x61: {  	_ =	shalt  }
0x62: {  	_ =	shalt  }
0x63: {  	_ =	shalt  }
0x64: {  	_ =	shalt  }
0x65: {  	_ =	shalt  }
0x66: {  	_ =	shalt  }
0x67: {  	_ =	shalt  }
0x68: {  	_ =	shalt  }
0x69: {  	_ =	shalt  }
0x6a: {  	_ =	shalt  }
0x6b: {  	_ =	shalt  }
0x6c: {  	_ =	shalt  }
0x6d: {  	_ =	shalt  }
0x6e: {  	_ =	shalt  }
0x6f: {  	_ =	shalt  }
0x70: {  	_ =	shalt  }
0x71: {  	_ =	shalt  }
0x72: {  	_ =	shalt  }
0x73: {  	_ =	shalt  }
0x74: {  	_ =	shalt  }
0x75: {  	_ =	shalt  }
0x76: {  	_ =	shalt  }
0x77: {  	_ =	shalt  }
0x78: {  	_ =	shalt  }
0x79: {  	_ =	shalt  }
0x7a: {  	_ =	shalt  }
0x7b: {  	_ =	shalt  }
0x7c: {  	_ =	shalt  }
0x7d: {  	_ =	shalt  }
0x7e: {  	_ =	shalt  }
0x7f: {  	_ =	shalt  }
0x80: {  	_ =	shalt  }
0x81: {  	_ =	shalt  }
0x82: {  	_ =	shalt  }
0x83: {  	_ =	shalt  }
0x84: {  	_ =	shalt  }
0x85: {  	_ =	shalt  }
0x86: {  	_ =	shalt  }
0x87: {  	_ =	shalt  }
.Lfunc_end0:
.L_simem_size_0:
called_computation.1_lowered:
.L_overlay_start_0:
0x88: {  	s2 =	sld [smem:$0x3FD9]  }
0x89: {  	s3 =	sld [smem:$0x3FFE];
	_ =	sdelay $0x1  }
0x8a: {  	s1 =	srdreg.scid  }
0x8b: {  	s0 =	sand.u32 $0x1, s1  }
0x8c: {  	s17 =	sshll.u32 s0, $0xA;
	s2 =	sadd.s32 s3, s2  }
0x8d: {  	s2 =	sadd.s32 s2, s17  }
0x8e: {  	[smem:$0x3FC4] =	sst s2  }
0x8f: {  	_ = 	snop  }
0x90: {  	s2 =	sld [smem:$0x3FC7]  }
0x91: {  	s18 =	sld [smem:$0x3FC6]  }
0x92: {  	s4 =	sld [smem:$0x3FD0];
	(tm) =	ssettm $0x1  }
0x93: {  	s5 =	sld [smem:$0x3FFB];
	_ =	sdelay $0x3  }
0x94: {  	_ =	strace s5  }
0x95: {  	s5 =	sld [smem:$0x3FFC];
	_ =	sdelay $0x3  }
0x96: {  	_ =	strace s5  }
0x97: {  	s5 =	sld [smem:$0x3FFD];
	_ =	sdelay $0x3  }
0x98: {  	_ =	strace s5  }
0x99: {  	_ =	strace $0x8FFFFFFF  }
0x9a: {  	s19 =	sld [smem:$0x3FDB];
	_ =	sdelay $0x1  }
0x9b: {  	s6 =	simm.s32 $_scs_section_size  }
0x9c: {  	s7 =	simm.s32 $_size__tile_overlayer_lowered;
	s8 =	simm.s32 $_tile_overlayer_lowered  }
0x9d: {  	s22 =	simm.s32 $0x1BFF;
	s21 =	sshll.u32 s8, $0x1;
	s5 =	sadd.s32 s6, s19  }
0x9e: {  	s9 =	simm.s32 $0x0;
	s20 =	sshll.u32 s7, $0x1;
	s7 =	sadd.s32 s21, s5  }
0x9f: {  	[timem:s9], [sflag:s22] =	dma.local [hbm:s7], s20  }
0xa0: {  	_ =	swait.ge [sflag:s22], s20  }
0xa1: {  	s6 =	ssub.s32 $0x0, s20;
	[sflag:s22] =	ssyncset.done $0x0  }
0xa2: {  	[sflag:s22] =	ssyncadd.s32 s6;
	_ =	sdelay $0x1  }
0xa3: {  	s23 =	simm.s32 $0x1B8B  }
0xa4: {  	_ =	swait.ge [sflag:s23], $0x1  }
0xa5: {  	[sflag:s23] =	ssyncset.done $0x0  }
0xa6: {  	s25 =	simm.s32 $0x1B8E;
	s24 =	sld [smem:$0x3FFE];
	[sflag:s23] =	ssyncadd.s32 $0xFFFFFFFF  }
0xa7: {  	s26 =	simm.s32 $execute0_lowered;
	[smem:$0x3FD2] =	sst s25  }
0xa8: {  	s7 =	sshll.u32 s26, $0x1;
	_ =	strace $0x80000046;
	[dreg:$0x1] =	wrdreg $0xFFFFFFFF  }
0xa9: {  	s28 =	simm.s32 $_size_execute0_lowered;
	s5 =	sadd.s32 s5, s7;
	[dreg:$0x0] =	wrdreg $0x0  }
0xaa: {  	s7 =	sshll.u32 s28, $0x1;
	[dreg:$0x2] =	wrdreg s5  }
0xab: {  	[dreg:$0x3] =	wrdreg s7  }
0xac: {  	[dreg:$0x4] =	wrdreg $0xC0  }
0xad: {  	_ =	task [dreg:s9], $0x5FFFF  }
0xae: {  	[dreg:$0x1] =	wrdreg $0xFFFFFFFF  }
0xaf: {  	[dreg:$0x0] =	wrdreg $0x60  }
0xb0: {  	[dreg:$0x2] =	wrdreg s24  }
0xb1: {  	[dreg:$0x3] =	wrdreg s2  }
0xb2: {  	[dreg:$0x4] =	wrdreg s18  }
0xb3: {  	[dreg:$0x5] =	wrdreg s4  }
0xb4: {  	[dreg:$0x6] =	wrdreg $0x9  }
0xb5: {  	_ =	task.clear_ibuf [dreg:s9], $0x7FFFF;
	_ =	strace $0x90000046  }
0xb6: {  	s29 =	simm.s32 $0x9;
	_ =	strace $0x80000048  }
0xb7: {  	_ =	swait.ge [sflag:s29], $0x1  }
0xb8: {  	[sflag:s29] =	ssyncadd.s32 $0xFFFFFFFF  }
0xb9: {  	_ =	strace $0x90000048  }
0xba: {  	_ =	sfence  }
0xbb: {  	s30 =	sld [smem:$0x0];
	_ =	sdelay $0x2  }
0xbc: {  	s31 =	sshll.u32 s1, $0xD;
	s1 =	sshrl.u32 s1, $0x2  }
0xbd: {  	s3 =	sand.u32 $0x4000, s31;
	s1 =	sadd.s32 s1, s30  }
0xbe: {  	s0 =	sor.u32 s3, s0;
	s1 =	sshll.u32 s1, $0x11  }
0xbf: {  	s0 =	sor.u32 s1, s0  }
0xc0: {  	s0 =	sadd.s32 $0x8F2B, s0  }
0xc1: {  	[sflag:s0] =	ssyncadd.remote.s32 $0x1  }
0xc2: {  	_ =	sfence.sel $0xFFFF  }
0xc3: {  	[dreg:$0x0] =	wrdreg $0xFFFFFFFF;
	(pc) =	sbr.abs _section_cstart, $3  }
0xc4: {  	[dreg:$0x1] =	wrdreg $0xFFFFFFFF  }
0xc5: {  	_ =	task.clear_ibuf [dreg:s9], $0x2FFFF;
	_ =	strace $0x9FFFFFFF  }
0xc6: {  	(tm) =	ssettm $0x7FFFFFFF  }
0xc7: {  	_ =	shalt  }
tec
execute0_lowered:
.L_overlay_start_1:
0x0: {  	(tag) =	ssettag $0x1  }
0x1: {  	s0 =	srdreg.scid;
	s1 =	stileid.u32  }
0x2: {  	s0 =	sand.u32 $0x1, s0;
	s2 =	sshll.u32 s1, $0x1  }
0x3: {  	s3 =	rddreg [dreg:$0x3];
	s2 =	sor.u32 s0, s2  }
0x4: {  	s28 =	simm.s32 $0x3;
	s30 =	simm.s32 $0x80;
	s4 =	smul.u32 $0x6400, s2  }
0x5: {  	s29 =	simm.s32 $0x3400;
	s0 =	ssub.s32 $0x2, s0;
	s5 =	smul.u32 $0x12000, s2  }
0x6: {  	s1 =	rddreg [dreg:$0x0];
	s6 =	sshrl.u32 s0, $0x1;
	s21 =	smul.u32 $0xC8, s2  }
0x7: {  	s0 =	ssub.s32 s0, s6;
	s13 =	sand.u32 $0xE0000, s4;
	s14 =	sand.u32 $0x1E000, s5  }
0x8: {  	s15 =	sand.u32 $0x380, s21;
	s6 =	sadd.s32 $0xC4, s21;
	s10 =	sadd.s32 $0xC0, s21  }
0x9: {  	s8 =	sadd.s32 $0xC5, s21;
	s9 =	sadd.s32 $0xC6, s21;
	s25 =	sadd.s32 $0xC1, s21  }
0xa: {  	s31 =	sadd.s32 $0xC2, s21;
	[dreg:$0x5] =	wrdreg s21;
	s0 =	smax.u32 s0, $0x1  }
0xb: {  	s2 =	sor.u32 s14, s13;
	s7 =	sand.u32 $0x7C, s6;
	s16 =	sshll.u32 s6, $0x7  }
0xc: {  	s18 =	sand.u32 $0x380, s6;
	s11 =	sand.u32 $0x7D, s8;
	s19 =	sshll.u32 s8, $0x7  }
0xd: {  	s13 =	sshll.u32 s9, $0x7;
	s14 =	sand.u32 $0x380, s8;
	s20 =	sand.u32 $0x380, s9  }
0xe: {  	s26 =	sshll.u32 s25, $0x7;
	s4 =	sor.u32 s15, s2;
	s2 =	sand.u32 $0x1E0000, s16  }
0xf: {  	s17 =	sshll.u32 s7, $0xA;
	s5 =	sand.u32 $0x1E0000, s19;
	s12 =	sshll.u32 s11, $0xA  }
0x10: {  	s13 =	sand.u32 $0x1E0000, s13;
	s19 =	sshll.u32 s10, $0x7;
	s7 =	smul.u32 $0x32000, s7  }
0x11: {  	s10 =	sshrl.u32 s10, $0x2;
	s11 =	smul.u32 $0x32000, s11;
	s2 =	sor.u32 s17, s2  }
0x12: {  	s5 =	sor.u32 s12, s5;
	s12 =	sand.u32 $0x7E, s9;
	s23 =	sand.u32 $0x3C00, s19  }
0x13: {  	s10 =	sand.u32 $0xFE0, s10;
	s19 =	sshrl.u32 s31, $0x2;
	s4 =	sshrl.u32 s4, $0x3  }
0x14: {  	s9 =	sshrl.u32 s9, $0x2;
	s2 =	sor.u32 s18, s2;
	s15 =	sshll.u32 s12, $0xA  }
0x15: {  	s5 =	sor.u32 s14, s5;
	s14 =	sadd.s32 $0xC7, s21;
	s21 =	sadd.s32 $0xC3, s21  }
0x16: {  	s12 =	smul.u32 $0x32000, s12;
	s9 =	sand.u32 $0xFE0, s9;
	s13 =	sor.u32 s15, s13  }
0x17: {  	s16 =	sand.u32 $0x7F, s14;
	s17 =	sshll.u32 s14, $0x7;
	s24 =	sand.u32 $0x380, s14  }
0x18: {  	s2 =	sshrl.u32 s2, $0x3;
	s5 =	sshrl.u32 s5, $0x3;
	s17 =	sand.u32 $0x1E0000, s17  }
0x19: {  	s18 =	sshll.u32 s16, $0xA;
	s13 =	sor.u32 s20, s13;
	s20 =	sshll.u32 s31, $0x7  }
0x1a: {  	s31 =	sshrl.u32 s8, $0x2;
	s8 =	sadd.s32 $0xF42E00, s1;
	s16 =	smul.u32 $0x32000, s16  }
0x1b: {  	s22 =	sor.u32 s18, s17;
	s17 =	smul.u32 $0x640, s23;
	s18 =	sshrl.u32 s25, $0x2  }
0x1c: {  	s20 =	sand.u32 $0x3D00, s20;
	s23 =	sshll.u32 s21, $0x7;
	s25 =	sshrl.u32 s6, $0x2  }
0x1d: {  	s6 =	simm.s32 $0x0;
	s15 =	sor.u32 s24, s22;
	s18 =	sand.u32 $0xFE0, s18  }
0x1e: {  	s20 =	smul.u32 $0x640, s20;
	s22 =	sand.u32 $0xFE0, s19;
	s19 =	sand.u32 $0x3D80, s23  }
0x1f: {  	s24 =	sshrl.u32 s21, $0x2;
	[smem:$0x7FF] =	sst s6;
	s21 =	sshrl.u32 s14, $0x2  }
0x20: {  	s10 =	sor.u32 s10, s17;
	s17 =	sand.u32 $0x3C80, s26;
	s19 =	smul.u32 $0x640, s19  }
0x21: {  	s26 =	sand.u32 $0xFE0, s25;
	_ =	strace $0x80000047;
	s17 =	smul.u32 $0x640, s17  }
0x22: {  	[dreg:$0x16] =	wrdreg s0;
	s14 =	sshrl.u32 s10, $0x3;
	s10 =	simm.s32 $0x3400  }
0x23: {  	s17 =	sor.u32 s18, s17;
	s18 =	sor.u32 s22, s20;
	s20 =	sand.u32 $0xFE0, s24  }
0x24: {  	s19 =	sor.u32 s20, s19;
	s20 =	sor.u32 s26, s7;
	s7 =	sadd.s32 $0xA00, s1  }
0x25: {  	s24 =	sand.u32 $0xFE0, s21;
	s18 =	sshrl.u32 s18, $0x3;
	s22 =	sadd.s32 s7, s4  }
0x26: {  	s4 =	sand.u32 $0xFE0, s31;
	s31 =	sshrl.u32 s13, $0x3;
	s2 =	sadd.s32 s7, s2  }
0x27: {  	s5 =	sadd.s32 s7, s5;
	s13 =	sshrl.u32 s15, $0x3;
	s15 =	sshrl.u32 s17, $0x3  }
0x28: {  	s19 =	sshrl.u32 s19, $0x3;
	s21 =	sshrl.u32 s20, $0x3;
	[dreg:$0x6] =	wrdreg s22  }
0x29: {  	s20 =	simm.s32 $0x2;
	s1 =	sor.u32 s4, s11;
	[dreg:$0xa] =	wrdreg s2  }
0x2a: {  	s23 =	sadd.s32 $0x80, s22;
	s4 =	sor.u32 s9, s12;
	[dreg:$0xb] =	wrdreg s5  }
0x2b: {  	s25 =	sadd.s32 $0x100, s22;
	s9 =	sor.u32 s24, s16;
	[dreg:$0x7] =	wrdreg s23  }
0x2c: {  	s26 =	sadd.s32 $0x180, s22;
	s12 =	sadd.s32 s7, s31;
	[dreg:$0x8] =	wrdreg s25  }
0x2d: {  	v0 =	vimm.s32 $0xEFCDAB89;
	v1 =	vimm.s32 $0x67452301;
	s2 =	sadd.s32 s7, s13;
	s16 =	sadd.s32 s3, s14;
	[dreg:$0x9] =	wrdreg s26  }
0x2e: {  	v2 =	vimm.s32 $0xDCFE98BA;
	v3 =	vimm.s32 $0x54761032;
	v4 =	vimm.s32 $0xBA98FEDC;
	s17 =	sadd.s32 s3, s15;
	s22 =	sadd.s32 s3, s19;
	[dreg:$0xc] =	wrdreg s12  }
0x2f: {  	v5 =	vimm.s32 $0x32107654;
	v6 =	vimm.s32 $0xFEDCBA98;
	s11 =	simm.s32 $0x300;
	s13 =	simm.s32 $0x4400;
	[dreg:$0xd] =	wrdreg s2  }
0x30: {  	v7 =	vimm.s32 $0x76543210;
	v0 =	vunpack.c.l.s4.s8 v0;
	v1 =	vunpack.c.l.s4.s8 v1;
	s14 =	simm.s32 $0x5400;
	s15 =	simm.s32 $0x6400;
	[dreg:$0xe] =	wrdreg s16  }
0x31: {  	v2 =	vunpack.c.l.s4.s8 v2;
	v3 =	vunpack.c.l.s4.s8 v3;
	v4 =	vunpack.c.l.s4.s8 v4;
	s19 =	simm.s32 $0x640;
	[dreg:$0xf] =	wrdreg s17;
	s2 =	sadd.s32 s3, s18  }
0x32: {  	v5 =	vunpack.c.l.s4.s8 v5;
	v6 =	vunpack.c.l.s4.s8 v6;
	v7 =	vunpack.c.l.s4.s8 v7;
	[dreg:$0x11] =	wrdreg s22;
	s23 =	sadd.s32 s3, s21;
	s1 =	sshrl.u32 s1, $0x3  }
0x33: {  	v0 =	vunpack.c.0.s8.s32 v0;
	v1 =	vunpack.c.0.s8.s32 v1;
	v2 =	vunpack.c.0.s8.s32 v2;
	s24 =	sshrl.u32 s4, $0x3;
	s25 =	sshrl.u32 s9, $0x3;
	s12 =	simm.s32 $0x380  }
0x34: {  	v3 =	vunpack.c.0.s8.s32 v3;
	v4 =	vunpack.c.0.s8.s32 v4;
	v5 =	vunpack.c.0.s8.s32 v5;
	s16 =	simm.s32 $0x7400;
	s17 =	simm.s32 $0x1;
	[dreg:$0x10] =	wrdreg s2  }
0x35: {  	v0 =	vcombine.low v1, v0;
	v1 =	vunpack.c.0.s8.s32 v6;
	s18 =	simm.s32 $0x20;
	[dreg:$0x12] =	wrdreg s23;
	s1 =	sadd.s32 s3, s1  }
0x36: {  	v2 =	vcombine.low v3, v2;
	v3 =	vcombine.low v5, v4;
	v4 =	vunpack.c.0.s8.s32 v7;
	s4 =	simm.s32 $0x0;
	s26 =	sadd.s32 s3, s24;
	[dreg:$0x13] =	wrdreg s1  }
0x37: {  	v0 =	vand.u32 $0xF, v0;
	v5 =	vand.u32 $0xF, v1;
	s31 =	sadd.s32 s3, s25;
	s2 =	simm.s32 $0x1400;
	[dreg:$0x14] =	wrdreg s26  }
0x38: {  	v1 =	vand.u32 $0xF, v2;
	v2 =	vand.u32 $0xF, v3;
	v3 =	vcombine.low v5, v4;
	[dreg:$0x15] =	wrdreg s31;
	s1 =	simm.s32 $0x400;
	s26 =	simm.s32 $0x2400  }
.LBB2_1:
0x39: {  	[dreg:$0x17] =	wrdreg s4  }
0x3a: {  	s0 =	rddreg [dreg:$0x1];
	s5 =	simm.s32 $0x8400  }
0x3b: {  	[tilespmem:s5], [sflag:$0x3] =	stream.linear.gather [hbm4b:s0+s6], $0x20, $0x38;
	[tilespmem:$0x8440] =	vst v63  }
0x3c: {  	_ =	swait.ge [sflag:s28], $0x20  }
0x3d: {  	[sflag:s28] =	ssyncset.done $0x0  }
0x3e: {  	[sflag:s28] =	ssyncadd.s32 $0xFFFFFFE0  }
0x3f: {  	s21 =	simm.s32 $0x8420;
	s9 =	rddreg [dreg:$0x2]  }
0x40: {  	[tilespmem:s21], [sflag:$0x3] =	stream.linear.gather [hbm4b:s9+s6], $0x20, $0x38;
	[tilespmem:$0x8440] =	vst v63  }
0x41: {  	_ =	swait.ge [sflag:s28], $0x20  }
0x42: {  	[sflag:s28] =	ssyncset.done $0x0  }
0x43: {  	[sflag:s28] =	ssyncadd.s32 $0xFFFFFFE0  }
0x44: {  	v6 =	vld [tilespmem:$0x8400]  }
0x45: {  	v7 =	vld [tilespmem:$0x8410]  }
0x46: {  	s22 =	rddreg [dreg:$0x6];
	v4 =	vld [tilespmem:$0x8420]  }
0x47: {  	v5 =	vld [tilespmem:$0x8430];
	[tilespmem:s6], [sflag:$0x3] =	stream.linear.gather [hbm4b:s22+s6], $0x80, $0x38  }
0x48: {  	_ =	swait.ge [sflag:s28], $0x80  }
0x49: {  	[sflag:s28] =	ssyncset.done $0x0  }
0x4a: {  	s23 =	rddreg [dreg:$0x7];
	[sflag:s28] =	ssyncadd.s32 $0xFFFFFF80  }
0x4b: {  	[tilespmem:s30], [sflag:$0x3] =	stream.linear.gather [hbm4b:s23+s6], $0x80, $0x38;
	[tilespmem:$0x8440] =	vst v63  }
0x4c: {  	_ =	swait.ge [sflag:s28], $0x80  }
0x4d: {  	[sflag:s28] =	ssyncset.done $0x0  }
0x4e: {  	s25 =	simm.s32 $0x100;
	s24 =	rddreg [dreg:$0x8];
	[sflag:s28] =	ssyncadd.s32 $0xFFFFFF80  }
0x4f: {  	[tilespmem:s25], [sflag:$0x3] =	stream.linear.gather [hbm4b:s24+s6], $0x80, $0x38;
	[tilespmem:$0x8440] =	vst v63  }
0x50: {  	_ =	swait.ge [sflag:s28], $0x80  }
0x51: {  	[sflag:s28] =	ssyncset.done $0x0  }
0x52: {  	s5 =	simm.s32 $0x180;
	s31 =	rddreg [dreg:$0x9];
	[sflag:s28] =	ssyncadd.s32 $0xFFFFFF80  }
0x53: {  	[tilespmem:s5], [sflag:$0x3] =	stream.linear.gather [hbm4b:s31+s6], $0x80, $0x38;
	[tilespmem:$0x8440] =	vst v63  }
0x54: {  	_ =	swait.ge [sflag:s28], $0x80  }
0x55: {  	[sflag:s28] =	ssyncset.done $0x0  }
0x56: {  	[sflag:s28] =	ssyncadd.s32 $0xFFFFFF80  }
0x57: {  	[tilespmem:s1], [sflag:$0x1] =	stream.indirect.gather [hbm4b:s8+s30], $0x20, s6, s30, $0xb8;
	[tilespmem:$0x8440] =	vst v63  }
0x58: {  	_ = 	snop  }
0x59: {  	[tilespmem:s2], [sflag:$0x1] =	stream.indirect.gather [hbm4b:s8+s30], $0x20, s30, s30, $0xb8;
	[tilespmem:$0x8440] =	vst v63  }
0x5a: {  	_ = 	snop  }
0x5b: {  	[tilespmem:s26], [sflag:$0x1] =	stream.indirect.gather [hbm4b:s8+s30], $0x20, s25, s30, $0xb8;
	[tilespmem:$0x8440] =	vst v63  }
0x5c: {  	s22 =	simm.s32 $0x0  }
0x5d: {  	[tilespmem:s29], [sflag:$0x1] =	stream.indirect.gather [hbm4b:s8+s30], $0x20, s5, s30, $0xb8;
	[tilespmem:$0x8440] =	vst v63  }
.LBB2_2:
0x5e: {  	s0 =	sshll.u32 s22, $0x3;
	s4 =	rddreg [dreg:$0x5]  }
0x5f: {  	s21 =	sadd.s32 s4, s0  }
0x60: {  	s0 =	sand.u32 $0x78, s21  }
0x61: {  	s4 =	sshll.u32 s21, $0x7;
	s23 =	sor.u32 $0x4, s0  }
0x62: {  	s5 =	sand.u32 $0x7FFE0000, s4;
	s9 =	sshll.u32 s23, $0xA  }
0x63: {  	s31 =	sand.u32 $0x380, s21;
	s9 =	sor.u32 s5, s9  }
0x64: {  	s9 =	sor.u32 s31, s9  }
0x65: {  	s24 =	sor.u32 $0x5, s0;
	s9 =	sshrl.u32 s9, $0x3  }
0x66: {  	s1 =	simm.s32 $0x200;
	s26 =	sshll.u32 s24, $0xA;
	s9 =	sadd.s32 s7, s9  }
0x67: {  	[tilespmem:s1], [sflag:$0x3] =	stream.linear.gather [hbm4b:s9+s6], $0x80, $0x38;
	[tilespmem:$0x8440] =	vst v63  }
0x68: {  	s9 =	sor.u32 s5, s26  }
0x69: {  	s2 =	simm.s32 $0x280;
	_ =	swait.ge [sflag:s28], $0x80;
	s9 =	sor.u32 s31, s9  }
0x6a: {  	s25 =	sor.u32 $0x6, s0;
	[sflag:s28] =	ssyncset.done $0x0;
	s9 =	sshrl.u32 s9, $0x3  }
0x6b: {  	s29 =	sshll.u32 s25, $0xA;
	[sflag:s28] =	ssyncadd.s32 $0xFFFFFF80;
	s9 =	sadd.s32 s7, s9  }
0x6c: {  	[tilespmem:s2], [sflag:$0x3] =	stream.linear.gather [hbm4b:s9+s6], $0x80, $0x38;
	[tilespmem:$0x8440] =	vst v63  }
0x6d: {  	s9 =	sor.u32 s5, s29  }
0x6e: {  	_ =	swait.ge [sflag:s28], $0x80;
	s9 =	sor.u32 s31, s9  }
0x6f: {  	[sflag:s28] =	ssyncset.done $0x0;
	s9 =	sshrl.u32 s9, $0x3  }
0x70: {  	[sflag:s28] =	ssyncadd.s32 $0xFFFFFF80;
	s9 =	sadd.s32 s7, s9  }
0x71: {  	[tilespmem:s11], [sflag:$0x3] =	stream.linear.gather [hbm4b:s9+s6], $0x80, $0x38;
	[tilespmem:$0x8440] =	vst v63  }
0x72: {  	s9 =	sor.u32 $0x7, s0  }
0x73: {  	s0 =	sshll.u32 s9, $0xA  }
0x74: {  	s0 =	sor.u32 s5, s0  }
0x75: {  	_ =	swait.ge [sflag:s28], $0x80;
	s0 =	sor.u32 s31, s0  }
0x76: {  	[sflag:s28] =	ssyncset.done $0x0;
	s0 =	sshrl.u32 s0, $0x3  }
0x77: {  	[sflag:s28] =	ssyncadd.s32 $0xFFFFFF80;
	s0 =	sadd.s32 s7, s0  }
0x78: {  	[tilespmem:s12], [sflag:$0x3] =	stream.linear.gather [hbm4b:s0+s6], $0x80, $0x38;
	[tilespmem:$0x8440] =	vst v63  }
0x79: {  	_ =	swait.ge [sflag:s28], $0x80  }
0x7a: {  	[sflag:s28] =	ssyncset.done $0x0  }
0x7b: {  	[sflag:s28] =	ssyncadd.s32 $0xFFFFFF80  }
0x7c: {  	[tilespmem:s13], [sflag:$0x2] =	stream.indirect.gather [hbm4b:s8+s30], $0x20, s1, s30, $0xb8;
	[tilespmem:$0x8440] =	vst v63  }
0x7d: {  	_ = 	snop  }
0x7e: {  	[tilespmem:s14], [sflag:$0x2] =	stream.indirect.gather [hbm4b:s8+s30], $0x20, s2, s30, $0xb8;
	[tilespmem:$0x8440] =	vst v63  }
0x7f: {  	_ = 	snop  }
0x80: {  	[tilespmem:s15], [sflag:$0x2] =	stream.indirect.gather [hbm4b:s8+s30], $0x20, s11, s30, $0xb8;
	[tilespmem:$0x8440] =	vst v63  }
0x81: {  	_ = 	snop  }
0x82: {  	[tilespmem:s16], [sflag:$0x2] =	stream.indirect.gather [hbm4b:s8+s30], $0x20, s12, s30, $0xb8;
	[tilespmem:$0x8440] =	vst v63  }
0x83: {  	_ =	swait.ge [sflag:s17], $0x1000  }
0x84: {  	[sflag:s17] =	ssyncset.done $0x0  }
0x85: {  	[sflag:s17] =	ssyncadd.s32 $0xFFFFF000  }
0x86: {  	_ =	swait.ge [sflag:s17], $0x1000  }
0x87: {  	[sflag:s17] =	ssyncset.done $0x0  }
0x88: {  	[sflag:s17] =	ssyncadd.s32 $0xFFFFF000  }
0x89: {  	_ =	swait.ge [sflag:s17], $0x1000  }
0x8a: {  	[sflag:s17] =	ssyncset.done $0x0  }
0x8b: {  	[sflag:s17] =	ssyncadd.s32 $0xFFFFF000  }
0x8c: {  	_ =	swait.ge [sflag:s17], $0x1000  }
0x8d: {  	[sflag:s17] =	ssyncset.done $0x0  }
0x8e: {  	s31 =	simm.s32 $0x480;
	[sflag:s17] =	ssyncadd.s32 $0xFFFFF000  }
0x8f: {  	v8 =	vld [tilespmem:s31+$0x60]  }
0x90: {  	v25 =	vld [tilespmem:s31+$0x70]  }
0x91: {  	v21 =	vld [tilespmem:s31+$0xFFFFFF90]  }
0x92: {  	v20 =	vld [tilespmem:s31+$0xFFFFFFA0]  }
0x93: {  	v19 =	vld [tilespmem:s31+$0xFFFFFFB0]  }
0x94: {  	v18 =	vld [tilespmem:s31+$0xFFFFFFC0]  }
0x95: {  	v10 =	vld [tilespmem:s31+$0xFFFFFFD0]  }
0x96: {  	v11 =	vld [tilespmem:s31+$0xFFFFFFE0]  }
0x97: {  	v9 =	vld [tilespmem:s31+$0xFFFFFFF0]  }
0x98: {  	v12 =	vmul.f32 v8, v8;
	v13 =	vmul.f32 v25, v25  }
0x99: {  	v14 =	vadd.f32 v25, v8;
	v22 =	vmul.f32 v21, v21;
	v17 =	vmul.f32 v20, v20  }
0x9a: {  	v24 =	vadd.f32 v19, v20;
	v23 =	vmul.f32 v19, v19;
	v28 =	vmul.f32 v18, v18  }
0x9b: {  	v30 =	vadd.f32 v10, v18;
	v31 =	vmul.f32 v10, v10;
	v33 =	vmul.f32 v11, v11  }
0x9c: {  	v35 =	vadd.f32 v9, v11;
	v36 =	vmul.f32 v9, v9;
	v16 =	vadd.f32 v13, v12;
	v13 =	vld [tilespmem:s31+$0x0]  }
0x9d: {  	v15 =	vperm.xlane v14, v0;
	v12 =	vld [tilespmem:s31+$0x10];
	v29 =	vperm.xlane v24, v0;
	v34 =	vadd.f32 v23, v17  }
0x9e: {  	v17 =	vld [tilespmem:s31+$0x40];
	v38 =	vperm.xlane v30, v0;
	v28 =	vadd.f32 v31, v28;
	v44 =	vperm.xlane v35, v0  }
0x9f: {  	v23 =	vld [tilespmem:s31+$0xFFFFFF80];
	v33 =	vadd.f32 v36, v33;
	v26 =	vadd.f32 v15, v14;
	v27 =	vperm.xlane v16, v0  }
0xa0: {  	v15 =	vld [tilespmem:s31+$0x20];
	v24 =	vadd.f32 v29, v24;
	v55 =	vperm.xlane v34, v0;
	v30 =	vadd.f32 v38, v30  }
0xa1: {  	v14 =	vld [tilespmem:s31+$0x30];
	v56 =	vperm.xlane v28, v0;
	v35 =	vadd.f32 v44, v35;
	v57 =	vperm.xlane v33, v0  }
0xa2: {  	v32 =	vperm.xlane v26, v1;
	v27 =	vadd.f32 v27, v16;
	v34 =	vadd.f32 v55, v34  }
0xa3: {  	v28 =	vadd.f32 v56, v28;
	v33 =	vadd.f32 v57, v33;
	v37 =	vmul.f32 v13, v13  }
0xa4: {  	v16 =	vld [tilespmem:s31+$0x50];
	v39 =	vadd.f32 v12, v13;
	v40 =	vmul.f32 v12, v12;
	v43 =	vmul.f32 v17, v17  }
0xa5: {  	v61 =	vadd.f32 v21, v23;
	v48 =	vmul.f32 v23, v23;
	v58 =	vperm.xlane v27, v1  }
0xa6: {  	v26 =	vadd.f32 v32, v26;
	v59 =	vmul.f32 v15, v15;
	v42 =	vmul.f32 v14, v14  }
0xa7: {  	v31 =	vadd.f32 v14, v15;
	v62 =	vperm.xlane v39, v0;
	v49 =	vperm.xlane v61, v0  }
0xa8: {  	v48 =	vadd.f32 v22, v48;
	v37 =	vadd.f32 v40, v37;
	v41 =	vperm.xlane v26, v2  }
0xa9: {  	v27 =	vadd.f32 v58, v27;
	v45 =	vadd.f32 v16, v17;
	v46 =	vmul.f32 v16, v16  }
0xaa: {  	v52 =	vperm.xlane v31, v0;
	v32 =	vadd.f32 v49, v61;
	v29 =	vperm.xlane v48, v0  }
0xab: {  	v36 =	vadd.f32 v62, v39;
	v58 =	vperm.xlane v37, v0;
	v62 =	vperm.xlane v24, v1  }
0xac: {  	v26 =	vadd.f32 v41, v26;
	v60 =	vperm.xlane v27, v2;
	v53 =	vperm.xlane v45, v0  }
0xad: {  	v31 =	vadd.f32 v52, v31;
	v61 =	vperm.xlane v32, v1;
	v29 =	vadd.f32 v29, v48  }
0xae: {  	v52 =	vperm.xlane v30, v1;
	v56 =	vperm.xlane v36, v1;
	v37 =	vadd.f32 v58, v37  }
0xaf: {  	v24 =	vadd.f32 v62, v24;
	v62 =	vperm.xlane v33, v1;
	v47 =	vperm.xlane v26, v3  }
0xb0: {  	v27 =	vadd.f32 v60, v27;
	v41 =	vadd.f32 v53, v45;
	v57 =	vperm.xlane v31, v1  }
0xb1: {  	v32 =	vadd.f32 v61, v32;
	v30 =	vadd.f32 v52, v30;
	v61 =	vperm.xlane v28, v1  }
0xb2: {  	v36 =	vadd.f32 v56, v36;
	v56 =	vperm.xlane v24, v2;
	v33 =	vadd.f32 v62, v33  }
0xb3: {  	v26 =	vadd.f32 v47, v26;
	v63 =	vperm.xlane v27, v3;
	v58 =	vperm.xlane v41, v1  }
0xb4: {  	v31 =	vadd.f32 v57, v31;
	v57 =	vperm.xlane v30, v2;
	v28 =	vadd.f32 v61, v28  }
0xb5: {  	v27 =	vadd.f32 v63, v27;
	v22 =	vmul.f32 $3.125000000e-02, v26;
	v26 =	vadd.f32 v42, v59  }
0xb6: {  	v42 =	vadd.f32 v46, v43;
	v40 =	vadd.f32 v58, v41;
	v61 =	vperm.xlane v31, v2  }
0xb7: {  	v30 =	vadd.f32 v57, v30;
	v27 =	vmul.f32 $3.125000000e-02, v27;
	v54 =	vmul.f32 v22, v22  }
0xb8: {  	v59 =	vperm.xlane v26, v0;
	v60 =	vperm.xlane v42, v0;
	v25 =	vsub.f32 v25, v22  }
0xb9: {  	v62 =	vperm.xlane v40, v2;
	v27 =	vsub.f32 v27, v54;
	v54 =	vperm.xlane v35, v1  }
0xba: {  	v31 =	vadd.f32 v61, v31;
	v26 =	vadd.f32 v59, v26;
	v59 =	vperm.xlane v29, v1  }
0xbb: {  	v42 =	vadd.f32 v60, v42;
	v27 =	vmax.f32 v27, $0.0e+00;
	v35 =	vadd.f32 v54, v35  }
0xbc: {  	v52 =	vperm.xlane v26, v1;
	v29 =	vadd.f32 v59, v29;
	v59 =	vperm.xlane v36, v2  }
0xbd: {  	v60 =	vperm.xlane v34, v1;
	v27 =	vadd.f32 $9.999999740e-06, v27;
	v58 =	vperm.xlane v35, v2  }
0xbe: {  	v26 =	vadd.f32 v52, v26;
	v52 =	vperm.xlane v28, v2;
	v36 =	vadd.f32 v59, v36  }
0xbf: {  	v59 =	vperm.xlane v30, v3;
	v63 =	vshrl.u32 v27, $0x1;
	v27 =	vmul.f32 $5.000000000e-01, v27  }
0xc0: {  	v53 =	vsub.s32 $0x5F3759DF, v63;
	v63 =	vperm.xlane v37, v1;
	v35 =	vadd.f32 v58, v35  }
0xc1: {  	v44 =	vadd.f32 v52, v28;
	v30 =	vadd.f32 v59, v30;
	v55 =	vmul.f32 v53, v27  }
0xc2: {  	v37 =	vadd.f32 v63, v37;
	v63 =	vperm.xlane v29, v2;
	v28 =	vperm.xlane v35, v3  }
0xc3: {  	v39 =	vadd.f32 v62, v40;
	v43 =	vmul.f32 v53, v55;
	v55 =	vperm.xlane v32, v2  }
0xc4: {  	v29 =	vadd.f32 v63, v29;
	v35 =	vadd.f32 v28, v35;
	v28 =	vmul.f32 $3.125000000e-02, v30  }
0xc5: {  	v43 =	vsub.f32 $1.500000000e+00, v43;
	v32 =	vadd.f32 v55, v32;
	v55 =	vperm.xlane v26, v2  }
0xc6: {  	v34 =	vadd.f32 v60, v34;
	v63 =	vperm.xlane v29, v3;
	v45 =	vmul.f32 v28, v28  }
0xc7: {  	v38 =	vmul.f32 v53, v43;
	v53 =	vperm.xlane v42, v1;
	v43 =	vadd.f32 v56, v24  }
0xc8: {  	v24 =	vperm.xlane v34, v2;
	v57 =	vperm.xlane v32, v3;
	v62 =	vadd.f32 v55, v26  }
0xc9: {  	v26 =	vperm.xlane v39, v3;
	v54 =	vmul.f32 v38, v27;
	v41 =	vadd.f32 v53, v42  }
0xca: {  	v53 =	vperm.xlane v33, v2;
	v58 =	vperm.xlane v43, v3;
	v34 =	vadd.f32 v24, v34  }
0xcb: {  	v32 =	vadd.f32 v57, v32;
	v48 =	vmul.f32 v54, v38;
	v54 =	vperm.xlane v37, v2  }
0xcc: {  	v56 =	vperm.xlane v41, v2;
	v33 =	vadd.f32 v53, v33;
	v42 =	vadd.f32 v58, v43  }
0xcd: {  	v52 =	vperm.xlane v34, v3;
	v53 =	vperm.xlane v44, v3;
	v60 =	vsub.f32 $1.500000000e+00, v48  }
0xce: {  	v37 =	vadd.f32 v54, v37;
	v40 =	vadd.f32 v56, v41;
	v54 =	vperm.xlane v33, v3  }
0xcf: {  	v39 =	vadd.f32 v26, v39;
	v56 =	vperm.xlane v62, v3;
	v38 =	vmul.f32 v60, v38  }
0xd0: {  	v41 =	vadd.f32 v63, v29;
	v26 =	vmul.f32 $3.125000000e-02, v42;
	v50 =	vperm.xlane v40, v3  }
0xd1: {  	v57 =	vadd.f32 v53, v44;
	v29 =	vmul.f32 $3.125000000e-02, v39;
	v27 =	vmul.f32 v38, v27  }
0xd2: {  	v60 =	vperm.xlane v31, v3;
	v55 =	vperm.xlane v37, v3;
	v40 =	vadd.f32 v50, v40  }
0xd3: {  	v34 =	vadd.f32 v52, v34;
	v63 =	vmul.f32 $3.125000000e-02, v57;
	v27 =	vmul.f32 v27, v38  }
0xd4: {  	v33 =	vadd.f32 v54, v33;
	v51 =	vmul.f32 v29, v29;
	v50 =	vmul.f32 $3.125000000e-02, v40  }
0xd5: {  	v59 =	vmul.f32 $3.125000000e-02, v41;
	v34 =	vmul.f32 $3.125000000e-02, v34;
	v27 =	vsub.f32 $1.500000000e+00, v27  }
0xd6: {  	v33 =	vmul.f32 $3.125000000e-02, v33;
	v41 =	vsub.f32 v63, v45;
	v39 =	vsub.f32 v50, v51  }
0xd7: {  	v58 =	vadd.f32 v55, v37;
	v24 =	vmul.f32 v27, v38;
	v27 =	vperm.xlane v36, v3  }
0xd8: {  	v52 =	vmax.f32 v41, $0.0e+00;
	v38 =	vadd.f32 v60, v31;
	v39 =	vmax.f32 v39, $0.0e+00  }
0xd9: {  	v61 =	vmul.f32 v24, v7;
	v36 =	vadd.f32 v27, v36;
	v27 =	vmul.f32 $3.125000000e-02, v32  }
0xda: {  	v39 =	vadd.f32 $9.999999740e-06, v39;
	v32 =	vmul.f32 $3.125000000e-02, v35;
	v30 =	vmul.f32 $3.125000000e-02, v38  }
0xdb: {  	v35 =	vmul.f32 $3.125000000e-02, v58;
	v38 =	vadd.f32 $9.999999740e-06, v52;
	v25 =	vmul.f32 v61, v25  }
0xdc: {  	v31 =	vmul.f32 $3.125000000e-02, v36;
	v60 =	vmul.f32 v27, v27;
	v61 =	vadd.f32 v56, v62  }
0xdd: {  	v62 =	vmul.f32 v26, v26;
	v46 =	vmul.f32 v32, v32;
	v55 =	vshrl.u32 v38, $0x1  }
0xde: {  	v49 =	vmul.f32 v30, v30;
	v38 =	vmul.f32 $5.000000000e-01, v38;
	v42 =	vsub.s32 $0x5F3759DF, v55  }
0xdf: {  	v36 =	vsub.f32 v59, v60;
	v34 =	vsub.f32 v34, v62;
	v47 =	vmul.f32 v31, v31  }
0xe0: {  	v33 =	vsub.f32 v33, v46;
	v48 =	vmul.f32 $3.125000000e-02, v61;
	v61 =	vmul.f32 v42, v38  }
0xe1: {  	v35 =	vsub.f32 v35, v47;
	v36 =	vmax.f32 v36, $0.0e+00;
	v34 =	vmax.f32 v34, $0.0e+00  }
0xe2: {  	v37 =	vsub.f32 v48, v49;
	v33 =	vmax.f32 v33, $0.0e+00;
	v47 =	vmul.f32 $5.000000000e-01, v39  }
0xe3: {  	v39 =	vshrl.u32 v39, $0x1;
	v49 =	vmul.f32 v42, v61;
	v36 =	vadd.f32 $9.999999740e-06, v36  }
0xe4: {  	v34 =	vadd.f32 $9.999999740e-06, v34;
	v33 =	vadd.f32 $9.999999740e-06, v33;
	v39 =	vsub.s32 $0x5F3759DF, v39  }
0xe5: {  	v35 =	vmax.f32 v35, $0.0e+00;
	v37 =	vmax.f32 v37, $0.0e+00;
	v63 =	vmul.f32 v39, v47  }
0xe6: {  	v49 =	vsub.f32 $1.500000000e+00, v49;
	v53 =	vshrl.u32 v36, $0x1;
	v35 =	vadd.f32 $9.999999740e-06, v35  }
0xe7: {  	v36 =	vmul.f32 $5.000000000e-01, v36;
	v37 =	vadd.f32 $9.999999740e-06, v37;
	v54 =	vshrl.u32 v34, $0x1  }
0xe8: {  	v34 =	vmul.f32 $5.000000000e-01, v34;
	v56 =	vshrl.u32 v33, $0x1;
	v33 =	vmul.f32 $5.000000000e-01, v33  }
0xe9: {  	v40 =	vsub.s32 $0x5F3759DF, v53;
	v41 =	vsub.s32 $0x5F3759DF, v54;
	v43 =	vsub.s32 $0x5F3759DF, v56  }
0xea: {  	v42 =	vmul.f32 v42, v49;
	v57 =	vshrl.u32 v35, $0x1;
	v35 =	vmul.f32 $5.000000000e-01, v35  }
0xeb: {  	v58 =	vshrl.u32 v37, $0x1;
	v59 =	vmul.f32 v40, v36;
	v37 =	vmul.f32 $5.000000000e-01, v37  }
0xec: {  	v60 =	vmul.f32 v41, v34;
	v62 =	vmul.f32 v43, v33  }
0xed: {  	v44 =	vsub.s32 $0x5F3759DF, v57;
	v45 =	vsub.s32 $0x5F3759DF, v58;
	v46 =	vmul.f32 v40, v59  }
0xee: {  	v51 =	vmul.f32 v44, v35;
	v52 =	vmul.f32 v45, v37  }
0xef: {  	v48 =	vmul.f32 v41, v60;
	v60 =	vmul.f32 v42, v38  }
0xf0: {  	v50 =	vmul.f32 v43, v62;
	v46 =	vsub.f32 $1.500000000e+00, v46;
	v51 =	vmul.f32 v44, v51  }
0xf1: {  	v48 =	vsub.f32 $1.500000000e+00, v48;
	v52 =	vmul.f32 v45, v52;
	v49 =	vmul.f32 v60, v42  }
0xf2: {  	v50 =	vsub.f32 $1.500000000e+00, v50;
	v40 =	vmul.f32 v40, v46;
	v46 =	vmul.f32 v39, v63  }
0xf3: {  	v41 =	vmul.f32 v41, v48;
	v55 =	vsub.f32 $1.500000000e+00, v51;
	v56 =	vsub.f32 $1.500000000e+00, v52  }
0xf4: {  	v43 =	vmul.f32 v43, v50;
	v57 =	vmul.f32 v40, v36  }
0xf5: {  	v49 =	vsub.f32 $1.500000000e+00, v49;
	v44 =	vmul.f32 v44, v55;
	v45 =	vmul.f32 v45, v56  }
0xf6: {  	v46 =	vsub.f32 $1.500000000e+00, v46;
	v59 =	vmul.f32 v41, v34;
	v50 =	vmul.f32 v43, v33  }
0xf7: {  	v42 =	vmul.f32 v49, v42;
	v58 =	vmul.f32 v57, v40  }
0xf8: {  	v39 =	vmul.f32 v39, v46;
	v61 =	vmul.f32 v44, v35  }
0xf9: {  	v62 =	vmul.f32 v45, v37;
	v46 =	vmul.f32 v59, v41  }
0xfa: {  	v55 =	vsub.f32 v21, v27;
	v50 =	vmul.f32 v50, v43;
	v21 =	vmul.f32 v42, v38  }
0xfb: {  	v48 =	vsub.f32 $1.500000000e+00, v58;
	v63 =	vmul.f32 v39, v47;
	v51 =	vmul.f32 v61, v44  }
0xfc: {  	v52 =	vmul.f32 v62, v45;
	v46 =	vsub.f32 $1.500000000e+00, v46;
	v50 =	vsub.f32 $1.500000000e+00, v50  }
0xfd: {  	v21 =	vmul.f32 v21, v42;
	v40 =	vmul.f32 v48, v40;
	v51 =	vsub.f32 $1.500000000e+00, v51  }
0xfe: {  	v48 =	vmul.f32 v63, v39;
	v41 =	vmul.f32 v46, v41;
	v52 =	vsub.f32 $1.500000000e+00, v52  }
0xff: {  	v43 =	vmul.f32 v50, v43;
	v21 =	vsub.f32 $1.500000000e+00, v21;
	v44 =	vmul.f32 v51, v44  }
0x100: {  	v48 =	vsub.f32 $1.500000000e+00, v48;
	v45 =	vmul.f32 v52, v45;
	v36 =	vmul.f32 v40, v36  }
0x101: {  	v53 =	vadd.f32 v25, v5;
	v34 =	vmul.f32 v41, v34;
	v33 =	vmul.f32 v43, v33  }
0x102: {  	v54 =	vsub.f32 v23, v27;
	v21 =	vmul.f32 v21, v42;
	v23 =	vmul.f32 v48, v39  }
0x103: {  	v25 =	vsub.f32 v20, v26;
	v20 =	vmul.f32 v44, v35;
	v56 =	vmul.f32 v45, v37  }
0x104: {  	v27 =	vsub.f32 v18, v28;
	v36 =	vmul.f32 v36, v40;
	v18 =	vmul.f32 v34, v41  }
0x105: {  	v26 =	vsub.f32 v19, v26;
	v33 =	vmul.f32 v33, v43;
	v38 =	vmul.f32 v21, v6  }
0x106: {  	v28 =	vsub.f32 v10, v28;
	v39 =	vmul.f32 v21, v7;
	v19 =	vmul.f32 v23, v47  }
0x107: {  	v20 =	vmul.f32 v20, v44;
	v35 =	vmul.f32 v56, v45;
	v18 =	vsub.f32 $1.500000000e+00, v18  }
0x108: {  	v57 =	vsub.f32 $1.500000000e+00, v36;
	v33 =	vsub.f32 $1.500000000e+00, v33;
	v19 =	vmul.f32 v19, v23  }
0x109: {  	v20 =	vsub.f32 $1.500000000e+00, v20;
	v58 =	vmul.f32 v18, v41;
	v18 =	vsub.f32 $1.500000000e+00, v35  }
0x10a: {  	v21 =	vsub.f32 v15, v30;
	v34 =	vmul.f32 v57, v40;
	v59 =	vmul.f32 v33, v43  }
0x10b: {  	v35 =	vsub.f32 v16, v29;
	v10 =	vmul.f32 v20, v44;
	v60 =	vmul.f32 v18, v45  }
0x10c: {  	v19 =	vsub.f32 $1.500000000e+00, v19;
	v61 =	vmul.f32 v34, v6;
	v63 =	vmul.f32 v34, v7  }
0x10d: {  	v18 =	vsub.f32 v11, v32;
	v40 =	vmul.f32 v58, v6;
	v41 =	vmul.f32 v58, v7  }
0x10e: {  	v20 =	vsub.f32 v13, v31;
	v37 =	vmul.f32 v59, v6;
	v15 =	vmul.f32 v59, v7  }
0x10f: {  	v34 =	vsub.f32 v14, v30;
	v62 =	vmul.f32 v19, v23;
	v13 =	vmul.f32 v10, v6  }
0x110: {  	v19 =	vsub.f32 v9, v32;
	v14 =	vmul.f32 v10, v7;
	v11 =	vmul.f32 v60, v6  }
0x111: {  	v23 =	vsub.f32 v17, v29;
	v36 =	vmul.f32 v60, v7;
	v9 =	vmul.f32 v24, v6  }
0x112: {  	v17 =	vsub.f32 v8, v22;
	v16 =	vmul.f32 v61, v54;
	v8 =	vmul.f32 v63, v55  }
0x113: {  	s5 =	simm.s32 $0x0;
	s0 =	simm.s32 $0x580;
	[tilespmem:s31+$0x70] =	vst v53;
	v33 =	vsub.f32 v12, v31;
	v12 =	vmul.f32 v62, v6;
	v29 =	vmul.f32 v62, v7  }
.LBB2_3:
0x114: {  	v10 =	vld [tilespmem:s0+$0x60];
	v22 =	vmul.f32 v40, v25;
	v24 =	vmul.f32 v41, v26  }
0x115: {  	s5 =	sadd.s32 $0x8, s5;
	v31 =	vmul.f32 v38, v27;
	v38 =	vmul.f32 v39, v28;
	v32 =	vld [tilespmem:s0+$0x70];
	v16 =	vadd.f32 v16, v4  }
0x116: {  	v37 =	vmul.f32 v37, v18;
	v15 =	vmul.f32 v15, v19;
	p0 =	slt.u32 s5, $0x1F8;
	v8 =	vadd.f32 v8, v5;
	v30 =	vld [tilespmem:s0+$0xFFFFFF90]  }
0x117: {  	v18 =	vadd.f32 v22, v4;
	v25 =	vld [tilespmem:s0+$0xFFFFFFA0];
	[tilespmem:s31+$0xFFFFFF80] =	vst v16;
	v16 =	vmul.f32 v13, v20;
	v13 =	vmul.f32 v14, v33  }
0x118: {  	v19 =	vadd.f32 v24, v5;
	v14 =	vmul.f32 v11, v21;
	v11 =	vmul.f32 v36, v34;
	v26 =	vld [tilespmem:s0+$0xFFFFFFB0];
	[tilespmem:s31+$0xFFFFFF90] =	vst v8  }
0x119: {  	v12 =	vmul.f32 v12, v23;
	v20 =	vadd.f32 v31, v4;
	v8 =	vmul.f32 v29, v35;
	v27 =	vld [tilespmem:s0+$0xFFFFFFC0];
	[tilespmem:s31+$0xFFFFFFA0] =	vst v18  }
0x11a: {  	v21 =	vmul.f32 v10, v10;
	v28 =	vld [tilespmem:s0+$0xFFFFFFD0];
	v22 =	vadd.f32 v32, v10;
	v23 =	vmul.f32 v32, v32;
	[tilespmem:s31+$0xFFFFFFB0] =	vst v19  }
0x11b: {  	v9 =	vmul.f32 v9, v17;
	v24 =	vadd.f32 v38, v5;
	v29 =	vmul.f32 v30, v30;
	v18 =	vld [tilespmem:s0+$0xFFFFFFE0];
	[tilespmem:s31+$0xFFFFFFC0] =	vst v20  }
0x11c: {  	v17 =	vmul.f32 v25, v25;
	v19 =	vld [tilespmem:s0+$0xFFFFFFF0];
	v31 =	vperm.xlane v22, v0;
	v33 =	vadd.f32 v23, v21  }
0x11d: {  	v34 =	vadd.f32 v26, v25;
	v35 =	vmul.f32 v26, v26;
	v20 =	vld [tilespmem:s0+$0x0];
	[tilespmem:s31+$0xFFFFFFD0] =	vst v24;
	v24 =	vadd.f32 v37, v4  }
0x11e: {  	v36 =	vmul.f32 v27, v27;
	v21 =	vld [tilespmem:s0+$0x10];
	v31 =	vadd.f32 v31, v22;
	v37 =	vperm.xlane v33, v0  }
0x11f: {  	v38 =	vperm.xlane v34, v0;
	v39 =	vadd.f32 v28, v27;
	v40 =	vmul.f32 v28, v28;
	v23 =	vld [tilespmem:s0+$0x20];
	[tilespmem:s31+$0xFFFFFFE0] =	vst v24  }
0x120: {  	v41 =	vmul.f32 v18, v18;
	v22 =	vld [tilespmem:s0+$0x30];
	v42 =	vperm.xlane v31, v1;
	v37 =	vadd.f32 v37, v33  }
0x121: {  	v35 =	vadd.f32 v35, v17;
	v43 =	vadd.f32 v19, v18;
	v44 =	vmul.f32 v19, v19;
	v24 =	vld [tilespmem:s0+$0x40]  }
0x122: {  	v45 =	vmul.f32 v20, v20;
	v17 =	vld [tilespmem:s0+$0x50];
	v31 =	vadd.f32 v42, v31;
	v42 =	vperm.xlane v37, v1  }
0x123: {  	v46 =	vperm.xlane v39, v0;
	v33 =	vld [tilespmem:s0+$0xFFFFFF80];
	v47 =	vadd.f32 v21, v20;
	v48 =	vmul.f32 v21, v21  }
0x124: {  	v49 =	vmul.f32 v23, v23;
	v50 =	vperm.xlane v31, v2;
	v37 =	vadd.f32 v42, v37  }
0x125: {  	v36 =	vadd.f32 v40, v36;
	v40 =	vadd.f32 v22, v23;
	v42 =	vmul.f32 v22, v22  }
0x126: {  	v51 =	vmul.f32 v24, v24;
	v31 =	vadd.f32 v50, v31;
	v50 =	vperm.xlane v37, v2  }
0x127: {  	v52 =	vperm.xlane v43, v0;
	v53 =	vadd.f32 v17, v24;
	v54 =	vmul.f32 v17, v17  }
0x128: {  	v55 =	vadd.f32 v30, v33;
	v56 =	vperm.xlane v31, v3;
	v37 =	vadd.f32 v50, v37  }
0x129: {  	v41 =	vadd.f32 v44, v41;
	v44 =	vperm.xlane v47, v0;
	v50 =	vmul.f32 v33, v33  }
0x12a: {  	v57 =	vperm.xlane v55, v0;
	v31 =	vadd.f32 v56, v31;
	v56 =	vperm.xlane v37, v3  }
0x12b: {  	v45 =	vadd.f32 v48, v45;
	v48 =	vperm.xlane v40, v0;
	v50 =	vadd.f32 v29, v50  }
0x12c: {  	v42 =	vadd.f32 v42, v49;
	v37 =	vadd.f32 v56, v37;
	v29 =	vmul.f32 $3.125000000e-02, v31  }
0x12d: {  	v49 =	vperm.xlane v53, v0;
	v51 =	vadd.f32 v54, v51;
	v31 =	vadd.f32 v57, v55  }
0x12e: {  	v34 =	vadd.f32 v38, v34;
	v37 =	vmul.f32 $3.125000000e-02, v37;
	v38 =	vmul.f32 v29, v29  }
0x12f: {  	v39 =	vadd.f32 v46, v39;
	v54 =	vperm.xlane v50, v0;
	v55 =	vperm.xlane v35, v0  }
0x130: {  	v46 =	vperm.xlane v36, v0;
	v43 =	vadd.f32 v52, v43;
	v37 =	vsub.f32 v37, v38  }
0x131: {  	v44 =	vadd.f32 v44, v47;
	v47 =	vperm.xlane v45, v0;
	v38 =	vperm.xlane v41, v0  }
0x132: {  	v40 =	vadd.f32 v48, v40;
	v48 =	vperm.xlane v42, v0;
	v37 =	vmax.f32 v37, $0.0e+00  }
0x133: {  	v49 =	vadd.f32 v49, v53;
	v52 =	vperm.xlane v51, v0;
	v37 =	vadd.f32 $9.999999740e-06, v37  }
0x134: {  	v53 =	vperm.xlane v31, v1;
	v50 =	vadd.f32 v54, v50;
	v54 =	vperm.xlane v34, v1  }
0x135: {  	v35 =	vadd.f32 v55, v35;
	v55 =	vshrl.u32 v37, $0x1;
	v37 =	vmul.f32 $5.000000000e-01, v37  }
0x136: {  	v36 =	vadd.f32 v46, v36;
	v56 =	vperm.xlane v39, v1;
	v46 =	vsub.s32 $0x5F3759DF, v55  }
0x137: {  	v38 =	vadd.f32 v38, v41;
	v55 =	vperm.xlane v43, v1;
	v41 =	vmul.f32 v46, v37  }
0x138: {  	v45 =	vadd.f32 v47, v45;
	v47 =	vperm.xlane v40, v1;
	v57 =	vperm.xlane v44, v1  }
0x139: {  	v42 =	vadd.f32 v48, v42;
	v48 =	vperm.xlane v49, v1;
	v41 =	vmul.f32 v46, v41  }
0x13a: {  	v51 =	vadd.f32 v52, v51;
	v31 =	vadd.f32 v53, v31;
	v53 =	vperm.xlane v50, v1  }
0x13b: {  	v34 =	vadd.f32 v54, v34;
	v52 =	vperm.xlane v35, v1;
	v41 =	vsub.f32 $1.500000000e+00, v41  }
0x13c: {  	v39 =	vadd.f32 v56, v39;
	v54 =	vperm.xlane v36, v1;
	v43 =	vadd.f32 v55, v43  }
0x13d: {  	v44 =	vadd.f32 v57, v44;
	v55 =	vperm.xlane v38, v1;
	v41 =	vmul.f32 v46, v41  }
0x13e: {  	v40 =	vadd.f32 v47, v40;
	v47 =	vperm.xlane v42, v1;
	v46 =	vperm.xlane v45, v1  }
0x13f: {  	v48 =	vadd.f32 v48, v49;
	v49 =	vperm.xlane v51, v1;
	v56 =	vmul.f32 v41, v37  }
0x140: {  	v57 =	vperm.xlane v31, v2;
	v50 =	vadd.f32 v53, v50;
	v53 =	vperm.xlane v34, v2  }
0x141: {  	v35 =	vadd.f32 v52, v35;
	v52 =	vperm.xlane v39, v2;
	v56 =	vmul.f32 v56, v41  }
0x142: {  	v36 =	vadd.f32 v54, v36;
	v54 =	vperm.xlane v43, v2;
	v38 =	vadd.f32 v55, v38  }
0x143: {  	v55 =	vperm.xlane v44, v2;
	v45 =	vadd.f32 v46, v45;
	v46 =	vsub.f32 $1.500000000e+00, v56  }
0x144: {  	v42 =	vadd.f32 v47, v42;
	v47 =	vperm.xlane v48, v2;
	v56 =	vperm.xlane v40, v2  }
0x145: {  	v49 =	vadd.f32 v49, v51;
	v57 =	vadd.f32 v57, v31;
	v31 =	vmul.f32 v46, v41  }
0x146: {  	v34 =	vadd.f32 v53, v34;
	v41 =	vperm.xlane v50, v2;
	v46 =	vperm.xlane v35, v2  }
0x147: {  	v39 =	vadd.f32 v52, v39;
	v51 =	vperm.xlane v36, v2;
	v37 =	vmul.f32 v31, v37  }
0x148: {  	v43 =	vadd.f32 v54, v43;
	v52 =	vperm.xlane v38, v2;
	v44 =	vadd.f32 v55, v44  }
0x149: {  	v53 =	vperm.xlane v45, v2;
	v40 =	vadd.f32 v56, v40;
	v37 =	vmul.f32 v37, v31  }
0x14a: {  	v47 =	vadd.f32 v47, v48;
	v48 =	vperm.xlane v49, v2;
	v54 =	vperm.xlane v42, v2  }
0x14b: {  	v55 =	vperm.xlane v57, v3;
	v41 =	vadd.f32 v41, v50;
	v37 =	vsub.f32 $1.500000000e+00, v37  }
0x14c: {  	v50 =	vperm.xlane v34, v3;
	v35 =	vadd.f32 v46, v35;
	v46 =	vperm.xlane v39, v3  }
0x14d: {  	v36 =	vadd.f32 v51, v36;
	v51 =	vperm.xlane v43, v3;
	v31 =	vmul.f32 v37, v31  }
0x14e: {  	v45 =	vadd.f32 v53, v45;
	v37 =	vadd.f32 v52, v38;
	v38 =	vperm.xlane v44, v3  }
0x14f: {  	v32 =	vsub.f32 v32, v29;
	v52 =	vperm.xlane v40, v3;
	v53 =	vmul.f32 v31, v7  }
0x150: {  	v48 =	vadd.f32 v48, v49;
	v42 =	vadd.f32 v54, v42;
	v54 =	vperm.xlane v47, v3  }
0x151: {  	v49 =	vadd.f32 v55, v57;
	v55 =	vperm.xlane v41, v3;
	v32 =	vmul.f32 v53, v32  }
0x152: {  	v34 =	vadd.f32 v50, v34;
	v50 =	vperm.xlane v35, v3;
	v39 =	vadd.f32 v46, v39  }
0x153: {  	v43 =	vadd.f32 v51, v43;
	v46 =	vperm.xlane v36, v3;
	v32 =	vadd.f32 v32, v5  }
0x154: {  	v51 =	vperm.xlane v37, v3;
	v38 =	vadd.f32 v38, v44;
	v44 =	vperm.xlane v45, v3  }
0x155: {  	v47 =	vadd.f32 v54, v47;
	v40 =	vadd.f32 v52, v40;
	v52 =	vperm.xlane v42, v3;
	[tilespmem:s0+$0x70] =	vst v32  }
0x156: {  	v32 =	vadd.f32 v55, v41;
	v41 =	vmul.f32 $3.125000000e-02, v49;
	v49 =	vperm.xlane v48, v3  }
0x157: {  	v50 =	vadd.f32 v50, v35;
	v46 =	vadd.f32 v46, v36;
	v53 =	vmul.f32 $3.125000000e-02, v34  }
0x158: {  	v39 =	vmul.f32 $3.125000000e-02, v39;
	v51 =	vadd.f32 v51, v37;
	v37 =	vmul.f32 $3.125000000e-02, v43  }
0x159: {  	v43 =	vadd.f32 v44, v45;
	v36 =	vmul.f32 $3.125000000e-02, v38;
	v38 =	vadd.f32 v52, v42  }
0x15a: {  	v35 =	vmul.f32 $3.125000000e-02, v47;
	v34 =	vmul.f32 $3.125000000e-02, v40;
	v40 =	vadd.f32 v49, v48  }
0x15b: {  	v42 =	vmul.f32 $3.125000000e-02, v32;
	v44 =	vmul.f32 v41, v41;
	v32 =	vsub.f32 v33, v41  }
0x15c: {  	v30 =	vsub.f32 v30, v41;
	v33 =	vmul.f32 $3.125000000e-02, v50;
	v41 =	vmul.f32 v53, v53  }
0x15d: {  	v45 =	vmul.f32 v39, v39;
	v42 =	vsub.f32 v42, v44;
	v44 =	vmul.f32 $3.125000000e-02, v46  }
0x15e: {  	v33 =	vsub.f32 v33, v41;
	v41 =	vmul.f32 $3.125000000e-02, v51;
	v46 =	vmul.f32 v37, v37  }
0x15f: {  	v43 =	vmul.f32 $3.125000000e-02, v43;
	v44 =	vsub.f32 v44, v45;
	v45 =	vmul.f32 v36, v36  }
0x160: {  	v38 =	vmul.f32 $3.125000000e-02, v38;
	v41 =	vsub.f32 v41, v46;
	v46 =	vmul.f32 v34, v34  }
0x161: {  	v40 =	vmul.f32 $3.125000000e-02, v40;
	v43 =	vsub.f32 v43, v45;
	v45 =	vmul.f32 v35, v35  }
0x162: {  	v42 =	vmax.f32 v42, $0.0e+00;
	v33 =	vmax.f32 v33, $0.0e+00;
	v38 =	vsub.f32 v38, v46  }
0x163: {  	v44 =	vmax.f32 v44, $0.0e+00;
	v41 =	vmax.f32 v41, $0.0e+00;
	v40 =	vsub.f32 v40, v45  }
0x164: {  	v42 =	vadd.f32 $9.999999740e-06, v42;
	v43 =	vmax.f32 v43, $0.0e+00;
	v38 =	vmax.f32 v38, $0.0e+00  }
0x165: {  	v33 =	vadd.f32 $9.999999740e-06, v33;
	v44 =	vadd.f32 $9.999999740e-06, v44;
	v40 =	vmax.f32 v40, $0.0e+00  }
0x166: {  	v41 =	vadd.f32 $9.999999740e-06, v41;
	v45 =	vshrl.u32 v42, $0x1;
	v43 =	vadd.f32 $9.999999740e-06, v43  }
0x167: {  	v42 =	vmul.f32 $5.000000000e-01, v42;
	v38 =	vadd.f32 $9.999999740e-06, v38;
	v40 =	vadd.f32 $9.999999740e-06, v40  }
0x168: {  	v46 =	vshrl.u32 v33, $0x1;
	v47 =	vmul.f32 $5.000000000e-01, v33;
	v33 =	vshrl.u32 v44, $0x1  }
0x169: {  	v44 =	vmul.f32 $5.000000000e-01, v44;
	v48 =	vshrl.u32 v41, $0x1;
	v41 =	vmul.f32 $5.000000000e-01, v41  }
0x16a: {  	v49 =	vshrl.u32 v43, $0x1;
	v43 =	vmul.f32 $5.000000000e-01, v43;
	v50 =	vshrl.u32 v38, $0x1  }
0x16b: {  	v38 =	vmul.f32 $5.000000000e-01, v38;
	v51 =	vshrl.u32 v40, $0x1;
	v40 =	vmul.f32 $5.000000000e-01, v40  }
0x16c: {  	v46 =	vsub.s32 $0x5F3759DF, v46;
	v45 =	vsub.s32 $0x5F3759DF, v45;
	v33 =	vsub.s32 $0x5F3759DF, v33  }
0x16d: {  	v48 =	vsub.s32 $0x5F3759DF, v48;
	v49 =	vsub.s32 $0x5F3759DF, v49;
	v50 =	vsub.s32 $0x5F3759DF, v50  }
0x16e: {  	v54 =	vmul.f32 v46, v47;
	v52 =	vmul.f32 v45, v42;
	v51 =	vsub.s32 $0x5F3759DF, v51  }
0x16f: {  	v25 =	vsub.f32 v25, v53;
	v55 =	vmul.f32 v33, v44;
	v56 =	vmul.f32 v48, v41  }
0x170: {  	v26 =	vsub.f32 v26, v53;
	v53 =	vmul.f32 v49, v43;
	v57 =	vmul.f32 v50, v38  }
0x171: {  	v27 =	vsub.f32 v27, v39;
	v52 =	vmul.f32 v45, v52;
	v58 =	vmul.f32 v51, v40  }
0x172: {  	v28 =	vsub.f32 v28, v39;
	v54 =	vmul.f32 v46, v54;
	v55 =	vmul.f32 v33, v55  }
0x173: {  	v39 =	vsub.f32 $1.500000000e+00, v52;
	v52 =	vmul.f32 v48, v56;
	v53 =	vmul.f32 v49, v53  }
0x174: {  	v54 =	vsub.f32 $1.500000000e+00, v54;
	v56 =	vmul.f32 v50, v57;
	v57 =	vmul.f32 v51, v58  }
0x175: {  	v39 =	vmul.f32 v45, v39;
	v45 =	vsub.f32 $1.500000000e+00, v55;
	v52 =	vsub.f32 $1.500000000e+00, v52  }
0x176: {  	v46 =	vmul.f32 v46, v54;
	v53 =	vsub.f32 $1.500000000e+00, v53;
	v54 =	vsub.f32 $1.500000000e+00, v56  }
0x177: {  	v45 =	vmul.f32 v33, v45;
	v48 =	vmul.f32 v48, v52;
	v33 =	vsub.f32 $1.500000000e+00, v57  }
0x178: {  	v18 =	vsub.f32 v18, v37;
	v49 =	vmul.f32 v49, v53;
	v50 =	vmul.f32 v50, v54  }
0x179: {  	v19 =	vsub.f32 v19, v37;
	v52 =	vmul.f32 v39, v42;
	v37 =	vmul.f32 v51, v33  }
0x17a: {  	v20 =	vsub.f32 v20, v36;
	v53 =	vmul.f32 v45, v44;
	v51 =	vmul.f32 v46, v47  }
0x17b: {  	v54 =	vmul.f32 v48, v41;
	v55 =	vmul.f32 v49, v43;
	v33 =	vsub.f32 v21, v36  }
0x17c: {  	v36 =	vmul.f32 v50, v38;
	v21 =	vsub.f32 v23, v34;
	v56 =	vmul.f32 v37, v40  }
0x17d: {  	v52 =	vmul.f32 v52, v39;
	v34 =	vsub.f32 v22, v34;
	v51 =	vmul.f32 v51, v46  }
0x17e: {  	v23 =	vsub.f32 v24, v35;
	v22 =	vmul.f32 v53, v45;
	v53 =	vmul.f32 v54, v48  }
0x17f: {  	v24 =	vsub.f32 $1.500000000e+00, v52;
	v52 =	vmul.f32 v55, v49;
	v36 =	vmul.f32 v36, v50  }
0x180: {  	v22 =	vsub.f32 $1.500000000e+00, v22;
	v51 =	vsub.f32 $1.500000000e+00, v51;
	v54 =	vmul.f32 v56, v37  }
0x181: {  	v24 =	vmul.f32 v24, v39;
	v39 =	vsub.f32 $1.500000000e+00, v53;
	v52 =	vsub.f32 $1.500000000e+00, v52  }
0x182: {  	v36 =	vsub.f32 $1.500000000e+00, v36;
	v46 =	vmul.f32 v51, v46;
	v51 =	vsub.f32 $1.500000000e+00, v54  }
0x183: {  	v35 =	vsub.f32 v17, v35;
	v22 =	vmul.f32 v22, v45;
	v39 =	vmul.f32 v39, v48  }
0x184: {  	v17 =	vsub.f32 v10, v29;
	v45 =	vmul.f32 v52, v49;
	v36 =	vmul.f32 v36, v50  }
0x185: {  	v15 =	vadd.f32 v15, v5;
	v10 =	vmul.f32 v24, v42;
	v29 =	vmul.f32 v51, v37  }
0x186: {  	v16 =	vadd.f32 v16, v4;
	v42 =	vmul.f32 v22, v44;
	v37 =	vmul.f32 v46, v47  }
0x187: {  	v13 =	vadd.f32 v13, v5;
	v41 =	vmul.f32 v39, v41;
	v43 =	vmul.f32 v45, v43;
	[tilespmem:s31+$0xFFFFFFF0] =	vst v15  }
0x188: {  	v14 =	vadd.f32 v14, v4;
	v15 =	vmul.f32 v36, v38;
	v38 =	vmul.f32 v29, v40;
	[tilespmem:s31+$0x0] =	vst v16  }
0x189: {  	v11 =	vadd.f32 v11, v5;
	v10 =	vmul.f32 v10, v24;
	v16 =	vmul.f32 v37, v46;
	[tilespmem:s31+$0x10] =	vst v13  }
0x18a: {  	v12 =	vadd.f32 v12, v4;
	v37 =	vmul.f32 v41, v39;
	v13 =	vmul.f32 v42, v22;
	[tilespmem:s31+$0x20] =	vst v14  }
0x18b: {  	v10 =	vsub.f32 $1.500000000e+00, v10;
	v15 =	vmul.f32 v15, v36;
	v14 =	vmul.f32 v43, v45;
	[tilespmem:s31+$0x30] =	vst v11  }
0x18c: {  	v11 =	vsub.f32 $1.500000000e+00, v16;
	v13 =	vsub.f32 $1.500000000e+00, v13;
	v16 =	vmul.f32 v38, v29;
	[tilespmem:s31+$0x40] =	vst v12  }
0x18d: {  	v10 =	vmul.f32 v10, v24;
	v12 =	vsub.f32 $1.500000000e+00, v37;
	v14 =	vsub.f32 $1.500000000e+00, v14  }
0x18e: {  	v15 =	vsub.f32 $1.500000000e+00, v15;
	v11 =	vmul.f32 v11, v46;
	v16 =	vsub.f32 $1.500000000e+00, v16  }
0x18f: {  	v8 =	vadd.f32 v8, v5;
	v13 =	vmul.f32 v13, v22;
	v12 =	vmul.f32 v12, v39  }
0x190: {  	v9 =	vadd.f32 v9, v4;
	v22 =	vmul.f32 v15, v36;
	v14 =	vmul.f32 v14, v45  }
0x191: {  	v24 =	vmul.f32 v10, v6;
	v16 =	vmul.f32 v16, v29;
	[tilespmem:s31+$0x50] =	vst v8  }
0x192: {  	v40 =	vmul.f32 v11, v6;
	v8 =	vmul.f32 v10, v7;
	[tilespmem:s31+$0x60] =	vst v9;
	s31 =	smov.u32 s0  }
0x193: {  	v41 =	vmul.f32 v11, v7;
	v38 =	vmul.f32 v13, v6  }
0x194: {  	v39 =	vmul.f32 v13, v7;
	v37 =	vmul.f32 v12, v6  }
.Ltmp0:
0x195: {  	v15 =	vmul.f32 v12, v7;
	v13 =	vmul.f32 v14, v6;
	(pc) =	sbr.rel @p0 .LBB2_3-.Ltmp0, $4  }
0x196: {  	v11 =	vmul.f32 v22, v6;
	v14 =	vmul.f32 v14, v7  }
0x197: {  	v36 =	vmul.f32 v22, v7;
	v12 =	vmul.f32 v16, v6  }
0x198: {  	v29 =	vmul.f32 v16, v7;
	v9 =	vmul.f32 v31, v6  }
0x199: {  	v16 =	vmul.f32 v24, v32;
	s0 =	sadd.s32 $0x100, s0;
	v8 =	vmul.f32 v8, v30  }
0x19a: {  	_ = 	snop  }
0x19b: {  	v10 =	vmul.f32 v40, v25;
	v16 =	vadd.f32 v16, v4  }
0x19c: {  	v9 =	vmul.f32 v9, v17;
	v8 =	vadd.f32 v8, v5  }
0x19d: {  	v22 =	vmul.f32 v41, v26;
	v10 =	vadd.f32 v10, v4;
	[tilespmem:s31+$0xFFFFFF80] =	vst v16  }
0x19e: {  	v24 =	vmul.f32 v38, v27;
	v9 =	vadd.f32 v9, v4;
	[tilespmem:s31+$0xFFFFFF90] =	vst v8  }
0x19f: {  	v16 =	vmul.f32 v39, v28;
	v8 =	vadd.f32 v22, v5;
	[tilespmem:s31+$0xFFFFFFA0] =	vst v10  }
0x1a0: {  	v18 =	vmul.f32 v37, v18;
	v10 =	vadd.f32 v24, v4;
	[tilespmem:s31+$0x60] =	vst v9  }
0x1a1: {  	v15 =	vmul.f32 v15, v19;
	[tilespmem:s31+$0xFFFFFFB0] =	vst v8;
	v8 =	vadd.f32 v16, v5  }
0x1a2: {  	v13 =	vmul.f32 v13, v20;
	[tilespmem:s31+$0xFFFFFFC0] =	vst v10;
	v10 =	vadd.f32 v18, v4  }
0x1a3: {  	v14 =	vmul.f32 v14, v33;
	[tilespmem:s31+$0xFFFFFFD0] =	vst v8;
	v8 =	vadd.f32 v15, v5  }
0x1a4: {  	v11 =	vmul.f32 v11, v21;
	[tilespmem:s31+$0xFFFFFFE0] =	vst v10;
	v10 =	vadd.f32 v13, v4  }
0x1a5: {  	v13 =	vmul.f32 v36, v34;
	[tilespmem:s31+$0xFFFFFFF0] =	vst v8;
	v8 =	vadd.f32 v14, v5  }
0x1a6: {  	v12 =	vmul.f32 v12, v23;
	s0 =	sand.u32 $0x3C00, s4;
	[tilespmem:s31+$0x0] =	vst v10;
	v10 =	vadd.f32 v11, v4  }
0x1a7: {  	s26 =	sshrl.u32 s21, $0x2;
	s0 =	smul.u32 $0x640, s0;
	v11 =	vmul.f32 v29, v35;
	[tilespmem:s31+$0x10] =	vst v8;
	v8 =	vadd.f32 v13, v5  }
0x1a8: {  	s4 =	sand.u32 $0x1FFFFFE0, s26;
	[tilespmem:s31+$0x20] =	vst v10;
	v10 =	vadd.f32 v12, v4  }
0x1a9: {  	s0 =	sadd.s32 s4, s0;
	[tilespmem:s31+$0x30] =	vst v8;
	v8 =	vadd.f32 v11, v5  }
0x1aa: {  	s0 =	sshrl.u32 s0, $0x3;
	[tilespmem:s31+$0x40] =	vst v10  }
0x1ab: {  	s2 =	simm.s32 $0x400;
	s0 =	sadd.s32 s3, s0;
	[tilespmem:s31+$0x50] =	vst v8  }
0x1ac: {  	[hbm4b:s0+s18] =	stream.strided.scatter [tilespmem:s2], [sflag:$0x3], $0x1000, s19, s18, $0x38;
	[tilespmem:$0x8440] =	vst v63  }
0x1ad: {  	_ =	swait.ge [sflag:s28], $0x1000  }
0x1ae: {  	[sflag:s28] =	ssyncset.done $0x0  }
0x1af: {  	s26 =	simm.s32 $0x1400;
	s5 =	sadd.s32 $0x6400, s0;
	[sflag:s28] =	ssyncadd.s32 $0xFFFFF000  }
0x1b0: {  	[hbm4b:s5+s18] =	stream.strided.scatter [tilespmem:s26], [sflag:$0x3], $0x1000, s19, s18, $0x38;
	[tilespmem:$0x8440] =	vst v63  }
0x1b1: {  	_ =	swait.ge [sflag:s28], $0x1000  }
0x1b2: {  	[sflag:s28] =	ssyncset.done $0x0  }
0x1b3: {  	s29 =	simm.s32 $0x2400;
	s31 =	sadd.s32 $0xC800, s0;
	[sflag:s28] =	ssyncadd.s32 $0xFFFFF000  }
0x1b4: {  	[hbm4b:s31+s18] =	stream.strided.scatter [tilespmem:s29], [sflag:$0x3], $0x1000, s19, s18, $0x38;
	[tilespmem:$0x8440] =	vst v63  }
0x1b5: {  	_ =	swait.ge [sflag:s28], $0x1000  }
0x1b6: {  	[sflag:s28] =	ssyncset.done $0x0  }
0x1b7: {  	s0 =	sadd.s32 $0x12C00, s0;
	[sflag:s28] =	ssyncadd.s32 $0xFFFFF000  }
0x1b8: {  	[hbm4b:s0+s18] =	stream.strided.scatter [tilespmem:s10], [sflag:$0x3], $0x1000, s19, s18, $0x38;
	[tilespmem:$0x8440] =	vst v63  }
0x1b9: {  	s0 =	sadd.s32 $0x8, s21  }
0x1ba: {  	s5 =	sshll.u32 s0, $0xA  }
0x1bb: {  	s1 =	sshll.u32 s0, $0x7;
	s0 =	sand.u32 $0x380, s0;
	s5 =	sand.u32 $0x1E000, s5  }
0x1bc: {  	s31 =	sand.u32 $0x7FFE0000, s1;
	s0 =	sor.u32 s0, s5  }
0x1bd: {  	_ =	swait.ge [sflag:s28], $0x1000;
	s0 =	sor.u32 s31, s0  }
0x1be: {  	[sflag:s28] =	ssyncset.done $0x0;
	s0 =	sshrl.u32 s0, $0x3  }
0x1bf: {  	[sflag:s28] =	ssyncadd.s32 $0xFFFFF000;
	s0 =	sadd.s32 s7, s0  }
0x1c0: {  	[tilespmem:s6], [sflag:$0x3] =	stream.linear.gather [hbm4b:s0+s6], $0x80, $0x38;
	[tilespmem:$0x8440] =	vst v63  }
0x1c1: {  	s0 =	sadd.s32 $0x9, s21  }
0x1c2: {  	s5 =	sshll.u32 s0, $0xA  }
0x1c3: {  	s1 =	sshll.u32 s0, $0x7;
	s0 =	sand.u32 $0x380, s0;
	s5 =	sand.u32 $0x1E400, s5  }
0x1c4: {  	s31 =	sand.u32 $0x7FFE0000, s1;
	s0 =	sor.u32 s0, s5  }
0x1c5: {  	_ =	swait.ge [sflag:s28], $0x80;
	s0 =	sor.u32 s31, s0  }
0x1c6: {  	[sflag:s28] =	ssyncset.done $0x0;
	s0 =	sshrl.u32 s0, $0x3  }
0x1c7: {  	[sflag:s28] =	ssyncadd.s32 $0xFFFFFF80;
	s0 =	sadd.s32 s7, s0  }
0x1c8: {  	[tilespmem:s30], [sflag:$0x3] =	stream.linear.gather [hbm4b:s0+s6], $0x80, $0x38;
	[tilespmem:$0x8440] =	vst v63  }
0x1c9: {  	s0 =	sadd.s32 $0xA, s21  }
0x1ca: {  	s5 =	sshll.u32 s0, $0xA  }
0x1cb: {  	s1 =	sshll.u32 s0, $0x7;
	s0 =	sand.u32 $0x380, s0;
	s5 =	sand.u32 $0x1E800, s5  }
0x1cc: {  	s31 =	sand.u32 $0x7FFE0000, s1;
	s0 =	sor.u32 s0, s5  }
0x1cd: {  	_ =	swait.ge [sflag:s28], $0x80;
	s0 =	sor.u32 s31, s0  }
0x1ce: {  	[sflag:s28] =	ssyncset.done $0x0;
	s0 =	sshrl.u32 s0, $0x3  }
0x1cf: {  	[sflag:s28] =	ssyncadd.s32 $0xFFFFFF80;
	s31 =	simm.s32 $0x100;
	s0 =	sadd.s32 s7, s0  }
0x1d0: {  	[tilespmem:s31], [sflag:$0x3] =	stream.linear.gather [hbm4b:s0+s6], $0x80, $0x38;
	[tilespmem:$0x8440] =	vst v63  }
0x1d1: {  	s0 =	sadd.s32 $0xB, s21  }
0x1d2: {  	s1 =	sshll.u32 s0, $0xA  }
0x1d3: {  	s21 =	sshll.u32 s0, $0x7;
	s0 =	sand.u32 $0x380, s0;
	s5 =	sand.u32 $0x1EC00, s1  }
0x1d4: {  	s21 =	sand.u32 $0x7FFE0000, s21;
	s0 =	sor.u32 s0, s5  }
0x1d5: {  	_ =	swait.ge [sflag:s28], $0x80;
	s0 =	sor.u32 s21, s0  }
0x1d6: {  	[sflag:s28] =	ssyncset.done $0x0;
	s0 =	sshrl.u32 s0, $0x3  }
0x1d7: {  	[sflag:s28] =	ssyncadd.s32 $0xFFFFFF80;
	s21 =	simm.s32 $0x180;
	s0 =	sadd.s32 s7, s0  }
0x1d8: {  	[tilespmem:s21], [sflag:$0x3] =	stream.linear.gather [hbm4b:s0+s6], $0x80, $0x38;
	[tilespmem:$0x8440] =	vst v63  }
0x1d9: {  	_ =	swait.ge [sflag:s28], $0x80  }
0x1da: {  	[sflag:s28] =	ssyncset.done $0x0  }
0x1db: {  	[sflag:s28] =	ssyncadd.s32 $0xFFFFFF80  }
0x1dc: {  	[tilespmem:s2], [sflag:$0x1] =	stream.indirect.gather [hbm4b:s8+s30], $0x20, s6, s30, $0xb8;
	[tilespmem:$0x8440] =	vst v63  }
0x1dd: {  	_ = 	snop  }
0x1de: {  	[tilespmem:s26], [sflag:$0x1] =	stream.indirect.gather [hbm4b:s8+s30], $0x20, s30, s30, $0xb8;
	[tilespmem:$0x8440] =	vst v63  }
0x1df: {  	_ = 	snop  }
0x1e0: {  	[tilespmem:s29], [sflag:$0x1] =	stream.indirect.gather [hbm4b:s8+s30], $0x20, s31, s30, $0xb8;
	[tilespmem:$0x8440] =	vst v63  }
0x1e1: {  	_ = 	snop  }
0x1e2: {  	[tilespmem:s10], [sflag:$0x1] =	stream.indirect.gather [hbm4b:s8+s30], $0x20, s21, s30, $0xb8;
	[tilespmem:$0x8440] =	vst v63  }
0x1e3: {  	_ =	swait.ge [sflag:s20], $0x1000  }
0x1e4: {  	[sflag:s20] =	ssyncset.done $0x0  }
0x1e5: {  	[sflag:s20] =	ssyncadd.s32 $0xFFFFF000  }
0x1e6: {  	_ =	swait.ge [sflag:s20], $0x1000  }
0x1e7: {  	[sflag:s20] =	ssyncset.done $0x0  }
0x1e8: {  	[sflag:s20] =	ssyncadd.s32 $0xFFFFF000  }
0x1e9: {  	_ =	swait.ge [sflag:s20], $0x1000  }
0x1ea: {  	[sflag:s20] =	ssyncset.done $0x0  }
0x1eb: {  	[sflag:s20] =	ssyncadd.s32 $0xFFFFF000  }
0x1ec: {  	_ =	swait.ge [sflag:s20], $0x1000  }
0x1ed: {  	[sflag:s20] =	ssyncset.done $0x0  }
0x1ee: {  	s21 =	simm.s32 $0x4480;
	[sflag:s20] =	ssyncadd.s32 $0xFFFFF000  }
0x1ef: {  	v8 =	vld [tilespmem:s21+$0x60]  }
0x1f0: {  	v25 =	vld [tilespmem:s21+$0x70]  }
0x1f1: {  	v21 =	vld [tilespmem:s21+$0xFFFFFF90]  }
0x1f2: {  	v20 =	vld [tilespmem:s21+$0xFFFFFFA0]  }
0x1f3: {  	v19 =	vld [tilespmem:s21+$0xFFFFFFB0]  }
0x1f4: {  	v18 =	vld [tilespmem:s21+$0xFFFFFFC0]  }
0x1f5: {  	v10 =	vld [tilespmem:s21+$0xFFFFFFD0]  }
0x1f6: {  	v11 =	vld [tilespmem:s21+$0xFFFFFFE0]  }
0x1f7: {  	v9 =	vld [tilespmem:s21+$0xFFFFFFF0]  }
0x1f8: {  	v12 =	vmul.f32 v8, v8;
	v13 =	vmul.f32 v25, v25  }
0x1f9: {  	v14 =	vadd.f32 v25, v8;
	v22 =	vmul.f32 v21, v21;
	v17 =	vmul.f32 v20, v20  }
0x1fa: {  	v24 =	vadd.f32 v19, v20;
	v23 =	vmul.f32 v19, v19;
	v28 =	vmul.f32 v18, v18  }
0x1fb: {  	v30 =	vadd.f32 v10, v18;
	v31 =	vmul.f32 v10, v10;
	v16 =	vadd.f32 v13, v12;
	v13 =	vld [tilespmem:s21+$0x0]  }
0x1fc: {  	v52 =	vmul.f32 v11, v11;
	v35 =	vadd.f32 v9, v11;
	v53 =	vmul.f32 v9, v9;
	v12 =	vld [tilespmem:s21+$0x10]  }
0x1fd: {  	v15 =	vperm.xlane v14, v0;
	v29 =	vperm.xlane v24, v0;
	v34 =	vadd.f32 v23, v17;
	v17 =	vld [tilespmem:s21+$0x40]  }
0x1fe: {  	v56 =	vperm.xlane v30, v0;
	v23 =	vld [tilespmem:s21+$0xFFFFFF80];
	v28 =	vadd.f32 v31, v28;
	v44 =	vperm.xlane v35, v0  }
0x1ff: {  	v33 =	vadd.f32 v53, v52;
	v26 =	vadd.f32 v15, v14;
	v27 =	vperm.xlane v16, v0;
	v15 =	vld [tilespmem:s21+$0x20]  }
0x200: {  	v14 =	vld [tilespmem:s21+$0x30];
	v24 =	vadd.f32 v29, v24;
	v30 =	vadd.f32 v56, v30;
	v56 =	vperm.xlane v28, v0  }
0x201: {  	v35 =	vadd.f32 v44, v35;
	v32 =	vperm.xlane v26, v1;
	v27 =	vadd.f32 v27, v16  }
0x202: {  	v28 =	vadd.f32 v56, v28;
	v55 =	vmul.f32 v13, v13;
	v39 =	vadd.f32 v12, v13  }
0x203: {  	v16 =	vld [tilespmem:s21+$0x50];
	v57 =	vmul.f32 v12, v12;
	v43 =	vmul.f32 v17, v17;
	v61 =	vadd.f32 v21, v23  }
0x204: {  	v48 =	vmul.f32 v23, v23;
	v26 =	vadd.f32 v32, v26;
	v54 =	vperm.xlane v27, v1  }
0x205: {  	v59 =	vmul.f32 v15, v15;
	v31 =	vadd.f32 v14, v15;
	v42 =	vmul.f32 v14, v14  }
0x206: {  	v62 =	vperm.xlane v39, v0;
	v49 =	vperm.xlane v61, v0;
	v48 =	vadd.f32 v22, v48  }
0x207: {  	v37 =	vadd.f32 v57, v55;
	v55 =	vperm.xlane v34, v0;
	v57 =	vperm.xlane v33, v0  }
0x208: {  	v58 =	vperm.xlane v26, v2;
	v27 =	vadd.f32 v54, v27;
	v45 =	vadd.f32 v16, v17  }
0x209: {  	v46 =	vmul.f32 v16, v16;
	v52 =	vperm.xlane v31, v0;
	v32 =	vadd.f32 v49, v61  }
0x20a: {  	v29 =	vperm.xlane v48, v0;
	v36 =	vadd.f32 v62, v39;
	v62 =	vperm.xlane v24, v1  }
0x20b: {  	v34 =	vadd.f32 v55, v34;
	v33 =	vadd.f32 v57, v33;
	v60 =	vperm.xlane v27, v2  }
0x20c: {  	v26 =	vadd.f32 v58, v26;
	v58 =	vperm.xlane v37, v0;
	v53 =	vperm.xlane v45, v0  }
0x20d: {  	v31 =	vadd.f32 v52, v31;
	v61 =	vperm.xlane v32, v1;
	v29 =	vadd.f32 v29, v48  }
0x20e: {  	v52 =	vperm.xlane v30, v1;
	v56 =	vperm.xlane v36, v1;
	v24 =	vadd.f32 v62, v24  }
0x20f: {  	v62 =	vperm.xlane v33, v1;
	v47 =	vperm.xlane v26, v3;
	v27 =	vadd.f32 v60, v27  }
0x210: {  	v37 =	vadd.f32 v58, v37;
	v41 =	vadd.f32 v53, v45;
	v57 =	vperm.xlane v31, v1  }
0x211: {  	v32 =	vadd.f32 v61, v32;
	v30 =	vadd.f32 v52, v30;
	v61 =	vperm.xlane v28, v1  }
0x212: {  	v36 =	vadd.f32 v56, v36;
	v56 =	vperm.xlane v24, v2;
	v33 =	vadd.f32 v62, v33  }
0x213: {  	v26 =	vadd.f32 v47, v26;
	v63 =	vperm.xlane v27, v3;
	v58 =	vperm.xlane v41, v1  }
0x214: {  	v31 =	vadd.f32 v57, v31;
	v57 =	vperm.xlane v30, v2;
	v28 =	vadd.f32 v61, v28  }
0x215: {  	v27 =	vadd.f32 v63, v27;
	v22 =	vmul.f32 $3.125000000e-02, v26;
	v26 =	vadd.f32 v42, v59  }
0x216: {  	v42 =	vadd.f32 v46, v43;
	v40 =	vadd.f32 v58, v41;
	v61 =	vperm.xlane v31, v2  }
0x217: {  	v30 =	vadd.f32 v57, v30;
	v27 =	vmul.f32 $3.125000000e-02, v27;
	v54 =	vmul.f32 v22, v22  }
0x218: {  	v59 =	vperm.xlane v26, v0;
	v60 =	vperm.xlane v42, v0;
	v25 =	vsub.f32 v25, v22  }
0x219: {  	v62 =	vperm.xlane v40, v2;
	v27 =	vsub.f32 v27, v54;
	v54 =	vperm.xlane v35, v1  }
0x21a: {  	v31 =	vadd.f32 v61, v31;
	v26 =	vadd.f32 v59, v26;
	v59 =	vperm.xlane v29, v1  }
0x21b: {  	v42 =	vadd.f32 v60, v42;
	v27 =	vmax.f32 v27, $0.0e+00;
	v35 =	vadd.f32 v54, v35  }
0x21c: {  	v52 =	vperm.xlane v26, v1;
	v29 =	vadd.f32 v59, v29;
	v59 =	vperm.xlane v36, v2  }
0x21d: {  	v60 =	vperm.xlane v34, v1;
	v27 =	vadd.f32 $9.999999740e-06, v27;
	v58 =	vperm.xlane v35, v2  }
0x21e: {  	v26 =	vadd.f32 v52, v26;
	v52 =	vperm.xlane v28, v2;
	v36 =	vadd.f32 v59, v36  }
0x21f: {  	v59 =	vperm.xlane v30, v3;
	v63 =	vshrl.u32 v27, $0x1;
	v27 =	vmul.f32 $5.000000000e-01, v27  }
0x220: {  	v53 =	vsub.s32 $0x5F3759DF, v63;
	v63 =	vperm.xlane v37, v1;
	v35 =	vadd.f32 v58, v35  }
0x221: {  	v44 =	vadd.f32 v52, v28;
	v30 =	vadd.f32 v59, v30;
	v55 =	vmul.f32 v53, v27  }
0x222: {  	v37 =	vadd.f32 v63, v37;
	v63 =	vperm.xlane v29, v2;
	v28 =	vperm.xlane v35, v3  }
0x223: {  	v39 =	vadd.f32 v62, v40;
	v43 =	vmul.f32 v53, v55;
	v55 =	vperm.xlane v32, v2  }
0x224: {  	v29 =	vadd.f32 v63, v29;
	v35 =	vadd.f32 v28, v35;
	v28 =	vmul.f32 $3.125000000e-02, v30  }
0x225: {  	v43 =	vsub.f32 $1.500000000e+00, v43;
	v32 =	vadd.f32 v55, v32;
	v55 =	vperm.xlane v26, v2  }
0x226: {  	v34 =	vadd.f32 v60, v34;
	v63 =	vperm.xlane v29, v3;
	v45 =	vmul.f32 v28, v28  }
0x227: {  	v38 =	vmul.f32 v53, v43;
	v53 =	vperm.xlane v42, v1;
	v43 =	vadd.f32 v56, v24  }
0x228: {  	v24 =	vperm.xlane v34, v2;
	v57 =	vperm.xlane v32, v3;
	v62 =	vadd.f32 v55, v26  }
0x229: {  	v26 =	vperm.xlane v39, v3;
	v54 =	vmul.f32 v38, v27;
	v41 =	vadd.f32 v53, v42  }
0x22a: {  	v53 =	vperm.xlane v33, v2;
	v58 =	vperm.xlane v43, v3;
	v34 =	vadd.f32 v24, v34  }
0x22b: {  	v32 =	vadd.f32 v57, v32;
	v48 =	vmul.f32 v54, v38;
	v54 =	vperm.xlane v37, v2  }
0x22c: {  	v56 =	vperm.xlane v41, v2;
	v33 =	vadd.f32 v53, v33;
	v42 =	vadd.f32 v58, v43  }
0x22d: {  	v52 =	vperm.xlane v34, v3;
	v53 =	vperm.xlane v44, v3;
	v60 =	vsub.f32 $1.500000000e+00, v48  }
0x22e: {  	v37 =	vadd.f32 v54, v37;
	v40 =	vadd.f32 v56, v41;
	v54 =	vperm.xlane v33, v3  }
0x22f: {  	v39 =	vadd.f32 v26, v39;
	v56 =	vperm.xlane v62, v3;
	v38 =	vmul.f32 v60, v38  }
0x230: {  	v41 =	vadd.f32 v63, v29;
	v26 =	vmul.f32 $3.125000000e-02, v42;
	v50 =	vperm.xlane v40, v3  }
0x231: {  	v57 =	vadd.f32 v53, v44;
	v29 =	vmul.f32 $3.125000000e-02, v39;
	v27 =	vmul.f32 v38, v27  }
0x232: {  	v60 =	vperm.xlane v31, v3;
	v55 =	vperm.xlane v37, v3;
	v40 =	vadd.f32 v50, v40  }
0x233: {  	v34 =	vadd.f32 v52, v34;
	v63 =	vmul.f32 $3.125000000e-02, v57;
	v27 =	vmul.f32 v27, v38  }
0x234: {  	v33 =	vadd.f32 v54, v33;
	v51 =	vmul.f32 v29, v29;
	v50 =	vmul.f32 $3.125000000e-02, v40  }
0x235: {  	v59 =	vmul.f32 $3.125000000e-02, v41;
	v34 =	vmul.f32 $3.125000000e-02, v34;
	v27 =	vsub.f32 $1.500000000e+00, v27  }
0x236: {  	v33 =	vmul.f32 $3.125000000e-02, v33;
	v41 =	vsub.f32 v63, v45;
	v39 =	vsub.f32 v50, v51  }
0x237: {  	v58 =	vadd.f32 v55, v37;
	v24 =	vmul.f32 v27, v38;
	v27 =	vperm.xlane v36, v3  }
0x238: {  	v52 =	vmax.f32 v41, $0.0e+00;
	v38 =	vadd.f32 v60, v31;
	v39 =	vmax.f32 v39, $0.0e+00  }
0x239: {  	v61 =	vmul.f32 v24, v7;
	v36 =	vadd.f32 v27, v36;
	v27 =	vmul.f32 $3.125000000e-02, v32  }
0x23a: {  	v39 =	vadd.f32 $9.999999740e-06, v39;
	v32 =	vmul.f32 $3.125000000e-02, v35;
	v30 =	vmul.f32 $3.125000000e-02, v38  }
0x23b: {  	v35 =	vmul.f32 $3.125000000e-02, v58;
	v38 =	vadd.f32 $9.999999740e-06, v52;
	v25 =	vmul.f32 v61, v25  }
0x23c: {  	v31 =	vmul.f32 $3.125000000e-02, v36;
	v60 =	vmul.f32 v27, v27;
	v61 =	vadd.f32 v56, v62  }
0x23d: {  	v62 =	vmul.f32 v26, v26;
	v46 =	vmul.f32 v32, v32;
	v55 =	vshrl.u32 v38, $0x1  }
0x23e: {  	v49 =	vmul.f32 v30, v30;
	v38 =	vmul.f32 $5.000000000e-01, v38;
	v42 =	vsub.s32 $0x5F3759DF, v55  }
0x23f: {  	v36 =	vsub.f32 v59, v60;
	v34 =	vsub.f32 v34, v62;
	v47 =	vmul.f32 v31, v31  }
0x240: {  	v33 =	vsub.f32 v33, v46;
	v48 =	vmul.f32 $3.125000000e-02, v61;
	v61 =	vmul.f32 v42, v38  }
0x241: {  	v35 =	vsub.f32 v35, v47;
	v36 =	vmax.f32 v36, $0.0e+00;
	v34 =	vmax.f32 v34, $0.0e+00  }
0x242: {  	v37 =	vsub.f32 v48, v49;
	v33 =	vmax.f32 v33, $0.0e+00;
	v47 =	vmul.f32 $5.000000000e-01, v39  }
0x243: {  	v39 =	vshrl.u32 v39, $0x1;
	v49 =	vmul.f32 v42, v61;
	v36 =	vadd.f32 $9.999999740e-06, v36  }
0x244: {  	v34 =	vadd.f32 $9.999999740e-06, v34;
	v33 =	vadd.f32 $9.999999740e-06, v33;
	v39 =	vsub.s32 $0x5F3759DF, v39  }
0x245: {  	v35 =	vmax.f32 v35, $0.0e+00;
	v37 =	vmax.f32 v37, $0.0e+00;
	v63 =	vmul.f32 v39, v47  }
0x246: {  	v49 =	vsub.f32 $1.500000000e+00, v49;
	v53 =	vshrl.u32 v36, $0x1;
	v35 =	vadd.f32 $9.999999740e-06, v35  }
0x247: {  	v36 =	vmul.f32 $5.000000000e-01, v36;
	v37 =	vadd.f32 $9.999999740e-06, v37;
	v54 =	vshrl.u32 v34, $0x1  }
0x248: {  	v34 =	vmul.f32 $5.000000000e-01, v34;
	v56 =	vshrl.u32 v33, $0x1;
	v33 =	vmul.f32 $5.000000000e-01, v33  }
0x249: {  	v40 =	vsub.s32 $0x5F3759DF, v53;
	v41 =	vsub.s32 $0x5F3759DF, v54;
	v43 =	vsub.s32 $0x5F3759DF, v56  }
0x24a: {  	v42 =	vmul.f32 v42, v49;
	v57 =	vshrl.u32 v35, $0x1;
	v35 =	vmul.f32 $5.000000000e-01, v35  }
0x24b: {  	v58 =	vshrl.u32 v37, $0x1;
	v59 =	vmul.f32 v40, v36;
	v37 =	vmul.f32 $5.000000000e-01, v37  }
0x24c: {  	v60 =	vmul.f32 v41, v34;
	v62 =	vmul.f32 v43, v33  }
0x24d: {  	v44 =	vsub.s32 $0x5F3759DF, v57;
	v45 =	vsub.s32 $0x5F3759DF, v58;
	v46 =	vmul.f32 v40, v59  }
0x24e: {  	v51 =	vmul.f32 v44, v35;
	v52 =	vmul.f32 v45, v37  }
0x24f: {  	v48 =	vmul.f32 v41, v60;
	v60 =	vmul.f32 v42, v38  }
0x250: {  	v50 =	vmul.f32 v43, v62;
	v46 =	vsub.f32 $1.500000000e+00, v46;
	v51 =	vmul.f32 v44, v51  }
0x251: {  	v48 =	vsub.f32 $1.500000000e+00, v48;
	v52 =	vmul.f32 v45, v52;
	v49 =	vmul.f32 v60, v42  }
0x252: {  	v50 =	vsub.f32 $1.500000000e+00, v50;
	v40 =	vmul.f32 v40, v46;
	v46 =	vmul.f32 v39, v63  }
0x253: {  	v41 =	vmul.f32 v41, v48;
	v55 =	vsub.f32 $1.500000000e+00, v51;
	v56 =	vsub.f32 $1.500000000e+00, v52  }
0x254: {  	v43 =	vmul.f32 v43, v50;
	v57 =	vmul.f32 v40, v36  }
0x255: {  	v49 =	vsub.f32 $1.500000000e+00, v49;
	v44 =	vmul.f32 v44, v55;
	v45 =	vmul.f32 v45, v56  }
0x256: {  	v46 =	vsub.f32 $1.500000000e+00, v46;
	v59 =	vmul.f32 v41, v34;
	v50 =	vmul.f32 v43, v33  }
0x257: {  	v42 =	vmul.f32 v49, v42;
	v58 =	vmul.f32 v57, v40  }
0x258: {  	v39 =	vmul.f32 v39, v46;
	v61 =	vmul.f32 v44, v35  }
0x259: {  	v62 =	vmul.f32 v45, v37;
	v46 =	vmul.f32 v59, v41  }
0x25a: {  	v55 =	vsub.f32 v21, v27;
	v50 =	vmul.f32 v50, v43;
	v21 =	vmul.f32 v42, v38  }
0x25b: {  	v48 =	vsub.f32 $1.500000000e+00, v58;
	v63 =	vmul.f32 v39, v47;
	v51 =	vmul.f32 v61, v44  }
0x25c: {  	v52 =	vmul.f32 v62, v45;
	v46 =	vsub.f32 $1.500000000e+00, v46;
	v50 =	vsub.f32 $1.500000000e+00, v50  }
0x25d: {  	v21 =	vmul.f32 v21, v42;
	v40 =	vmul.f32 v48, v40;
	v51 =	vsub.f32 $1.500000000e+00, v51  }
0x25e: {  	v48 =	vmul.f32 v63, v39;
	v41 =	vmul.f32 v46, v41;
	v52 =	vsub.f32 $1.500000000e+00, v52  }
0x25f: {  	v43 =	vmul.f32 v50, v43;
	v21 =	vsub.f32 $1.500000000e+00, v21;
	v44 =	vmul.f32 v51, v44  }
0x260: {  	v48 =	vsub.f32 $1.500000000e+00, v48;
	v45 =	vmul.f32 v52, v45;
	v36 =	vmul.f32 v40, v36  }
0x261: {  	v53 =	vadd.f32 v25, v5;
	v34 =	vmul.f32 v41, v34;
	v33 =	vmul.f32 v43, v33  }
0x262: {  	v54 =	vsub.f32 v23, v27;
	v21 =	vmul.f32 v21, v42;
	v23 =	vmul.f32 v48, v39  }
0x263: {  	v25 =	vsub.f32 v20, v26;
	v20 =	vmul.f32 v44, v35;
	v56 =	vmul.f32 v45, v37  }
0x264: {  	v27 =	vsub.f32 v18, v28;
	v36 =	vmul.f32 v36, v40;
	v18 =	vmul.f32 v34, v41  }
0x265: {  	v26 =	vsub.f32 v19, v26;
	v33 =	vmul.f32 v33, v43;
	v38 =	vmul.f32 v21, v6  }
0x266: {  	v28 =	vsub.f32 v10, v28;
	v39 =	vmul.f32 v21, v7;
	v19 =	vmul.f32 v23, v47  }
0x267: {  	v20 =	vmul.f32 v20, v44;
	v35 =	vmul.f32 v56, v45;
	v18 =	vsub.f32 $1.500000000e+00, v18  }
0x268: {  	v57 =	vsub.f32 $1.500000000e+00, v36;
	v33 =	vsub.f32 $1.500000000e+00, v33;
	v19 =	vmul.f32 v19, v23  }
0x269: {  	v20 =	vsub.f32 $1.500000000e+00, v20;
	v58 =	vmul.f32 v18, v41;
	v18 =	vsub.f32 $1.500000000e+00, v35  }
0x26a: {  	v21 =	vsub.f32 v15, v30;
	v34 =	vmul.f32 v57, v40;
	v59 =	vmul.f32 v33, v43  }
0x26b: {  	v35 =	vsub.f32 v16, v29;
	v10 =	vmul.f32 v20, v44;
	v60 =	vmul.f32 v18, v45  }
0x26c: {  	v19 =	vsub.f32 $1.500000000e+00, v19;
	v61 =	vmul.f32 v34, v6;
	v63 =	vmul.f32 v34, v7  }
0x26d: {  	v18 =	vsub.f32 v11, v32;
	v40 =	vmul.f32 v58, v6;
	v41 =	vmul.f32 v58, v7  }
0x26e: {  	v20 =	vsub.f32 v13, v31;
	v37 =	vmul.f32 v59, v6;
	v15 =	vmul.f32 v59, v7  }
0x26f: {  	v34 =	vsub.f32 v14, v30;
	v62 =	vmul.f32 v19, v23;
	v13 =	vmul.f32 v10, v6  }
0x270: {  	v19 =	vsub.f32 v9, v32;
	v14 =	vmul.f32 v10, v7;
	v11 =	vmul.f32 v60, v6  }
0x271: {  	v23 =	vsub.f32 v17, v29;
	v36 =	vmul.f32 v60, v7;
	v9 =	vmul.f32 v24, v6  }
0x272: {  	s1 =	simm.s32 $0x400;
	s5 =	simm.s32 $0x0;
	s0 =	simm.s32 $0x4580;
	v17 =	vsub.f32 v8, v22;
	v16 =	vmul.f32 v61, v54;
	v8 =	vmul.f32 v63, v55  }
0x273: {  	s2 =	simm.s32 $0x1400;
	s26 =	simm.s32 $0x2400;
	s29 =	simm.s32 $0x3400;
	[tilespmem:s21+$0x70] =	vst v53;
	v33 =	vsub.f32 v12, v31;
	v12 =	vmul.f32 v62, v6;
	v29 =	vmul.f32 v62, v7  }
.LBB2_5:
0x274: {  	v10 =	vld [tilespmem:s0+$0x60];
	v22 =	vmul.f32 v40, v25;
	v24 =	vmul.f32 v41, v26  }
0x275: {  	s5 =	sadd.s32 $0x8, s5;
	v31 =	vmul.f32 v38, v27;
	v38 =	vmul.f32 v39, v28;
	v32 =	vld [tilespmem:s0+$0x70];
	v16 =	vadd.f32 v16, v4  }
0x276: {  	v37 =	vmul.f32 v37, v18;
	v15 =	vmul.f32 v15, v19;
	p0 =	slt.u32 s5, $0x1F8;
	v8 =	vadd.f32 v8, v5;
	v30 =	vld [tilespmem:s0+$0xFFFFFF90]  }
0x277: {  	v18 =	vadd.f32 v22, v4;
	v25 =	vld [tilespmem:s0+$0xFFFFFFA0];
	[tilespmem:s21+$0xFFFFFF80] =	vst v16;
	v16 =	vmul.f32 v13, v20;
	v13 =	vmul.f32 v14, v33  }
0x278: {  	v19 =	vadd.f32 v24, v5;
	v14 =	vmul.f32 v11, v21;
	v11 =	vmul.f32 v36, v34;
	v26 =	vld [tilespmem:s0+$0xFFFFFFB0];
	[tilespmem:s21+$0xFFFFFF90] =	vst v8  }
0x279: {  	v12 =	vmul.f32 v12, v23;
	v20 =	vadd.f32 v31, v4;
	v8 =	vmul.f32 v29, v35;
	v27 =	vld [tilespmem:s0+$0xFFFFFFC0];
	[tilespmem:s21+$0xFFFFFFA0] =	vst v18  }
0x27a: {  	v21 =	vmul.f32 v10, v10;
	v28 =	vld [tilespmem:s0+$0xFFFFFFD0];
	v22 =	vadd.f32 v32, v10;
	v23 =	vmul.f32 v32, v32;
	[tilespmem:s21+$0xFFFFFFB0] =	vst v19  }
0x27b: {  	v9 =	vmul.f32 v9, v17;
	v24 =	vadd.f32 v38, v5;
	v29 =	vmul.f32 v30, v30;
	v18 =	vld [tilespmem:s0+$0xFFFFFFE0];
	[tilespmem:s21+$0xFFFFFFC0] =	vst v20  }
0x27c: {  	v17 =	vmul.f32 v25, v25;
	v19 =	vld [tilespmem:s0+$0xFFFFFFF0];
	v31 =	vperm.xlane v22, v0;
	v33 =	vadd.f32 v23, v21  }
0x27d: {  	v34 =	vadd.f32 v26, v25;
	v35 =	vmul.f32 v26, v26;
	v20 =	vld [tilespmem:s0+$0x0];
	[tilespmem:s21+$0xFFFFFFD0] =	vst v24;
	v24 =	vadd.f32 v37, v4  }
0x27e: {  	v36 =	vmul.f32 v27, v27;
	v21 =	vld [tilespmem:s0+$0x10];
	v31 =	vadd.f32 v31, v22;
	v37 =	vperm.xlane v33, v0  }
0x27f: {  	v38 =	vperm.xlane v34, v0;
	v39 =	vadd.f32 v28, v27;
	v40 =	vmul.f32 v28, v28;
	v23 =	vld [tilespmem:s0+$0x20];
	[tilespmem:s21+$0xFFFFFFE0] =	vst v24  }
0x280: {  	v41 =	vmul.f32 v18, v18;
	v22 =	vld [tilespmem:s0+$0x30];
	v42 =	vperm.xlane v31, v1;
	v37 =	vadd.f32 v37, v33  }
0x281: {  	v35 =	vadd.f32 v35, v17;
	v43 =	vadd.f32 v19, v18;
	v44 =	vmul.f32 v19, v19;
	v24 =	vld [tilespmem:s0+$0x40]  }
0x282: {  	v45 =	vmul.f32 v20, v20;
	v17 =	vld [tilespmem:s0+$0x50];
	v31 =	vadd.f32 v42, v31;
	v42 =	vperm.xlane v37, v1  }
0x283: {  	v46 =	vperm.xlane v39, v0;
	v33 =	vld [tilespmem:s0+$0xFFFFFF80];
	v47 =	vadd.f32 v21, v20;
	v48 =	vmul.f32 v21, v21  }
0x284: {  	v49 =	vmul.f32 v23, v23;
	v50 =	vperm.xlane v31, v2;
	v37 =	vadd.f32 v42, v37  }
0x285: {  	v36 =	vadd.f32 v40, v36;
	v40 =	vadd.f32 v22, v23;
	v42 =	vmul.f32 v22, v22  }
0x286: {  	v51 =	vmul.f32 v24, v24;
	v31 =	vadd.f32 v50, v31;
	v50 =	vperm.xlane v37, v2  }
0x287: {  	v52 =	vperm.xlane v43, v0;
	v53 =	vadd.f32 v17, v24;
	v54 =	vmul.f32 v17, v17  }
0x288: {  	v55 =	vadd.f32 v30, v33;
	v56 =	vperm.xlane v31, v3;
	v37 =	vadd.f32 v50, v37  }
0x289: {  	v41 =	vadd.f32 v44, v41;
	v44 =	vperm.xlane v47, v0;
	v50 =	vmul.f32 v33, v33  }
0x28a: {  	v57 =	vperm.xlane v55, v0;
	v31 =	vadd.f32 v56, v31;
	v56 =	vperm.xlane v37, v3  }
0x28b: {  	v45 =	vadd.f32 v48, v45;
	v48 =	vperm.xlane v40, v0;
	v50 =	vadd.f32 v29, v50  }
0x28c: {  	v42 =	vadd.f32 v42, v49;
	v37 =	vadd.f32 v56, v37;
	v29 =	vmul.f32 $3.125000000e-02, v31  }
0x28d: {  	v49 =	vperm.xlane v53, v0;
	v51 =	vadd.f32 v54, v51;
	v31 =	vadd.f32 v57, v55  }
0x28e: {  	v34 =	vadd.f32 v38, v34;
	v37 =	vmul.f32 $3.125000000e-02, v37;
	v38 =	vmul.f32 v29, v29  }
0x28f: {  	v39 =	vadd.f32 v46, v39;
	v54 =	vperm.xlane v50, v0;
	v55 =	vperm.xlane v35, v0  }
0x290: {  	v46 =	vperm.xlane v36, v0;
	v43 =	vadd.f32 v52, v43;
	v37 =	vsub.f32 v37, v38  }
0x291: {  	v44 =	vadd.f32 v44, v47;
	v47 =	vperm.xlane v45, v0;
	v38 =	vperm.xlane v41, v0  }
0x292: {  	v40 =	vadd.f32 v48, v40;
	v48 =	vperm.xlane v42, v0;
	v37 =	vmax.f32 v37, $0.0e+00  }
0x293: {  	v49 =	vadd.f32 v49, v53;
	v52 =	vperm.xlane v51, v0;
	v37 =	vadd.f32 $9.999999740e-06, v37  }
0x294: {  	v53 =	vperm.xlane v31, v1;
	v50 =	vadd.f32 v54, v50;
	v54 =	vperm.xlane v34, v1  }
0x295: {  	v35 =	vadd.f32 v55, v35;
	v55 =	vshrl.u32 v37, $0x1;
	v37 =	vmul.f32 $5.000000000e-01, v37  }
0x296: {  	v36 =	vadd.f32 v46, v36;
	v56 =	vperm.xlane v39, v1;
	v46 =	vsub.s32 $0x5F3759DF, v55  }
0x297: {  	v38 =	vadd.f32 v38, v41;
	v55 =	vperm.xlane v43, v1;
	v41 =	vmul.f32 v46, v37  }
0x298: {  	v45 =	vadd.f32 v47, v45;
	v47 =	vperm.xlane v40, v1;
	v57 =	vperm.xlane v44, v1  }
0x299: {  	v42 =	vadd.f32 v48, v42;
	v48 =	vperm.xlane v49, v1;
	v41 =	vmul.f32 v46, v41  }
0x29a: {  	v51 =	vadd.f32 v52, v51;
	v31 =	vadd.f32 v53, v31;
	v53 =	vperm.xlane v50, v1  }
0x29b: {  	v34 =	vadd.f32 v54, v34;
	v52 =	vperm.xlane v35, v1;
	v41 =	vsub.f32 $1.500000000e+00, v41  }
0x29c: {  	v39 =	vadd.f32 v56, v39;
	v54 =	vperm.xlane v36, v1;
	v43 =	vadd.f32 v55, v43  }
0x29d: {  	v44 =	vadd.f32 v57, v44;
	v55 =	vperm.xlane v38, v1;
	v41 =	vmul.f32 v46, v41  }
0x29e: {  	v40 =	vadd.f32 v47, v40;
	v47 =	vperm.xlane v42, v1;
	v46 =	vperm.xlane v45, v1  }
0x29f: {  	v48 =	vadd.f32 v48, v49;
	v49 =	vperm.xlane v51, v1;
	v56 =	vmul.f32 v41, v37  }
0x2a0: {  	v57 =	vperm.xlane v31, v2;
	v50 =	vadd.f32 v53, v50;
	v53 =	vperm.xlane v34, v2  }
0x2a1: {  	v35 =	vadd.f32 v52, v35;
	v52 =	vperm.xlane v39, v2;
	v56 =	vmul.f32 v56, v41  }
0x2a2: {  	v36 =	vadd.f32 v54, v36;
	v54 =	vperm.xlane v43, v2;
	v38 =	vadd.f32 v55, v38  }
0x2a3: {  	v55 =	vperm.xlane v44, v2;
	v45 =	vadd.f32 v46, v45;
	v46 =	vsub.f32 $1.500000000e+00, v56  }
0x2a4: {  	v42 =	vadd.f32 v47, v42;
	v47 =	vperm.xlane v48, v2;
	v56 =	vperm.xlane v40, v2  }
0x2a5: {  	v49 =	vadd.f32 v49, v51;
	v57 =	vadd.f32 v57, v31;
	v31 =	vmul.f32 v46, v41  }
0x2a6: {  	v34 =	vadd.f32 v53, v34;
	v41 =	vperm.xlane v50, v2;
	v46 =	vperm.xlane v35, v2  }
0x2a7: {  	v39 =	vadd.f32 v52, v39;
	v51 =	vperm.xlane v36, v2;
	v37 =	vmul.f32 v31, v37  }
0x2a8: {  	v43 =	vadd.f32 v54, v43;
	v52 =	vperm.xlane v38, v2;
	v44 =	vadd.f32 v55, v44  }
0x2a9: {  	v53 =	vperm.xlane v45, v2;
	v40 =	vadd.f32 v56, v40;
	v37 =	vmul.f32 v37, v31  }
0x2aa: {  	v47 =	vadd.f32 v47, v48;
	v48 =	vperm.xlane v49, v2;
	v54 =	vperm.xlane v42, v2  }
0x2ab: {  	v55 =	vperm.xlane v57, v3;
	v41 =	vadd.f32 v41, v50;
	v37 =	vsub.f32 $1.500000000e+00, v37  }
0x2ac: {  	v50 =	vperm.xlane v34, v3;
	v35 =	vadd.f32 v46, v35;
	v46 =	vperm.xlane v39, v3  }
0x2ad: {  	v36 =	vadd.f32 v51, v36;
	v51 =	vperm.xlane v43, v3;
	v31 =	vmul.f32 v37, v31  }
0x2ae: {  	v45 =	vadd.f32 v53, v45;
	v37 =	vadd.f32 v52, v38;
	v38 =	vperm.xlane v44, v3  }
0x2af: {  	v32 =	vsub.f32 v32, v29;
	v52 =	vperm.xlane v40, v3;
	v53 =	vmul.f32 v31, v7  }
0x2b0: {  	v48 =	vadd.f32 v48, v49;
	v42 =	vadd.f32 v54, v42;
	v54 =	vperm.xlane v47, v3  }
0x2b1: {  	v49 =	vadd.f32 v55, v57;
	v55 =	vperm.xlane v41, v3;
	v32 =	vmul.f32 v53, v32  }
0x2b2: {  	v34 =	vadd.f32 v50, v34;
	v50 =	vperm.xlane v35, v3;
	v39 =	vadd.f32 v46, v39  }
0x2b3: {  	v43 =	vadd.f32 v51, v43;
	v46 =	vperm.xlane v36, v3;
	v32 =	vadd.f32 v32, v5  }
0x2b4: {  	v51 =	vperm.xlane v37, v3;
	v38 =	vadd.f32 v38, v44;
	v44 =	vperm.xlane v45, v3  }
0x2b5: {  	v47 =	vadd.f32 v54, v47;
	v40 =	vadd.f32 v52, v40;
	v52 =	vperm.xlane v42, v3;
	[tilespmem:s0+$0x70] =	vst v32  }
0x2b6: {  	v32 =	vadd.f32 v55, v41;
	v41 =	vmul.f32 $3.125000000e-02, v49;
	v49 =	vperm.xlane v48, v3  }
0x2b7: {  	v50 =	vadd.f32 v50, v35;
	v46 =	vadd.f32 v46, v36;
	v53 =	vmul.f32 $3.125000000e-02, v34  }
0x2b8: {  	v39 =	vmul.f32 $3.125000000e-02, v39;
	v51 =	vadd.f32 v51, v37;
	v37 =	vmul.f32 $3.125000000e-02, v43  }
0x2b9: {  	v43 =	vadd.f32 v44, v45;
	v36 =	vmul.f32 $3.125000000e-02, v38;
	v38 =	vadd.f32 v52, v42  }
0x2ba: {  	v35 =	vmul.f32 $3.125000000e-02, v47;
	v34 =	vmul.f32 $3.125000000e-02, v40;
	v40 =	vadd.f32 v49, v48  }
0x2bb: {  	v42 =	vmul.f32 $3.125000000e-02, v32;
	v44 =	vmul.f32 v41, v41;
	v32 =	vsub.f32 v33, v41  }
0x2bc: {  	v30 =	vsub.f32 v30, v41;
	v33 =	vmul.f32 $3.125000000e-02, v50;
	v41 =	vmul.f32 v53, v53  }
0x2bd: {  	v45 =	vmul.f32 v39, v39;
	v42 =	vsub.f32 v42, v44;
	v44 =	vmul.f32 $3.125000000e-02, v46  }
0x2be: {  	v33 =	vsub.f32 v33, v41;
	v41 =	vmul.f32 $3.125000000e-02, v51;
	v46 =	vmul.f32 v37, v37  }
0x2bf: {  	v43 =	vmul.f32 $3.125000000e-02, v43;
	v44 =	vsub.f32 v44, v45;
	v45 =	vmul.f32 v36, v36  }
0x2c0: {  	v38 =	vmul.f32 $3.125000000e-02, v38;
	v41 =	vsub.f32 v41, v46;
	v46 =	vmul.f32 v34, v34  }
0x2c1: {  	v40 =	vmul.f32 $3.125000000e-02, v40;
	v43 =	vsub.f32 v43, v45;
	v45 =	vmul.f32 v35, v35  }
0x2c2: {  	v42 =	vmax.f32 v42, $0.0e+00;
	v33 =	vmax.f32 v33, $0.0e+00;
	v38 =	vsub.f32 v38, v46  }
0x2c3: {  	v44 =	vmax.f32 v44, $0.0e+00;
	v41 =	vmax.f32 v41, $0.0e+00;
	v40 =	vsub.f32 v40, v45  }
0x2c4: {  	v42 =	vadd.f32 $9.999999740e-06, v42;
	v43 =	vmax.f32 v43, $0.0e+00;
	v38 =	vmax.f32 v38, $0.0e+00  }
0x2c5: {  	v33 =	vadd.f32 $9.999999740e-06, v33;
	v44 =	vadd.f32 $9.999999740e-06, v44;
	v40 =	vmax.f32 v40, $0.0e+00  }
0x2c6: {  	v41 =	vadd.f32 $9.999999740e-06, v41;
	v45 =	vshrl.u32 v42, $0x1;
	v43 =	vadd.f32 $9.999999740e-06, v43  }
0x2c7: {  	v42 =	vmul.f32 $5.000000000e-01, v42;
	v38 =	vadd.f32 $9.999999740e-06, v38;
	v40 =	vadd.f32 $9.999999740e-06, v40  }
0x2c8: {  	v46 =	vshrl.u32 v33, $0x1;
	v47 =	vmul.f32 $5.000000000e-01, v33;
	v33 =	vshrl.u32 v44, $0x1  }
0x2c9: {  	v44 =	vmul.f32 $5.000000000e-01, v44;
	v48 =	vshrl.u32 v41, $0x1;
	v41 =	vmul.f32 $5.000000000e-01, v41  }
0x2ca: {  	v49 =	vshrl.u32 v43, $0x1;
	v43 =	vmul.f32 $5.000000000e-01, v43;
	v50 =	vshrl.u32 v38, $0x1  }
0x2cb: {  	v38 =	vmul.f32 $5.000000000e-01, v38;
	v51 =	vshrl.u32 v40, $0x1;
	v40 =	vmul.f32 $5.000000000e-01, v40  }
0x2cc: {  	v46 =	vsub.s32 $0x5F3759DF, v46;
	v45 =	vsub.s32 $0x5F3759DF, v45;
	v33 =	vsub.s32 $0x5F3759DF, v33  }
0x2cd: {  	v48 =	vsub.s32 $0x5F3759DF, v48;
	v49 =	vsub.s32 $0x5F3759DF, v49;
	v50 =	vsub.s32 $0x5F3759DF, v50  }
0x2ce: {  	v54 =	vmul.f32 v46, v47;
	v52 =	vmul.f32 v45, v42;
	v51 =	vsub.s32 $0x5F3759DF, v51  }
0x2cf: {  	v25 =	vsub.f32 v25, v53;
	v55 =	vmul.f32 v33, v44;
	v56 =	vmul.f32 v48, v41  }
0x2d0: {  	v26 =	vsub.f32 v26, v53;
	v53 =	vmul.f32 v49, v43;
	v57 =	vmul.f32 v50, v38  }
0x2d1: {  	v27 =	vsub.f32 v27, v39;
	v52 =	vmul.f32 v45, v52;
	v58 =	vmul.f32 v51, v40  }
0x2d2: {  	v28 =	vsub.f32 v28, v39;
	v54 =	vmul.f32 v46, v54;
	v55 =	vmul.f32 v33, v55  }
0x2d3: {  	v39 =	vsub.f32 $1.500000000e+00, v52;
	v52 =	vmul.f32 v48, v56;
	v53 =	vmul.f32 v49, v53  }
0x2d4: {  	v54 =	vsub.f32 $1.500000000e+00, v54;
	v56 =	vmul.f32 v50, v57;
	v57 =	vmul.f32 v51, v58  }
0x2d5: {  	v39 =	vmul.f32 v45, v39;
	v45 =	vsub.f32 $1.500000000e+00, v55;
	v52 =	vsub.f32 $1.500000000e+00, v52  }
0x2d6: {  	v46 =	vmul.f32 v46, v54;
	v53 =	vsub.f32 $1.500000000e+00, v53;
	v54 =	vsub.f32 $1.500000000e+00, v56  }
0x2d7: {  	v45 =	vmul.f32 v33, v45;
	v48 =	vmul.f32 v48, v52;
	v33 =	vsub.f32 $1.500000000e+00, v57  }
0x2d8: {  	v18 =	vsub.f32 v18, v37;
	v49 =	vmul.f32 v49, v53;
	v50 =	vmul.f32 v50, v54  }
0x2d9: {  	v19 =	vsub.f32 v19, v37;
	v52 =	vmul.f32 v39, v42;
	v37 =	vmul.f32 v51, v33  }
0x2da: {  	v20 =	vsub.f32 v20, v36;
	v53 =	vmul.f32 v45, v44;
	v51 =	vmul.f32 v46, v47  }
0x2db: {  	v54 =	vmul.f32 v48, v41;
	v55 =	vmul.f32 v49, v43;
	v33 =	vsub.f32 v21, v36  }
0x2dc: {  	v36 =	vmul.f32 v50, v38;
	v21 =	vsub.f32 v23, v34;
	v56 =	vmul.f32 v37, v40  }
0x2dd: {  	v52 =	vmul.f32 v52, v39;
	v34 =	vsub.f32 v22, v34;
	v51 =	vmul.f32 v51, v46  }
0x2de: {  	v23 =	vsub.f32 v24, v35;
	v22 =	vmul.f32 v53, v45;
	v53 =	vmul.f32 v54, v48  }
0x2df: {  	v24 =	vsub.f32 $1.500000000e+00, v52;
	v52 =	vmul.f32 v55, v49;
	v36 =	vmul.f32 v36, v50  }
0x2e0: {  	v22 =	vsub.f32 $1.500000000e+00, v22;
	v51 =	vsub.f32 $1.500000000e+00, v51;
	v54 =	vmul.f32 v56, v37  }
0x2e1: {  	v24 =	vmul.f32 v24, v39;
	v39 =	vsub.f32 $1.500000000e+00, v53;
	v52 =	vsub.f32 $1.500000000e+00, v52  }
0x2e2: {  	v36 =	vsub.f32 $1.500000000e+00, v36;
	v46 =	vmul.f32 v51, v46;
	v51 =	vsub.f32 $1.500000000e+00, v54  }
0x2e3: {  	v35 =	vsub.f32 v17, v35;
	v22 =	vmul.f32 v22, v45;
	v39 =	vmul.f32 v39, v48  }
0x2e4: {  	v17 =	vsub.f32 v10, v29;
	v45 =	vmul.f32 v52, v49;
	v36 =	vmul.f32 v36, v50  }
0x2e5: {  	v15 =	vadd.f32 v15, v5;
	v10 =	vmul.f32 v24, v42;
	v29 =	vmul.f32 v51, v37  }
0x2e6: {  	v16 =	vadd.f32 v16, v4;
	v42 =	vmul.f32 v22, v44;
	v37 =	vmul.f32 v46, v47  }
0x2e7: {  	v13 =	vadd.f32 v13, v5;
	v41 =	vmul.f32 v39, v41;
	v43 =	vmul.f32 v45, v43;
	[tilespmem:s21+$0xFFFFFFF0] =	vst v15  }
0x2e8: {  	v14 =	vadd.f32 v14, v4;
	v15 =	vmul.f32 v36, v38;
	v38 =	vmul.f32 v29, v40;
	[tilespmem:s21+$0x0] =	vst v16  }
0x2e9: {  	v11 =	vadd.f32 v11, v5;
	v10 =	vmul.f32 v10, v24;
	v16 =	vmul.f32 v37, v46;
	[tilespmem:s21+$0x10] =	vst v13  }
0x2ea: {  	v12 =	vadd.f32 v12, v4;
	v37 =	vmul.f32 v41, v39;
	v13 =	vmul.f32 v42, v22;
	[tilespmem:s21+$0x20] =	vst v14  }
0x2eb: {  	v10 =	vsub.f32 $1.500000000e+00, v10;
	v15 =	vmul.f32 v15, v36;
	v14 =	vmul.f32 v43, v45;
	[tilespmem:s21+$0x30] =	vst v11  }
0x2ec: {  	v11 =	vsub.f32 $1.500000000e+00, v16;
	v13 =	vsub.f32 $1.500000000e+00, v13;
	v16 =	vmul.f32 v38, v29;
	[tilespmem:s21+$0x40] =	vst v12  }
0x2ed: {  	v10 =	vmul.f32 v10, v24;
	v12 =	vsub.f32 $1.500000000e+00, v37;
	v14 =	vsub.f32 $1.500000000e+00, v14  }
0x2ee: {  	v15 =	vsub.f32 $1.500000000e+00, v15;
	v11 =	vmul.f32 v11, v46;
	v16 =	vsub.f32 $1.500000000e+00, v16  }
0x2ef: {  	v8 =	vadd.f32 v8, v5;
	v13 =	vmul.f32 v13, v22;
	v12 =	vmul.f32 v12, v39  }
0x2f0: {  	v9 =	vadd.f32 v9, v4;
	v22 =	vmul.f32 v15, v36;
	v14 =	vmul.f32 v14, v45  }
0x2f1: {  	v24 =	vmul.f32 v10, v6;
	v16 =	vmul.f32 v16, v29;
	[tilespmem:s21+$0x50] =	vst v8  }
0x2f2: {  	v40 =	vmul.f32 v11, v6;
	v8 =	vmul.f32 v10, v7;
	[tilespmem:s21+$0x60] =	vst v9;
	s21 =	smov.u32 s0  }
0x2f3: {  	v41 =	vmul.f32 v11, v7;
	v38 =	vmul.f32 v13, v6  }
0x2f4: {  	v39 =	vmul.f32 v13, v7;
	v37 =	vmul.f32 v12, v6  }
.Ltmp1:
0x2f5: {  	v15 =	vmul.f32 v12, v7;
	v13 =	vmul.f32 v14, v6;
	(pc) =	sbr.rel @p0 .LBB2_5-.Ltmp1, $4  }
0x2f6: {  	v11 =	vmul.f32 v22, v6;
	v14 =	vmul.f32 v14, v7  }
0x2f7: {  	v36 =	vmul.f32 v22, v7;
	v12 =	vmul.f32 v16, v6  }
0x2f8: {  	v29 =	vmul.f32 v16, v7;
	v9 =	vmul.f32 v31, v6  }
0x2f9: {  	v16 =	vmul.f32 v24, v32;
	s0 =	sadd.s32 $0x100, s0;
	v8 =	vmul.f32 v8, v30  }
0x2fa: {  	_ = 	snop  }
0x2fb: {  	v10 =	vmul.f32 v40, v25;
	v16 =	vadd.f32 v16, v4  }
0x2fc: {  	v24 =	vmul.f32 v38, v27;
	v8 =	vadd.f32 v8, v5  }
0x2fd: {  	v22 =	vmul.f32 v41, v26;
	v10 =	vadd.f32 v10, v4;
	[tilespmem:s21+$0xFFFFFF80] =	vst v16  }
0x2fe: {  	v18 =	vmul.f32 v37, v18;
	v57 =	vadd.f32 v24, v4;
	[tilespmem:s21+$0xFFFFFF90] =	vst v8  }
0x2ff: {  	v56 =	vmul.f32 v39, v28;
	v8 =	vadd.f32 v22, v5;
	[tilespmem:s21+$0xFFFFFFA0] =	vst v10  }
0x300: {  	v13 =	vmul.f32 v13, v20;
	v58 =	vadd.f32 v18, v4;
	[tilespmem:s21+$0xFFFFFFC0] =	vst v57  }
0x301: {  	v15 =	vmul.f32 v15, v19;
	[tilespmem:s21+$0xFFFFFFB0] =	vst v8;
	v8 =	vadd.f32 v56, v5  }
0x302: {  	v11 =	vmul.f32 v11, v21;
	v59 =	vadd.f32 v13, v4;
	[tilespmem:s21+$0xFFFFFFE0] =	vst v58  }
0x303: {  	v14 =	vmul.f32 v14, v33;
	[tilespmem:s21+$0xFFFFFFD0] =	vst v8;
	v8 =	vadd.f32 v15, v5  }
0x304: {  	v12 =	vmul.f32 v12, v23;
	v61 =	vadd.f32 v11, v4;
	[tilespmem:s21+$0x0] =	vst v59  }
0x305: {  	v60 =	vmul.f32 v36, v34;
	[tilespmem:s21+$0xFFFFFFF0] =	vst v8;
	v8 =	vadd.f32 v14, v5  }
0x306: {  	v9 =	vmul.f32 v9, v17;
	v63 =	vadd.f32 v12, v4;
	[tilespmem:s21+$0x20] =	vst v61  }
0x307: {  	v62 =	vmul.f32 v29, v35;
	s0 =	smul.u32 $0x32000, s23;
	[tilespmem:s21+$0x10] =	vst v8;
	v8 =	vadd.f32 v60, v5  }
0x308: {  	v9 =	vadd.f32 v9, v4;
	[tilespmem:s21+$0x40] =	vst v63  }
0x309: {  	s0 =	sadd.s32 s4, s0;
	[tilespmem:s21+$0x30] =	vst v8;
	v8 =	vadd.f32 v62, v5  }
0x30a: {  	s0 =	sshrl.u32 s0, $0x3;
	[tilespmem:s21+$0x60] =	vst v9  }
0x30b: {  	s5 =	smul.u32 $0x32000, s24;
	s0 =	sadd.s32 s3, s0;
	[tilespmem:s21+$0x50] =	vst v8  }
0x30c: {  	[hbm4b:s0+s18] =	stream.strided.scatter [tilespmem:s13], [sflag:$0x3], $0x1000, s19, s18, $0x38;
	[tilespmem:$0x8440] =	vst v63  }
0x30d: {  	s21 =	sadd.s32 s4, s5;
	_ =	swait.ge [sflag:s28], $0x1000  }
0x30e: {  	s0 =	sshrl.u32 s21, $0x3;
	[sflag:s28] =	ssyncset.done $0x0  }
0x30f: {  	s23 =	smul.u32 $0x32000, s25;
	s0 =	sadd.s32 s3, s0;
	[sflag:s28] =	ssyncadd.s32 $0xFFFFF000  }
0x310: {  	[hbm4b:s0+s18] =	stream.strided.scatter [tilespmem:s14], [sflag:$0x3], $0x1000, s19, s18, $0x38;
	[tilespmem:$0x8440] =	vst v63  }
0x311: {  	s24 =	sadd.s32 s4, s23;
	_ =	swait.ge [sflag:s28], $0x1000  }
0x312: {  	s0 =	sshrl.u32 s24, $0x3;
	[sflag:s28] =	ssyncset.done $0x0  }
0x313: {  	s25 =	smul.u32 $0x32000, s9;
	s0 =	sadd.s32 s3, s0;
	[sflag:s28] =	ssyncadd.s32 $0xFFFFF000  }
0x314: {  	[hbm4b:s0+s18] =	stream.strided.scatter [tilespmem:s15], [sflag:$0x3], $0x1000, s19, s18, $0x38;
	[tilespmem:$0x8440] =	vst v63  }
0x315: {  	s22 =	sadd.s32 $0x1, s22;
	s31 =	sadd.s32 s4, s25;
	_ =	swait.ge [sflag:s28], $0x1000  }
0x316: {  	p0 =	sne.s32 s22, $0x18;
	s0 =	sshrl.u32 s31, $0x3;
	[sflag:s28] =	ssyncset.done $0x0  }
.Ltmp2:
0x317: {  	s0 =	sadd.s32 s3, s0;
	[sflag:s28] =	ssyncadd.s32 $0xFFFFF000;
	(pc) =	sbr.rel @p0 .LBB2_2-.Ltmp2, $4  }
0x318: {  	[hbm4b:s0+s18] =	stream.strided.scatter [tilespmem:s16], [sflag:$0x3], $0x1000, s19, s18, $0x38;
	[tilespmem:$0x8440] =	vst v63  }
0x319: {  	_ =	swait.ge [sflag:s28], $0x1000  }
0x31a: {  	[sflag:s28] =	ssyncset.done $0x0  }
0x31b: {  	[sflag:s28] =	ssyncadd.s32 $0xFFFFF000  }
0x31c: {  	s0 =	rddreg [dreg:$0xa];
	s4 =	simm.s32 $0x200  }
0x31d: {  	[tilespmem:s4], [sflag:$0x3] =	stream.linear.gather [hbm4b:s0+s6], $0x80, $0x38;
	[tilespmem:$0x8440] =	vst v63  }
0x31e: {  	_ =	swait.ge [sflag:s28], $0x80  }
0x31f: {  	[sflag:s28] =	ssyncset.done $0x0  }
0x320: {  	s5 =	simm.s32 $0x280;
	s24 =	rddreg [dreg:$0xb];
	[sflag:s28] =	ssyncadd.s32 $0xFFFFFF80  }
0x321: {  	[tilespmem:s5], [sflag:$0x3] =	stream.linear.gather [hbm4b:s24+s6], $0x80, $0x38;
	[tilespmem:$0x8440] =	vst v63  }
0x322: {  	_ =	swait.ge [sflag:s28], $0x80  }
0x323: {  	[sflag:s28] =	ssyncset.done $0x0  }
0x324: {  	s25 =	rddreg [dreg:$0xc];
	[sflag:s28] =	ssyncadd.s32 $0xFFFFFF80  }
0x325: {  	[tilespmem:s11], [sflag:$0x3] =	stream.linear.gather [hbm4b:s25+s6], $0x80, $0x38;
	[tilespmem:$0x8440] =	vst v63  }
0x326: {  	_ =	swait.ge [sflag:s28], $0x80  }
0x327: {  	[sflag:s28] =	ssyncset.done $0x0  }
0x328: {  	s31 =	rddreg [dreg:$0xd];
	[sflag:s28] =	ssyncadd.s32 $0xFFFFFF80  }
0x329: {  	[tilespmem:s12], [sflag:$0x3] =	stream.linear.gather [hbm4b:s31+s6], $0x80, $0x38;
	[tilespmem:$0x8440] =	vst v63  }
0x32a: {  	_ =	swait.ge [sflag:s28], $0x80  }
0x32b: {  	[sflag:s28] =	ssyncset.done $0x0  }
0x32c: {  	[sflag:s28] =	ssyncadd.s32 $0xFFFFFF80  }
0x32d: {  	[tilespmem:s13], [sflag:$0x2] =	stream.indirect.gather [hbm4b:s8+s30], $0x20, s4, s30, $0xb8;
	[tilespmem:$0x8440] =	vst v63  }
0x32e: {  	_ = 	snop  }
0x32f: {  	[tilespmem:s14], [sflag:$0x2] =	stream.indirect.gather [hbm4b:s8+s30], $0x20, s5, s30, $0xb8;
	[tilespmem:$0x8440] =	vst v63  }
0x330: {  	_ = 	snop  }
0x331: {  	[tilespmem:s15], [sflag:$0x2] =	stream.indirect.gather [hbm4b:s8+s30], $0x20, s11, s30, $0xb8;
	[tilespmem:$0x8440] =	vst v63  }
0x332: {  	_ = 	snop  }
0x333: {  	[tilespmem:s16], [sflag:$0x2] =	stream.indirect.gather [hbm4b:s8+s30], $0x20, s12, s30, $0xb8;
	[tilespmem:$0x8440] =	vst v63  }
0x334: {  	_ =	swait.ge [sflag:s17], $0x1000  }
0x335: {  	[sflag:s17] =	ssyncset.done $0x0  }
0x336: {  	[sflag:s17] =	ssyncadd.s32 $0xFFFFF000  }
0x337: {  	_ =	swait.ge [sflag:s17], $0x1000  }
0x338: {  	[sflag:s17] =	ssyncset.done $0x0  }
0x339: {  	[sflag:s17] =	ssyncadd.s32 $0xFFFFF000  }
0x33a: {  	_ =	swait.ge [sflag:s17], $0x1000  }
0x33b: {  	[sflag:s17] =	ssyncset.done $0x0  }
0x33c: {  	[sflag:s17] =	ssyncadd.s32 $0xFFFFF000  }
0x33d: {  	_ =	swait.ge [sflag:s17], $0x1000  }
0x33e: {  	[sflag:s17] =	ssyncset.done $0x0  }
0x33f: {  	s4 =	simm.s32 $0x480;
	[sflag:s17] =	ssyncadd.s32 $0xFFFFF000  }
0x340: {  	v8 =	vld [tilespmem:s4+$0x60]  }
0x341: {  	v25 =	vld [tilespmem:s4+$0x70]  }
0x342: {  	v21 =	vld [tilespmem:s4+$0xFFFFFF90]  }
0x343: {  	v20 =	vld [tilespmem:s4+$0xFFFFFFA0]  }
0x344: {  	v19 =	vld [tilespmem:s4+$0xFFFFFFB0]  }
0x345: {  	v18 =	vld [tilespmem:s4+$0xFFFFFFC0]  }
0x346: {  	v10 =	vld [tilespmem:s4+$0xFFFFFFD0]  }
0x347: {  	v11 =	vld [tilespmem:s4+$0xFFFFFFE0]  }
0x348: {  	v9 =	vld [tilespmem:s4+$0xFFFFFFF0]  }
0x349: {  	v12 =	vmul.f32 v8, v8;
	v13 =	vmul.f32 v25, v25  }
0x34a: {  	v14 =	vadd.f32 v25, v8;
	v22 =	vmul.f32 v21, v21;
	v17 =	vmul.f32 v20, v20  }
0x34b: {  	v24 =	vadd.f32 v19, v20;
	v23 =	vmul.f32 v19, v19;
	v28 =	vmul.f32 v18, v18  }
0x34c: {  	v30 =	vadd.f32 v10, v18;
	v31 =	vmul.f32 v10, v10;
	v33 =	vmul.f32 v11, v11  }
0x34d: {  	v35 =	vadd.f32 v9, v11;
	v36 =	vmul.f32 v9, v9;
	v16 =	vadd.f32 v13, v12;
	v13 =	vld [tilespmem:s4+$0x0]  }
0x34e: {  	v15 =	vperm.xlane v14, v0;
	v12 =	vld [tilespmem:s4+$0x10];
	v29 =	vperm.xlane v24, v0;
	v34 =	vadd.f32 v23, v17  }
0x34f: {  	v17 =	vld [tilespmem:s4+$0x40];
	v38 =	vperm.xlane v30, v0;
	v28 =	vadd.f32 v31, v28;
	v44 =	vperm.xlane v35, v0  }
0x350: {  	v23 =	vld [tilespmem:s4+$0xFFFFFF80];
	v33 =	vadd.f32 v36, v33;
	v26 =	vadd.f32 v15, v14;
	v27 =	vperm.xlane v16, v0  }
0x351: {  	v15 =	vld [tilespmem:s4+$0x20];
	v24 =	vadd.f32 v29, v24;
	v55 =	vperm.xlane v34, v0;
	v30 =	vadd.f32 v38, v30  }
0x352: {  	v14 =	vld [tilespmem:s4+$0x30];
	v56 =	vperm.xlane v28, v0;
	v35 =	vadd.f32 v44, v35;
	v57 =	vperm.xlane v33, v0  }
0x353: {  	v32 =	vperm.xlane v26, v1;
	v27 =	vadd.f32 v27, v16;
	v34 =	vadd.f32 v55, v34  }
0x354: {  	v28 =	vadd.f32 v56, v28;
	v33 =	vadd.f32 v57, v33;
	v37 =	vmul.f32 v13, v13  }
0x355: {  	v16 =	vld [tilespmem:s4+$0x50];
	v39 =	vadd.f32 v12, v13;
	v40 =	vmul.f32 v12, v12;
	v43 =	vmul.f32 v17, v17  }
0x356: {  	v61 =	vadd.f32 v21, v23;
	v48 =	vmul.f32 v23, v23;
	v58 =	vperm.xlane v27, v1  }
0x357: {  	v26 =	vadd.f32 v32, v26;
	v59 =	vmul.f32 v15, v15;
	v42 =	vmul.f32 v14, v14  }
0x358: {  	v31 =	vadd.f32 v14, v15;
	v62 =	vperm.xlane v39, v0;
	v49 =	vperm.xlane v61, v0  }
0x359: {  	v48 =	vadd.f32 v22, v48;
	v37 =	vadd.f32 v40, v37;
	v41 =	vperm.xlane v26, v2  }
0x35a: {  	v27 =	vadd.f32 v58, v27;
	v45 =	vadd.f32 v16, v17;
	v46 =	vmul.f32 v16, v16  }
0x35b: {  	v52 =	vperm.xlane v31, v0;
	v32 =	vadd.f32 v49, v61;
	v29 =	vperm.xlane v48, v0  }
0x35c: {  	v36 =	vadd.f32 v62, v39;
	v58 =	vperm.xlane v37, v0;
	v62 =	vperm.xlane v24, v1  }
0x35d: {  	v26 =	vadd.f32 v41, v26;
	v60 =	vperm.xlane v27, v2;
	v53 =	vperm.xlane v45, v0  }
0x35e: {  	v31 =	vadd.f32 v52, v31;
	v61 =	vperm.xlane v32, v1;
	v29 =	vadd.f32 v29, v48  }
0x35f: {  	v52 =	vperm.xlane v30, v1;
	v56 =	vperm.xlane v36, v1;
	v37 =	vadd.f32 v58, v37  }
0x360: {  	v24 =	vadd.f32 v62, v24;
	v62 =	vperm.xlane v33, v1;
	v47 =	vperm.xlane v26, v3  }
0x361: {  	v27 =	vadd.f32 v60, v27;
	v41 =	vadd.f32 v53, v45;
	v57 =	vperm.xlane v31, v1  }
0x362: {  	v32 =	vadd.f32 v61, v32;
	v30 =	vadd.f32 v52, v30;
	v61 =	vperm.xlane v28, v1  }
0x363: {  	v36 =	vadd.f32 v56, v36;
	v56 =	vperm.xlane v24, v2;
	v33 =	vadd.f32 v62, v33  }
0x364: {  	v26 =	vadd.f32 v47, v26;
	v63 =	vperm.xlane v27, v3;
	v58 =	vperm.xlane v41, v1  }
0x365: {  	v31 =	vadd.f32 v57, v31;
	v57 =	vperm.xlane v30, v2;
	v28 =	vadd.f32 v61, v28  }
0x366: {  	v27 =	vadd.f32 v63, v27;
	v22 =	vmul.f32 $3.125000000e-02, v26;
	v26 =	vadd.f32 v42, v59  }
0x367: {  	v42 =	vadd.f32 v46, v43;
	v40 =	vadd.f32 v58, v41;
	v61 =	vperm.xlane v31, v2  }
0x368: {  	v30 =	vadd.f32 v57, v30;
	v27 =	vmul.f32 $3.125000000e-02, v27;
	v54 =	vmul.f32 v22, v22  }
0x369: {  	v59 =	vperm.xlane v26, v0;
	v60 =	vperm.xlane v42, v0;
	v25 =	vsub.f32 v25, v22  }
0x36a: {  	v62 =	vperm.xlane v40, v2;
	v27 =	vsub.f32 v27, v54;
	v54 =	vperm.xlane v35, v1  }
0x36b: {  	v31 =	vadd.f32 v61, v31;
	v26 =	vadd.f32 v59, v26;
	v59 =	vperm.xlane v29, v1  }
0x36c: {  	v42 =	vadd.f32 v60, v42;
	v27 =	vmax.f32 v27, $0.0e+00;
	v35 =	vadd.f32 v54, v35  }
0x36d: {  	v52 =	vperm.xlane v26, v1;
	v29 =	vadd.f32 v59, v29;
	v59 =	vperm.xlane v36, v2  }
0x36e: {  	v60 =	vperm.xlane v34, v1;
	v27 =	vadd.f32 $9.999999740e-06, v27;
	v58 =	vperm.xlane v35, v2  }
0x36f: {  	v26 =	vadd.f32 v52, v26;
	v52 =	vperm.xlane v28, v2;
	v36 =	vadd.f32 v59, v36  }
0x370: {  	v59 =	vperm.xlane v30, v3;
	v63 =	vshrl.u32 v27, $0x1;
	v27 =	vmul.f32 $5.000000000e-01, v27  }
0x371: {  	v53 =	vsub.s32 $0x5F3759DF, v63;
	v63 =	vperm.xlane v37, v1;
	v35 =	vadd.f32 v58, v35  }
0x372: {  	v44 =	vadd.f32 v52, v28;
	v30 =	vadd.f32 v59, v30;
	v55 =	vmul.f32 v53, v27  }
0x373: {  	v37 =	vadd.f32 v63, v37;
	v63 =	vperm.xlane v29, v2;
	v28 =	vperm.xlane v35, v3  }
0x374: {  	v39 =	vadd.f32 v62, v40;
	v43 =	vmul.f32 v53, v55;
	v55 =	vperm.xlane v32, v2  }
0x375: {  	v29 =	vadd.f32 v63, v29;
	v35 =	vadd.f32 v28, v35;
	v28 =	vmul.f32 $3.125000000e-02, v30  }
0x376: {  	v43 =	vsub.f32 $1.500000000e+00, v43;
	v32 =	vadd.f32 v55, v32;
	v55 =	vperm.xlane v26, v2  }
0x377: {  	v34 =	vadd.f32 v60, v34;
	v63 =	vperm.xlane v29, v3;
	v45 =	vmul.f32 v28, v28  }
0x378: {  	v38 =	vmul.f32 v53, v43;
	v53 =	vperm.xlane v42, v1;
	v43 =	vadd.f32 v56, v24  }
0x379: {  	v24 =	vperm.xlane v34, v2;
	v57 =	vperm.xlane v32, v3;
	v62 =	vadd.f32 v55, v26  }
0x37a: {  	v26 =	vperm.xlane v39, v3;
	v54 =	vmul.f32 v38, v27;
	v41 =	vadd.f32 v53, v42  }
0x37b: {  	v53 =	vperm.xlane v33, v2;
	v58 =	vperm.xlane v43, v3;
	v34 =	vadd.f32 v24, v34  }
0x37c: {  	v32 =	vadd.f32 v57, v32;
	v48 =	vmul.f32 v54, v38;
	v54 =	vperm.xlane v37, v2  }
0x37d: {  	v56 =	vperm.xlane v41, v2;
	v33 =	vadd.f32 v53, v33;
	v42 =	vadd.f32 v58, v43  }
0x37e: {  	v52 =	vperm.xlane v34, v3;
	v53 =	vperm.xlane v44, v3;
	v60 =	vsub.f32 $1.500000000e+00, v48  }
0x37f: {  	v37 =	vadd.f32 v54, v37;
	v40 =	vadd.f32 v56, v41;
	v54 =	vperm.xlane v33, v3  }
0x380: {  	v39 =	vadd.f32 v26, v39;
	v56 =	vperm.xlane v62, v3;
	v38 =	vmul.f32 v60, v38  }
0x381: {  	v41 =	vadd.f32 v63, v29;
	v26 =	vmul.f32 $3.125000000e-02, v42;
	v50 =	vperm.xlane v40, v3  }
0x382: {  	v57 =	vadd.f32 v53, v44;
	v29 =	vmul.f32 $3.125000000e-02, v39;
	v27 =	vmul.f32 v38, v27  }
0x383: {  	v60 =	vperm.xlane v31, v3;
	v55 =	vperm.xlane v37, v3;
	v40 =	vadd.f32 v50, v40  }
0x384: {  	v34 =	vadd.f32 v52, v34;
	v63 =	vmul.f32 $3.125000000e-02, v57;
	v27 =	vmul.f32 v27, v38  }
0x385: {  	v33 =	vadd.f32 v54, v33;
	v51 =	vmul.f32 v29, v29;
	v50 =	vmul.f32 $3.125000000e-02, v40  }
0x386: {  	v59 =	vmul.f32 $3.125000000e-02, v41;
	v34 =	vmul.f32 $3.125000000e-02, v34;
	v27 =	vsub.f32 $1.500000000e+00, v27  }
0x387: {  	v33 =	vmul.f32 $3.125000000e-02, v33;
	v41 =	vsub.f32 v63, v45;
	v39 =	vsub.f32 v50, v51  }
0x388: {  	v58 =	vadd.f32 v55, v37;
	v24 =	vmul.f32 v27, v38;
	v27 =	vperm.xlane v36, v3  }
0x389: {  	v52 =	vmax.f32 v41, $0.0e+00;
	v38 =	vadd.f32 v60, v31;
	v39 =	vmax.f32 v39, $0.0e+00  }
0x38a: {  	v61 =	vmul.f32 v24, v7;
	v36 =	vadd.f32 v27, v36;
	v27 =	vmul.f32 $3.125000000e-02, v32  }
0x38b: {  	v39 =	vadd.f32 $9.999999740e-06, v39;
	v32 =	vmul.f32 $3.125000000e-02, v35;
	v30 =	vmul.f32 $3.125000000e-02, v38  }
0x38c: {  	v35 =	vmul.f32 $3.125000000e-02, v58;
	v38 =	vadd.f32 $9.999999740e-06, v52;
	v25 =	vmul.f32 v61, v25  }
0x38d: {  	v31 =	vmul.f32 $3.125000000e-02, v36;
	v60 =	vmul.f32 v27, v27;
	v61 =	vadd.f32 v56, v62  }
0x38e: {  	v62 =	vmul.f32 v26, v26;
	v46 =	vmul.f32 v32, v32;
	v55 =	vshrl.u32 v38, $0x1  }
0x38f: {  	v49 =	vmul.f32 v30, v30;
	v38 =	vmul.f32 $5.000000000e-01, v38;
	v42 =	vsub.s32 $0x5F3759DF, v55  }
0x390: {  	v36 =	vsub.f32 v59, v60;
	v34 =	vsub.f32 v34, v62;
	v47 =	vmul.f32 v31, v31  }
0x391: {  	v33 =	vsub.f32 v33, v46;
	v48 =	vmul.f32 $3.125000000e-02, v61;
	v61 =	vmul.f32 v42, v38  }
0x392: {  	v35 =	vsub.f32 v35, v47;
	v36 =	vmax.f32 v36, $0.0e+00;
	v34 =	vmax.f32 v34, $0.0e+00  }
0x393: {  	v37 =	vsub.f32 v48, v49;
	v33 =	vmax.f32 v33, $0.0e+00;
	v47 =	vmul.f32 $5.000000000e-01, v39  }
0x394: {  	v39 =	vshrl.u32 v39, $0x1;
	v49 =	vmul.f32 v42, v61;
	v36 =	vadd.f32 $9.999999740e-06, v36  }
0x395: {  	v34 =	vadd.f32 $9.999999740e-06, v34;
	v33 =	vadd.f32 $9.999999740e-06, v33;
	v39 =	vsub.s32 $0x5F3759DF, v39  }
0x396: {  	v35 =	vmax.f32 v35, $0.0e+00;
	v37 =	vmax.f32 v37, $0.0e+00;
	v63 =	vmul.f32 v39, v47  }
0x397: {  	v49 =	vsub.f32 $1.500000000e+00, v49;
	v53 =	vshrl.u32 v36, $0x1;
	v35 =	vadd.f32 $9.999999740e-06, v35  }
0x398: {  	v36 =	vmul.f32 $5.000000000e-01, v36;
	v37 =	vadd.f32 $9.999999740e-06, v37;
	v54 =	vshrl.u32 v34, $0x1  }
0x399: {  	v34 =	vmul.f32 $5.000000000e-01, v34;
	v56 =	vshrl.u32 v33, $0x1;
	v33 =	vmul.f32 $5.000000000e-01, v33  }
0x39a: {  	v40 =	vsub.s32 $0x5F3759DF, v53;
	v41 =	vsub.s32 $0x5F3759DF, v54;
	v43 =	vsub.s32 $0x5F3759DF, v56  }
0x39b: {  	v42 =	vmul.f32 v42, v49;
	v57 =	vshrl.u32 v35, $0x1;
	v35 =	vmul.f32 $5.000000000e-01, v35  }
0x39c: {  	v58 =	vshrl.u32 v37, $0x1;
	v59 =	vmul.f32 v40, v36;
	v37 =	vmul.f32 $5.000000000e-01, v37  }
0x39d: {  	v60 =	vmul.f32 v41, v34;
	v62 =	vmul.f32 v43, v33  }
0x39e: {  	v44 =	vsub.s32 $0x5F3759DF, v57;
	v45 =	vsub.s32 $0x5F3759DF, v58;
	v46 =	vmul.f32 v40, v59  }
0x39f: {  	v51 =	vmul.f32 v44, v35;
	v52 =	vmul.f32 v45, v37  }
0x3a0: {  	v48 =	vmul.f32 v41, v60;
	v60 =	vmul.f32 v42, v38  }
0x3a1: {  	v50 =	vmul.f32 v43, v62;
	v46 =	vsub.f32 $1.500000000e+00, v46;
	v51 =	vmul.f32 v44, v51  }
0x3a2: {  	v48 =	vsub.f32 $1.500000000e+00, v48;
	v52 =	vmul.f32 v45, v52;
	v49 =	vmul.f32 v60, v42  }
0x3a3: {  	v50 =	vsub.f32 $1.500000000e+00, v50;
	v40 =	vmul.f32 v40, v46;
	v46 =	vmul.f32 v39, v63  }
0x3a4: {  	v41 =	vmul.f32 v41, v48;
	v55 =	vsub.f32 $1.500000000e+00, v51;
	v56 =	vsub.f32 $1.500000000e+00, v52  }
0x3a5: {  	v43 =	vmul.f32 v43, v50;
	v57 =	vmul.f32 v40, v36  }
0x3a6: {  	v49 =	vsub.f32 $1.500000000e+00, v49;
	v44 =	vmul.f32 v44, v55;
	v45 =	vmul.f32 v45, v56  }
0x3a7: {  	v46 =	vsub.f32 $1.500000000e+00, v46;
	v59 =	vmul.f32 v41, v34;
	v50 =	vmul.f32 v43, v33  }
0x3a8: {  	v42 =	vmul.f32 v49, v42;
	v58 =	vmul.f32 v57, v40  }
0x3a9: {  	v39 =	vmul.f32 v39, v46;
	v61 =	vmul.f32 v44, v35  }
0x3aa: {  	v62 =	vmul.f32 v45, v37;
	v46 =	vmul.f32 v59, v41  }
0x3ab: {  	v55 =	vsub.f32 v21, v27;
	v50 =	vmul.f32 v50, v43;
	v21 =	vmul.f32 v42, v38  }
0x3ac: {  	v48 =	vsub.f32 $1.500000000e+00, v58;
	v63 =	vmul.f32 v39, v47;
	v51 =	vmul.f32 v61, v44  }
0x3ad: {  	v52 =	vmul.f32 v62, v45;
	v46 =	vsub.f32 $1.500000000e+00, v46;
	v50 =	vsub.f32 $1.500000000e+00, v50  }
0x3ae: {  	v21 =	vmul.f32 v21, v42;
	v40 =	vmul.f32 v48, v40;
	v51 =	vsub.f32 $1.500000000e+00, v51  }
0x3af: {  	v48 =	vmul.f32 v63, v39;
	v41 =	vmul.f32 v46, v41;
	v52 =	vsub.f32 $1.500000000e+00, v52  }
0x3b0: {  	v43 =	vmul.f32 v50, v43;
	v21 =	vsub.f32 $1.500000000e+00, v21;
	v44 =	vmul.f32 v51, v44  }
0x3b1: {  	v48 =	vsub.f32 $1.500000000e+00, v48;
	v45 =	vmul.f32 v52, v45;
	v36 =	vmul.f32 v40, v36  }
0x3b2: {  	v53 =	vadd.f32 v25, v5;
	v34 =	vmul.f32 v41, v34;
	v33 =	vmul.f32 v43, v33  }
0x3b3: {  	v54 =	vsub.f32 v23, v27;
	v21 =	vmul.f32 v21, v42;
	v23 =	vmul.f32 v48, v39  }
0x3b4: {  	v25 =	vsub.f32 v20, v26;
	v20 =	vmul.f32 v44, v35;
	v56 =	vmul.f32 v45, v37  }
0x3b5: {  	v27 =	vsub.f32 v18, v28;
	v36 =	vmul.f32 v36, v40;
	v18 =	vmul.f32 v34, v41  }
0x3b6: {  	v26 =	vsub.f32 v19, v26;
	v33 =	vmul.f32 v33, v43;
	v38 =	vmul.f32 v21, v6  }
0x3b7: {  	v28 =	vsub.f32 v10, v28;
	v39 =	vmul.f32 v21, v7;
	v19 =	vmul.f32 v23, v47  }
0x3b8: {  	v20 =	vmul.f32 v20, v44;
	v35 =	vmul.f32 v56, v45;
	v18 =	vsub.f32 $1.500000000e+00, v18  }
0x3b9: {  	v57 =	vsub.f32 $1.500000000e+00, v36;
	v33 =	vsub.f32 $1.500000000e+00, v33;
	v19 =	vmul.f32 v19, v23  }
0x3ba: {  	v20 =	vsub.f32 $1.500000000e+00, v20;
	v58 =	vmul.f32 v18, v41;
	v18 =	vsub.f32 $1.500000000e+00, v35  }
0x3bb: {  	v21 =	vsub.f32 v15, v30;
	v34 =	vmul.f32 v57, v40;
	v59 =	vmul.f32 v33, v43  }
0x3bc: {  	v35 =	vsub.f32 v16, v29;
	v10 =	vmul.f32 v20, v44;
	v60 =	vmul.f32 v18, v45  }
0x3bd: {  	v19 =	vsub.f32 $1.500000000e+00, v19;
	v61 =	vmul.f32 v34, v6;
	v63 =	vmul.f32 v34, v7  }
0x3be: {  	v18 =	vsub.f32 v11, v32;
	v40 =	vmul.f32 v58, v6;
	v41 =	vmul.f32 v58, v7  }
0x3bf: {  	v20 =	vsub.f32 v13, v31;
	v37 =	vmul.f32 v59, v6;
	v15 =	vmul.f32 v59, v7  }
0x3c0: {  	v34 =	vsub.f32 v14, v30;
	v62 =	vmul.f32 v19, v23;
	v13 =	vmul.f32 v10, v6  }
0x3c1: {  	v19 =	vsub.f32 v9, v32;
	v14 =	vmul.f32 v10, v7;
	v11 =	vmul.f32 v60, v6  }
0x3c2: {  	v23 =	vsub.f32 v17, v29;
	v36 =	vmul.f32 v60, v7;
	v9 =	vmul.f32 v24, v6  }
0x3c3: {  	v17 =	vsub.f32 v8, v22;
	v16 =	vmul.f32 v61, v54;
	v8 =	vmul.f32 v63, v55  }
0x3c4: {  	s0 =	simm.s32 $0x580;
	s5 =	simm.s32 $0x0;
	[tilespmem:s4+$0x70] =	vst v53;
	v33 =	vsub.f32 v12, v31;
	v12 =	vmul.f32 v62, v6;
	v29 =	vmul.f32 v62, v7  }
.LBB2_8:
0x3c5: {  	v10 =	vld [tilespmem:s0+$0x60];
	v22 =	vmul.f32 v40, v25;
	v24 =	vmul.f32 v41, v26  }
0x3c6: {  	s5 =	sadd.s32 $0x8, s5;
	v31 =	vmul.f32 v38, v27;
	v38 =	vmul.f32 v39, v28;
	v32 =	vld [tilespmem:s0+$0x70];
	v16 =	vadd.f32 v16, v4  }
0x3c7: {  	v37 =	vmul.f32 v37, v18;
	v15 =	vmul.f32 v15, v19;
	p0 =	slt.u32 s5, $0x1F8;
	v8 =	vadd.f32 v8, v5;
	v30 =	vld [tilespmem:s0+$0xFFFFFF90]  }
0x3c8: {  	v18 =	vadd.f32 v22, v4;
	v25 =	vld [tilespmem:s0+$0xFFFFFFA0];
	[tilespmem:s4+$0xFFFFFF80] =	vst v16;
	v16 =	vmul.f32 v13, v20;
	v13 =	vmul.f32 v14, v33  }
0x3c9: {  	v19 =	vadd.f32 v24, v5;
	v14 =	vmul.f32 v11, v21;
	v11 =	vmul.f32 v36, v34;
	v26 =	vld [tilespmem:s0+$0xFFFFFFB0];
	[tilespmem:s4+$0xFFFFFF90] =	vst v8  }
0x3ca: {  	v12 =	vmul.f32 v12, v23;
	v20 =	vadd.f32 v31, v4;
	v8 =	vmul.f32 v29, v35;
	v27 =	vld [tilespmem:s0+$0xFFFFFFC0];
	[tilespmem:s4+$0xFFFFFFA0] =	vst v18  }
0x3cb: {  	v21 =	vmul.f32 v10, v10;
	v28 =	vld [tilespmem:s0+$0xFFFFFFD0];
	v22 =	vadd.f32 v32, v10;
	v23 =	vmul.f32 v32, v32;
	[tilespmem:s4+$0xFFFFFFB0] =	vst v19  }
0x3cc: {  	v9 =	vmul.f32 v9, v17;
	v24 =	vadd.f32 v38, v5;
	v29 =	vmul.f32 v30, v30;
	v18 =	vld [tilespmem:s0+$0xFFFFFFE0];
	[tilespmem:s4+$0xFFFFFFC0] =	vst v20  }
0x3cd: {  	v17 =	vmul.f32 v25, v25;
	v19 =	vld [tilespmem:s0+$0xFFFFFFF0];
	v31 =	vperm.xlane v22, v0;
	v33 =	vadd.f32 v23, v21  }
0x3ce: {  	v34 =	vadd.f32 v26, v25;
	v35 =	vmul.f32 v26, v26;
	v20 =	vld [tilespmem:s0+$0x0];
	[tilespmem:s4+$0xFFFFFFD0] =	vst v24;
	v24 =	vadd.f32 v37, v4  }
0x3cf: {  	v36 =	vmul.f32 v27, v27;
	v21 =	vld [tilespmem:s0+$0x10];
	v31 =	vadd.f32 v31, v22;
	v37 =	vperm.xlane v33, v0  }
0x3d0: {  	v38 =	vperm.xlane v34, v0;
	v39 =	vadd.f32 v28, v27;
	v40 =	vmul.f32 v28, v28;
	v23 =	vld [tilespmem:s0+$0x20];
	[tilespmem:s4+$0xFFFFFFE0] =	vst v24  }
0x3d1: {  	v41 =	vmul.f32 v18, v18;
	v22 =	vld [tilespmem:s0+$0x30];
	v42 =	vperm.xlane v31, v1;
	v37 =	vadd.f32 v37, v33  }
0x3d2: {  	v35 =	vadd.f32 v35, v17;
	v43 =	vadd.f32 v19, v18;
	v44 =	vmul.f32 v19, v19;
	v24 =	vld [tilespmem:s0+$0x40]  }
0x3d3: {  	v45 =	vmul.f32 v20, v20;
	v17 =	vld [tilespmem:s0+$0x50];
	v31 =	vadd.f32 v42, v31;
	v42 =	vperm.xlane v37, v1  }
0x3d4: {  	v46 =	vperm.xlane v39, v0;
	v33 =	vld [tilespmem:s0+$0xFFFFFF80];
	v47 =	vadd.f32 v21, v20;
	v48 =	vmul.f32 v21, v21  }
0x3d5: {  	v49 =	vmul.f32 v23, v23;
	v50 =	vperm.xlane v31, v2;
	v37 =	vadd.f32 v42, v37  }
0x3d6: {  	v36 =	vadd.f32 v40, v36;
	v40 =	vadd.f32 v22, v23;
	v42 =	vmul.f32 v22, v22  }
0x3d7: {  	v51 =	vmul.f32 v24, v24;
	v31 =	vadd.f32 v50, v31;
	v50 =	vperm.xlane v37, v2  }
0x3d8: {  	v52 =	vperm.xlane v43, v0;
	v53 =	vadd.f32 v17, v24;
	v54 =	vmul.f32 v17, v17  }
0x3d9: {  	v55 =	vadd.f32 v30, v33;
	v56 =	vperm.xlane v31, v3;
	v37 =	vadd.f32 v50, v37  }
0x3da: {  	v41 =	vadd.f32 v44, v41;
	v44 =	vperm.xlane v47, v0;
	v50 =	vmul.f32 v33, v33  }
0x3db: {  	v57 =	vperm.xlane v55, v0;
	v31 =	vadd.f32 v56, v31;
	v56 =	vperm.xlane v37, v3  }
0x3dc: {  	v45 =	vadd.f32 v48, v45;
	v48 =	vperm.xlane v40, v0;
	v50 =	vadd.f32 v29, v50  }
0x3dd: {  	v42 =	vadd.f32 v42, v49;
	v37 =	vadd.f32 v56, v37;
	v29 =	vmul.f32 $3.125000000e-02, v31  }
0x3de: {  	v49 =	vperm.xlane v53, v0;
	v51 =	vadd.f32 v54, v51;
	v31 =	vadd.f32 v57, v55  }
0x3df: {  	v34 =	vadd.f32 v38, v34;
	v37 =	vmul.f32 $3.125000000e-02, v37;
	v38 =	vmul.f32 v29, v29  }
0x3e0: {  	v39 =	vadd.f32 v46, v39;
	v54 =	vperm.xlane v50, v0;
	v55 =	vperm.xlane v35, v0  }
0x3e1: {  	v46 =	vperm.xlane v36, v0;
	v43 =	vadd.f32 v52, v43;
	v37 =	vsub.f32 v37, v38  }
0x3e2: {  	v44 =	vadd.f32 v44, v47;
	v47 =	vperm.xlane v45, v0;
	v38 =	vperm.xlane v41, v0  }
0x3e3: {  	v40 =	vadd.f32 v48, v40;
	v48 =	vperm.xlane v42, v0;
	v37 =	vmax.f32 v37, $0.0e+00  }
0x3e4: {  	v49 =	vadd.f32 v49, v53;
	v52 =	vperm.xlane v51, v0;
	v37 =	vadd.f32 $9.999999740e-06, v37  }
0x3e5: {  	v53 =	vperm.xlane v31, v1;
	v50 =	vadd.f32 v54, v50;
	v54 =	vperm.xlane v34, v1  }
0x3e6: {  	v35 =	vadd.f32 v55, v35;
	v55 =	vshrl.u32 v37, $0x1;
	v37 =	vmul.f32 $5.000000000e-01, v37  }
0x3e7: {  	v36 =	vadd.f32 v46, v36;
	v56 =	vperm.xlane v39, v1;
	v46 =	vsub.s32 $0x5F3759DF, v55  }
0x3e8: {  	v38 =	vadd.f32 v38, v41;
	v55 =	vperm.xlane v43, v1;
	v41 =	vmul.f32 v46, v37  }
0x3e9: {  	v45 =	vadd.f32 v47, v45;
	v47 =	vperm.xlane v40, v1;
	v57 =	vperm.xlane v44, v1  }
0x3ea: {  	v42 =	vadd.f32 v48, v42;
	v48 =	vperm.xlane v49, v1;
	v41 =	vmul.f32 v46, v41  }
0x3eb: {  	v51 =	vadd.f32 v52, v51;
	v31 =	vadd.f32 v53, v31;
	v53 =	vperm.xlane v50, v1  }
0x3ec: {  	v34 =	vadd.f32 v54, v34;
	v52 =	vperm.xlane v35, v1;
	v41 =	vsub.f32 $1.500000000e+00, v41  }
0x3ed: {  	v39 =	vadd.f32 v56, v39;
	v54 =	vperm.xlane v36, v1;
	v43 =	vadd.f32 v55, v43  }
0x3ee: {  	v44 =	vadd.f32 v57, v44;
	v55 =	vperm.xlane v38, v1;
	v41 =	vmul.f32 v46, v41  }
0x3ef: {  	v40 =	vadd.f32 v47, v40;
	v47 =	vperm.xlane v42, v1;
	v46 =	vperm.xlane v45, v1  }
0x3f0: {  	v48 =	vadd.f32 v48, v49;
	v49 =	vperm.xlane v51, v1;
	v56 =	vmul.f32 v41, v37  }
0x3f1: {  	v57 =	vperm.xlane v31, v2;
	v50 =	vadd.f32 v53, v50;
	v53 =	vperm.xlane v34, v2  }
0x3f2: {  	v35 =	vadd.f32 v52, v35;
	v52 =	vperm.xlane v39, v2;
	v56 =	vmul.f32 v56, v41  }
0x3f3: {  	v36 =	vadd.f32 v54, v36;
	v54 =	vperm.xlane v43, v2;
	v38 =	vadd.f32 v55, v38  }
0x3f4: {  	v55 =	vperm.xlane v44, v2;
	v45 =	vadd.f32 v46, v45;
	v46 =	vsub.f32 $1.500000000e+00, v56  }
0x3f5: {  	v42 =	vadd.f32 v47, v42;
	v47 =	vperm.xlane v48, v2;
	v56 =	vperm.xlane v40, v2  }
0x3f6: {  	v49 =	vadd.f32 v49, v51;
	v57 =	vadd.f32 v57, v31;
	v31 =	vmul.f32 v46, v41  }
0x3f7: {  	v34 =	vadd.f32 v53, v34;
	v41 =	vperm.xlane v50, v2;
	v46 =	vperm.xlane v35, v2  }
0x3f8: {  	v39 =	vadd.f32 v52, v39;
	v51 =	vperm.xlane v36, v2;
	v37 =	vmul.f32 v31, v37  }
0x3f9: {  	v43 =	vadd.f32 v54, v43;
	v52 =	vperm.xlane v38, v2;
	v44 =	vadd.f32 v55, v44  }
0x3fa: {  	v53 =	vperm.xlane v45, v2;
	v40 =	vadd.f32 v56, v40;
	v37 =	vmul.f32 v37, v31  }
0x3fb: {  	v47 =	vadd.f32 v47, v48;
	v48 =	vperm.xlane v49, v2;
	v54 =	vperm.xlane v42, v2  }
0x3fc: {  	v55 =	vperm.xlane v57, v3;
	v41 =	vadd.f32 v41, v50;
	v37 =	vsub.f32 $1.500000000e+00, v37  }
0x3fd: {  	v50 =	vperm.xlane v34, v3;
	v35 =	vadd.f32 v46, v35;
	v46 =	vperm.xlane v39, v3  }
0x3fe: {  	v36 =	vadd.f32 v51, v36;
	v51 =	vperm.xlane v43, v3;
	v31 =	vmul.f32 v37, v31  }
0x3ff: {  	v45 =	vadd.f32 v53, v45;
	v37 =	vadd.f32 v52, v38;
	v38 =	vperm.xlane v44, v3  }
0x400: {  	v32 =	vsub.f32 v32, v29;
	v52 =	vperm.xlane v40, v3;
	v53 =	vmul.f32 v31, v7  }
0x401: {  	v48 =	vadd.f32 v48, v49;
	v42 =	vadd.f32 v54, v42;
	v54 =	vperm.xlane v47, v3  }
0x402: {  	v49 =	vadd.f32 v55, v57;
	v55 =	vperm.xlane v41, v3;
	v32 =	vmul.f32 v53, v32  }
0x403: {  	v34 =	vadd.f32 v50, v34;
	v50 =	vperm.xlane v35, v3;
	v39 =	vadd.f32 v46, v39  }
0x404: {  	v43 =	vadd.f32 v51, v43;
	v46 =	vperm.xlane v36, v3;
	v32 =	vadd.f32 v32, v5  }
0x405: {  	v51 =	vperm.xlane v37, v3;
	v38 =	vadd.f32 v38, v44;
	v44 =	vperm.xlane v45, v3  }
0x406: {  	v47 =	vadd.f32 v54, v47;
	v40 =	vadd.f32 v52, v40;
	v52 =	vperm.xlane v42, v3;
	[tilespmem:s0+$0x70] =	vst v32  }
0x407: {  	v32 =	vadd.f32 v55, v41;
	v41 =	vmul.f32 $3.125000000e-02, v49;
	v49 =	vperm.xlane v48, v3  }
0x408: {  	v50 =	vadd.f32 v50, v35;
	v46 =	vadd.f32 v46, v36;
	v53 =	vmul.f32 $3.125000000e-02, v34  }
0x409: {  	v39 =	vmul.f32 $3.125000000e-02, v39;
	v51 =	vadd.f32 v51, v37;
	v37 =	vmul.f32 $3.125000000e-02, v43  }
0x40a: {  	v43 =	vadd.f32 v44, v45;
	v36 =	vmul.f32 $3.125000000e-02, v38;
	v38 =	vadd.f32 v52, v42  }
0x40b: {  	v35 =	vmul.f32 $3.125000000e-02, v47;
	v34 =	vmul.f32 $3.125000000e-02, v40;
	v40 =	vadd.f32 v49, v48  }
0x40c: {  	v42 =	vmul.f32 $3.125000000e-02, v32;
	v44 =	vmul.f32 v41, v41;
	v32 =	vsub.f32 v33, v41  }
0x40d: {  	v30 =	vsub.f32 v30, v41;
	v33 =	vmul.f32 $3.125000000e-02, v50;
	v41 =	vmul.f32 v53, v53  }
0x40e: {  	v45 =	vmul.f32 v39, v39;
	v42 =	vsub.f32 v42, v44;
	v44 =	vmul.f32 $3.125000000e-02, v46  }
0x40f: {  	v33 =	vsub.f32 v33, v41;
	v41 =	vmul.f32 $3.125000000e-02, v51;
	v46 =	vmul.f32 v37, v37  }
0x410: {  	v43 =	vmul.f32 $3.125000000e-02, v43;
	v44 =	vsub.f32 v44, v45;
	v45 =	vmul.f32 v36, v36  }
0x411: {  	v38 =	vmul.f32 $3.125000000e-02, v38;
	v41 =	vsub.f32 v41, v46;
	v46 =	vmul.f32 v34, v34  }
0x412: {  	v40 =	vmul.f32 $3.125000000e-02, v40;
	v43 =	vsub.f32 v43, v45;
	v45 =	vmul.f32 v35, v35  }
0x413: {  	v42 =	vmax.f32 v42, $0.0e+00;
	v33 =	vmax.f32 v33, $0.0e+00;
	v38 =	vsub.f32 v38, v46  }
0x414: {  	v44 =	vmax.f32 v44, $0.0e+00;
	v41 =	vmax.f32 v41, $0.0e+00;
	v40 =	vsub.f32 v40, v45  }
0x415: {  	v42 =	vadd.f32 $9.999999740e-06, v42;
	v43 =	vmax.f32 v43, $0.0e+00;
	v38 =	vmax.f32 v38, $0.0e+00  }
0x416: {  	v33 =	vadd.f32 $9.999999740e-06, v33;
	v44 =	vadd.f32 $9.999999740e-06, v44;
	v40 =	vmax.f32 v40, $0.0e+00  }
0x417: {  	v41 =	vadd.f32 $9.999999740e-06, v41;
	v45 =	vshrl.u32 v42, $0x1;
	v43 =	vadd.f32 $9.999999740e-06, v43  }
0x418: {  	v42 =	vmul.f32 $5.000000000e-01, v42;
	v38 =	vadd.f32 $9.999999740e-06, v38;
	v40 =	vadd.f32 $9.999999740e-06, v40  }
0x419: {  	v46 =	vshrl.u32 v33, $0x1;
	v47 =	vmul.f32 $5.000000000e-01, v33;
	v33 =	vshrl.u32 v44, $0x1  }
0x41a: {  	v44 =	vmul.f32 $5.000000000e-01, v44;
	v48 =	vshrl.u32 v41, $0x1;
	v41 =	vmul.f32 $5.000000000e-01, v41  }
0x41b: {  	v49 =	vshrl.u32 v43, $0x1;
	v43 =	vmul.f32 $5.000000000e-01, v43;
	v50 =	vshrl.u32 v38, $0x1  }
0x41c: {  	v38 =	vmul.f32 $5.000000000e-01, v38;
	v51 =	vshrl.u32 v40, $0x1;
	v40 =	vmul.f32 $5.000000000e-01, v40  }
0x41d: {  	v46 =	vsub.s32 $0x5F3759DF, v46;
	v45 =	vsub.s32 $0x5F3759DF, v45;
	v33 =	vsub.s32 $0x5F3759DF, v33  }
0x41e: {  	v48 =	vsub.s32 $0x5F3759DF, v48;
	v49 =	vsub.s32 $0x5F3759DF, v49;
	v50 =	vsub.s32 $0x5F3759DF, v50  }
0x41f: {  	v54 =	vmul.f32 v46, v47;
	v52 =	vmul.f32 v45, v42;
	v51 =	vsub.s32 $0x5F3759DF, v51  }
0x420: {  	v25 =	vsub.f32 v25, v53;
	v55 =	vmul.f32 v33, v44;
	v56 =	vmul.f32 v48, v41  }
0x421: {  	v26 =	vsub.f32 v26, v53;
	v53 =	vmul.f32 v49, v43;
	v57 =	vmul.f32 v50, v38  }
0x422: {  	v27 =	vsub.f32 v27, v39;
	v52 =	vmul.f32 v45, v52;
	v58 =	vmul.f32 v51, v40  }
0x423: {  	v28 =	vsub.f32 v28, v39;
	v54 =	vmul.f32 v46, v54;
	v55 =	vmul.f32 v33, v55  }
0x424: {  	v39 =	vsub.f32 $1.500000000e+00, v52;
	v52 =	vmul.f32 v48, v56;
	v53 =	vmul.f32 v49, v53  }
0x425: {  	v54 =	vsub.f32 $1.500000000e+00, v54;
	v56 =	vmul.f32 v50, v57;
	v57 =	vmul.f32 v51, v58  }
0x426: {  	v39 =	vmul.f32 v45, v39;
	v45 =	vsub.f32 $1.500000000e+00, v55;
	v52 =	vsub.f32 $1.500000000e+00, v52  }
0x427: {  	v46 =	vmul.f32 v46, v54;
	v53 =	vsub.f32 $1.500000000e+00, v53;
	v54 =	vsub.f32 $1.500000000e+00, v56  }
0x428: {  	v45 =	vmul.f32 v33, v45;
	v48 =	vmul.f32 v48, v52;
	v33 =	vsub.f32 $1.500000000e+00, v57  }
0x429: {  	v18 =	vsub.f32 v18, v37;
	v49 =	vmul.f32 v49, v53;
	v50 =	vmul.f32 v50, v54  }
0x42a: {  	v19 =	vsub.f32 v19, v37;
	v52 =	vmul.f32 v39, v42;
	v37 =	vmul.f32 v51, v33  }
0x42b: {  	v20 =	vsub.f32 v20, v36;
	v53 =	vmul.f32 v45, v44;
	v51 =	vmul.f32 v46, v47  }
0x42c: {  	v54 =	vmul.f32 v48, v41;
	v55 =	vmul.f32 v49, v43;
	v33 =	vsub.f32 v21, v36  }
0x42d: {  	v36 =	vmul.f32 v50, v38;
	v21 =	vsub.f32 v23, v34;
	v56 =	vmul.f32 v37, v40  }
0x42e: {  	v52 =	vmul.f32 v52, v39;
	v34 =	vsub.f32 v22, v34;
	v51 =	vmul.f32 v51, v46  }
0x42f: {  	v23 =	vsub.f32 v24, v35;
	v22 =	vmul.f32 v53, v45;
	v53 =	vmul.f32 v54, v48  }
0x430: {  	v24 =	vsub.f32 $1.500000000e+00, v52;
	v52 =	vmul.f32 v55, v49;
	v36 =	vmul.f32 v36, v50  }
0x431: {  	v22 =	vsub.f32 $1.500000000e+00, v22;
	v51 =	vsub.f32 $1.500000000e+00, v51;
	v54 =	vmul.f32 v56, v37  }
0x432: {  	v24 =	vmul.f32 v24, v39;
	v39 =	vsub.f32 $1.500000000e+00, v53;
	v52 =	vsub.f32 $1.500000000e+00, v52  }
0x433: {  	v36 =	vsub.f32 $1.500000000e+00, v36;
	v46 =	vmul.f32 v51, v46;
	v51 =	vsub.f32 $1.500000000e+00, v54  }
0x434: {  	v35 =	vsub.f32 v17, v35;
	v22 =	vmul.f32 v22, v45;
	v39 =	vmul.f32 v39, v48  }
0x435: {  	v17 =	vsub.f32 v10, v29;
	v45 =	vmul.f32 v52, v49;
	v36 =	vmul.f32 v36, v50  }
0x436: {  	v15 =	vadd.f32 v15, v5;
	v10 =	vmul.f32 v24, v42;
	v29 =	vmul.f32 v51, v37  }
0x437: {  	v16 =	vadd.f32 v16, v4;
	v42 =	vmul.f32 v22, v44;
	v37 =	vmul.f32 v46, v47  }
0x438: {  	v13 =	vadd.f32 v13, v5;
	v41 =	vmul.f32 v39, v41;
	v43 =	vmul.f32 v45, v43;
	[tilespmem:s4+$0xFFFFFFF0] =	vst v15  }
0x439: {  	v14 =	vadd.f32 v14, v4;
	v15 =	vmul.f32 v36, v38;
	v38 =	vmul.f32 v29, v40;
	[tilespmem:s4+$0x0] =	vst v16  }
0x43a: {  	v11 =	vadd.f32 v11, v5;
	v10 =	vmul.f32 v10, v24;
	v16 =	vmul.f32 v37, v46;
	[tilespmem:s4+$0x10] =	vst v13  }
0x43b: {  	v12 =	vadd.f32 v12, v4;
	v37 =	vmul.f32 v41, v39;
	v13 =	vmul.f32 v42, v22;
	[tilespmem:s4+$0x20] =	vst v14  }
0x43c: {  	v10 =	vsub.f32 $1.500000000e+00, v10;
	v15 =	vmul.f32 v15, v36;
	v14 =	vmul.f32 v43, v45;
	[tilespmem:s4+$0x30] =	vst v11  }
0x43d: {  	v11 =	vsub.f32 $1.500000000e+00, v16;
	v13 =	vsub.f32 $1.500000000e+00, v13;
	v16 =	vmul.f32 v38, v29;
	[tilespmem:s4+$0x40] =	vst v12  }
0x43e: {  	v10 =	vmul.f32 v10, v24;
	v12 =	vsub.f32 $1.500000000e+00, v37;
	v14 =	vsub.f32 $1.500000000e+00, v14  }
0x43f: {  	v15 =	vsub.f32 $1.500000000e+00, v15;
	v11 =	vmul.f32 v11, v46;
	v16 =	vsub.f32 $1.500000000e+00, v16  }
0x440: {  	v8 =	vadd.f32 v8, v5;
	v13 =	vmul.f32 v13, v22;
	v12 =	vmul.f32 v12, v39  }
0x441: {  	v9 =	vadd.f32 v9, v4;
	v22 =	vmul.f32 v15, v36;
	v14 =	vmul.f32 v14, v45  }
0x442: {  	v24 =	vmul.f32 v10, v6;
	v16 =	vmul.f32 v16, v29;
	[tilespmem:s4+$0x50] =	vst v8  }
0x443: {  	v40 =	vmul.f32 v11, v6;
	v8 =	vmul.f32 v10, v7;
	[tilespmem:s4+$0x60] =	vst v9;
	s4 =	smov.u32 s0  }
0x444: {  	v41 =	vmul.f32 v11, v7;
	v38 =	vmul.f32 v13, v6  }
0x445: {  	v39 =	vmul.f32 v13, v7;
	v37 =	vmul.f32 v12, v6  }
.Ltmp3:
0x446: {  	v15 =	vmul.f32 v12, v7;
	v13 =	vmul.f32 v14, v6;
	(pc) =	sbr.rel @p0 .LBB2_8-.Ltmp3, $4  }
0x447: {  	v11 =	vmul.f32 v22, v6;
	v14 =	vmul.f32 v14, v7  }
0x448: {  	v36 =	vmul.f32 v22, v7;
	v12 =	vmul.f32 v16, v6  }
0x449: {  	v29 =	vmul.f32 v16, v7;
	v9 =	vmul.f32 v31, v6  }
0x44a: {  	v16 =	vmul.f32 v24, v32;
	s0 =	sadd.s32 $0x100, s0;
	v8 =	vmul.f32 v8, v30  }
0x44b: {  	_ = 	snop  }
0x44c: {  	v10 =	vmul.f32 v40, v25;
	v16 =	vadd.f32 v16, v4  }
0x44d: {  	v9 =	vmul.f32 v9, v17;
	v8 =	vadd.f32 v8, v5  }
0x44e: {  	v22 =	vmul.f32 v41, v26;
	v10 =	vadd.f32 v10, v4;
	[tilespmem:s4+$0xFFFFFF80] =	vst v16  }
0x44f: {  	v24 =	vmul.f32 v38, v27;
	v9 =	vadd.f32 v9, v4;
	[tilespmem:s4+$0xFFFFFF90] =	vst v8  }
0x450: {  	v16 =	vmul.f32 v39, v28;
	v8 =	vadd.f32 v22, v5;
	[tilespmem:s4+$0xFFFFFFA0] =	vst v10  }
0x451: {  	v18 =	vmul.f32 v37, v18;
	v10 =	vadd.f32 v24, v4;
	[tilespmem:s4+$0x60] =	vst v9  }
0x452: {  	v15 =	vmul.f32 v15, v19;
	[tilespmem:s4+$0xFFFFFFB0] =	vst v8;
	v8 =	vadd.f32 v16, v5  }
0x453: {  	v13 =	vmul.f32 v13, v20;
	[tilespmem:s4+$0xFFFFFFC0] =	vst v10;
	v10 =	vadd.f32 v18, v4  }
0x454: {  	v14 =	vmul.f32 v14, v33;
	[tilespmem:s4+$0xFFFFFFD0] =	vst v8;
	v8 =	vadd.f32 v15, v5  }
0x455: {  	v11 =	vmul.f32 v11, v21;
	[tilespmem:s4+$0xFFFFFFE0] =	vst v10;
	v10 =	vadd.f32 v13, v4  }
0x456: {  	v13 =	vmul.f32 v36, v34;
	[tilespmem:s4+$0xFFFFFFF0] =	vst v8;
	v8 =	vadd.f32 v14, v5  }
0x457: {  	v12 =	vmul.f32 v12, v23;
	[tilespmem:s4+$0x0] =	vst v10;
	v10 =	vadd.f32 v11, v4  }
0x458: {  	v11 =	vmul.f32 v29, v35;
	[tilespmem:s4+$0x10] =	vst v8;
	v8 =	vadd.f32 v13, v5  }
0x459: {  	[tilespmem:s4+$0x20] =	vst v10;
	v10 =	vadd.f32 v12, v4  }
0x45a: {  	[tilespmem:s4+$0x30] =	vst v8;
	v8 =	vadd.f32 v11, v5  }
0x45b: {  	[tilespmem:s4+$0x40] =	vst v10  }
0x45c: {  	[tilespmem:s4+$0x50] =	vst v8  }
0x45d: {  	s0 =	rddreg [dreg:$0xe]  }
0x45e: {  	[hbm4b:s0+s18] =	stream.strided.scatter [tilespmem:s1], [sflag:$0x3], $0x1000, s19, s18, $0x38;
	[tilespmem:$0x8440] =	vst v63  }
0x45f: {  	_ =	swait.ge [sflag:s28], $0x1000  }
0x460: {  	[sflag:s28] =	ssyncset.done $0x0  }
0x461: {  	s24 =	rddreg [dreg:$0xf];
	[sflag:s28] =	ssyncadd.s32 $0xFFFFF000  }
0x462: {  	[hbm4b:s24+s18] =	stream.strided.scatter [tilespmem:s2], [sflag:$0x3], $0x1000, s19, s18, $0x38;
	[tilespmem:$0x8440] =	vst v63  }
0x463: {  	_ =	swait.ge [sflag:s28], $0x1000  }
0x464: {  	[sflag:s28] =	ssyncset.done $0x0  }
0x465: {  	s25 =	rddreg [dreg:$0x10];
	[sflag:s28] =	ssyncadd.s32 $0xFFFFF000  }
0x466: {  	[hbm4b:s25+s18] =	stream.strided.scatter [tilespmem:s26], [sflag:$0x3], $0x1000, s19, s18, $0x38;
	[tilespmem:$0x8440] =	vst v63  }
0x467: {  	_ =	swait.ge [sflag:s28], $0x1000  }
0x468: {  	[sflag:s28] =	ssyncset.done $0x0  }
0x469: {  	s31 =	rddreg [dreg:$0x11];
	[sflag:s28] =	ssyncadd.s32 $0xFFFFF000  }
0x46a: {  	[hbm4b:s31+s18] =	stream.strided.scatter [tilespmem:s29], [sflag:$0x3], $0x1000, s19, s18, $0x38;
	[tilespmem:$0x8440] =	vst v63  }
0x46b: {  	_ =	swait.ge [sflag:s28], $0x1000  }
0x46c: {  	[sflag:s28] =	ssyncset.done $0x0  }
0x46d: {  	[sflag:s28] =	ssyncadd.s32 $0xFFFFF000  }
0x46e: {  	_ =	swait.ge [sflag:s20], $0x1000  }
0x46f: {  	[sflag:s20] =	ssyncset.done $0x0  }
0x470: {  	[sflag:s20] =	ssyncadd.s32 $0xFFFFF000  }
0x471: {  	_ =	swait.ge [sflag:s20], $0x1000  }
0x472: {  	[sflag:s20] =	ssyncset.done $0x0  }
0x473: {  	[sflag:s20] =	ssyncadd.s32 $0xFFFFF000  }
0x474: {  	_ =	swait.ge [sflag:s20], $0x1000  }
0x475: {  	[sflag:s20] =	ssyncset.done $0x0  }
0x476: {  	[sflag:s20] =	ssyncadd.s32 $0xFFFFF000  }
0x477: {  	_ =	swait.ge [sflag:s20], $0x1000  }
0x478: {  	[sflag:s20] =	ssyncset.done $0x0  }
0x479: {  	s4 =	simm.s32 $0x4480;
	[sflag:s20] =	ssyncadd.s32 $0xFFFFF000  }
0x47a: {  	v8 =	vld [tilespmem:s4+$0x60]  }
0x47b: {  	v25 =	vld [tilespmem:s4+$0x70]  }
0x47c: {  	v21 =	vld [tilespmem:s4+$0xFFFFFF90]  }
0x47d: {  	v20 =	vld [tilespmem:s4+$0xFFFFFFA0]  }
0x47e: {  	v19 =	vld [tilespmem:s4+$0xFFFFFFB0]  }
0x47f: {  	v18 =	vld [tilespmem:s4+$0xFFFFFFC0]  }
0x480: {  	v10 =	vld [tilespmem:s4+$0xFFFFFFD0]  }
0x481: {  	v11 =	vld [tilespmem:s4+$0xFFFFFFE0]  }
0x482: {  	v9 =	vld [tilespmem:s4+$0xFFFFFFF0]  }
0x483: {  	v12 =	vmul.f32 v8, v8;
	v13 =	vmul.f32 v25, v25  }
0x484: {  	v14 =	vadd.f32 v25, v8;
	v22 =	vmul.f32 v21, v21;
	v17 =	vmul.f32 v20, v20  }
0x485: {  	v24 =	vadd.f32 v19, v20;
	v23 =	vmul.f32 v19, v19;
	v28 =	vmul.f32 v18, v18  }
0x486: {  	v30 =	vadd.f32 v10, v18;
	v31 =	vmul.f32 v10, v10;
	v16 =	vadd.f32 v13, v12;
	v13 =	vld [tilespmem:s4+$0x0]  }
0x487: {  	v52 =	vmul.f32 v11, v11;
	v35 =	vadd.f32 v9, v11;
	v53 =	vmul.f32 v9, v9;
	v12 =	vld [tilespmem:s4+$0x10]  }
0x488: {  	v15 =	vperm.xlane v14, v0;
	v29 =	vperm.xlane v24, v0;
	v34 =	vadd.f32 v23, v17;
	v17 =	vld [tilespmem:s4+$0x40]  }
0x489: {  	v56 =	vperm.xlane v30, v0;
	v23 =	vld [tilespmem:s4+$0xFFFFFF80];
	v28 =	vadd.f32 v31, v28;
	v44 =	vperm.xlane v35, v0  }
0x48a: {  	v33 =	vadd.f32 v53, v52;
	v26 =	vadd.f32 v15, v14;
	v27 =	vperm.xlane v16, v0;
	v15 =	vld [tilespmem:s4+$0x20]  }
0x48b: {  	v14 =	vld [tilespmem:s4+$0x30];
	v24 =	vadd.f32 v29, v24;
	v30 =	vadd.f32 v56, v30;
	v56 =	vperm.xlane v28, v0  }
0x48c: {  	v35 =	vadd.f32 v44, v35;
	v32 =	vperm.xlane v26, v1;
	v27 =	vadd.f32 v27, v16  }
0x48d: {  	v28 =	vadd.f32 v56, v28;
	v55 =	vmul.f32 v13, v13;
	v39 =	vadd.f32 v12, v13  }
0x48e: {  	v16 =	vld [tilespmem:s4+$0x50];
	v57 =	vmul.f32 v12, v12;
	v43 =	vmul.f32 v17, v17;
	v61 =	vadd.f32 v21, v23  }
0x48f: {  	v48 =	vmul.f32 v23, v23;
	v26 =	vadd.f32 v32, v26;
	v54 =	vperm.xlane v27, v1  }
0x490: {  	v59 =	vmul.f32 v15, v15;
	v31 =	vadd.f32 v14, v15;
	v42 =	vmul.f32 v14, v14  }
0x491: {  	v62 =	vperm.xlane v39, v0;
	v49 =	vperm.xlane v61, v0;
	v48 =	vadd.f32 v22, v48  }
0x492: {  	v37 =	vadd.f32 v57, v55;
	v55 =	vperm.xlane v34, v0;
	v57 =	vperm.xlane v33, v0  }
0x493: {  	v58 =	vperm.xlane v26, v2;
	v27 =	vadd.f32 v54, v27;
	v45 =	vadd.f32 v16, v17  }
0x494: {  	v46 =	vmul.f32 v16, v16;
	v52 =	vperm.xlane v31, v0;
	v32 =	vadd.f32 v49, v61  }
0x495: {  	v29 =	vperm.xlane v48, v0;
	v36 =	vadd.f32 v62, v39;
	v62 =	vperm.xlane v24, v1  }
0x496: {  	v34 =	vadd.f32 v55, v34;
	v33 =	vadd.f32 v57, v33;
	v60 =	vperm.xlane v27, v2  }
0x497: {  	v26 =	vadd.f32 v58, v26;
	v58 =	vperm.xlane v37, v0;
	v53 =	vperm.xlane v45, v0  }
0x498: {  	v31 =	vadd.f32 v52, v31;
	v61 =	vperm.xlane v32, v1;
	v29 =	vadd.f32 v29, v48  }
0x499: {  	v52 =	vperm.xlane v30, v1;
	v56 =	vperm.xlane v36, v1;
	v24 =	vadd.f32 v62, v24  }
0x49a: {  	v62 =	vperm.xlane v33, v1;
	v47 =	vperm.xlane v26, v3;
	v27 =	vadd.f32 v60, v27  }
0x49b: {  	v37 =	vadd.f32 v58, v37;
	v41 =	vadd.f32 v53, v45;
	v57 =	vperm.xlane v31, v1  }
0x49c: {  	v32 =	vadd.f32 v61, v32;
	v30 =	vadd.f32 v52, v30;
	v61 =	vperm.xlane v28, v1  }
0x49d: {  	v36 =	vadd.f32 v56, v36;
	v56 =	vperm.xlane v24, v2;
	v33 =	vadd.f32 v62, v33  }
0x49e: {  	v26 =	vadd.f32 v47, v26;
	v63 =	vperm.xlane v27, v3;
	v58 =	vperm.xlane v41, v1  }
0x49f: {  	v31 =	vadd.f32 v57, v31;
	v57 =	vperm.xlane v30, v2;
	v28 =	vadd.f32 v61, v28  }
0x4a0: {  	v27 =	vadd.f32 v63, v27;
	v22 =	vmul.f32 $3.125000000e-02, v26;
	v26 =	vadd.f32 v42, v59  }
0x4a1: {  	v42 =	vadd.f32 v46, v43;
	v40 =	vadd.f32 v58, v41;
	v61 =	vperm.xlane v31, v2  }
0x4a2: {  	v30 =	vadd.f32 v57, v30;
	v27 =	vmul.f32 $3.125000000e-02, v27;
	v54 =	vmul.f32 v22, v22  }
0x4a3: {  	v59 =	vperm.xlane v26, v0;
	v60 =	vperm.xlane v42, v0;
	v25 =	vsub.f32 v25, v22  }
0x4a4: {  	v62 =	vperm.xlane v40, v2;
	v27 =	vsub.f32 v27, v54;
	v54 =	vperm.xlane v35, v1  }
0x4a5: {  	v31 =	vadd.f32 v61, v31;
	v26 =	vadd.f32 v59, v26;
	v59 =	vperm.xlane v29, v1  }
0x4a6: {  	v42 =	vadd.f32 v60, v42;
	v27 =	vmax.f32 v27, $0.0e+00;
	v35 =	vadd.f32 v54, v35  }
0x4a7: {  	v52 =	vperm.xlane v26, v1;
	v29 =	vadd.f32 v59, v29;
	v59 =	vperm.xlane v36, v2  }
0x4a8: {  	v60 =	vperm.xlane v34, v1;
	v27 =	vadd.f32 $9.999999740e-06, v27;
	v58 =	vperm.xlane v35, v2  }
0x4a9: {  	v26 =	vadd.f32 v52, v26;
	v52 =	vperm.xlane v28, v2;
	v36 =	vadd.f32 v59, v36  }
0x4aa: {  	v59 =	vperm.xlane v30, v3;
	v63 =	vshrl.u32 v27, $0x1;
	v27 =	vmul.f32 $5.000000000e-01, v27  }
0x4ab: {  	v53 =	vsub.s32 $0x5F3759DF, v63;
	v63 =	vperm.xlane v37, v1;
	v35 =	vadd.f32 v58, v35  }
0x4ac: {  	v44 =	vadd.f32 v52, v28;
	v30 =	vadd.f32 v59, v30;
	v55 =	vmul.f32 v53, v27  }
0x4ad: {  	v37 =	vadd.f32 v63, v37;
	v63 =	vperm.xlane v29, v2;
	v28 =	vperm.xlane v35, v3  }
0x4ae: {  	v39 =	vadd.f32 v62, v40;
	v43 =	vmul.f32 v53, v55;
	v55 =	vperm.xlane v32, v2  }
0x4af: {  	v29 =	vadd.f32 v63, v29;
	v35 =	vadd.f32 v28, v35;
	v28 =	vmul.f32 $3.125000000e-02, v30  }
0x4b0: {  	v43 =	vsub.f32 $1.500000000e+00, v43;
	v32 =	vadd.f32 v55, v32;
	v55 =	vperm.xlane v26, v2  }
0x4b1: {  	v34 =	vadd.f32 v60, v34;
	v63 =	vperm.xlane v29, v3;
	v45 =	vmul.f32 v28, v28  }
0x4b2: {  	v38 =	vmul.f32 v53, v43;
	v53 =	vperm.xlane v42, v1;
	v43 =	vadd.f32 v56, v24  }
0x4b3: {  	v24 =	vperm.xlane v34, v2;
	v57 =	vperm.xlane v32, v3;
	v62 =	vadd.f32 v55, v26  }
0x4b4: {  	v26 =	vperm.xlane v39, v3;
	v54 =	vmul.f32 v38, v27;
	v41 =	vadd.f32 v53, v42  }
0x4b5: {  	v53 =	vperm.xlane v33, v2;
	v58 =	vperm.xlane v43, v3;
	v34 =	vadd.f32 v24, v34  }
0x4b6: {  	v32 =	vadd.f32 v57, v32;
	v48 =	vmul.f32 v54, v38;
	v54 =	vperm.xlane v37, v2  }
0x4b7: {  	v56 =	vperm.xlane v41, v2;
	v33 =	vadd.f32 v53, v33;
	v42 =	vadd.f32 v58, v43  }
0x4b8: {  	v52 =	vperm.xlane v34, v3;
	v53 =	vperm.xlane v44, v3;
	v60 =	vsub.f32 $1.500000000e+00, v48  }
0x4b9: {  	v37 =	vadd.f32 v54, v37;
	v40 =	vadd.f32 v56, v41;
	v54 =	vperm.xlane v33, v3  }
0x4ba: {  	v39 =	vadd.f32 v26, v39;
	v56 =	vperm.xlane v62, v3;
	v38 =	vmul.f32 v60, v38  }
0x4bb: {  	v41 =	vadd.f32 v63, v29;
	v26 =	vmul.f32 $3.125000000e-02, v42;
	v50 =	vperm.xlane v40, v3  }
0x4bc: {  	v57 =	vadd.f32 v53, v44;
	v29 =	vmul.f32 $3.125000000e-02, v39;
	v27 =	vmul.f32 v38, v27  }
0x4bd: {  	v60 =	vperm.xlane v31, v3;
	v55 =	vperm.xlane v37, v3;
	v40 =	vadd.f32 v50, v40  }
0x4be: {  	v34 =	vadd.f32 v52, v34;
	v63 =	vmul.f32 $3.125000000e-02, v57;
	v27 =	vmul.f32 v27, v38  }
0x4bf: {  	v33 =	vadd.f32 v54, v33;
	v51 =	vmul.f32 v29, v29;
	v50 =	vmul.f32 $3.125000000e-02, v40  }
0x4c0: {  	v59 =	vmul.f32 $3.125000000e-02, v41;
	v34 =	vmul.f32 $3.125000000e-02, v34;
	v27 =	vsub.f32 $1.500000000e+00, v27  }
0x4c1: {  	v33 =	vmul.f32 $3.125000000e-02, v33;
	v41 =	vsub.f32 v63, v45;
	v39 =	vsub.f32 v50, v51  }
0x4c2: {  	v58 =	vadd.f32 v55, v37;
	v24 =	vmul.f32 v27, v38;
	v27 =	vperm.xlane v36, v3  }
0x4c3: {  	v52 =	vmax.f32 v41, $0.0e+00;
	v38 =	vadd.f32 v60, v31;
	v39 =	vmax.f32 v39, $0.0e+00  }
0x4c4: {  	v61 =	vmul.f32 v24, v7;
	v36 =	vadd.f32 v27, v36;
	v27 =	vmul.f32 $3.125000000e-02, v32  }
0x4c5: {  	v39 =	vadd.f32 $9.999999740e-06, v39;
	v32 =	vmul.f32 $3.125000000e-02, v35;
	v30 =	vmul.f32 $3.125000000e-02, v38  }
0x4c6: {  	v35 =	vmul.f32 $3.125000000e-02, v58;
	v38 =	vadd.f32 $9.999999740e-06, v52;
	v25 =	vmul.f32 v61, v25  }
0x4c7: {  	v31 =	vmul.f32 $3.125000000e-02, v36;
	v60 =	vmul.f32 v27, v27;
	v61 =	vadd.f32 v56, v62  }
0x4c8: {  	v62 =	vmul.f32 v26, v26;
	v46 =	vmul.f32 v32, v32;
	v55 =	vshrl.u32 v38, $0x1  }
0x4c9: {  	v49 =	vmul.f32 v30, v30;
	v38 =	vmul.f32 $5.000000000e-01, v38;
	v42 =	vsub.s32 $0x5F3759DF, v55  }
0x4ca: {  	v36 =	vsub.f32 v59, v60;
	v34 =	vsub.f32 v34, v62;
	v47 =	vmul.f32 v31, v31  }
0x4cb: {  	v33 =	vsub.f32 v33, v46;
	v48 =	vmul.f32 $3.125000000e-02, v61;
	v61 =	vmul.f32 v42, v38  }
0x4cc: {  	v35 =	vsub.f32 v35, v47;
	v36 =	vmax.f32 v36, $0.0e+00;
	v34 =	vmax.f32 v34, $0.0e+00  }
0x4cd: {  	v37 =	vsub.f32 v48, v49;
	v33 =	vmax.f32 v33, $0.0e+00;
	v47 =	vmul.f32 $5.000000000e-01, v39  }
0x4ce: {  	v39 =	vshrl.u32 v39, $0x1;
	v49 =	vmul.f32 v42, v61;
	v36 =	vadd.f32 $9.999999740e-06, v36  }
0x4cf: {  	v34 =	vadd.f32 $9.999999740e-06, v34;
	v33 =	vadd.f32 $9.999999740e-06, v33;
	v39 =	vsub.s32 $0x5F3759DF, v39  }
0x4d0: {  	v35 =	vmax.f32 v35, $0.0e+00;
	v37 =	vmax.f32 v37, $0.0e+00;
	v63 =	vmul.f32 v39, v47  }
0x4d1: {  	v49 =	vsub.f32 $1.500000000e+00, v49;
	v53 =	vshrl.u32 v36, $0x1;
	v35 =	vadd.f32 $9.999999740e-06, v35  }
0x4d2: {  	v36 =	vmul.f32 $5.000000000e-01, v36;
	v37 =	vadd.f32 $9.999999740e-06, v37;
	v54 =	vshrl.u32 v34, $0x1  }
0x4d3: {  	v34 =	vmul.f32 $5.000000000e-01, v34;
	v56 =	vshrl.u32 v33, $0x1;
	v33 =	vmul.f32 $5.000000000e-01, v33  }
0x4d4: {  	v40 =	vsub.s32 $0x5F3759DF, v53;
	v41 =	vsub.s32 $0x5F3759DF, v54;
	v43 =	vsub.s32 $0x5F3759DF, v56  }
0x4d5: {  	v42 =	vmul.f32 v42, v49;
	v57 =	vshrl.u32 v35, $0x1;
	v35 =	vmul.f32 $5.000000000e-01, v35  }
0x4d6: {  	v58 =	vshrl.u32 v37, $0x1;
	v59 =	vmul.f32 v40, v36;
	v37 =	vmul.f32 $5.000000000e-01, v37  }
0x4d7: {  	v60 =	vmul.f32 v41, v34;
	v62 =	vmul.f32 v43, v33  }
0x4d8: {  	v44 =	vsub.s32 $0x5F3759DF, v57;
	v45 =	vsub.s32 $0x5F3759DF, v58;
	v46 =	vmul.f32 v40, v59  }
0x4d9: {  	v51 =	vmul.f32 v44, v35;
	v52 =	vmul.f32 v45, v37  }
0x4da: {  	v48 =	vmul.f32 v41, v60;
	v60 =	vmul.f32 v42, v38  }
0x4db: {  	v50 =	vmul.f32 v43, v62;
	v46 =	vsub.f32 $1.500000000e+00, v46;
	v51 =	vmul.f32 v44, v51  }
0x4dc: {  	v48 =	vsub.f32 $1.500000000e+00, v48;
	v52 =	vmul.f32 v45, v52;
	v49 =	vmul.f32 v60, v42  }
0x4dd: {  	v50 =	vsub.f32 $1.500000000e+00, v50;
	v40 =	vmul.f32 v40, v46;
	v46 =	vmul.f32 v39, v63  }
0x4de: {  	v41 =	vmul.f32 v41, v48;
	v55 =	vsub.f32 $1.500000000e+00, v51;
	v56 =	vsub.f32 $1.500000000e+00, v52  }
0x4df: {  	v43 =	vmul.f32 v43, v50;
	v57 =	vmul.f32 v40, v36  }
0x4e0: {  	v49 =	vsub.f32 $1.500000000e+00, v49;
	v44 =	vmul.f32 v44, v55;
	v45 =	vmul.f32 v45, v56  }
0x4e1: {  	v46 =	vsub.f32 $1.500000000e+00, v46;
	v59 =	vmul.f32 v41, v34;
	v50 =	vmul.f32 v43, v33  }
0x4e2: {  	v42 =	vmul.f32 v49, v42;
	v58 =	vmul.f32 v57, v40  }
0x4e3: {  	v39 =	vmul.f32 v39, v46;
	v61 =	vmul.f32 v44, v35  }
0x4e4: {  	v62 =	vmul.f32 v45, v37;
	v46 =	vmul.f32 v59, v41  }
0x4e5: {  	v55 =	vsub.f32 v21, v27;
	v50 =	vmul.f32 v50, v43;
	v21 =	vmul.f32 v42, v38  }
0x4e6: {  	v48 =	vsub.f32 $1.500000000e+00, v58;
	v63 =	vmul.f32 v39, v47;
	v51 =	vmul.f32 v61, v44  }
0x4e7: {  	v52 =	vmul.f32 v62, v45;
	v46 =	vsub.f32 $1.500000000e+00, v46;
	v50 =	vsub.f32 $1.500000000e+00, v50  }
0x4e8: {  	v21 =	vmul.f32 v21, v42;
	v40 =	vmul.f32 v48, v40;
	v51 =	vsub.f32 $1.500000000e+00, v51  }
0x4e9: {  	v48 =	vmul.f32 v63, v39;
	v41 =	vmul.f32 v46, v41;
	v52 =	vsub.f32 $1.500000000e+00, v52  }
0x4ea: {  	v43 =	vmul.f32 v50, v43;
	v21 =	vsub.f32 $1.500000000e+00, v21;
	v44 =	vmul.f32 v51, v44  }
0x4eb: {  	v48 =	vsub.f32 $1.500000000e+00, v48;
	v45 =	vmul.f32 v52, v45;
	v36 =	vmul.f32 v40, v36  }
0x4ec: {  	v53 =	vadd.f32 v25, v5;
	v34 =	vmul.f32 v41, v34;
	v33 =	vmul.f32 v43, v33  }
0x4ed: {  	v54 =	vsub.f32 v23, v27;
	v21 =	vmul.f32 v21, v42;
	v23 =	vmul.f32 v48, v39  }
0x4ee: {  	v25 =	vsub.f32 v20, v26;
	v20 =	vmul.f32 v44, v35;
	v56 =	vmul.f32 v45, v37  }
0x4ef: {  	v27 =	vsub.f32 v18, v28;
	v36 =	vmul.f32 v36, v40;
	v18 =	vmul.f32 v34, v41  }
0x4f0: {  	v26 =	vsub.f32 v19, v26;
	v33 =	vmul.f32 v33, v43;
	v38 =	vmul.f32 v21, v6  }
0x4f1: {  	v28 =	vsub.f32 v10, v28;
	v39 =	vmul.f32 v21, v7;
	v19 =	vmul.f32 v23, v47  }
0x4f2: {  	v20 =	vmul.f32 v20, v44;
	v35 =	vmul.f32 v56, v45;
	v18 =	vsub.f32 $1.500000000e+00, v18  }
0x4f3: {  	v57 =	vsub.f32 $1.500000000e+00, v36;
	v33 =	vsub.f32 $1.500000000e+00, v33;
	v19 =	vmul.f32 v19, v23  }
0x4f4: {  	v20 =	vsub.f32 $1.500000000e+00, v20;
	v58 =	vmul.f32 v18, v41;
	v18 =	vsub.f32 $1.500000000e+00, v35  }
0x4f5: {  	v21 =	vsub.f32 v15, v30;
	v34 =	vmul.f32 v57, v40;
	v59 =	vmul.f32 v33, v43  }
0x4f6: {  	v35 =	vsub.f32 v16, v29;
	v10 =	vmul.f32 v20, v44;
	v60 =	vmul.f32 v18, v45  }
0x4f7: {  	v19 =	vsub.f32 $1.500000000e+00, v19;
	v61 =	vmul.f32 v34, v6;
	v63 =	vmul.f32 v34, v7  }
0x4f8: {  	v18 =	vsub.f32 v11, v32;
	v40 =	vmul.f32 v58, v6;
	v41 =	vmul.f32 v58, v7  }
0x4f9: {  	v20 =	vsub.f32 v13, v31;
	v37 =	vmul.f32 v59, v6;
	v15 =	vmul.f32 v59, v7  }
0x4fa: {  	v34 =	vsub.f32 v14, v30;
	v62 =	vmul.f32 v19, v23;
	v13 =	vmul.f32 v10, v6  }
0x4fb: {  	v19 =	vsub.f32 v9, v32;
	v14 =	vmul.f32 v10, v7;
	v11 =	vmul.f32 v60, v6  }
0x4fc: {  	v23 =	vsub.f32 v17, v29;
	v36 =	vmul.f32 v60, v7;
	v9 =	vmul.f32 v24, v6  }
0x4fd: {  	v17 =	vsub.f32 v8, v22;
	v16 =	vmul.f32 v61, v54;
	v8 =	vmul.f32 v63, v55  }
0x4fe: {  	s5 =	simm.s32 $0x0;
	s0 =	simm.s32 $0x4580;
	[tilespmem:s4+$0x70] =	vst v53;
	v33 =	vsub.f32 v12, v31;
	v12 =	vmul.f32 v62, v6;
	v29 =	vmul.f32 v62, v7  }
.LBB2_10:
0x4ff: {  	v10 =	vld [tilespmem:s0+$0x60];
	v22 =	vmul.f32 v40, v25;
	v24 =	vmul.f32 v41, v26  }
0x500: {  	s5 =	sadd.s32 $0x8, s5;
	v31 =	vmul.f32 v38, v27;
	v38 =	vmul.f32 v39, v28;
	v32 =	vld [tilespmem:s0+$0x70];
	v16 =	vadd.f32 v16, v4  }
0x501: {  	v37 =	vmul.f32 v37, v18;
	v15 =	vmul.f32 v15, v19;
	p0 =	slt.u32 s5, $0x1F8;
	v8 =	vadd.f32 v8, v5;
	v30 =	vld [tilespmem:s0+$0xFFFFFF90]  }
0x502: {  	v18 =	vadd.f32 v22, v4;
	v25 =	vld [tilespmem:s0+$0xFFFFFFA0];
	[tilespmem:s4+$0xFFFFFF80] =	vst v16;
	v16 =	vmul.f32 v13, v20;
	v13 =	vmul.f32 v14, v33  }
0x503: {  	v19 =	vadd.f32 v24, v5;
	v14 =	vmul.f32 v11, v21;
	v11 =	vmul.f32 v36, v34;
	v26 =	vld [tilespmem:s0+$0xFFFFFFB0];
	[tilespmem:s4+$0xFFFFFF90] =	vst v8  }
0x504: {  	v12 =	vmul.f32 v12, v23;
	v20 =	vadd.f32 v31, v4;
	v8 =	vmul.f32 v29, v35;
	v27 =	vld [tilespmem:s0+$0xFFFFFFC0];
	[tilespmem:s4+$0xFFFFFFA0] =	vst v18  }
0x505: {  	v21 =	vmul.f32 v10, v10;
	v28 =	vld [tilespmem:s0+$0xFFFFFFD0];
	v22 =	vadd.f32 v32, v10;
	v23 =	vmul.f32 v32, v32;
	[tilespmem:s4+$0xFFFFFFB0] =	vst v19  }
0x506: {  	v9 =	vmul.f32 v9, v17;
	v24 =	vadd.f32 v38, v5;
	v29 =	vmul.f32 v30, v30;
	v18 =	vld [tilespmem:s0+$0xFFFFFFE0];
	[tilespmem:s4+$0xFFFFFFC0] =	vst v20  }
0x507: {  	v17 =	vmul.f32 v25, v25;
	v19 =	vld [tilespmem:s0+$0xFFFFFFF0];
	v31 =	vperm.xlane v22, v0;
	v33 =	vadd.f32 v23, v21  }
0x508: {  	v34 =	vadd.f32 v26, v25;
	v35 =	vmul.f32 v26, v26;
	v20 =	vld [tilespmem:s0+$0x0];
	[tilespmem:s4+$0xFFFFFFD0] =	vst v24;
	v24 =	vadd.f32 v37, v4  }
0x509: {  	v36 =	vmul.f32 v27, v27;
	v21 =	vld [tilespmem:s0+$0x10];
	v31 =	vadd.f32 v31, v22;
	v37 =	vperm.xlane v33, v0  }
0x50a: {  	v38 =	vperm.xlane v34, v0;
	v39 =	vadd.f32 v28, v27;
	v40 =	vmul.f32 v28, v28;
	v23 =	vld [tilespmem:s0+$0x20];
	[tilespmem:s4+$0xFFFFFFE0] =	vst v24  }
0x50b: {  	v41 =	vmul.f32 v18, v18;
	v22 =	vld [tilespmem:s0+$0x30];
	v42 =	vperm.xlane v31, v1;
	v37 =	vadd.f32 v37, v33  }
0x50c: {  	v35 =	vadd.f32 v35, v17;
	v43 =	vadd.f32 v19, v18;
	v44 =	vmul.f32 v19, v19;
	v24 =	vld [tilespmem:s0+$0x40]  }
0x50d: {  	v45 =	vmul.f32 v20, v20;
	v17 =	vld [tilespmem:s0+$0x50];
	v31 =	vadd.f32 v42, v31;
	v42 =	vperm.xlane v37, v1  }
0x50e: {  	v46 =	vperm.xlane v39, v0;
	v33 =	vld [tilespmem:s0+$0xFFFFFF80];
	v47 =	vadd.f32 v21, v20;
	v48 =	vmul.f32 v21, v21  }
0x50f: {  	v49 =	vmul.f32 v23, v23;
	v50 =	vperm.xlane v31, v2;
	v37 =	vadd.f32 v42, v37  }
0x510: {  	v36 =	vadd.f32 v40, v36;
	v40 =	vadd.f32 v22, v23;
	v42 =	vmul.f32 v22, v22  }
0x511: {  	v51 =	vmul.f32 v24, v24;
	v31 =	vadd.f32 v50, v31;
	v50 =	vperm.xlane v37, v2  }
0x512: {  	v52 =	vperm.xlane v43, v0;
	v53 =	vadd.f32 v17, v24;
	v54 =	vmul.f32 v17, v17  }
0x513: {  	v55 =	vadd.f32 v30, v33;
	v56 =	vperm.xlane v31, v3;
	v37 =	vadd.f32 v50, v37  }
0x514: {  	v41 =	vadd.f32 v44, v41;
	v44 =	vperm.xlane v47, v0;
	v50 =	vmul.f32 v33, v33  }
0x515: {  	v57 =	vperm.xlane v55, v0;
	v31 =	vadd.f32 v56, v31;
	v56 =	vperm.xlane v37, v3  }
0x516: {  	v45 =	vadd.f32 v48, v45;
	v48 =	vperm.xlane v40, v0;
	v50 =	vadd.f32 v29, v50  }
0x517: {  	v42 =	vadd.f32 v42, v49;
	v37 =	vadd.f32 v56, v37;
	v29 =	vmul.f32 $3.125000000e-02, v31  }
0x518: {  	v49 =	vperm.xlane v53, v0;
	v51 =	vadd.f32 v54, v51;
	v31 =	vadd.f32 v57, v55  }
0x519: {  	v34 =	vadd.f32 v38, v34;
	v37 =	vmul.f32 $3.125000000e-02, v37;
	v38 =	vmul.f32 v29, v29  }
0x51a: {  	v39 =	vadd.f32 v46, v39;
	v54 =	vperm.xlane v50, v0;
	v55 =	vperm.xlane v35, v0  }
0x51b: {  	v46 =	vperm.xlane v36, v0;
	v43 =	vadd.f32 v52, v43;
	v37 =	vsub.f32 v37, v38  }
0x51c: {  	v44 =	vadd.f32 v44, v47;
	v47 =	vperm.xlane v45, v0;
	v38 =	vperm.xlane v41, v0  }
0x51d: {  	v40 =	vadd.f32 v48, v40;
	v48 =	vperm.xlane v42, v0;
	v37 =	vmax.f32 v37, $0.0e+00  }
0x51e: {  	v49 =	vadd.f32 v49, v53;
	v52 =	vperm.xlane v51, v0;
	v37 =	vadd.f32 $9.999999740e-06, v37  }
0x51f: {  	v53 =	vperm.xlane v31, v1;
	v50 =	vadd.f32 v54, v50;
	v54 =	vperm.xlane v34, v1  }
0x520: {  	v35 =	vadd.f32 v55, v35;
	v55 =	vshrl.u32 v37, $0x1;
	v37 =	vmul.f32 $5.000000000e-01, v37  }
0x521: {  	v36 =	vadd.f32 v46, v36;
	v56 =	vperm.xlane v39, v1;
	v46 =	vsub.s32 $0x5F3759DF, v55  }
0x522: {  	v38 =	vadd.f32 v38, v41;
	v55 =	vperm.xlane v43, v1;
	v41 =	vmul.f32 v46, v37  }
0x523: {  	v45 =	vadd.f32 v47, v45;
	v47 =	vperm.xlane v40, v1;
	v57 =	vperm.xlane v44, v1  }
0x524: {  	v42 =	vadd.f32 v48, v42;
	v48 =	vperm.xlane v49, v1;
	v41 =	vmul.f32 v46, v41  }
0x525: {  	v51 =	vadd.f32 v52, v51;
	v31 =	vadd.f32 v53, v31;
	v53 =	vperm.xlane v50, v1  }
0x526: {  	v34 =	vadd.f32 v54, v34;
	v52 =	vperm.xlane v35, v1;
	v41 =	vsub.f32 $1.500000000e+00, v41  }
0x527: {  	v39 =	vadd.f32 v56, v39;
	v54 =	vperm.xlane v36, v1;
	v43 =	vadd.f32 v55, v43  }
0x528: {  	v44 =	vadd.f32 v57, v44;
	v55 =	vperm.xlane v38, v1;
	v41 =	vmul.f32 v46, v41  }
0x529: {  	v40 =	vadd.f32 v47, v40;
	v47 =	vperm.xlane v42, v1;
	v46 =	vperm.xlane v45, v1  }
0x52a: {  	v48 =	vadd.f32 v48, v49;
	v49 =	vperm.xlane v51, v1;
	v56 =	vmul.f32 v41, v37  }
0x52b: {  	v57 =	vperm.xlane v31, v2;
	v50 =	vadd.f32 v53, v50;
	v53 =	vperm.xlane v34, v2  }
0x52c: {  	v35 =	vadd.f32 v52, v35;
	v52 =	vperm.xlane v39, v2;
	v56 =	vmul.f32 v56, v41  }
0x52d: {  	v36 =	vadd.f32 v54, v36;
	v54 =	vperm.xlane v43, v2;
	v38 =	vadd.f32 v55, v38  }
0x52e: {  	v55 =	vperm.xlane v44, v2;
	v45 =	vadd.f32 v46, v45;
	v46 =	vsub.f32 $1.500000000e+00, v56  }
0x52f: {  	v42 =	vadd.f32 v47, v42;
	v47 =	vperm.xlane v48, v2;
	v56 =	vperm.xlane v40, v2  }
0x530: {  	v49 =	vadd.f32 v49, v51;
	v57 =	vadd.f32 v57, v31;
	v31 =	vmul.f32 v46, v41  }
0x531: {  	v34 =	vadd.f32 v53, v34;
	v41 =	vperm.xlane v50, v2;
	v46 =	vperm.xlane v35, v2  }
0x532: {  	v39 =	vadd.f32 v52, v39;
	v51 =	vperm.xlane v36, v2;
	v37 =	vmul.f32 v31, v37  }
0x533: {  	v43 =	vadd.f32 v54, v43;
	v52 =	vperm.xlane v38, v2;
	v44 =	vadd.f32 v55, v44  }
0x534: {  	v53 =	vperm.xlane v45, v2;
	v40 =	vadd.f32 v56, v40;
	v37 =	vmul.f32 v37, v31  }
0x535: {  	v47 =	vadd.f32 v47, v48;
	v48 =	vperm.xlane v49, v2;
	v54 =	vperm.xlane v42, v2  }
0x536: {  	v55 =	vperm.xlane v57, v3;
	v41 =	vadd.f32 v41, v50;
	v37 =	vsub.f32 $1.500000000e+00, v37  }
0x537: {  	v50 =	vperm.xlane v34, v3;
	v35 =	vadd.f32 v46, v35;
	v46 =	vperm.xlane v39, v3  }
0x538: {  	v36 =	vadd.f32 v51, v36;
	v51 =	vperm.xlane v43, v3;
	v31 =	vmul.f32 v37, v31  }
0x539: {  	v45 =	vadd.f32 v53, v45;
	v37 =	vadd.f32 v52, v38;
	v38 =	vperm.xlane v44, v3  }
0x53a: {  	v32 =	vsub.f32 v32, v29;
	v52 =	vperm.xlane v40, v3;
	v53 =	vmul.f32 v31, v7  }
0x53b: {  	v48 =	vadd.f32 v48, v49;
	v42 =	vadd.f32 v54, v42;
	v54 =	vperm.xlane v47, v3  }
0x53c: {  	v49 =	vadd.f32 v55, v57;
	v55 =	vperm.xlane v41, v3;
	v32 =	vmul.f32 v53, v32  }
0x53d: {  	v34 =	vadd.f32 v50, v34;
	v50 =	vperm.xlane v35, v3;
	v39 =	vadd.f32 v46, v39  }
0x53e: {  	v43 =	vadd.f32 v51, v43;
	v46 =	vperm.xlane v36, v3;
	v32 =	vadd.f32 v32, v5  }
0x53f: {  	v51 =	vperm.xlane v37, v3;
	v38 =	vadd.f32 v38, v44;
	v44 =	vperm.xlane v45, v3  }
0x540: {  	v47 =	vadd.f32 v54, v47;
	v40 =	vadd.f32 v52, v40;
	v52 =	vperm.xlane v42, v3;
	[tilespmem:s0+$0x70] =	vst v32  }
0x541: {  	v32 =	vadd.f32 v55, v41;
	v41 =	vmul.f32 $3.125000000e-02, v49;
	v49 =	vperm.xlane v48, v3  }
0x542: {  	v50 =	vadd.f32 v50, v35;
	v46 =	vadd.f32 v46, v36;
	v53 =	vmul.f32 $3.125000000e-02, v34  }
0x543: {  	v39 =	vmul.f32 $3.125000000e-02, v39;
	v51 =	vadd.f32 v51, v37;
	v37 =	vmul.f32 $3.125000000e-02, v43  }
0x544: {  	v43 =	vadd.f32 v44, v45;
	v36 =	vmul.f32 $3.125000000e-02, v38;
	v38 =	vadd.f32 v52, v42  }
0x545: {  	v35 =	vmul.f32 $3.125000000e-02, v47;
	v34 =	vmul.f32 $3.125000000e-02, v40;
	v40 =	vadd.f32 v49, v48  }
0x546: {  	v42 =	vmul.f32 $3.125000000e-02, v32;
	v44 =	vmul.f32 v41, v41;
	v32 =	vsub.f32 v33, v41  }
0x547: {  	v30 =	vsub.f32 v30, v41;
	v33 =	vmul.f32 $3.125000000e-02, v50;
	v41 =	vmul.f32 v53, v53  }
0x548: {  	v45 =	vmul.f32 v39, v39;
	v42 =	vsub.f32 v42, v44;
	v44 =	vmul.f32 $3.125000000e-02, v46  }
0x549: {  	v33 =	vsub.f32 v33, v41;
	v41 =	vmul.f32 $3.125000000e-02, v51;
	v46 =	vmul.f32 v37, v37  }
0x54a: {  	v43 =	vmul.f32 $3.125000000e-02, v43;
	v44 =	vsub.f32 v44, v45;
	v45 =	vmul.f32 v36, v36  }
0x54b: {  	v38 =	vmul.f32 $3.125000000e-02, v38;
	v41 =	vsub.f32 v41, v46;
	v46 =	vmul.f32 v34, v34  }
0x54c: {  	v40 =	vmul.f32 $3.125000000e-02, v40;
	v43 =	vsub.f32 v43, v45;
	v45 =	vmul.f32 v35, v35  }
0x54d: {  	v42 =	vmax.f32 v42, $0.0e+00;
	v33 =	vmax.f32 v33, $0.0e+00;
	v38 =	vsub.f32 v38, v46  }
0x54e: {  	v44 =	vmax.f32 v44, $0.0e+00;
	v41 =	vmax.f32 v41, $0.0e+00;
	v40 =	vsub.f32 v40, v45  }
0x54f: {  	v42 =	vadd.f32 $9.999999740e-06, v42;
	v43 =	vmax.f32 v43, $0.0e+00;
	v38 =	vmax.f32 v38, $0.0e+00  }
0x550: {  	v33 =	vadd.f32 $9.999999740e-06, v33;
	v44 =	vadd.f32 $9.999999740e-06, v44;
	v40 =	vmax.f32 v40, $0.0e+00  }
0x551: {  	v41 =	vadd.f32 $9.999999740e-06, v41;
	v45 =	vshrl.u32 v42, $0x1;
	v43 =	vadd.f32 $9.999999740e-06, v43  }
0x552: {  	v42 =	vmul.f32 $5.000000000e-01, v42;
	v38 =	vadd.f32 $9.999999740e-06, v38;
	v40 =	vadd.f32 $9.999999740e-06, v40  }
0x553: {  	v46 =	vshrl.u32 v33, $0x1;
	v47 =	vmul.f32 $5.000000000e-01, v33;
	v33 =	vshrl.u32 v44, $0x1  }
0x554: {  	v44 =	vmul.f32 $5.000000000e-01, v44;
	v48 =	vshrl.u32 v41, $0x1;
	v41 =	vmul.f32 $5.000000000e-01, v41  }
0x555: {  	v49 =	vshrl.u32 v43, $0x1;
	v43 =	vmul.f32 $5.000000000e-01, v43;
	v50 =	vshrl.u32 v38, $0x1  }
0x556: {  	v38 =	vmul.f32 $5.000000000e-01, v38;
	v51 =	vshrl.u32 v40, $0x1;
	v40 =	vmul.f32 $5.000000000e-01, v40  }
0x557: {  	v46 =	vsub.s32 $0x5F3759DF, v46;
	v45 =	vsub.s32 $0x5F3759DF, v45;
	v33 =	vsub.s32 $0x5F3759DF, v33  }
0x558: {  	v48 =	vsub.s32 $0x5F3759DF, v48;
	v49 =	vsub.s32 $0x5F3759DF, v49;
	v50 =	vsub.s32 $0x5F3759DF, v50  }
0x559: {  	v54 =	vmul.f32 v46, v47;
	v52 =	vmul.f32 v45, v42;
	v51 =	vsub.s32 $0x5F3759DF, v51  }
0x55a: {  	v25 =	vsub.f32 v25, v53;
	v55 =	vmul.f32 v33, v44;
	v56 =	vmul.f32 v48, v41  }
0x55b: {  	v26 =	vsub.f32 v26, v53;
	v53 =	vmul.f32 v49, v43;
	v57 =	vmul.f32 v50, v38  }
0x55c: {  	v27 =	vsub.f32 v27, v39;
	v52 =	vmul.f32 v45, v52;
	v58 =	vmul.f32 v51, v40  }
0x55d: {  	v28 =	vsub.f32 v28, v39;
	v54 =	vmul.f32 v46, v54;
	v55 =	vmul.f32 v33, v55  }
0x55e: {  	v39 =	vsub.f32 $1.500000000e+00, v52;
	v52 =	vmul.f32 v48, v56;
	v53 =	vmul.f32 v49, v53  }
0x55f: {  	v54 =	vsub.f32 $1.500000000e+00, v54;
	v56 =	vmul.f32 v50, v57;
	v57 =	vmul.f32 v51, v58  }
0x560: {  	v39 =	vmul.f32 v45, v39;
	v45 =	vsub.f32 $1.500000000e+00, v55;
	v52 =	vsub.f32 $1.500000000e+00, v52  }
0x561: {  	v46 =	vmul.f32 v46, v54;
	v53 =	vsub.f32 $1.500000000e+00, v53;
	v54 =	vsub.f32 $1.500000000e+00, v56  }
0x562: {  	v45 =	vmul.f32 v33, v45;
	v48 =	vmul.f32 v48, v52;
	v33 =	vsub.f32 $1.500000000e+00, v57  }
0x563: {  	v18 =	vsub.f32 v18, v37;
	v49 =	vmul.f32 v49, v53;
	v50 =	vmul.f32 v50, v54  }
0x564: {  	v19 =	vsub.f32 v19, v37;
	v52 =	vmul.f32 v39, v42;
	v37 =	vmul.f32 v51, v33  }
0x565: {  	v20 =	vsub.f32 v20, v36;
	v53 =	vmul.f32 v45, v44;
	v51 =	vmul.f32 v46, v47  }
0x566: {  	v54 =	vmul.f32 v48, v41;
	v55 =	vmul.f32 v49, v43;
	v33 =	vsub.f32 v21, v36  }
0x567: {  	v36 =	vmul.f32 v50, v38;
	v21 =	vsub.f32 v23, v34;
	v56 =	vmul.f32 v37, v40  }
0x568: {  	v52 =	vmul.f32 v52, v39;
	v34 =	vsub.f32 v22, v34;
	v51 =	vmul.f32 v51, v46  }
0x569: {  	v23 =	vsub.f32 v24, v35;
	v22 =	vmul.f32 v53, v45;
	v53 =	vmul.f32 v54, v48  }
0x56a: {  	v24 =	vsub.f32 $1.500000000e+00, v52;
	v52 =	vmul.f32 v55, v49;
	v36 =	vmul.f32 v36, v50  }
0x56b: {  	v22 =	vsub.f32 $1.500000000e+00, v22;
	v51 =	vsub.f32 $1.500000000e+00, v51;
	v54 =	vmul.f32 v56, v37  }
0x56c: {  	v24 =	vmul.f32 v24, v39;
	v39 =	vsub.f32 $1.500000000e+00, v53;
	v52 =	vsub.f32 $1.500000000e+00, v52  }
0x56d: {  	v36 =	vsub.f32 $1.500000000e+00, v36;
	v46 =	vmul.f32 v51, v46;
	v51 =	vsub.f32 $1.500000000e+00, v54  }
0x56e: {  	v35 =	vsub.f32 v17, v35;
	v22 =	vmul.f32 v22, v45;
	v39 =	vmul.f32 v39, v48  }
0x56f: {  	v17 =	vsub.f32 v10, v29;
	v45 =	vmul.f32 v52, v49;
	v36 =	vmul.f32 v36, v50  }
0x570: {  	v15 =	vadd.f32 v15, v5;
	v10 =	vmul.f32 v24, v42;
	v29 =	vmul.f32 v51, v37  }
0x571: {  	v16 =	vadd.f32 v16, v4;
	v42 =	vmul.f32 v22, v44;
	v37 =	vmul.f32 v46, v47  }
0x572: {  	v13 =	vadd.f32 v13, v5;
	v41 =	vmul.f32 v39, v41;
	v43 =	vmul.f32 v45, v43;
	[tilespmem:s4+$0xFFFFFFF0] =	vst v15  }
0x573: {  	v14 =	vadd.f32 v14, v4;
	v15 =	vmul.f32 v36, v38;
	v38 =	vmul.f32 v29, v40;
	[tilespmem:s4+$0x0] =	vst v16  }
0x574: {  	v11 =	vadd.f32 v11, v5;
	v10 =	vmul.f32 v10, v24;
	v16 =	vmul.f32 v37, v46;
	[tilespmem:s4+$0x10] =	vst v13  }
0x575: {  	v12 =	vadd.f32 v12, v4;
	v37 =	vmul.f32 v41, v39;
	v13 =	vmul.f32 v42, v22;
	[tilespmem:s4+$0x20] =	vst v14  }
0x576: {  	v10 =	vsub.f32 $1.500000000e+00, v10;
	v15 =	vmul.f32 v15, v36;
	v14 =	vmul.f32 v43, v45;
	[tilespmem:s4+$0x30] =	vst v11  }
0x577: {  	v11 =	vsub.f32 $1.500000000e+00, v16;
	v13 =	vsub.f32 $1.500000000e+00, v13;
	v16 =	vmul.f32 v38, v29;
	[tilespmem:s4+$0x40] =	vst v12  }
0x578: {  	v10 =	vmul.f32 v10, v24;
	v12 =	vsub.f32 $1.500000000e+00, v37;
	v14 =	vsub.f32 $1.500000000e+00, v14  }
0x579: {  	v15 =	vsub.f32 $1.500000000e+00, v15;
	v11 =	vmul.f32 v11, v46;
	v16 =	vsub.f32 $1.500000000e+00, v16  }
0x57a: {  	v8 =	vadd.f32 v8, v5;
	v13 =	vmul.f32 v13, v22;
	v12 =	vmul.f32 v12, v39  }
0x57b: {  	v9 =	vadd.f32 v9, v4;
	v22 =	vmul.f32 v15, v36;
	v14 =	vmul.f32 v14, v45  }
0x57c: {  	v24 =	vmul.f32 v10, v6;
	v16 =	vmul.f32 v16, v29;
	[tilespmem:s4+$0x50] =	vst v8  }
0x57d: {  	v40 =	vmul.f32 v11, v6;
	v8 =	vmul.f32 v10, v7;
	[tilespmem:s4+$0x60] =	vst v9;
	s4 =	smov.u32 s0  }
0x57e: {  	v41 =	vmul.f32 v11, v7;
	v38 =	vmul.f32 v13, v6  }
0x57f: {  	v39 =	vmul.f32 v13, v7;
	v37 =	vmul.f32 v12, v6  }
.Ltmp4:
0x580: {  	v15 =	vmul.f32 v12, v7;
	v13 =	vmul.f32 v14, v6;
	(pc) =	sbr.rel @p0 .LBB2_10-.Ltmp4, $4  }
0x581: {  	v11 =	vmul.f32 v22, v6;
	v14 =	vmul.f32 v14, v7  }
0x582: {  	v36 =	vmul.f32 v22, v7;
	v12 =	vmul.f32 v16, v6  }
0x583: {  	v29 =	vmul.f32 v16, v7;
	v9 =	vmul.f32 v31, v6  }
0x584: {  	v16 =	vmul.f32 v24, v32;
	s0 =	sadd.s32 $0x100, s0;
	v8 =	vmul.f32 v8, v30  }
0x585: {  	_ = 	snop  }
0x586: {  	v6 =	vmul.f32 v40, v25;
	v7 =	vadd.f32 v16, v4  }
0x587: {  	v10 =	vmul.f32 v41, v26;
	v8 =	vadd.f32 v8, v5  }
0x588: {  	v46 =	vmul.f32 v38, v27;
	v6 =	vadd.f32 v6, v4;
	[tilespmem:s4+$0xFFFFFF80] =	vst v7  }
0x589: {  	v49 =	vmul.f32 v37, v18;
	v48 =	vadd.f32 v10, v5;
	[tilespmem:s4+$0xFFFFFF90] =	vst v8  }
0x58a: {  	v15 =	vmul.f32 v15, v19;
	v50 =	vadd.f32 v46, v4;
	[tilespmem:s4+$0xFFFFFFA0] =	vst v6  }
0x58b: {  	v51 =	vmul.f32 v13, v20;
	v52 =	vadd.f32 v49, v4;
	[tilespmem:s4+$0xFFFFFFB0] =	vst v48  }
0x58c: {  	v53 =	vmul.f32 v14, v33;
	v54 =	vadd.f32 v15, v5;
	[tilespmem:s4+$0xFFFFFFC0] =	vst v50  }
0x58d: {  	v11 =	vmul.f32 v11, v21;
	v55 =	vadd.f32 v51, v4;
	[tilespmem:s4+$0xFFFFFFE0] =	vst v52  }
0x58e: {  	v56 =	vmul.f32 v36, v34;
	v57 =	vadd.f32 v53, v5;
	[tilespmem:s4+$0xFFFFFFF0] =	vst v54  }
0x58f: {  	v58 =	vmul.f32 v12, v23;
	v59 =	vadd.f32 v11, v4;
	[tilespmem:s4+$0x0] =	vst v55  }
0x590: {  	v62 =	vmul.f32 v9, v17;
	v61 =	vadd.f32 v56, v5;
	[tilespmem:s4+$0x10] =	vst v57  }
0x591: {  	v47 =	vmul.f32 v39, v28;
	v63 =	vadd.f32 v58, v4;
	[tilespmem:s4+$0x20] =	vst v59  }
0x592: {  	v60 =	vmul.f32 v29, v35;
	v4 =	vadd.f32 v62, v4;
	[tilespmem:s4+$0x30] =	vst v61  }
0x593: {  	v7 =	vadd.f32 v47, v5;
	[tilespmem:s4+$0x40] =	vst v63  }
0x594: {  	v5 =	vadd.f32 v60, v5;
	[tilespmem:s4+$0x60] =	vst v4  }
0x595: {  	[tilespmem:s4+$0xFFFFFFD0] =	vst v7  }
0x596: {  	[tilespmem:s4+$0x50] =	vst v5  }
0x597: {  	s0 =	rddreg [dreg:$0x12]  }
0x598: {  	[hbm4b:s0+s18] =	stream.strided.scatter [tilespmem:s13], [sflag:$0x3], $0x1000, s19, s18, $0x38;
	[tilespmem:$0x8440] =	vst v63  }
0x599: {  	_ =	swait.ge [sflag:s28], $0x1000  }
0x59a: {  	[sflag:s28] =	ssyncset.done $0x0  }
0x59b: {  	s22 =	rddreg [dreg:$0x13];
	[sflag:s28] =	ssyncadd.s32 $0xFFFFF000  }
0x59c: {  	[hbm4b:s22+s18] =	stream.strided.scatter [tilespmem:s14], [sflag:$0x3], $0x1000, s19, s18, $0x38;
	[tilespmem:$0x8440] =	vst v63  }
0x59d: {  	_ =	swait.ge [sflag:s28], $0x1000  }
0x59e: {  	[sflag:s28] =	ssyncset.done $0x0  }
0x59f: {  	s23 =	rddreg [dreg:$0x14];
	[sflag:s28] =	ssyncadd.s32 $0xFFFFF000  }
0x5a0: {  	[hbm4b:s23+s18] =	stream.strided.scatter [tilespmem:s15], [sflag:$0x3], $0x1000, s19, s18, $0x38;
	[tilespmem:$0x8440] =	vst v63  }
0x5a1: {  	_ =	swait.ge [sflag:s28], $0x1000  }
0x5a2: {  	[sflag:s28] =	ssyncset.done $0x0  }
0x5a3: {  	s24 =	rddreg [dreg:$0x15];
	[sflag:s28] =	ssyncadd.s32 $0xFFFFF000  }
0x5a4: {  	[hbm4b:s24+s18] =	stream.strided.scatter [tilespmem:s16], [sflag:$0x3], $0x1000, s19, s18, $0x38;
	[tilespmem:$0x8440] =	vst v63  }
0x5a5: {  	_ =	swait.ge [sflag:s28], $0x1000  }
0x5a6: {  	s25 =	rddreg [dreg:$0x17]  }
0x5a7: {  	s31 =	rddreg [dreg:$0x16];
	s4 =	sadd.s32 $0x1, s25  }
0x5a8: {  	p0 =	sne.s32 s4, s31  }
.Ltmp5:
0x5a9: {  	_ = 	snop;
	(pc) =	sbr.rel @p0 .LBB2_1-.Ltmp5, $3  }
0x5aa: {  	_ =	sdelay $0x1  }
0x5ab: {  	[sflag:s28] =	ssyncset.done $0x0  }
0x5ac: {  	[sflag:s28] =	ssyncadd.s32 $0xFFFFF000  }
0x5ad: {  	_ =	sfence.sel $0x180000  }
0x5ae: {  	[bflag:$0x0] =	sbarrier.arrive $0xFFFF  }
0x5af: {  	_ =	strace $0x90000047  }
0x5b0: {  	s0 =	stileid.u32;
	[bflag:$0x2] =	sbarrier.arrive $0xFFFF  }
0x5b1: {  	p0 =	sne.s32 s0, $0x0;
	s0 =	rddreg [dreg:$0x4]  }
0x5b2: {  	s0 =	sadd.s32 @!p0 $0x100000, s0  }
0x5b3: {  	[sflag:s0] =	ssyncadd.tile.s32 @!p0 $0x1;
	_ =	shalt  }
.Lfunc_end2:
_tile_overlayer_lowered:
.L_overlay_start_2:
0x5b4: {  	(tag) =	ssettag $0x2  }
0x5b5: {  	s0 =	rddreg [dreg:$0x0];
	s2 =	stileid.u32  }
0x5b6: {  	s1 =	rddreg [dreg:$0x1];
	p0 =	sne.s32 s2, $0x0  }
0x5b7: {  	s3 =	rddreg [dreg:$0x2];
	[bflag:$0x3] =	sbarrier.arrive $0xFFFF;
	s2 =	simm.s32 @!p0 $0x1C03  }
0x5b8: {  	[timem:s3], [sflag:s2] =	dma.local @!p0 [hbm:s0], s1  }
0x5b9: {  	s0 =	simm.s32 @!p0 $0x3  }
0x5ba: {  	_ =	swait.ge @!p0 [sflag:s0], s1  }
0x5bb: {  	s1 =	ssub.s32 @!p0 $0x0, s1;
	[sflag:s0] =	ssyncset.done @!p0 $0x0  }
0x5bc: {  	[sflag:s0] =	ssyncadd.s32 @!p0 s1  }
0x5bd: {  	[bflag:$0x3] =	sbarrier.arrive $0xFFFF  }
0x5be: {  	_ =	shalt  }

// kernel: sparse-core-data-format-call.cloned.1.call-start
scs
called_computation_lowered:
.L_overlay_start_0:
0x0: {  	s2 =	sld [smem:$0x3FD9]  }
0x1: {  	s3 =	sld [smem:$0x3FFE];
	_ =	sdelay $0x1  }
0x2: {  	s1 =	srdreg.scid  }
0x3: {  	s0 =	sand.u32 $0x1, s1  }
0x4: {  	s18 =	sshll.u32 s0, $0xA;
	s2 =	sadd.s32 s3, s2  }
0x5: {  	s2 =	sadd.s32 s2, s18  }
0x6: {  	[smem:$0x3FC4] =	sst s2  }
0x7: {  	_ = 	snop  }
0x8: {  	s2 =	sld [smem:$0x3FD0];
	(tm) =	ssettm $0x1  }
0x9: {  	s19 =	sld [smem:$0x3FFB];
	_ =	sdelay $0x3  }
0xa: {  	_ =	strace s19  }
0xb: {  	s3 =	sld [smem:$0x3FFC];
	_ =	sdelay $0x3  }
0xc: {  	_ =	strace s3  }
0xd: {  	s3 =	sld [smem:$0x3FFD];
	_ =	sdelay $0x3  }
0xe: {  	_ =	strace s3  }
0xf: {  	_ =	strace $0x8FFFFFFF  }
0x10: {  	s20 =	sld [smem:$0x3FDB];
	_ =	sdelay $0x1  }
0x11: {  	s4 =	simm.s32 $_scs_section_size  }
0x12: {  	s5 =	simm.s32 $_size__tile_overlayer_lowered;
	s6 =	simm.s32 $_tile_overlayer_lowered  }
0x13: {  	s23 =	simm.s32 $0x1BFF;
	s22 =	sshll.u32 s6, $0x1;
	s3 =	sadd.s32 s4, s20  }
0x14: {  	s7 =	simm.s32 $0x0;
	s21 =	sshll.u32 s5, $0x1;
	s5 =	sadd.s32 s22, s3  }
0x15: {  	[timem:s7], [sflag:s23] =	dma.local [hbm:s5], s21  }
0x16: {  	_ =	swait.ge [sflag:s23], s21  }
0x17: {  	s4 =	ssub.s32 $0x0, s21;
	[sflag:s23] =	ssyncset.done $0x0  }
0x18: {  	[sflag:s23] =	ssyncadd.s32 s4;
	_ =	sdelay $0x1  }
0x19: {  	s24 =	simm.s32 $0x1B8B  }
0x1a: {  	_ =	swait.ge [sflag:s24], $0x1  }
0x1b: {  	[sflag:s24] =	ssyncset.done $0x0  }
0x1c: {  	s26 =	simm.s32 $0x1B8E;
	s25 =	sld [smem:$0x3FFE];
	[sflag:s24] =	ssyncadd.s32 $0xFFFFFFFF  }
0x1d: {  	s27 =	simm.s32 $execute0_lowered;
	[smem:$0x3FD2] =	sst s26  }
0x1e: {  	s5 =	sshll.u32 s27, $0x1;
	_ =	strace $0x80000049;
	[dreg:$0x1] =	wrdreg $0xFFFFFFFF  }
0x1f: {  	s28 =	simm.s32 $_size_execute0_lowered;
	s3 =	sadd.s32 s3, s5;
	[dreg:$0x0] =	wrdreg $0x0  }
0x20: {  	s5 =	sshll.u32 s28, $0x1;
	[dreg:$0x2] =	wrdreg s3  }
0x21: {  	[dreg:$0x3] =	wrdreg s5  }
0x22: {  	[dreg:$0x4] =	wrdreg $0xC0  }
0x23: {  	_ =	task [dreg:s7], $0x5FFFF  }
0x24: {  	[dreg:$0x1] =	wrdreg $0xFFFFFFFF  }
0x25: {  	[dreg:$0x0] =	wrdreg $0x60  }
0x26: {  	[dreg:$0x2] =	wrdreg s25  }
0x27: {  	[dreg:$0x3] =	wrdreg s2  }
0x28: {  	[dreg:$0x4] =	wrdreg $0x9  }
0x29: {  	_ =	task.clear_ibuf [dreg:s7], $0x5FFFF;
	_ =	strace $0x90000049  }
0x2a: {  	s29 =	simm.s32 $0x9;
	_ =	strace $0x8000004B  }
0x2b: {  	_ =	swait.ge [sflag:s29], $0x1  }
0x2c: {  	[sflag:s29] =	ssyncadd.s32 $0xFFFFFFFF  }
0x2d: {  	_ =	strace $0x9000004B  }
0x2e: {  	_ =	sfence  }
0x2f: {  	s30 =	sld [smem:$0x0];
	_ =	sdelay $0x2  }
0x30: {  	s31 =	sshll.u32 s1, $0xD;
	s1 =	sshrl.u32 s1, $0x2  }
0x31: {  	s3 =	sand.u32 $0x4000, s31;
	s1 =	sadd.s32 s1, s30  }
0x32: {  	s0 =	sor.u32 s3, s0;
	s1 =	sshll.u32 s1, $0x11  }
0x33: {  	s0 =	sor.u32 s1, s0  }
0x34: {  	s0 =	sadd.s32 $0x8F2B, s0  }
0x35: {  	[sflag:s0] =	ssyncadd.remote.s32 $0x1  }
0x36: {  	_ =	sfence.sel $0xFFFF  }
0x37: {  	[dreg:$0x0] =	wrdreg $0xFFFFFFFF;
	(pc) =	sbr.abs _section_cstart, $3  }
0x38: {  	[dreg:$0x1] =	wrdreg $0xFFFFFFFF  }
0x39: {  	_ =	task.clear_ibuf [dreg:s7], $0x2FFFF;
	_ =	strace $0x9FFFFFFF  }
0x3a: {  	(tm) =	ssettm $0x7FFFFFFF  }
0x3b: {  	_ =	shalt  }
tec
execute0_lowered:
.L_overlay_start_1:
0x0: {  	(tag) =	ssettag $0x1  }
0x1: {  	s0 =	srdreg.scid  }
0x2: {  	s1 =	sshll.u32 s0, $0x4  }
0x3: {  	s6 =	rddreg [dreg:$0x0];
	s0 =	stileid.u32;
	s1 =	sand.u32 $0x10, s1  }
0x4: {  	s3 =	rddreg [dreg:$0x1];
	s1 =	sor.u32 s0, s1  }
0x5: {  	s5 =	simm.s32 $0x1;
	s31 =	simm.s32 $0x2;
	s2 =	sshll.u32 s1, $0x7  }
0x6: {  	s15 =	simm.s32 $0x0;
	s8 =	simm.s32 $0x20000;
	s4 =	ssub.s32 $0x4000, s2  }
0x7: {  	s14 =	simm.s32 $0x0;
	s9 =	simm.s32 $0x0;
	s30 =	sand.u32 $0xF80, s4  }
0x8: {  	s10 =	simm.s32 $0x0;
	s11 =	simm.s32 $0x0;
	p0 =	sne.s32 s30, $0x0  }
.Ltmp0:
0x9: {  	s7 =	sshrl.u32 s4, $0xC;
	s5 =	simm.s32 @!p0 $0x0;
	(pc) =	sbr.rel .LBB1_1-.Ltmp0, $4  }
0xa: {  	s13 =	simm.s32 $0x0;
	s1 =	rddreg [dreg:$0x2];
	s5 =	sadd.s32 s5, s7  }
0xb: {  	_ =	strace $0x8000004A;
	s4 =	simm.s32 $0x1;
	s5 =	smul.u32 $0xD, s5  }
0xc: {  	s6 =	sadd.s32 $0xA00, s6;
	s12 =	smov.u32 s2;
	[sflag:s4] =	ssyncpa.u1 $0x0  }
0xd: {  	[sflag:s31] =	ssyncpa.u1 $0x0;
	p0 =	por $0x0, $0x0;
	s7 =	sadd.s32 $0x1, s5  }
.LBB1_4:
0xe: {  	s20 =	sshra.s32 s20, $0x2  }
0xf: {  	s28 =	sand.u32 $0x78, s10;
	s21 =	sshll.u32 s9, $0xE;
	s22 =	sshll.u32 s10, $0x3  }
0x10: {  	s24 =	sshll.u32 s9, $0x7;
	p1 =	sgt.s32 s9, $0x5C0;
	s30 =	sshra.s32 s9, $0x1F  }
0x11: {  	s26 =	sshra.s32 s10, $0x1F;
	s19 =	sadd.s32 s20, s19;
	s21 =	sand.u32 $0xFFFE0000, s21  }
0x12: {  	v5 =	vld [tilespmem:s17+$0xFFFFFFD0];
	[tilespmem:s18+$0x2040 ss:$0x81] =	vst.msk $0xffff, v4;
	s23 =	sand.u32 $0xFFFFFC00, s22;
	s29 =	sand.u32 $0x380, s24;
	s22 =	sand.u32 $0x3C00, s22  }
0x13: {  	v58 =	vld [tilespmem:s17+$0xFFFFFFE0];
	[tilespmem:s18+$0x2850 ss:$0x81] =	vst.msk $0xffff, v3;
	s21 =	sadd.s32 s23, s21;
	s20 =	sor.u32 s28, s22;
	s22 =	smov.u32 s9  }
0x14: {  	v59 =	vld [tilespmem:s17+$0xFFFFFFF0];
	[tilespmem:s18+$0x3060 ss:$0x81] =	vst.msk $0xffff, v2;
	s24 =	sand.u32 s30, s9;
	s21 =	sshrl.u32 s21, $0xE;
	s22 =	simm.s32 @!p1 $0x5C0  }
0x15: {  	v60 =	vld [tilespmem:s17+$0x0];
	[tilespmem:s18+$0x0 ss:$0x81] =	vst.msk $0xffff, v1;
	p1 =	sgt.s32 s10, $0x3F80;
	s31 =	ssub.s32 s22, s24;
	s22 =	smov.u32 s10  }
0x16: {  	v61 =	vld [tilespmem:s17+$0x10];
	[tilespmem:s19+$0x3870 ss:$0x81] =	vst.msk $0xffff, v0;
	s25 =	smulhi.u32 $0x28F5C3, s21;
	s24 =	sand.u32 s26, s10;
	s22 =	simm.s32 @!p1 $0x3F80  }
0x17: {  	v62 =	vld [tilespmem:s17+$0x20];
	s20 =	sor.u32 s29, s20;
	[tilespmem:s19+$0x810 ss:$0x81] =	vst.msk $0xffff, v5;
	s27 =	sadd.s32 $0xFFFFFA40, s31;
	s22 =	ssub.s32 s22, s24  }
0x18: {  	v63 =	vld [tilespmem:s17+$0xFFFFFFC0];
	[tilespmem:s19+$0x1020 ss:$0x81] =	vst.msk $0xffff, v58;
	s18 =	ssub.s32 $0x640, s31;
	s28 =	smul.u32 $0x640, s25;
	s29 =	sadd.s32 $0xFFFFC080, s22  }
0x19: {  	[tilespmem:s19+$0x1830 ss:$0x81] =	vst.msk $0xffff, v59;
	p1 =	sgt.s32 s27, $0x7F;
	s22 =	ssub.s32 $0x4000, s22;
	p2 =	sgt.s32 s29, $0x7F  }
0x1a: {  	s30 =	sand.u32 $0x7, s10;
	[tilespmem:s19+$0x2040 ss:$0x81] =	vst.msk $0xffff, v60;
	s18 =	simm.s32 @p1 $0x0;
	s22 =	simm.s32 @p2 $0x0  }
0x1b: {  	s20 =	sshrl.u32 s20, $0x3;
	[tilespmem:s19+$0x2850 ss:$0x81] =	vst.msk $0xffff, v61;
	s17 =	ssub.s32 s21, s28;
	s18 =	smul.u32 s22, s18  }
0x1c: {  	[tilespmem:s19+$0x3060 ss:$0x81] =	vst.msk $0xffff, v62;
	s20 =	sadd.s32 s3, s20;
	s21 =	sshll.u32 s30, $0x12;
	s17 =	sshll.u32 s17, $0xB  }
0x1d: {  	[tilespmem:s19+$0x0 ss:$0x81] =	vst.msk $0xffff, v63;
	s31 =	sor.u32 $0x400, s21;
	s17 =	sadd.s32 s17, s20;
	s18 =	sand.u32 $0x3FFFFFFF, s18  }
0x1e: {  	[hbm4b:s17+s31] =	stream.strided.scatter [tilespmem:s16], [sflag:$0x2], s18, s8, s31, $0x20;
	[tilespmem:$0x10100] =	vst v63  }
.LBB1_5:
0x1f: {  	p1 =	slt.u32 s13, $0x2  }
0x20: {  	s17 =	smov.u32 s15;
	p2 =	sgt.s32 @!p1 s15, $0x5C0;
	s16 =	sshra.s32 @!p1 s15, $0x1F  }
0x21: {  	p3 =	sgt.s32 @!p1 s14, $0x3F80;
	s18 =	sshra.s32 @!p1 s14, $0x1F;
	p2 =	por !p2, p1  }
0x22: {  	s15 =	sand.u32 @!p1 s16, s15;
	p3 =	por !p3, p1;
	s16 =	smov.u32 s14  }
0x23: {  	s14 =	sand.u32 @!p1 s18, s14;
	s17 =	simm.s32 @p2 $0x5C0;
	s16 =	simm.s32 @p3 $0x3F80  }
0x24: {  	s15 =	ssub.s32 @!p1 s17, s15;
	s14 =	ssub.s32 @!p1 s16, s14  }
0x25: {  	s18 =	smov.u32 s12;
	s16 =	sadd.s32 @!p1 $0xFFFFFA40, s15;
	s17 =	sadd.s32 @!p1 $0xFFFFC080, s14  }
0x26: {  	s15 =	ssub.s32 @!p1 $0x640, s15;
	p2 =	sgt.s32 @!p1 s16, $0x7F;
	p3 =	sgt.s32 @!p1 s17, $0x7F  }
0x27: {  	s14 =	ssub.s32 @!p1 $0x4000, s14;
	p2 =	por !p2, p1;
	p3 =	por !p3, p1  }
0x28: {  	s16 =	sadd.s32 $0x80, s11;
	s15 =	simm.s32 @!p2 $0x0;
	s14 =	simm.s32 @!p3 $0x0  }
0x29: {  	p2 =	sgt.s32 s16, $0x63F;
	s14 =	smul.u32 @!p1 s14, s15;
	s15 =	sadd.s32 $0x1000, s12  }
0x2a: {  	s18 =	smov.u32 @p2 s15  }
0x2b: {  	s16 =	simm.s32 @p2 $0x0;
	p2 =	sgt.s32 s18, $0x3FFF  }
0x2c: {  	s18 =	smov.u32 @p2 s2;
	p2 =	sne.s32 s13, s7  }
.Ltmp1:
0x2d: {  	p0 =	por !p0, !p0;
	s17 =	simm.s32 @!p1 $0x2;
	(pc) =	sbr.rel @!p2 .LBB1_6-.Ltmp1, $4  }
0x2e: {  	s15 =	smov.u32 s9;
	s9 =	smov.u32 s11;
	s14 =	sand.u32 @!p1 $0x3FFFFFFF, s14  }
0x2f: {  	s11 =	smov.u32 s16;
	_ =	swait.ge @!p1 [sflag:s17], s14;
	s19 =	ssub.s32 @!p1 $0x0, s14  }
0x30: {  	s14 =	smov.u32 s10;
	s13 =	sadd.s32 $0x1, s13;
	[sflag:s17] =	ssyncset.done @!p1 $0x0  }
0x31: {  	s10 =	smov.u32 s12;
	s12 =	smov.u32 s18;
	[sflag:s17] =	ssyncadd.s32 @!p1 s19  }
.LBB1_1:
0x32: {  	p1 =	sge.u32 s13, s5  }
0x33: {  	s16 =	sshrl.u32 @!p1 s12, $0x3  }
0x34: {  	s17 =	sshll.u32 @!p1 s11, $0x3;
	s16 =	smul.u32 @!p1 $0x3400, s16  }
0x35: {  	s18 =	sshll.u32 @!p1 s12, $0x7;
	s17 =	sand.u32 @!p1 $0xFFFFFC00, s17  }
0x36: {  	s16 =	sadd.s32 @!p1 s16, s17;
	s17 =	sand.u32 @!p1 $0x380, s18  }
0x37: {  	s18 =	sand.u32 @!p1 $0x7F, s11;
	s16 =	sor.u32 @!p1 s17, s16  }
0x38: {  	s17 =	sor.u32 @!p1 s18, s16  }
0x39: {  	s18 =	smulhi.u32 @!p1 $0x4EC4EC4F, s17;
	_ =	sdelay $0x1  }
0x3a: {  	s16 =	smulhi.u32 @!p1 $0x4EC4EC4F, s16;
	s18 =	sshrl.u32 @!p1 s18, $0x9  }
0x3b: {  	s18 =	smul.u32 @!p1 $0x680, s18  }
0x3c: {  	s31 =	sadd.s32 $0xFFFFFFFF, s13;
	s19 =	sxor.u32 @!p1 $0xFFFFFFFF, s13;
	s16 =	sshrl.u32 @!p1 s16, $0x9  }
0x3d: {  	s19 =	sshll.u32 @!p1 s19, $0xE;
	s16 =	sand.u32 @!p1 $0x3FFF, s16;
	s17 =	ssub.s32 @!p1 s17, s18  }
0x3e: {  	s16 =	smul.u32 @!p1 $0xD0, s16;
	s18 =	sshrl.u32 @!p1 s17, $0x3;
	s17 =	sand.u32 @!p1 $0x7, s17  }
0x3f: {  	s19 =	sand.u32 @!p1 $0x4000, s19;
	s18 =	sadd.s32 @!p1 s6, s18;
	s17 =	sshll.u32 @!p1 s17, $0x12  }
0x40: {  	s16 =	sadd.s32 @!p1 s16, s18;
	s17 =	sor.u32 @!p1 $0x400, s17;
	s18 =	simm.s32 @!p1 $0x3400  }
0x41: {  	[tilespmem:s19], [sflag:$0x1] =	stream.strided.gather @!p1 [hbm4b:s16+s17], $0x4000, s18, s17, $0x38;
	[tilespmem:$0x10100] =	vst v63  }
0x42: {  	p1 =	sge.u32 s31, s5  }
.Ltmp2:
0x43: {  	_ = 	snop;
	(pc) =	sbr.rel @p1 .LBB1_5-.Ltmp2, $1  }
0x44: {  	_ =	sdelay $0x3  }
0x45: {  	s16 =	simm.s32 $0x1  }
0x46: {  	_ =	swait.ge [sflag:s4], $0x4000;
	s16 =	simm.s32 @!p0 $0x0  }
0x47: {  	[sflag:s4] =	ssyncset.done $0x0;
	s17 =	sshll.u32 s16, $0xE  }
0x48: {  	[sflag:s4] =	ssyncadd.s32 $0xFFFFC000;
	s17 =	sor.u32 $0x40, s17  }
0x49: {  	s16 =	smul.u32 $0x10200, s16;
	v0 =	vld [tilespmem:s17+$0x30]  }
0x4a: {  	v1 =	vld [tilespmem:s17+$0xFFFFFFD0]  }
0x4b: {  	s16 =	sshrl.u32 s16, $0x2;
	v5 =	vld [tilespmem:s17+$0xFFFFFFE0]  }
0x4c: {  	v6 =	vld [tilespmem:s17+$0xFFFFFFF0];
	s19 =	sor.u32 $0x8000, s16  }
0x4d: {  	s31 =	sand.u32 $0x1, s13;
	v4 =	vld [tilespmem:s17+$0x0];
	s18 =	sadd.s32 $0x0, s19  }
0x4e: {  	v3 =	vld [tilespmem:s17+$0x10];
	s16 =	smul.u32 $0x10200, s31;
	[tilespmem:s18+$0x3870 ss:$0x81] =	vst.msk $0xffff, v0  }
0x4f: {  	v2 =	vld [tilespmem:s17+$0x20];
	[tilespmem:s18+$0x810 ss:$0x81] =	vst.msk $0xffff, v1  }
0x50: {  	s16 =	sshrl.u32 s16, $0x2;
	v1 =	vld [tilespmem:s17+$0xFFFFFFC0];
	[tilespmem:s18+$0x1020 ss:$0x81] =	vst.msk $0xffff, v5;
	s17 =	sadd.s32 $0x80, s17  }
0x51: {  	s20 =	simm.s32 $0x4;
	s21 =	simm.s32 $0x8;
	s16 =	sor.u32 $0x8000, s16;
	[tilespmem:s18+$0x1830 ss:$0x81] =	vst.msk $0xffff, v6;
	v0 =	vld [tilespmem:s17+$0x30]  }
.LBB1_3:
0x52: {  	p1 =	sne.s32 s21, $0x1FC;
	v5 =	vld [tilespmem:s17+$0xFFFFFFD0];
	[tilespmem:s18+$0x2040 ss:$0x81] =	vst.msk $0xffff, v4  }
0x53: {  	v6 =	vld [tilespmem:s17+$0xFFFFFFE0];
	[tilespmem:s18+$0x2850 ss:$0x81] =	vst.msk $0xffff, v3  }
0x54: {  	s22 =	sshra.s32 s20, $0x2;
	s20 =	smov.u32 s21;
	v7 =	vld [tilespmem:s17+$0xFFFFFFF0];
	[tilespmem:s18+$0x3060 ss:$0x81] =	vst.msk $0xffff, v2  }
.Ltmp3:
0x55: {  	v4 =	vld [tilespmem:s17+$0x0];
	[tilespmem:s18+$0x0 ss:$0x81] =	vst.msk $0xffff, v1;
	s18 =	sadd.s32 s22, s19;
	(pc) =	sbr.rel @p1 .LBB1_3-.Ltmp3, $4  }
0x56: {  	v3 =	vld [tilespmem:s17+$0x10];
	[tilespmem:s18+$0x3870 ss:$0x81] =	vst.msk $0xffff, v0  }
0x57: {  	[tilespmem:s18+$0x810 ss:$0x81] =	vst.msk $0xffff, v5;
	v2 =	vld [tilespmem:s17+$0x20]  }
0x58: {  	v1 =	vld [tilespmem:s17+$0xFFFFFFC0];
	[tilespmem:s18+$0x1020 ss:$0x81] =	vst.msk $0xffff, v6;
	s17 =	sadd.s32 $0x80, s17  }
0x59: {  	s21 =	sadd.s32 $0x4, s21;
	v0 =	vld [tilespmem:s17+$0x30];
	[tilespmem:s18+$0x1830 ss:$0x81] =	vst.msk $0xffff, v7  }
.Ltmp4:
0x5a: {  	_ = 	snop;
	(pc) =	sbr.rel .LBB1_4-.Ltmp4, $1  }
0x5b: {  	_ =	sdelay $0x3  }
.LBB1_6:
0x5c: {  	_ =	sfence.sel $0x180000  }
0x5d: {  	s2 =	simm.s32 $0x1;
	[bflag:$0x0] =	sbarrier.arrive $0xFFFF  }
0x5e: {  	s31 =	simm.s32 $0x2;
	[sflag:s2] =	ssyncpa.u1 $0x1  }
0x5f: {  	[sflag:s31] =	ssyncpa.u1 $0x1  }
0x60: {  	p0 =	sne.s32 s0, $0x0;
	_ =	strace $0x9000004A  }
0x61: {  	s0 =	sadd.s32 @!p0 $0x100000, s1;
	[bflag:$0x2] =	sbarrier.arrive $0xFFFF  }
0x62: {  	[sflag:s0] =	ssyncadd.tile.s32 @!p0 $0x1;
	_ =	shalt  }
.Lfunc_end1:
_tile_overlayer_lowered:
.L_overlay_start_2:
0x63: {  	(tag) =	ssettag $0x2  }
0x64: {  	s0 =	rddreg [dreg:$0x0];
	s2 =	stileid.u32  }
0x65: {  	s1 =	rddreg [dreg:$0x1];
	p0 =	sne.s32 s2, $0x0  }
0x66: {  	s3 =	rddreg [dreg:$0x2];
	[bflag:$0x3] =	sbarrier.arrive $0xFFFF;
	s2 =	simm.s32 @!p0 $0x1C01  }
0x67: {  	[timem:s3], [sflag:s2] =	dma.local @!p0 [hbm:s0], s1  }
0x68: {  	s0 =	simm.s32 @!p0 $0x1  }
0x69: {  	_ =	swait.ge @!p0 [sflag:s0], s1  }
0x6a: {  	s1 =	ssub.s32 @!p0 $0x0, s1;
	[sflag:s0] =	ssyncset.done @!p0 $0x0  }
0x6b: {  	[sflag:s0] =	ssyncadd.s32 @!p0 s1  }
0x6c: {  	[bflag:$0x3] =	sbarrier.arrive $0xFFFF  }
0x6d: {  	_ =	shalt  }

</sc_bundles>
